<compile_context>
chip_gen: v7x
topology: tpu7x:2x2x1
jax: 0.10.2.dev20260603
libtpu: 0.0.44.dev20260713+nightly
codegen_flags: <defaults>
</compile_context>

<pallas_src>
import functools

import jax
import jax.numpy as jnp
from jax import lax
from jax.experimental import pallas as pl
from jax.experimental.pallas import tpu as pltpu
from jax.experimental.pallas import tpu_sc as plsc

N_NODES = 100000
N_REL = 3
N_EDGES = 200000
FEAT = 128
LANES = 16
CSLICES = FEAT // LANES
N_PAD = 100096
E_PAD = 200704
N_TILES = 16
STRIPE = N_PAD // N_TILES
EDGES_PER_TILE = E_PAD // N_TILES
BATCH = 128
N_BATCH = EDGES_PER_TILE // BATCH
SEG_B = 14
N_SEG = N_BATCH // SEG_B
ZROWS = 391


def _sc_segment_sums(nrel, xflat, sidx, dst4, zeros_in, ones_in):
  n_pass = nrel * CSLICES + nrel
  pass_per_core = (n_pass + 1) // 2
  mesh = plsc.VectorSubcoreMesh(core_axis_name="c", subcore_axis_name="s")

  @functools.partial(
      pl.kernel,
      mesh=mesh,
      compiler_params=pltpu.CompilerParams(use_tc_tiling_on_sc=False),
      out_type=[
          jax.ShapeDtypeStruct((nrel, N_PAD, FEAT), jnp.float32),
          jax.ShapeDtypeStruct((nrel, N_PAD, LANES), jnp.float32),
      ],
      scratch_types=[
          pltpu.VMEM((ZROWS, LANES), jnp.float32),
          pltpu.VMEM((BATCH, LANES), jnp.float32),
          pltpu.VMEM((BATCH, LANES), jnp.float32),
          pltpu.VMEM((BATCH, LANES), jnp.float32),
          pltpu.VMEM((SEG_B * BATCH,), jnp.int32),
          pltpu.VMEM((SEG_B, BATCH), jnp.int32),
          pltpu.VMEM_SHARED((N_PAD, LANES), jnp.float32),
          pltpu.SemaphoreType.DMA,
          pltpu.SemaphoreType.DMA,
          pltpu.SemaphoreType.DMA,
          pltpu.SemaphoreType.DMA,
      ],
  )
  def k(xflat_hbm, sidx_hbm, dst_hbm, zin_hbm, oin_hbm,
        agg_hbm, deg_hbm,
        zerobuf, onesbuf, rows_a, rows_b, srcbuf, dstbuf, acc,
        gsem_a, gsem_b, ssem_a, ssem_b):
    cid = lax.axis_index("c")
    tid = lax.axis_index("s")
    rbase = tid * STRIPE

    pltpu.sync_copy(zin_hbm, zerobuf)
    pltpu.sync_copy(oin_hbm, onesbuf)

    def gather_desc(i, buf, sem):
      return pltpu.make_async_copy(
          xflat_hbm.at[srcbuf.at[pl.ds(i * BATCH, BATCH)]], buf, sem)

    def scat_desc(rows, i, sem):
      return pltpu.make_async_copy(rows, acc.at[dstbuf.at[i]], sem)

    def zero_stripe():
      for z in range(STRIPE // ZROWS):
        pltpu.async_copy(zerobuf, acc.at[pl.ds(rbase + z * ZROWS, ZROWS)],
                         ssem_a)
      for _ in range(STRIPE // ZROWS):
        pltpu.make_async_copy(
            zerobuf, acc.at[pl.ds(rbase, ZROWS)], ssem_a).wait()

    def one_pass(j, _):
      pid = 2 * j + cid

      @pl.when(pid < n_pass)
      def _run():
        @pl.when(pid < nrel * CSLICES)
        def _feature_pass():
          r = pid // CSLICES
          c = pid % CSLICES
          zero_stripe()
          plsc.subcore_barrier()

          def segment(s, _):
            pltpu.sync_copy(sidx_hbm.at[r, c, tid, s], srcbuf)
            pltpu.sync_copy(dst_hbm.at[r, tid, s], dstbuf)
            gather_desc(0, rows_a, gsem_a).start()

            def pair(p, _):
              i0 = 2 * p
              i1 = 2 * p + 1

              @pl.when(p > 0)
              def _():
                scat_desc(rows_b, i0 - 1, ssem_b).wait()

              gather_desc(i1, rows_b, gsem_b).start()
              gather_desc(i0, rows_a, gsem_a).wait()
              scat_desc(rows_a, i0, ssem_a).start(add=True)
              scat_desc(rows_a, i0, ssem_a).wait()

              @pl.when(i1 + 1 < SEG_B)
              def _():
                gather_desc(i1 + 1, rows_a, gsem_a).start()

              gather_desc(i1, rows_b, gsem_b).wait()
              scat_desc(rows_b, i1, ssem_b).start(add=True)
              return 0

            lax.fori_loop(0, SEG_B // 2, pair, 0)
            scat_desc(rows_b, SEG_B - 1, ssem_b).wait()
            return 0

          lax.fori_loop(0, N_SEG, segment, 0)
          plsc.subcore_barrier()
          pltpu.sync_copy(
              acc.at[pl.ds(rbase, STRIPE)],
              agg_hbm.at[r, pl.ds(rbase, STRIPE), pl.ds(c * LANES, LANES)])

        @pl.when(pid >= nrel * CSLICES)
        def _degree_pass():
          r = pid - nrel * CSLICES
          zero_stripe()
          plsc.subcore_barrier()

          def chunk(s, _):
            pltpu.sync_copy(dst_hbm.at[r, tid, s], dstbuf)
            for q in range(SEG_B):
              pltpu.async_copy(onesbuf, acc.at[dstbuf.at[q]],
                               ssem_a, add=True)
            for q in range(SEG_B):
              pltpu.make_async_copy(onesbuf, acc.at[dstbuf.at[0]],
                                    ssem_a).wait()
            return 0

          lax.fori_loop(0, N_SEG, chunk, 0)
          plsc.subcore_barrier()
          pltpu.sync_copy(acc.at[pl.ds(rbase, STRIPE)],
                          deg_hbm.at[r, pl.ds(rbase, STRIPE)])

      return 0

    lax.fori_loop(0, pass_per_core, one_pass, 0)

  return k(xflat, sidx, dst4, zeros_in, ones_in)


def _tc_combine(nrel, agg, deg, Wg, bsum, prev):
  BN = 256
  grid = (N_PAD // BN,)
  with_prev = prev is not None
  with_bias = bsum is not None

  def body(*refs):
    i = 0
    agg_ref, deg_ref, w_ref = refs[0], refs[1], refs[2]
    i = 3
    b_ref = None
    prev_ref = None
    if with_bias:
      b_ref = refs[i]
      i += 1
    if with_prev:
      prev_ref = refs[i]
      i += 1
    out_ref = refs[i]

    if with_prev:
      acc = prev_ref[...]
    else:
      acc = jnp.zeros((BN, FEAT), jnp.float32)
    if with_bias:
      acc = acc + b_ref[0]
    for r in range(nrel):
      h = jax.lax.dot_general(
          agg_ref[r], w_ref[r], (((1,), (0,)), ((), ())),
          precision=jax.lax.Precision.HIGHEST,
          preferred_element_type=jnp.float32)
      d = deg_ref[r, :, 0]
      norm = jnp.where(d > 0.0, 1.0 / d, 0.0)
      acc = acc + h * norm[:, None]
    out_ref[...] = acc

  in_specs = [
      pl.BlockSpec((nrel, BN, FEAT), lambda i: (0, i, 0)),
      pl.BlockSpec((nrel, BN, LANES), lambda i: (0, i, 0)),
      pl.BlockSpec((nrel, FEAT, FEAT), lambda i: (0, 0, 0)),
  ]
  args = [agg, deg, Wg]
  if with_bias:
    in_specs.append(pl.BlockSpec((1, FEAT), lambda i: (0, 0)))
    args.append(bsum)
  if with_prev:
    in_specs.append(pl.BlockSpec((BN, FEAT), lambda i: (i, 0)))
    args.append(prev)

  return pl.pallas_call(
      body,
      grid=grid,
      in_specs=in_specs,
      out_specs=pl.BlockSpec((BN, FEAT), lambda i: (i, 0)),
      out_shape=jax.ShapeDtypeStruct((N_PAD, FEAT), jnp.float32),
  )(*args)


def kernel(x, edge_index, W, b):
  src = edge_index[:, 0, :].astype(jnp.int32)
  dst = edge_index[:, 1, :].astype(jnp.int32)
  pad = E_PAD - N_EDGES
  src = jnp.pad(src, ((0, 0), (0, pad)))
  dst = jnp.pad(dst, ((0, 0), (0, pad)), constant_values=N_NODES)

  c_ids = jnp.arange(CSLICES, dtype=jnp.int32)
  sidx = (src[:, None, :] * CSLICES + c_ids[None, :, None])
  sidx = sidx.reshape(N_REL, CSLICES, N_TILES, N_SEG, SEG_B * BATCH)
  dst4 = dst.reshape(N_REL, N_TILES, N_SEG, SEG_B, BATCH)
  xflat = x.reshape(CSLICES * N_NODES, LANES)

  zeros_in = jnp.zeros((ZROWS, LANES), jnp.float32)
  ones_in = jnp.ones((BATCH, LANES), jnp.float32)
  bsum = jnp.sum(b, axis=0, keepdims=True)

  agg01, deg01 = _sc_segment_sums(2, xflat, sidx[:2], dst4[:2],
                                  zeros_in, ones_in)
  agg2, deg2 = _sc_segment_sums(1, xflat, sidx[2:], dst4[2:],
                                zeros_in, ones_in)
  part = _tc_combine(2, agg01, deg01, W[:2], bsum, None)
  out = _tc_combine(1, agg2, deg2, W[2:], None, part)
  return out[:N_NODES]

# --- scband reference (transcript-rebuilt; emitter-appended) ---
"""Pipeline reference for scband-stochastic-two-layer-rgcn-71863392796755 (READ-ONLY COPY).

The authoritative reference and input builder live on the scoring server;
editing this copy changes nothing except your own understanding.
"""

import jax, jax.numpy as jnp
import numpy as np

N_NODES = 100000
N_REL = 3
N_EDGES = 200000
IN_FEAT = 128
HID_FEAT = 128


def setup_inputs(seed: int = 0) -> dict:
    key = jax.random.key(seed)
    k1, k2, k3 = jax.random.split(key, 3)
    x = jax.random.normal(k1, (N_NODES, IN_FEAT), dtype=jnp.float32)
    edge_index = jax.random.randint(k2, (N_REL, 2, N_EDGES), 0, N_NODES, dtype=jnp.int64)
    # per-relation GraphConv weights (DGL GraphConv: weight [in_feat, out_feat] + bias)
    W = jax.random.normal(k3, (N_REL, IN_FEAT, HID_FEAT), dtype=jnp.float32) * (1.0 / np.sqrt(IN_FEAT))
    b = jnp.zeros((N_REL, HID_FEAT), dtype=jnp.float32)
    return {"x": x, "edge_index": edge_index, "W": W, "b": b}


def reference(x, edge_index, W, b):
    # HeteroGraphConv({rel: GraphConv(norm='right')}, aggregate='sum')
    # norm='right': aggregated incoming messages divided by dst in-degree.
    N = x.shape[0]
    out = jnp.zeros((N, W.shape[-1]), dtype=x.dtype)
    ones = jnp.ones((edge_index.shape[-1],), dtype=x.dtype)
    for r in range(N_REL):
        src = edge_index[r, 0]
        dst = edge_index[r, 1]
        # in_feat == out_feat: aggregate then apply weight (mult order is mathematically equivalent)
        agg = jax.ops.segment_sum(jnp.take(x, src, axis=0), dst, num_segments=N)
        deg = jax.ops.segment_sum(ones, dst, num_segments=N)
        norm = jnp.where(deg > 0, 1.0 / deg, 0.0)
        h = agg * norm[:, None]
        out = out + h @ W[r] + b[r]
    return out

if __name__ == "__main__":
    import jax
    _d = setup_inputs()
    print(jax.jit(kernel)(*tuple(_d.values())))

</pallas_src>

<mosaic_0001>
#map = affine_map<(d0, d1) -> (0, 0)>
#map1 = affine_map<(d0, d1) -> (0, 0, 0, 0, 0)>
#map2 = affine_map<(d0, d1) -> (0, 0, 0)>
module attributes {stable_mosaic.version = 14 : i64} {
  func.func @k(%arg0: i32, %arg1: i32, %arg2: memref<800000x16xf32, #tpu.memory_space<hbm>>, %arg3: memref<2x8x16x7x1792xi32, #tpu.memory_space<hbm>>, %arg4: memref<2x16x7x14x128xi32, #tpu.memory_space<hbm>>, %arg5: memref<391x16xf32, #tpu.memory_space<hbm>>, %arg6: memref<128x16xf32, #tpu.memory_space<hbm>>, %arg7: memref<2x100096x128xf32, #tpu.memory_space<hbm>>, %arg8: memref<2x100096x16xf32, #tpu.memory_space<hbm>>, %arg9: memref<391x16xf32, #tpu.memory_space<vmem>>, %arg10: memref<128x16xf32, #tpu.memory_space<vmem>>, %arg11: memref<128x16xf32, #tpu.memory_space<vmem>>, %arg12: memref<128x16xf32, #tpu.memory_space<vmem>>, %arg13: memref<1792xi32, #tpu.memory_space<vmem>>, %arg14: memref<14x128xi32, #tpu.memory_space<vmem>>, %arg15: memref<100096x16xf32, #tpu.memory_space<vmem_shared>>, %arg16: memref<!tpu.dma_semaphore, #tpu.memory_space<semaphore_mem>>, %arg17: memref<!tpu.dma_semaphore, #tpu.memory_space<semaphore_mem>>, %arg18: memref<!tpu.dma_semaphore, #tpu.memory_space<semaphore_mem>>, %arg19: memref<!tpu.dma_semaphore, #tpu.memory_space<semaphore_mem>>) attributes {dimension_semantics = [#tpu.dimension_semantics<core_parallel>, #tpu.dimension_semantics<subcore_parallel>], iteration_bounds = array<i64: 2, 16>, scalar_prefetch = 0 : i64, scratch_operands = 11 : i64, tpu.core_type = #tpu.core_type<sc_vector_subcore>, window_params = [{transform_indices = #map}, {transform_indices = #map1}, {transform_indices = #map1}, {transform_indices = #map}, {transform_indices = #map}, {transform_indices = #map2}, {transform_indices = #map2}]} {
    %mul3A = arith.constant 6256 : i32
    %mul3A_0 = arith.muli %arg1, %mul3A : i32
    "tpu.region"() ({
      %run_scoped3A = tpu.sem_alloc : memref<!tpu.dma_semaphore, #tpu.memory_space<semaphore_mem>>
      tpu.enqueue_dma source(%arg5 : memref<391x16xf32, #tpu.memory_space<hbm>>) target(%arg9 : memref<391x16xf32, #tpu.memory_space<vmem>>) target_semaphore(%run_scoped3A : memref<!tpu.dma_semaphore, #tpu.memory_space<semaphore_mem>>)
      tpu.wait_dma2 semaphore(%run_scoped3A : memref<!tpu.dma_semaphore, #tpu.memory_space<semaphore_mem>>) src(%arg5 : memref<391x16xf32, #tpu.memory_space<hbm>>) dst(%arg9 : memref<391x16xf32, #tpu.memory_space<vmem>>)
      tpu.yield
    }) : () -> ()
    "tpu.region"() ({
      %run_scoped3A = tpu.sem_alloc : memref<!tpu.dma_semaphore, #tpu.memory_space<semaphore_mem>>
      tpu.enqueue_dma source(%arg6 : memref<128x16xf32, #tpu.memory_space<hbm>>) target(%arg10 : memref<128x16xf32, #tpu.memory_space<vmem>>) target_semaphore(%run_scoped3A : memref<!tpu.dma_semaphore, #tpu.memory_space<semaphore_mem>>)
      tpu.wait_dma2 semaphore(%run_scoped3A : memref<!tpu.dma_semaphore, #tpu.memory_space<semaphore_mem>>) src(%arg6 : memref<128x16xf32, #tpu.memory_space<hbm>>) dst(%arg10 : memref<128x16xf32, #tpu.memory_space<vmem>>)
      tpu.yield
    }) : () -> ()
    %scan3A = arith.constant 0 : i32
    %scan3A_1 = arith.constant 0 : i32
    %scan3A_2 = arith.constant 9 : i32
    %scan3A_3 = arith.addi %scan3A_1, %scan3A_2 : i32
    %scan3A_4 = arith.constant 1 : i32
    %scan3A_5 = scf.for %scan3A_7 = %scan3A_1 to %scan3A_3 step %scan3A_4 iter_args(%scan3A_8 = %scan3A) -> (i32)  : i32 {
      %mul3A_9 = arith.constant 2 : i32
      %mul3A_10 = arith.muli %mul3A_9, %scan3A_7 : i32
      %add3A = arith.addi %mul3A_10, %arg0 : i32
      %lt3A = arith.constant 18 : i32
      %lt3A_11 = arith.cmpi slt, %add3A, %lt3A : i32
      %convert_element_type3A = arith.extui %lt3A_11 : i1 to i32
      %cond3A = arith.constant 0 : i32
      %cond3A_12 = arith.cmpi ne, %convert_element_type3A, %cond3A : i32
      scf.if %cond3A_12 {
        %lt3A_14 = arith.constant 16 : i32
        %lt3A_15 = arith.cmpi slt, %add3A, %lt3A_14 : i32
        %convert_element_type3A_16 = arith.extui %lt3A_15 : i1 to i32
        %cond3A_17 = arith.constant 0 : i32
        %cond3A_18 = arith.cmpi ne, %convert_element_type3A_16, %cond3A_17 : i32
        scf.if %cond3A_18 {
          %jit3A = arith.constant 8 : i32
          %div3A = arith.divsi %add3A, %jit3A : i32
          %sign3A = arith.constant 0 : i32
          %sign3A_23 = arith.cmpi sgt, %add3A, %sign3A : i32
          %sign3A_24 = arith.extui %sign3A_23 : i1 to i32
          %sign3A_25 = arith.constant 0 : i32
          %sign3A_26 = arith.cmpi slt, %add3A, %sign3A_25 : i32
          %sign3A_27 = arith.extui %sign3A_26 : i1 to i32
          %sign3A_28 = arith.subi %sign3A_24, %sign3A_27 : i32
          %sign3A_29 = arith.constant 0 : i32
          %sign3A_30 = arith.cmpi sgt, %jit3A, %sign3A_29 : i32
          %sign3A_31 = arith.extui %sign3A_30 : i1 to i32
          %sign3A_32 = arith.constant 0 : i32
          %sign3A_33 = arith.cmpi slt, %jit3A, %sign3A_32 : i32
          %sign3A_34 = arith.extui %sign3A_33 : i1 to i32
          %sign3A_35 = arith.subi %sign3A_31, %sign3A_34 : i32
          %ne3A = arith.cmpi ne, %sign3A_28, %sign3A_35 : i32
          %rem3A = arith.remsi %add3A, %jit3A : i32
          %ne3A_36 = arith.constant 0 : i32
          %ne3A_37 = arith.cmpi ne, %rem3A, %ne3A_36 : i32
          %and3A = arith.andi %ne3A, %ne3A_37 : i1
          %sub3A = arith.constant 1 : i32
          %sub3A_38 = arith.subi %div3A, %sub3A : i32
          %select_n3A = arith.select %and3A, %sub3A_38, %div3A : i32
          %jit3A_39 = arith.constant 8 : i32
          %eq3A = arith.constant 0 : i32
          %eq3A_40 = arith.cmpi eq, %jit3A_39, %eq3A : i32
          %jit3A_41 = arith.constant 1 : i32
          %select_n3A_42 = arith.select %eq3A_40, %jit3A_41, %jit3A_39 : i32
          %rem3A_43 = arith.remsi %add3A, %select_n3A_42 : i32
          %ne3A_44 = arith.constant 0 : i32
          %ne3A_45 = arith.cmpi ne, %rem3A_43, %ne3A_44 : i32
          %lt3A_46 = arith.constant 0 : i32
          %lt3A_47 = arith.cmpi slt, %rem3A_43, %lt3A_46 : i32
          %lt3A_48 = arith.constant 0 : i32
          %lt3A_49 = arith.cmpi slt, %select_n3A_42, %lt3A_48 : i32
          %ne3A_50 = arith.xori %lt3A_47, %lt3A_49 : i1
          %and3A_51 = arith.andi %ne3A_50, %ne3A_45 : i1
          %add3A_52 = arith.addi %rem3A_43, %select_n3A_42 : i32
          %select_n3A_53 = arith.select %and3A_51, %add3A_52, %rem3A_43 : i32
          %add3A_54 = arith.constant 0 : i32
          %add3A_55 = arith.addi %mul3A_0, %add3A_54 : i32
          %dma_start3A = arith.constant 0 : i32
          %dma_start3A_56 = tpu.memref_slice %arg15[%add3A_55, %dma_start3A] : memref<100096x16xf32, #tpu.memory_space<vmem_shared>> -> memref<391x16xf32, #tpu.memory_space<vmem_shared>>
          %dma_start3A_57 = arith.constant 0 : i32
          %dma_start3A_58 = tpu.memref_slice %arg15[%add3A_55, %dma_start3A_57] : memref<100096x16xf32, #tpu.memory_space<vmem_shared>> -> memref<391x16xf32, #tpu.memory_space<vmem_shared>>
          tpu.enqueue_dma source(%arg9 : memref<391x16xf32, #tpu.memory_space<vmem>>) target(%dma_start3A_58 : memref<391x16xf32, #tpu.memory_space<vmem_shared>>) target_semaphore(%arg18 : memref<!tpu.dma_semaphore, #tpu.memory_space<semaphore_mem>>)
          %add3A_59 = arith.constant 391 : i32
          %add3A_60 = arith.addi %mul3A_0, %add3A_59 : i32
          %dma_start3A_61 = arith.constant 0 : i32
          %dma_start3A_62 = tpu.memref_slice %arg15[%add3A_60, %dma_start3A_61] : memref<100096x16xf32, #tpu.memory_space<vmem_shared>> -> memref<391x16xf32, #tpu.memory_space<vmem_shared>>
          %dma_start3A_63 = arith.constant 0 : i32
          %dma_start3A_64 = tpu.memref_slice %arg15[%add3A_60, %dma_start3A_63] : memref<100096x16xf32, #tpu.memory_space<vmem_shared>> -> memref<391x16xf32, #tpu.memory_space<vmem_shared>>
          tpu.enqueue_dma source(%arg9 : memref<391x16xf32, #tpu.memory_space<vmem>>) target(%dma_start3A_64 : memref<391x16xf32, #tpu.memory_space<vmem_shared>>) target_semaphore(%arg18 : memref<!tpu.dma_semaphore, #tpu.memory_space<semaphore_mem>>)
          %add3A_65 = arith.constant 782 : i32
          %add3A_66 = arith.addi %mul3A_0, %add3A_65 : i32
          %dma_start3A_67 = arith.constant 0 : i32
          %dma_start3A_68 = tpu.memref_slice %arg15[%add3A_66, %dma_start3A_67] : memref<100096x16xf32, #tpu.memory_space<vmem_shared>> -> memref<391x16xf32, #tpu.memory_space<vmem_shared>>
          %dma_start3A_69 = arith.constant 0 : i32
          %dma_start3A_70 = tpu.memref_slice %arg15[%add3A_66, %dma_start3A_69] : memref<100096x16xf32, #tpu.memory_space<vmem_shared>> -> memref<391x16xf32, #tpu.memory_space<vmem_shared>>
          tpu.enqueue_dma source(%arg9 : memref<391x16xf32, #tpu.memory_space<vmem>>) target(%dma_start3A_70 : memref<391x16xf32, #tpu.memory_space<vmem_shared>>) target_semaphore(%arg18 : memref<!tpu.dma_semaphore, #tpu.memory_space<semaphore_mem>>)
          %add3A_71 = arith.constant 1173 : i32
          %add3A_72 = arith.addi %mul3A_0, %add3A_71 : i32
          %dma_start3A_73 = arith.constant 0 : i32
          %dma_start3A_74 = tpu.memref_slice %arg15[%add3A_72, %dma_start3A_73] : memref<100096x16xf32, #tpu.memory_space<vmem_shared>> -> memref<391x16xf32, #tpu.memory_space<vmem_shared>>
          %dma_start3A_75 = arith.constant 0 : i32
          %dma_start3A_76 = tpu.memref_slice %arg15[%add3A_72, %dma_start3A_75] : memref<100096x16xf32, #tpu.memory_space<vmem_shared>> -> memref<391x16xf32, #tpu.memory_space<vmem_shared>>
          tpu.enqueue_dma source(%arg9 : memref<391x16xf32, #tpu.memory_space<vmem>>) target(%dma_start3A_76 : memref<391x16xf32, #tpu.memory_space<vmem_shared>>) target_semaphore(%arg18 : memref<!tpu.dma_semaphore, #tpu.memory_space<semaphore_mem>>)
          %add3A_77 = arith.constant 1564 : i32
          %add3A_78 = arith.addi %mul3A_0, %add3A_77 : i32
          %dma_start3A_79 = arith.constant 0 : i32
          %dma_start3A_80 = tpu.memref_slice %arg15[%add3A_78, %dma_start3A_79] : memref<100096x16xf32, #tpu.memory_space<vmem_shared>> -> memref<391x16xf32, #tpu.memory_space<vmem_shared>>
          %dma_start3A_81 = arith.constant 0 : i32
          %dma_start3A_82 = tpu.memref_slice %arg15[%add3A_78, %dma_start3A_81] : memref<100096x16xf32, #tpu.memory_space<vmem_shared>> -> memref<391x16xf32, #tpu.memory_space<vmem_shared>>
          tpu.enqueue_dma source(%arg9 : memref<391x16xf32, #tpu.memory_space<vmem>>) target(%dma_start3A_82 : memref<391x16xf32, #tpu.memory_space<vmem_shared>>) target_semaphore(%arg18 : memref<!tpu.dma_semaphore, #tpu.memory_space<semaphore_mem>>)
          %add3A_83 = arith.constant 1955 : i32
          %add3A_84 = arith.addi %mul3A_0, %add3A_83 : i32
          %dma_start3A_85 = arith.constant 0 : i32
          %dma_start3A_86 = tpu.memref_slice %arg15[%add3A_84, %dma_start3A_85] : memref<100096x16xf32, #tpu.memory_space<vmem_shared>> -> memref<391x16xf32, #tpu.memory_space<vmem_shared>>
          %dma_start3A_87 = arith.constant 0 : i32
          %dma_start3A_88 = tpu.memref_slice %arg15[%add3A_84, %dma_start3A_87] : memref<100096x16xf32, #tpu.memory_space<vmem_shared>> -> memref<391x16xf32, #tpu.memory_space<vmem_shared>>
          tpu.enqueue_dma source(%arg9 : memref<391x16xf32, #tpu.memory_space<vmem>>) target(%dma_start3A_88 : memref<391x16xf32, #tpu.memory_space<vmem_shared>>) target_semaphore(%arg18 : memref<!tpu.dma_semaphore, #tpu.memory_space<semaphore_mem>>)
          %add3A_89 = arith.constant 2346 : i32
          %add3A_90 = arith.addi %mul3A_0, %add3A_89 : i32
          %dma_start3A_91 = arith.constant 0 : i32
          %dma_start3A_92 = tpu.memref_slice %arg15[%add3A_90, %dma_start3A_91] : memref<100096x16xf32, #tpu.memory_space<vmem_shared>> -> memref<391x16xf32, #tpu.memory_space<vmem_shared>>
          %dma_start3A_93 = arith.constant 0 : i32
          %dma_start3A_94 = tpu.memref_slice %arg15[%add3A_90, %dma_start3A_93] : memref<100096x16xf32, #tpu.memory_space<vmem_shared>> -> memref<391x16xf32, #tpu.memory_space<vmem_shared>>
          tpu.enqueue_dma source(%arg9 : memref<391x16xf32, #tpu.memory_space<vmem>>) target(%dma_start3A_94 : memref<391x16xf32, #tpu.memory_space<vmem_shared>>) target_semaphore(%arg18 : memref<!tpu.dma_semaphore, #tpu.memory_space<semaphore_mem>>)
          %add3A_95 = arith.constant 2737 : i32
          %add3A_96 = arith.addi %mul3A_0, %add3A_95 : i32
          %dma_start3A_97 = arith.constant 0 : i32
          %dma_start3A_98 = tpu.memref_slice %arg15[%add3A_96, %dma_start3A_97] : memref<100096x16xf32, #tpu.memory_space<vmem_shared>> -> memref<391x16xf32, #tpu.memory_space<vmem_shared>>
          %dma_start3A_99 = arith.constant 0 : i32
          %dma_start3A_100 = tpu.memref_slice %arg15[%add3A_96, %dma_start3A_99] : memref<100096x16xf32, #tpu.memory_space<vmem_shared>> -> memref<391x16xf32, #tpu.memory_space<vmem_shared>>
          tpu.enqueue_dma source(%arg9 : memref<391x16xf32, #tpu.memory_space<vmem>>) target(%dma_start3A_100 : memref<391x16xf32, #tpu.memory_space<vmem_shared>>) target_semaphore(%arg18 : memref<!tpu.dma_semaphore, #tpu.memory_space<semaphore_mem>>)
          %add3A_101 = arith.constant 3128 : i32
          %add3A_102 = arith.addi %mul3A_0, %add3A_101 : i32
          %dma_start3A_103 = arith.constant 0 : i32
          %dma_start3A_104 = tpu.memref_slice %arg15[%add3A_102, %dma_start3A_103] : memref<100096x16xf32, #tpu.memory_space<vmem_shared>> -> memref<391x16xf32, #tpu.memory_space<vmem_shared>>
          %dma_start3A_105 = arith.constant 0 : i32
          %dma_start3A_106 = tpu.memref_slice %arg15[%add3A_102, %dma_start3A_105] : memref<100096x16xf32, #tpu.memory_space<vmem_shared>> -> memref<391x16xf32, #tpu.memory_space<vmem_shared>>
          tpu.enqueue_dma source(%arg9 : memref<391x16xf32, #tpu.memory_space<vmem>>) target(%dma_start3A_106 : memref<391x16xf32, #tpu.memory_space<vmem_shared>>) target_semaphore(%arg18 : memref<!tpu.dma_semaphore, #tpu.memory_space<semaphore_mem>>)
          %add3A_107 = arith.constant 3519 : i32
          %add3A_108 = arith.addi %mul3A_0, %add3A_107 : i32
          %dma_start3A_109 = arith.constant 0 : i32
          %dma_start3A_110 = tpu.memref_slice %arg15[%add3A_108, %dma_start3A_109] : memref<100096x16xf32, #tpu.memory_space<vmem_shared>> -> memref<391x16xf32, #tpu.memory_space<vmem_shared>>
          %dma_start3A_111 = arith.constant 0 : i32
          %dma_start3A_112 = tpu.memref_slice %arg15[%add3A_108, %dma_start3A_111] : memref<100096x16xf32, #tpu.memory_space<vmem_shared>> -> memref<391x16xf32, #tpu.memory_space<vmem_shared>>
          tpu.enqueue_dma source(%arg9 : memref<391x16xf32, #tpu.memory_space<vmem>>) target(%dma_start3A_112 : memref<391x16xf32, #tpu.memory_space<vmem_shared>>) target_semaphore(%arg18 : memref<!tpu.dma_semaphore, #tpu.memory_space<semaphore_mem>>)
          %add3A_113 = arith.constant 3910 : i32
          %add3A_114 = arith.addi %mul3A_0, %add3A_113 : i32
          %dma_start3A_115 = arith.constant 0 : i32
          %dma_start3A_116 = tpu.memref_slice %arg15[%add3A_114, %dma_start3A_115] : memref<100096x16xf32, #tpu.memory_space<vmem_shared>> -> memref<391x16xf32, #tpu.memory_space<vmem_shared>>
          %dma_start3A_117 = arith.constant 0 : i32
          %dma_start3A_118 = tpu.memref_slice %arg15[%add3A_114, %dma_start3A_117] : memref<100096x16xf32, #tpu.memory_space<vmem_shared>> -> memref<391x16xf32, #tpu.memory_space<vmem_shared>>
          tpu.enqueue_dma source(%arg9 : memref<391x16xf32, #tpu.memory_space<vmem>>) target(%dma_start3A_118 : memref<391x16xf32, #tpu.memory_space<vmem_shared>>) target_semaphore(%arg18 : memref<!tpu.dma_semaphore, #tpu.memory_space<semaphore_mem>>)
          %add3A_119 = arith.constant 4301 : i32
          %add3A_120 = arith.addi %mul3A_0, %add3A_119 : i32
          %dma_start3A_121 = arith.constant 0 : i32
          %dma_start3A_122 = tpu.memref_slice %arg15[%add3A_120, %dma_start3A_121] : memref<100096x16xf32, #tpu.memory_space<vmem_shared>> -> memref<391x16xf32, #tpu.memory_space<vmem_shared>>
          %dma_start3A_123 = arith.constant 0 : i32
          %dma_start3A_124 = tpu.memref_slice %arg15[%add3A_120, %dma_start3A_123] : memref<100096x16xf32, #tpu.memory_space<vmem_shared>> -> memref<391x16xf32, #tpu.memory_space<vmem_shared>>
          tpu.enqueue_dma source(%arg9 : memref<391x16xf32, #tpu.memory_space<vmem>>) target(%dma_start3A_124 : memref<391x16xf32, #tpu.memory_space<vmem_shared>>) target_semaphore(%arg18 : memref<!tpu.dma_semaphore, #tpu.memory_space<semaphore_mem>>)
          %add3A_125 = arith.constant 4692 : i32
          %add3A_126 = arith.addi %mul3A_0, %add3A_125 : i32
          %dma_start3A_127 = arith.constant 0 : i32
          %dma_start3A_128 = tpu.memref_slice %arg15[%add3A_126, %dma_start3A_127] : memref<100096x16xf32, #tpu.memory_space<vmem_shared>> -> memref<391x16xf32, #tpu.memory_space<vmem_shared>>
          %dma_start3A_129 = arith.constant 0 : i32
          %dma_start3A_130 = tpu.memref_slice %arg15[%add3A_126, %dma_start3A_129] : memref<100096x16xf32, #tpu.memory_space<vmem_shared>> -> memref<391x16xf32, #tpu.memory_space<vmem_shared>>
          tpu.enqueue_dma source(%arg9 : memref<391x16xf32, #tpu.memory_space<vmem>>) target(%dma_start3A_130 : memref<391x16xf32, #tpu.memory_space<vmem_shared>>) target_semaphore(%arg18 : memref<!tpu.dma_semaphore, #tpu.memory_space<semaphore_mem>>)
          %add3A_131 = arith.constant 5083 : i32
          %add3A_132 = arith.addi %mul3A_0, %add3A_131 : i32
          %dma_start3A_133 = arith.constant 0 : i32
          %dma_start3A_134 = tpu.memref_slice %arg15[%add3A_132, %dma_start3A_133] : memref<100096x16xf32, #tpu.memory_space<vmem_shared>> -> memref<391x16xf32, #tpu.memory_space<vmem_shared>>
          %dma_start3A_135 = arith.constant 0 : i32
          %dma_start3A_136 = tpu.memref_slice %arg15[%add3A_132, %dma_start3A_135] : memref<100096x16xf32, #tpu.memory_space<vmem_shared>> -> memref<391x16xf32, #tpu.memory_space<vmem_shared>>
          tpu.enqueue_dma source(%arg9 : memref<391x16xf32, #tpu.memory_space<vmem>>) target(%dma_start3A_136 : memref<391x16xf32, #tpu.memory_space<vmem_shared>>) target_semaphore(%arg18 : memref<!tpu.dma_semaphore, #tpu.memory_space<semaphore_mem>>)
          %add3A_137 = arith.constant 5474 : i32
          %add3A_138 = arith.addi %mul3A_0, %add3A_137 : i32
          %dma_start3A_139 = arith.constant 0 : i32
          %dma_start3A_140 = tpu.memref_slice %arg15[%add3A_138, %dma_start3A_139] : memref<100096x16xf32, #tpu.memory_space<vmem_shared>> -> memref<391x16xf32, #tpu.memory_space<vmem_shared>>
          %dma_start3A_141 = arith.constant 0 : i32
          %dma_start3A_142 = tpu.memref_slice %arg15[%add3A_138, %dma_start3A_141] : memref<100096x16xf32, #tpu.memory_space<vmem_shared>> -> memref<391x16xf32, #tpu.memory_space<vmem_shared>>
          tpu.enqueue_dma source(%arg9 : memref<391x16xf32, #tpu.memory_space<vmem>>) target(%dma_start3A_142 : memref<391x16xf32, #tpu.memory_space<vmem_shared>>) target_semaphore(%arg18 : memref<!tpu.dma_semaphore, #tpu.memory_space<semaphore_mem>>)
          %add3A_143 = arith.constant 5865 : i32
          %add3A_144 = arith.addi %mul3A_0, %add3A_143 : i32
          %dma_start3A_145 = arith.constant 0 : i32
          %dma_start3A_146 = tpu.memref_slice %arg15[%add3A_144, %dma_start3A_145] : memref<100096x16xf32, #tpu.memory_space<vmem_shared>> -> memref<391x16xf32, #tpu.memory_space<vmem_shared>>
          %dma_start3A_147 = arith.constant 0 : i32
          %dma_start3A_148 = tpu.memref_slice %arg15[%add3A_144, %dma_start3A_147] : memref<100096x16xf32, #tpu.memory_space<vmem_shared>> -> memref<391x16xf32, #tpu.memory_space<vmem_shared>>
          tpu.enqueue_dma source(%arg9 : memref<391x16xf32, #tpu.memory_space<vmem>>) target(%dma_start3A_148 : memref<391x16xf32, #tpu.memory_space<vmem_shared>>) target_semaphore(%arg18 : memref<!tpu.dma_semaphore, #tpu.memory_space<semaphore_mem>>)
          %dma_wait3A = arith.constant 0 : i32
          %dma_wait3A_149 = tpu.memref_slice %arg15[%mul3A_0, %dma_wait3A] : memref<100096x16xf32, #tpu.memory_space<vmem_shared>> -> memref<391x16xf32, #tpu.memory_space<vmem_shared>>
          %dma_wait3A_150 = arith.constant 0 : i32
          %dma_wait3A_151 = tpu.memref_slice %arg15[%mul3A_0, %dma_wait3A_150] : memref<100096x16xf32, #tpu.memory_space<vmem_shared>> -> memref<391x16xf32, #tpu.memory_space<vmem_shared>>
          tpu.wait_dma2 semaphore(%arg18 : memref<!tpu.dma_semaphore, #tpu.memory_space<semaphore_mem>>) src(%arg9 : memref<391x16xf32, #tpu.memory_space<vmem>>) dst(%dma_wait3A_151 : memref<391x16xf32, #tpu.memory_space<vmem_shared>>)
          %dma_wait3A_152 = arith.constant 0 : i32
          %dma_wait3A_153 = tpu.memref_slice %arg15[%mul3A_0, %dma_wait3A_152] : memref<100096x16xf32, #tpu.memory_space<vmem_shared>> -> memref<391x16xf32, #tpu.memory_space<vmem_shared>>
          %dma_wait3A_154 = arith.constant 0 : i32
          %dma_wait3A_155 = tpu.memref_slice %arg15[%mul3A_0, %dma_wait3A_154] : memref<100096x16xf32, #tpu.memory_space<vmem_shared>> -> memref<391x16xf32, #tpu.memory_space<vmem_shared>>
          tpu.wait_dma2 semaphore(%arg18 : memref<!tpu.dma_semaphore, #tpu.memory_space<semaphore_mem>>) src(%arg9 : memref<391x16xf32, #tpu.memory_space<vmem>>) dst(%dma_wait3A_155 : memref<391x16xf32, #tpu.memory_space<vmem_shared>>)
          %dma_wait3A_156 = arith.constant 0 : i32
          %dma_wait3A_157 = tpu.memref_slice %arg15[%mul3A_0, %dma_wait3A_156] : memref<100096x16xf32, #tpu.memory_space<vmem_shared>> -> memref<391x16xf32, #tpu.memory_space<vmem_shared>>
          %dma_wait3A_158 = arith.constant 0 : i32
          %dma_wait3A_159 = tpu.memref_slice %arg15[%mul3A_0, %dma_wait3A_158] : memref<100096x16xf32, #tpu.memory_space<vmem_shared>> -> memref<391x16xf32, #tpu.memory_space<vmem_shared>>
          tpu.wait_dma2 semaphore(%arg18 : memref<!tpu.dma_semaphore, #tpu.memory_space<semaphore_mem>>) src(%arg9 : memref<391x16xf32, #tpu.memory_space<vmem>>) dst(%dma_wait3A_159 : memref<391x16xf32, #tpu.memory_space<vmem_shared>>)
          %dma_wait3A_160 = arith.constant 0 : i32
          %dma_wait3A_161 = tpu.memref_slice %arg15[%mul3A_0, %dma_wait3A_160] : memref<100096x16xf32, #tpu.memory_space<vmem_shared>> -> memref<391x16xf32, #tpu.memory_space<vmem_shared>>
          %dma_wait3A_162 = arith.constant 0 : i32
          %dma_wait3A_163 = tpu.memref_slice %arg15[%mul3A_0, %dma_wait3A_162] : memref<100096x16xf32, #tpu.memory_space<vmem_shared>> -> memref<391x16xf32, #tpu.memory_space<vmem_shared>>
          tpu.wait_dma2 semaphore(%arg18 : memref<!tpu.dma_semaphore, #tpu.memory_space<semaphore_mem>>) src(%arg9 : memref<391x16xf32, #tpu.memory_space<vmem>>) dst(%dma_wait3A_163 : memref<391x16xf32, #tpu.memory_space<vmem_shared>>)
          %dma_wait3A_164 = arith.constant 0 : i32
          %dma_wait3A_165 = tpu.memref_slice %arg15[%mul3A_0, %dma_wait3A_164] : memref<100096x16xf32, #tpu.memory_space<vmem_shared>> -> memref<391x16xf32, #tpu.memory_space<vmem_shared>>
          %dma_wait3A_166 = arith.constant 0 : i32
          %dma_wait3A_167 = tpu.memref_slice %arg15[%mul3A_0, %dma_wait3A_166] : memref<100096x16xf32, #tpu.memory_space<vmem_shared>> -> memref<391x16xf32, #tpu.memory_space<vmem_shared>>
          tpu.wait_dma2 semaphore(%arg18 : memref<!tpu.dma_semaphore, #tpu.memory_space<semaphore_mem>>) src(%arg9 : memref<391x16xf32, #tpu.memory_space<vmem>>) dst(%dma_wait3A_167 : memref<391x16xf32, #tpu.memory_space<vmem_shared>>)
          %dma_wait3A_168 = arith.constant 0 : i32
          %dma_wait3A_169 = tpu.memref_slice %arg15[%mul3A_0, %dma_wait3A_168] : memref<100096x16xf32, #tpu.memory_space<vmem_shared>> -> memref<391x16xf32, #tpu.memory_space<vmem_shared>>
          %dma_wait3A_170 = arith.constant 0 : i32
          %dma_wait3A_171 = tpu.memref_slice %arg15[%mul3A_0, %dma_wait3A_170] : memref<100096x16xf32, #tpu.memory_space<vmem_shared>> -> memref<391x16xf32, #tpu.memory_space<vmem_shared>>
          tpu.wait_dma2 semaphore(%arg18 : memref<!tpu.dma_semaphore, #tpu.memory_space<semaphore_mem>>) src(%arg9 : memref<391x16xf32, #tpu.memory_space<vmem>>) dst(%dma_wait3A_171 : memref<391x16xf32, #tpu.memory_space<vmem_shared>>)
          %dma_wait3A_172 = arith.constant 0 : i32
          %dma_wait3A_173 = tpu.memref_slice %arg15[%mul3A_0, %dma_wait3A_172] : memref<100096x16xf32, #tpu.memory_space<vmem_shared>> -> memref<391x16xf32, #tpu.memory_space<vmem_shared>>
          %dma_wait3A_174 = arith.constant 0 : i32
          %dma_wait3A_175 = tpu.memref_slice %arg15[%mul3A_0, %dma_wait3A_174] : memref<100096x16xf32, #tpu.memory_space<vmem_shared>> -> memref<391x16xf32, #tpu.memory_space<vmem_shared>>
          tpu.wait_dma2 semaphore(%arg18 : memref<!tpu.dma_semaphore, #tpu.memory_space<semaphore_mem>>) src(%arg9 : memref<391x16xf32, #tpu.memory_space<vmem>>) dst(%dma_wait3A_175 : memref<391x16xf32, #tpu.memory_space<vmem_shared>>)
          %dma_wait3A_176 = arith.constant 0 : i32
          %dma_wait3A_177 = tpu.memref_slice %arg15[%mul3A_0, %dma_wait3A_176] : memref<100096x16xf32, #tpu.memory_space<vmem_shared>> -> memref<391x16xf32, #tpu.memory_space<vmem_shared>>
          %dma_wait3A_178 = arith.constant 0 : i32
          %dma_wait3A_179 = tpu.memref_slice %arg15[%mul3A_0, %dma_wait3A_178] : memref<100096x16xf32, #tpu.memory_space<vmem_shared>> -> memref<391x16xf32, #tpu.memory_space<vmem_shared>>
          tpu.wait_dma2 semaphore(%arg18 : memref<!tpu.dma_semaphore, #tpu.memory_space<semaphore_mem>>) src(%arg9 : memref<391x16xf32, #tpu.memory_space<vmem>>) dst(%dma_wait3A_179 : memref<391x16xf32, #tpu.memory_space<vmem_shared>>)
          %dma_wait3A_180 = arith.constant 0 : i32
          %dma_wait3A_181 = tpu.memref_slice %arg15[%mul3A_0, %dma_wait3A_180] : memref<100096x16xf32, #tpu.memory_space<vmem_shared>> -> memref<391x16xf32, #tpu.memory_space<vmem_shared>>
          %dma_wait3A_182 = arith.constant 0 : i32
          %dma_wait3A_183 = tpu.memref_slice %arg15[%mul3A_0, %dma_wait3A_182] : memref<100096x16xf32, #tpu.memory_space<vmem_shared>> -> memref<391x16xf32, #tpu.memory_space<vmem_shared>>
          tpu.wait_dma2 semaphore(%arg18 : memref<!tpu.dma_semaphore, #tpu.memory_space<semaphore_mem>>) src(%arg9 : memref<391x16xf32, #tpu.memory_space<vmem>>) dst(%dma_wait3A_183 : memref<391x16xf32, #tpu.memory_space<vmem_shared>>)
          %dma_wait3A_184 = arith.constant 0 : i32
          %dma_wait3A_185 = tpu.memref_slice %arg15[%mul3A_0, %dma_wait3A_184] : memref<100096x16xf32, #tpu.memory_space<vmem_shared>> -> memref<391x16xf32, #tpu.memory_space<vmem_shared>>
          %dma_wait3A_186 = arith.constant 0 : i32
          %dma_wait3A_187 = tpu.memref_slice %arg15[%mul3A_0, %dma_wait3A_186] : memref<100096x16xf32, #tpu.memory_space<vmem_shared>> -> memref<391x16xf32, #tpu.memory_space<vmem_shared>>
          tpu.wait_dma2 semaphore(%arg18 : memref<!tpu.dma_semaphore, #tpu.memory_space<semaphore_mem>>) src(%arg9 : memref<391x16xf32, #tpu.memory_space<vmem>>) dst(%dma_wait3A_187 : memref<391x16xf32, #tpu.memory_space<vmem_shared>>)
          %dma_wait3A_188 = arith.constant 0 : i32
          %dma_wait3A_189 = tpu.memref_slice %arg15[%mul3A_0, %dma_wait3A_188] : memref<100096x16xf32, #tpu.memory_space<vmem_shared>> -> memref<391x16xf32, #tpu.memory_space<vmem_shared>>
          %dma_wait3A_190 = arith.constant 0 : i32
          %dma_wait3A_191 = tpu.memref_slice %arg15[%mul3A_0, %dma_wait3A_190] : memref<100096x16xf32, #tpu.memory_space<vmem_shared>> -> memref<391x16xf32, #tpu.memory_space<vmem_shared>>
          tpu.wait_dma2 semaphore(%arg18 : memref<!tpu.dma_semaphore, #tpu.memory_space<semaphore_mem>>) src(%arg9 : memref<391x16xf32, #tpu.memory_space<vmem>>) dst(%dma_wait3A_191 : memref<391x16xf32, #tpu.memory_space<vmem_shared>>)
          %dma_wait3A_192 = arith.constant 0 : i32
          %dma_wait3A_193 = tpu.memref_slice %arg15[%mul3A_0, %dma_wait3A_192] : memref<100096x16xf32, #tpu.memory_space<vmem_shared>> -> memref<391x16xf32, #tpu.memory_space<vmem_shared>>
          %dma_wait3A_194 = arith.constant 0 : i32
          %dma_wait3A_195 = tpu.memref_slice %arg15[%mul3A_0, %dma_wait3A_194] : memref<100096x16xf32, #tpu.memory_space<vmem_shared>> -> memref<391x16xf32, #tpu.memory_space<vmem_shared>>
          tpu.wait_dma2 semaphore(%arg18 : memref<!tpu.dma_semaphore, #tpu.memory_space<semaphore_mem>>) src(%arg9 : memref<391x16xf32, #tpu.memory_space<vmem>>) dst(%dma_wait3A_195 : memref<391x16xf32, #tpu.memory_space<vmem_shared>>)
          %dma_wait3A_196 = arith.constant 0 : i32
          %dma_wait3A_197 = tpu.memref_slice %arg15[%mul3A_0, %dma_wait3A_196] : memref<100096x16xf32, #tpu.memory_space<vmem_shared>> -> memref<391x16xf32, #tpu.memory_space<vmem_shared>>
          %dma_wait3A_198 = arith.constant 0 : i32
          %dma_wait3A_199 = tpu.memref_slice %arg15[%mul3A_0, %dma_wait3A_198] : memref<100096x16xf32, #tpu.memory_space<vmem_shared>> -> memref<391x16xf32, #tpu.memory_space<vmem_shared>>
          tpu.wait_dma2 semaphore(%arg18 : memref<!tpu.dma_semaphore, #tpu.memory_space<semaphore_mem>>) src(%arg9 : memref<391x16xf32, #tpu.memory_space<vmem>>) dst(%dma_wait3A_199 : memref<391x16xf32, #tpu.memory_space<vmem_shared>>)
          %dma_wait3A_200 = arith.constant 0 : i32
          %dma_wait3A_201 = tpu.memref_slice %arg15[%mul3A_0, %dma_wait3A_200] : memref<100096x16xf32, #tpu.memory_space<vmem_shared>> -> memref<391x16xf32, #tpu.memory_space<vmem_shared>>
          %dma_wait3A_202 = arith.constant 0 : i32
          %dma_wait3A_203 = tpu.memref_slice %arg15[%mul3A_0, %dma_wait3A_202] : memref<100096x16xf32, #tpu.memory_space<vmem_shared>> -> memref<391x16xf32, #tpu.memory_space<vmem_shared>>
          tpu.wait_dma2 semaphore(%arg18 : memref<!tpu.dma_semaphore, #tpu.memory_space<semaphore_mem>>) src(%arg9 : memref<391x16xf32, #tpu.memory_space<vmem>>) dst(%dma_wait3A_203 : memref<391x16xf32, #tpu.memory_space<vmem_shared>>)
          %dma_wait3A_204 = arith.constant 0 : i32
          %dma_wait3A_205 = tpu.memref_slice %arg15[%mul3A_0, %dma_wait3A_204] : memref<100096x16xf32, #tpu.memory_space<vmem_shared>> -> memref<391x16xf32, #tpu.memory_space<vmem_shared>>
          %dma_wait3A_206 = arith.constant 0 : i32
          %dma_wait3A_207 = tpu.memref_slice %arg15[%mul3A_0, %dma_wait3A_206] : memref<100096x16xf32, #tpu.memory_space<vmem_shared>> -> memref<391x16xf32, #tpu.memory_space<vmem_shared>>
          tpu.wait_dma2 semaphore(%arg18 : memref<!tpu.dma_semaphore, #tpu.memory_space<semaphore_mem>>) src(%arg9 : memref<391x16xf32, #tpu.memory_space<vmem>>) dst(%dma_wait3A_207 : memref<391x16xf32, #tpu.memory_space<vmem_shared>>)
          %dma_wait3A_208 = arith.constant 0 : i32
          %dma_wait3A_209 = tpu.memref_slice %arg15[%mul3A_0, %dma_wait3A_208] : memref<100096x16xf32, #tpu.memory_space<vmem_shared>> -> memref<391x16xf32, #tpu.memory_space<vmem_shared>>
          %dma_wait3A_210 = arith.constant 0 : i32
          %dma_wait3A_211 = tpu.memref_slice %arg15[%mul3A_0, %dma_wait3A_210] : memref<100096x16xf32, #tpu.memory_space<vmem_shared>> -> memref<391x16xf32, #tpu.memory_space<vmem_shared>>
          tpu.wait_dma2 semaphore(%arg18 : memref<!tpu.dma_semaphore, #tpu.memory_space<semaphore_mem>>) src(%arg9 : memref<391x16xf32, #tpu.memory_space<vmem>>) dst(%dma_wait3A_211 : memref<391x16xf32, #tpu.memory_space<vmem_shared>>)
          %barrier3A = arith.constant 0 : index
          tpu.barrier barrier_id(%barrier3A)
          %scan3A_212 = arith.constant 0 : i32
          %scan3A_213 = arith.constant 0 : i32
          %scan3A_214 = arith.constant 7 : i32
          %scan3A_215 = arith.addi %scan3A_213, %scan3A_214 : i32
          %scan3A_216 = arith.constant 1 : i32
          %scan3A_217 = scf.for %scan3A_222 = %scan3A_213 to %scan3A_215 step %scan3A_216 iter_args(%scan3A_223 = %scan3A_212) -> (i32)  : i32 {
            "tpu.region"() ({
              %run_scoped3A = tpu.sem_alloc : memref<!tpu.dma_semaphore, #tpu.memory_space<semaphore_mem>>
              %dma_start3A_244 = arith.constant 0 : i32
              %dma_start3A_245 = tpu.memref_slice %arg3[%select_n3A, %select_n3A_53, %arg1, %scan3A_222, %dma_start3A_244] : memref<2x8x16x7x1792xi32, #tpu.memory_space<hbm>> -> memref<1x1x1x1x1792xi32, #tpu.memory_space<hbm>>
              %dma_start3A_246 = tpu.memref_squeeze %dma_start3A_245 : memref<1x1x1x1x1792xi32, #tpu.memory_space<hbm>> -> memref<1792xi32, #tpu.memory_space<hbm>>
              %dma_start3A_247 = arith.constant 0 : i32
              %dma_start3A_248 = tpu.memref_slice %arg3[%select_n3A, %select_n3A_53, %arg1, %scan3A_222, %dma_start3A_247] : memref<2x8x16x7x1792xi32, #tpu.memory_space<hbm>> -> memref<1x1x1x1x1792xi32, #tpu.memory_space<hbm>>
              %dma_start3A_249 = tpu.memref_squeeze %dma_start3A_248 : memref<1x1x1x1x1792xi32, #tpu.memory_space<hbm>> -> memref<1792xi32, #tpu.memory_space<hbm>>
              tpu.enqueue_dma source(%dma_start3A_249 : memref<1792xi32, #tpu.memory_space<hbm>>) target(%arg13 : memref<1792xi32, #tpu.memory_space<vmem>>) target_semaphore(%run_scoped3A : memref<!tpu.dma_semaphore, #tpu.memory_space<semaphore_mem>>)
              %dma_wait3A_250 = arith.constant 0 : i32
              %dma_wait3A_251 = tpu.memref_slice %arg3[%select_n3A, %select_n3A_53, %arg1, %scan3A_222, %dma_wait3A_250] : memref<2x8x16x7x1792xi32, #tpu.memory_space<hbm>> -> memref<1x1x1x1x1792xi32, #tpu.memory_space<hbm>>
              %dma_wait3A_252 = tpu.memref_squeeze %dma_wait3A_251 : memref<1x1x1x1x1792xi32, #tpu.memory_space<hbm>> -> memref<1792xi32, #tpu.memory_space<hbm>>
              %dma_wait3A_253 = arith.constant 0 : i32
              %dma_wait3A_254 = tpu.memref_slice %arg3[%select_n3A, %select_n3A_53, %arg1, %scan3A_222, %dma_wait3A_253] : memref<2x8x16x7x1792xi32, #tpu.memory_space<hbm>> -> memref<1x1x1x1x1792xi32, #tpu.memory_space<hbm>>
              %dma_wait3A_255 = tpu.memref_squeeze %dma_wait3A_254 : memref<1x1x1x1x1792xi32, #tpu.memory_space<hbm>> -> memref<1792xi32, #tpu.memory_space<hbm>>
              tpu.wait_dma2 semaphore(%run_scoped3A : memref<!tpu.dma_semaphore, #tpu.memory_space<semaphore_mem>>) src(%dma_wait3A_255 : memref<1792xi32, #tpu.memory_space<hbm>>) dst(%arg13 : memref<1792xi32, #tpu.memory_space<vmem>>)
              tpu.yield
            }) : () -> ()
            "tpu.region"() ({
              %run_scoped3A = tpu.sem_alloc : memref<!tpu.dma_semaphore, #tpu.memory_space<semaphore_mem>>
              %dma_start3A_244 = arith.constant 0 : i32
              %dma_start3A_245 = arith.constant 0 : i32
              %dma_start3A_246 = tpu.memref_slice %arg4[%select_n3A, %arg1, %scan3A_222, %dma_start3A_244, %dma_start3A_245] : memref<2x16x7x14x128xi32, #tpu.memory_space<hbm>> -> memref<1x1x1x14x128xi32, #tpu.memory_space<hbm>>
              %dma_start3A_247 = tpu.memref_squeeze %dma_start3A_246 : memref<1x1x1x14x128xi32, #tpu.memory_space<hbm>> -> memref<14x128xi32, #tpu.memory_space<hbm>>
              %dma_start3A_248 = arith.constant 0 : i32
              %dma_start3A_249 = arith.constant 0 : i32
              %dma_start3A_250 = tpu.memref_slice %arg4[%select_n3A, %arg1, %scan3A_222, %dma_start3A_248, %dma_start3A_249] : memref<2x16x7x14x128xi32, #tpu.memory_space<hbm>> -> memref<1x1x1x14x128xi32, #tpu.memory_space<hbm>>
              %dma_start3A_251 = tpu.memref_squeeze %dma_start3A_250 : memref<1x1x1x14x128xi32, #tpu.memory_space<hbm>> -> memref<14x128xi32, #tpu.memory_space<hbm>>
              tpu.enqueue_dma source(%dma_start3A_251 : memref<14x128xi32, #tpu.memory_space<hbm>>) target(%arg14 : memref<14x128xi32, #tpu.memory_space<vmem>>) target_semaphore(%run_scoped3A : memref<!tpu.dma_semaphore, #tpu.memory_space<semaphore_mem>>)
              %dma_wait3A_252 = arith.constant 0 : i32
              %dma_wait3A_253 = arith.constant 0 : i32
              %dma_wait3A_254 = tpu.memref_slice %arg4[%select_n3A, %arg1, %scan3A_222, %dma_wait3A_252, %dma_wait3A_253] : memref<2x16x7x14x128xi32, #tpu.memory_space<hbm>> -> memref<1x1x1x14x128xi32, #tpu.memory_space<hbm>>
              %dma_wait3A_255 = tpu.memref_squeeze %dma_wait3A_254 : memref<1x1x1x14x128xi32, #tpu.memory_space<hbm>> -> memref<14x128xi32, #tpu.memory_space<hbm>>
              %dma_wait3A_256 = arith.constant 0 : i32
              %dma_wait3A_257 = arith.constant 0 : i32
              %dma_wait3A_258 = tpu.memref_slice %arg4[%select_n3A, %arg1, %scan3A_222, %dma_wait3A_256, %dma_wait3A_257] : memref<2x16x7x14x128xi32, #tpu.memory_space<hbm>> -> memref<1x1x1x14x128xi32, #tpu.memory_space<hbm>>
              %dma_wait3A_259 = tpu.memref_squeeze %dma_wait3A_258 : memref<1x1x1x14x128xi32, #tpu.memory_space<hbm>> -> memref<14x128xi32, #tpu.memory_space<hbm>>
              tpu.wait_dma2 semaphore(%run_scoped3A : memref<!tpu.dma_semaphore, #tpu.memory_space<semaphore_mem>>) src(%dma_wait3A_259 : memref<14x128xi32, #tpu.memory_space<hbm>>) dst(%arg14 : memref<14x128xi32, #tpu.memory_space<vmem>>)
              tpu.yield
            }) : () -> ()
            %dma_start3A_224 = arith.constant 0 : i32
            %dma_start3A_225 = tpu.memref_slice %arg13[%dma_start3A_224] : memref<1792xi32, #tpu.memory_space<vmem>> -> memref<128xi32, #tpu.memory_space<vmem>>
            %dma_start3A_226 = arith.constant 0 : i32
            %dma_start3A_227 = arith.constant 0 : i32
            %dma_start3A_228 = tpu.memref_slice %arg2[%dma_start3A_226, %dma_start3A_227] : memref<800000x16xf32, #tpu.memory_space<hbm>> -> memref<800000x16xf32, #tpu.memory_space<hbm>>
            tpu.enqueue_indirect_dma source(%dma_start3A_228 : memref<800000x16xf32, #tpu.memory_space<hbm>>) target(%arg11 : memref<128x16xf32, #tpu.memory_space<vmem>>) offsets(%dma_start3A_225 : memref<128xi32, #tpu.memory_space<vmem>>) semaphore(%arg16 : memref<!tpu.dma_semaphore, #tpu.memory_space<semaphore_mem>>)
            %scan3A_229 = arith.constant 0 : i32
            %scan3A_230 = arith.constant 0 : i32
            %scan3A_231 = arith.constant 7 : i32
            %scan3A_232 = arith.addi %scan3A_230, %scan3A_231 : i32
            %scan3A_233 = arith.constant 1 : i32
            %scan3A_234 = scf.for %scan3A_244 = %scan3A_230 to %scan3A_232 step %scan3A_233 iter_args(%scan3A_245 = %scan3A_229) -> (i32)  : i32 {
              %mul3A_246 = arith.constant 2 : i32
              %mul3A_247 = arith.muli %mul3A_246, %scan3A_244 : i32
              %mul3A_248 = arith.constant 2 : i32
              %mul3A_249 = arith.muli %mul3A_248, %scan3A_244 : i32
              %add3A_250 = arith.constant 1 : i32
              %add3A_251 = arith.addi %mul3A_249, %add3A_250 : i32
              %gt3A = arith.constant 0 : i32
              %gt3A_252 = arith.cmpi sgt, %scan3A_244, %gt3A : i32
              %convert_element_type3A_253 = arith.extui %gt3A_252 : i1 to i32
              %cond3A_254 = arith.constant 0 : i32
              %cond3A_255 = arith.cmpi ne, %convert_element_type3A_253, %cond3A_254 : i32
              scf.if %cond3A_255 {
                %sub3A_300 = arith.constant 1 : i32
                %sub3A_301 = arith.subi %mul3A_247, %sub3A_300 : i32
                %dma_wait3A_302 = arith.constant 0 : i32
                %dma_wait3A_303 = tpu.memref_slice %arg14[%sub3A_301, %dma_wait3A_302] : memref<14x128xi32, #tpu.memory_space<vmem>> -> memref<1x128xi32, #tpu.memory_space<vmem>>
                %dma_wait3A_304 = tpu.memref_squeeze %dma_wait3A_303 : memref<1x128xi32, #tpu.memory_space<vmem>> -> memref<128xi32, #tpu.memory_space<vmem>>
                %dma_wait3A_305 = arith.constant 0 : i32
                %dma_wait3A_306 = arith.constant 0 : i32
                %dma_wait3A_307 = tpu.memref_slice %arg15[%dma_wait3A_305, %dma_wait3A_306] : memref<100096x16xf32, #tpu.memory_space<vmem_shared>> -> memref<100096x16xf32, #tpu.memory_space<vmem_shared>>
                tpu.wait_indirect_dma semaphore(%arg19 : memref<!tpu.dma_semaphore, #tpu.memory_space<semaphore_mem>>) src(%arg12 : memref<128x16xf32, #tpu.memory_space<vmem>>) dst(%dma_wait3A_307 : memref<100096x16xf32, #tpu.memory_space<vmem_shared>>)
              } else {
              }
              %mul3A_256 = arith.constant 128 : i32
              %mul3A_257 = arith.muli %add3A_251, %mul3A_256 : i32
              %dma_start3A_258 = tpu.memref_slice %arg13[%mul3A_257] : memref<1792xi32, #tpu.memory_space<vmem>> -> memref<128xi32, #tpu.memory_space<vmem>>
              %dma_start3A_259 = arith.constant 0 : i32
              %dma_start3A_260 = arith.constant 0 : i32
              %dma_start3A_261 = tpu.memref_slice %arg2[%dma_start3A_259, %dma_start3A_260] : memref<800000x16xf32, #tpu.memory_space<hbm>> -> memref<800000x16xf32, #tpu.memory_space<hbm>>
              tpu.enqueue_indirect_dma source(%dma_start3A_261 : memref<800000x16xf32, #tpu.memory_space<hbm>>) target(%arg12 : memref<128x16xf32, #tpu.memory_space<vmem>>) offsets(%dma_start3A_258 : memref<128xi32, #tpu.memory_space<vmem>>) semaphore(%arg17 : memref<!tpu.dma_semaphore, #tpu.memory_space<semaphore_mem>>)
              %mul3A_262 = arith.constant 128 : i32
              %mul3A_263 = arith.muli %mul3A_247, %mul3A_262 : i32
              %dma_wait3A_264 = tpu.memref_slice %arg13[%mul3A_263] : memref<1792xi32, #tpu.memory_space<vmem>> -> memref<128xi32, #tpu.memory_space<vmem>>
              %dma_wait3A_265 = arith.constant 0 : i32
              %dma_wait3A_266 = arith.constant 0 : i32
              %dma_wait3A_267 = tpu.memref_slice %arg2[%dma_wait3A_265, %dma_wait3A_266] : memref<800000x16xf32, #tpu.memory_space<hbm>> -> memref<800000x16xf32, #tpu.memory_space<hbm>>
              tpu.wait_indirect_dma semaphore(%arg16 : memref<!tpu.dma_semaphore, #tpu.memory_space<semaphore_mem>>) src(%dma_wait3A_267 : memref<800000x16xf32, #tpu.memory_space<hbm>>) dst(%arg11 : memref<128x16xf32, #tpu.memory_space<vmem>>)
              %dma_start3A_268 = arith.constant 0 : i32
              %dma_start3A_269 = tpu.memref_slice %arg14[%mul3A_247, %dma_start3A_268] : memref<14x128xi32, #tpu.memory_space<vmem>> -> memref<1x128xi32, #tpu.memory_space<vmem>>
              %dma_start3A_270 = tpu.memref_squeeze %dma_start3A_269 : memref<1x128xi32, #tpu.memory_space<vmem>> -> memref<128xi32, #tpu.memory_space<vmem>>
              %dma_start3A_271 = arith.constant 0 : i32
              %dma_start3A_272 = arith.constant 0 : i32
              %dma_start3A_273 = tpu.memref_slice %arg15[%dma_start3A_271, %dma_start3A_272] : memref<100096x16xf32, #tpu.memory_space<vmem_shared>> -> memref<100096x16xf32, #tpu.memory_space<vmem_shared>>
              tpu.enqueue_indirect_dma source(%arg11 : memref<128x16xf32, #tpu.memory_space<vmem>>) target(%dma_start3A_273 : memref<100096x16xf32, #tpu.memory_space<vmem_shared>>) offsets(%dma_start3A_270 : memref<128xi32, #tpu.memory_space<vmem>>) semaphore(%arg18 : memref<!tpu.dma_semaphore, #tpu.memory_space<semaphore_mem>>) {add = true}
              %dma_wait3A_274 = arith.constant 0 : i32
              %dma_wait3A_275 = tpu.memref_slice %arg14[%mul3A_247, %dma_wait3A_274] : memref<14x128xi32, #tpu.memory_space<vmem>> -> memref<1x128xi32, #tpu.memory_space<vmem>>
              %dma_wait3A_276 = tpu.memref_squeeze %dma_wait3A_275 : memref<1x128xi32, #tpu.memory_space<vmem>> -> memref<128xi32, #tpu.memory_space<vmem>>
              %dma_wait3A_277 = arith.constant 0 : i32
              %dma_wait3A_278 = arith.constant 0 : i32
              %dma_wait3A_279 = tpu.memref_slice %arg15[%dma_wait3A_277, %dma_wait3A_278] : memref<100096x16xf32, #tpu.memory_space<vmem_shared>> -> memref<100096x16xf32, #tpu.memory_space<vmem_shared>>
              tpu.wait_indirect_dma semaphore(%arg18 : memref<!tpu.dma_semaphore, #tpu.memory_space<semaphore_mem>>) src(%arg11 : memref<128x16xf32, #tpu.memory_space<vmem>>) dst(%dma_wait3A_279 : memref<100096x16xf32, #tpu.memory_space<vmem_shared>>)
              %add3A_280 = arith.constant 1 : i32
              %add3A_281 = arith.addi %add3A_251, %add3A_280 : i32
              %lt3A_282 = arith.constant 14 : i32
              %lt3A_283 = arith.cmpi slt, %add3A_281, %lt3A_282 : i32
              %convert_element_type3A_284 = arith.extui %lt3A_283 : i1 to i32
              %cond3A_285 = arith.constant 0 : i32
              %cond3A_286 = arith.cmpi ne, %convert_element_type3A_284, %cond3A_285 : i32
              scf.if %cond3A_286 {
                %add3A_300 = arith.constant 1 : i32
                %add3A_301 = arith.addi %add3A_251, %add3A_300 : i32
                %mul3A_302 = arith.constant 128 : i32
                %mul3A_303 = arith.muli %add3A_301, %mul3A_302 : i32
                %dma_start3A_304 = tpu.memref_slice %arg13[%mul3A_303] : memref<1792xi32, #tpu.memory_space<vmem>> -> memref<128xi32, #tpu.memory_space<vmem>>
                %dma_start3A_305 = arith.constant 0 : i32
                %dma_start3A_306 = arith.constant 0 : i32
                %dma_start3A_307 = tpu.memref_slice %arg2[%dma_start3A_305, %dma_start3A_306] : memref<800000x16xf32, #tpu.memory_space<hbm>> -> memref<800000x16xf32, #tpu.memory_space<hbm>>
                tpu.enqueue_indirect_dma source(%dma_start3A_307 : memref<800000x16xf32, #tpu.memory_space<hbm>>) target(%arg11 : memref<128x16xf32, #tpu.memory_space<vmem>>) offsets(%dma_start3A_304 : memref<128xi32, #tpu.memory_space<vmem>>) semaphore(%arg16 : memref<!tpu.dma_semaphore, #tpu.memory_space<semaphore_mem>>)
              } else {
              }
              %mul3A_287 = arith.constant 128 : i32
              %mul3A_288 = arith.muli %add3A_251, %mul3A_287 : i32
              %dma_wait3A_289 = tpu.memref_slice %arg13[%mul3A_288] : memref<1792xi32, #tpu.memory_space<vmem>> -> memref<128xi32, #tpu.memory_space<vmem>>
              %dma_wait3A_290 = arith.constant 0 : i32
              %dma_wait3A_291 = arith.constant 0 : i32
              %dma_wait3A_292 = tpu.memref_slice %arg2[%dma_wait3A_290, %dma_wait3A_291] : memref<800000x16xf32, #tpu.memory_space<hbm>> -> memref<800000x16xf32, #tpu.memory_space<hbm>>
              tpu.wait_indirect_dma semaphore(%arg17 : memref<!tpu.dma_semaphore, #tpu.memory_space<semaphore_mem>>) src(%dma_wait3A_292 : memref<800000x16xf32, #tpu.memory_space<hbm>>) dst(%arg12 : memref<128x16xf32, #tpu.memory_space<vmem>>)
              %dma_start3A_293 = arith.constant 0 : i32
              %dma_start3A_294 = tpu.memref_slice %arg14[%add3A_251, %dma_start3A_293] : memref<14x128xi32, #tpu.memory_space<vmem>> -> memref<1x128xi32, #tpu.memory_space<vmem>>
              %dma_start3A_295 = tpu.memref_squeeze %dma_start3A_294 : memref<1x128xi32, #tpu.memory_space<vmem>> -> memref<128xi32, #tpu.memory_space<vmem>>
              %dma_start3A_296 = arith.constant 0 : i32
              %dma_start3A_297 = arith.constant 0 : i32
              %dma_start3A_298 = tpu.memref_slice %arg15[%dma_start3A_296, %dma_start3A_297] : memref<100096x16xf32, #tpu.memory_space<vmem_shared>> -> memref<100096x16xf32, #tpu.memory_space<vmem_shared>>
              tpu.enqueue_indirect_dma source(%arg12 : memref<128x16xf32, #tpu.memory_space<vmem>>) target(%dma_start3A_298 : memref<100096x16xf32, #tpu.memory_space<vmem_shared>>) offsets(%dma_start3A_295 : memref<128xi32, #tpu.memory_space<vmem>>) semaphore(%arg19 : memref<!tpu.dma_semaphore, #tpu.memory_space<semaphore_mem>>) {add = true}
              %scan3A_299 = arith.constant 0 : i32
              scf.yield %scan3A_299 : i32
            }
            %scan3A_235 = arith.constant 7 : i32
            %dma_wait3A_236 = arith.constant 13 : i32
            %dma_wait3A_237 = arith.constant 0 : i32
            %dma_wait3A_238 = tpu.memref_slice %arg14[%dma_wait3A_236, %dma_wait3A_237] : memref<14x128xi32, #tpu.memory_space<vmem>> -> memref<1x128xi32, #tpu.memory_space<vmem>>
            %dma_wait3A_239 = tpu.memref_squeeze %dma_wait3A_238 : memref<1x128xi32, #tpu.memory_space<vmem>> -> memref<128xi32, #tpu.memory_space<vmem>>
            %dma_wait3A_240 = arith.constant 0 : i32
            %dma_wait3A_241 = arith.constant 0 : i32
            %dma_wait3A_242 = tpu.memref_slice %arg15[%dma_wait3A_240, %dma_wait3A_241] : memref<100096x16xf32, #tpu.memory_space<vmem_shared>> -> memref<100096x16xf32, #tpu.memory_space<vmem_shared>>
            tpu.wait_indirect_dma semaphore(%arg19 : memref<!tpu.dma_semaphore, #tpu.memory_space<semaphore_mem>>) src(%arg12 : memref<128x16xf32, #tpu.memory_space<vmem>>) dst(%dma_wait3A_242 : memref<100096x16xf32, #tpu.memory_space<vmem_shared>>)
            %scan3A_243 = arith.constant 0 : i32
            scf.yield %scan3A_243 : i32
          }
          %scan3A_218 = arith.constant 7 : i32
          %barrier3A_219 = arith.constant 0 : index
          tpu.barrier barrier_id(%barrier3A_219)
          %mul3A_220 = arith.constant 16 : i32
          %mul3A_221 = arith.muli %select_n3A_53, %mul3A_220 : i32
          "tpu.region"() ({
            %run_scoped3A = tpu.sem_alloc : memref<!tpu.dma_semaphore, #tpu.memory_space<semaphore_mem>>
            %dma_start3A_222 = tpu.memref_slice %arg7[%select_n3A, %mul3A_0, %mul3A_221] : memref<2x100096x128xf32, #tpu.memory_space<hbm>> -> memref<1x6256x16xf32, #tpu.memory_space<hbm>>
            %dma_start3A_223 = tpu.memref_squeeze %dma_start3A_222 : memref<1x6256x16xf32, #tpu.memory_space<hbm>> -> memref<6256x16xf32, #tpu.memory_space<hbm>>
            %dma_start3A_224 = arith.constant 0 : i32
            %dma_start3A_225 = tpu.memref_slice %arg15[%mul3A_0, %dma_start3A_224] : memref<100096x16xf32, #tpu.memory_space<vmem_shared>> -> memref<6256x16xf32, #tpu.memory_space<vmem_shared>>
            tpu.enqueue_dma source(%dma_start3A_225 : memref<6256x16xf32, #tpu.memory_space<vmem_shared>>) target(%dma_start3A_223 : memref<6256x16xf32, #tpu.memory_space<hbm>>) target_semaphore(%run_scoped3A : memref<!tpu.dma_semaphore, #tpu.memory_space<semaphore_mem>>)
            %dma_wait3A_226 = tpu.memref_slice %arg7[%select_n3A, %mul3A_0, %mul3A_221] : memref<2x100096x128xf32, #tpu.memory_space<hbm>> -> memref<1x6256x16xf32, #tpu.memory_space<hbm>>
            %dma_wait3A_227 = tpu.memref_squeeze %dma_wait3A_226 : memref<1x6256x16xf32, #tpu.memory_space<hbm>> -> memref<6256x16xf32, #tpu.memory_space<hbm>>
            %dma_wait3A_228 = arith.constant 0 : i32
            %dma_wait3A_229 = tpu.memref_slice %arg15[%mul3A_0, %dma_wait3A_228] : memref<100096x16xf32, #tpu.memory_space<vmem_shared>> -> memref<6256x16xf32, #tpu.memory_space<vmem_shared>>
            tpu.wait_dma2 semaphore(%run_scoped3A : memref<!tpu.dma_semaphore, #tpu.memory_space<semaphore_mem>>) src(%dma_wait3A_229 : memref<6256x16xf32, #tpu.memory_space<vmem_shared>>) dst(%dma_wait3A_227 : memref<6256x16xf32, #tpu.memory_space<hbm>>)
            tpu.yield
          }) : () -> ()
        } else {
        }
        %ge3A = arith.constant 16 : i32
        %ge3A_19 = arith.cmpi sge, %add3A, %ge3A : i32
        %convert_element_type3A_20 = arith.extui %ge3A_19 : i1 to i32
        %cond3A_21 = arith.constant 0 : i32
        %cond3A_22 = arith.cmpi ne, %convert_element_type3A_20, %cond3A_21 : i32
        scf.if %cond3A_22 {
          %sub3A = arith.constant 16 : i32
          %sub3A_23 = arith.subi %add3A, %sub3A : i32
          %add3A_24 = arith.constant 0 : i32
          %add3A_25 = arith.addi %mul3A_0, %add3A_24 : i32
          %dma_start3A = arith.constant 0 : i32
          %dma_start3A_26 = tpu.memref_slice %arg15[%add3A_25, %dma_start3A] : memref<100096x16xf32, #tpu.memory_space<vmem_shared>> -> memref<391x16xf32, #tpu.memory_space<vmem_shared>>
          %dma_start3A_27 = arith.constant 0 : i32
          %dma_start3A_28 = tpu.memref_slice %arg15[%add3A_25, %dma_start3A_27] : memref<100096x16xf32, #tpu.memory_space<vmem_shared>> -> memref<391x16xf32, #tpu.memory_space<vmem_shared>>
          tpu.enqueue_dma source(%arg9 : memref<391x16xf32, #tpu.memory_space<vmem>>) target(%dma_start3A_28 : memref<391x16xf32, #tpu.memory_space<vmem_shared>>) target_semaphore(%arg18 : memref<!tpu.dma_semaphore, #tpu.memory_space<semaphore_mem>>)
          %add3A_29 = arith.constant 391 : i32
          %add3A_30 = arith.addi %mul3A_0, %add3A_29 : i32
          %dma_start3A_31 = arith.constant 0 : i32
          %dma_start3A_32 = tpu.memref_slice %arg15[%add3A_30, %dma_start3A_31] : memref<100096x16xf32, #tpu.memory_space<vmem_shared>> -> memref<391x16xf32, #tpu.memory_space<vmem_shared>>
          %dma_start3A_33 = arith.constant 0 : i32
          %dma_start3A_34 = tpu.memref_slice %arg15[%add3A_30, %dma_start3A_33] : memref<100096x16xf32, #tpu.memory_space<vmem_shared>> -> memref<391x16xf32, #tpu.memory_space<vmem_shared>>
          tpu.enqueue_dma source(%arg9 : memref<391x16xf32, #tpu.memory_space<vmem>>) target(%dma_start3A_34 : memref<391x16xf32, #tpu.memory_space<vmem_shared>>) target_semaphore(%arg18 : memref<!tpu.dma_semaphore, #tpu.memory_space<semaphore_mem>>)
          %add3A_35 = arith.constant 782 : i32
          %add3A_36 = arith.addi %mul3A_0, %add3A_35 : i32
          %dma_start3A_37 = arith.constant 0 : i32
          %dma_start3A_38 = tpu.memref_slice %arg15[%add3A_36, %dma_start3A_37] : memref<100096x16xf32, #tpu.memory_space<vmem_shared>> -> memref<391x16xf32, #tpu.memory_space<vmem_shared>>
          %dma_start3A_39 = arith.constant 0 : i32
          %dma_start3A_40 = tpu.memref_slice %arg15[%add3A_36, %dma_start3A_39] : memref<100096x16xf32, #tpu.memory_space<vmem_shared>> -> memref<391x16xf32, #tpu.memory_space<vmem_shared>>
          tpu.enqueue_dma source(%arg9 : memref<391x16xf32, #tpu.memory_space<vmem>>) target(%dma_start3A_40 : memref<391x16xf32, #tpu.memory_space<vmem_shared>>) target_semaphore(%arg18 : memref<!tpu.dma_semaphore, #tpu.memory_space<semaphore_mem>>)
          %add3A_41 = arith.constant 1173 : i32
          %add3A_42 = arith.addi %mul3A_0, %add3A_41 : i32
          %dma_start3A_43 = arith.constant 0 : i32
          %dma_start3A_44 = tpu.memref_slice %arg15[%add3A_42, %dma_start3A_43] : memref<100096x16xf32, #tpu.memory_space<vmem_shared>> -> memref<391x16xf32, #tpu.memory_space<vmem_shared>>
          %dma_start3A_45 = arith.constant 0 : i32
          %dma_start3A_46 = tpu.memref_slice %arg15[%add3A_42, %dma_start3A_45] : memref<100096x16xf32, #tpu.memory_space<vmem_shared>> -> memref<391x16xf32, #tpu.memory_space<vmem_shared>>
          tpu.enqueue_dma source(%arg9 : memref<391x16xf32, #tpu.memory_space<vmem>>) target(%dma_start3A_46 : memref<391x16xf32, #tpu.memory_space<vmem_shared>>) target_semaphore(%arg18 : memref<!tpu.dma_semaphore, #tpu.memory_space<semaphore_mem>>)
          %add3A_47 = arith.constant 1564 : i32
          %add3A_48 = arith.addi %mul3A_0, %add3A_47 : i32
          %dma_start3A_49 = arith.constant 0 : i32
          %dma_start3A_50 = tpu.memref_slice %arg15[%add3A_48, %dma_start3A_49] : memref<100096x16xf32, #tpu.memory_space<vmem_shared>> -> memref<391x16xf32, #tpu.memory_space<vmem_shared>>
          %dma_start3A_51 = arith.constant 0 : i32
          %dma_start3A_52 = tpu.memref_slice %arg15[%add3A_48, %dma_start3A_51] : memref<100096x16xf32, #tpu.memory_space<vmem_shared>> -> memref<391x16xf32, #tpu.memory_space<vmem_shared>>
          tpu.enqueue_dma source(%arg9 : memref<391x16xf32, #tpu.memory_space<vmem>>) target(%dma_start3A_52 : memref<391x16xf32, #tpu.memory_space<vmem_shared>>) target_semaphore(%arg18 : memref<!tpu.dma_semaphore, #tpu.memory_space<semaphore_mem>>)
          %add3A_53 = arith.constant 1955 : i32
          %add3A_54 = arith.addi %mul3A_0, %add3A_53 : i32
          %dma_start3A_55 = arith.constant 0 : i32
          %dma_start3A_56 = tpu.memref_slice %arg15[%add3A_54, %dma_start3A_55] : memref<100096x16xf32, #tpu.memory_space<vmem_shared>> -> memref<391x16xf32, #tpu.memory_space<vmem_shared>>
          %dma_start3A_57 = arith.constant 0 : i32
          %dma_start3A_58 = tpu.memref_slice %arg15[%add3A_54, %dma_start3A_57] : memref<100096x16xf32, #tpu.memory_space<vmem_shared>> -> memref<391x16xf32, #tpu.memory_space<vmem_shared>>
          tpu.enqueue_dma source(%arg9 : memref<391x16xf32, #tpu.memory_space<vmem>>) target(%dma_start3A_58 : memref<391x16xf32, #tpu.memory_space<vmem_shared>>) target_semaphore(%arg18 : memref<!tpu.dma_semaphore, #tpu.memory_space<semaphore_mem>>)
          %add3A_59 = arith.constant 2346 : i32
          %add3A_60 = arith.addi %mul3A_0, %add3A_59 : i32
          %dma_start3A_61 = arith.constant 0 : i32
          %dma_start3A_62 = tpu.memref_slice %arg15[%add3A_60, %dma_start3A_61] : memref<100096x16xf32, #tpu.memory_space<vmem_shared>> -> memref<391x16xf32, #tpu.memory_space<vmem_shared>>
          %dma_start3A_63 = arith.constant 0 : i32
          %dma_start3A_64 = tpu.memref_slice %arg15[%add3A_60, %dma_start3A_63] : memref<100096x16xf32, #tpu.memory_space<vmem_shared>> -> memref<391x16xf32, #tpu.memory_space<vmem_shared>>
          tpu.enqueue_dma source(%arg9 : memref<391x16xf32, #tpu.memory_space<vmem>>) target(%dma_start3A_64 : memref<391x16xf32, #tpu.memory_space<vmem_shared>>) target_semaphore(%arg18 : memref<!tpu.dma_semaphore, #tpu.memory_space<semaphore_mem>>)
          %add3A_65 = arith.constant 2737 : i32
          %add3A_66 = arith.addi %mul3A_0, %add3A_65 : i32
          %dma_start3A_67 = arith.constant 0 : i32
          %dma_start3A_68 = tpu.memref_slice %arg15[%add3A_66, %dma_start3A_67] : memref<100096x16xf32, #tpu.memory_space<vmem_shared>> -> memref<391x16xf32, #tpu.memory_space<vmem_shared>>
          %dma_start3A_69 = arith.constant 0 : i32
          %dma_start3A_70 = tpu.memref_slice %arg15[%add3A_66, %dma_start3A_69] : memref<100096x16xf32, #tpu.memory_space<vmem_shared>> -> memref<391x16xf32, #tpu.memory_space<vmem_shared>>
          tpu.enqueue_dma source(%arg9 : memref<391x16xf32, #tpu.memory_space<vmem>>) target(%dma_start3A_70 : memref<391x16xf32, #tpu.memory_space<vmem_shared>>) target_semaphore(%arg18 : memref<!tpu.dma_semaphore, #tpu.memory_space<semaphore_mem>>)
          %add3A_71 = arith.constant 3128 : i32
          %add3A_72 = arith.addi %mul3A_0, %add3A_71 : i32
          %dma_start3A_73 = arith.constant 0 : i32
          %dma_start3A_74 = tpu.memref_slice %arg15[%add3A_72, %dma_start3A_73] : memref<100096x16xf32, #tpu.memory_space<vmem_shared>> -> memref<391x16xf32, #tpu.memory_space<vmem_shared>>
          %dma_start3A_75 = arith.constant 0 : i32
          %dma_start3A_76 = tpu.memref_slice %arg15[%add3A_72, %dma_start3A_75] : memref<100096x16xf32, #tpu.memory_space<vmem_shared>> -> memref<391x16xf32, #tpu.memory_space<vmem_shared>>
          tpu.enqueue_dma source(%arg9 : memref<391x16xf32, #tpu.memory_space<vmem>>) target(%dma_start3A_76 : memref<391x16xf32, #tpu.memory_space<vmem_shared>>) target_semaphore(%arg18 : memref<!tpu.dma_semaphore, #tpu.memory_space<semaphore_mem>>)
          %add3A_77 = arith.constant 3519 : i32
          %add3A_78 = arith.addi %mul3A_0, %add3A_77 : i32
          %dma_start3A_79 = arith.constant 0 : i32
          %dma_start3A_80 = tpu.memref_slice %arg15[%add3A_78, %dma_start3A_79] : memref<100096x16xf32, #tpu.memory_space<vmem_shared>> -> memref<391x16xf32, #tpu.memory_space<vmem_shared>>
          %dma_start3A_81 = arith.constant 0 : i32
          %dma_start3A_82 = tpu.memref_slice %arg15[%add3A_78, %dma_start3A_81] : memref<100096x16xf32, #tpu.memory_space<vmem_shared>> -> memref<391x16xf32, #tpu.memory_space<vmem_shared>>
          tpu.enqueue_dma source(%arg9 : memref<391x16xf32, #tpu.memory_space<vmem>>) target(%dma_start3A_82 : memref<391x16xf32, #tpu.memory_space<vmem_shared>>) target_semaphore(%arg18 : memref<!tpu.dma_semaphore, #tpu.memory_space<semaphore_mem>>)
          %add3A_83 = arith.constant 3910 : i32
          %add3A_84 = arith.addi %mul3A_0, %add3A_83 : i32
          %dma_start3A_85 = arith.constant 0 : i32
          %dma_start3A_86 = tpu.memref_slice %arg15[%add3A_84, %dma_start3A_85] : memref<100096x16xf32, #tpu.memory_space<vmem_shared>> -> memref<391x16xf32, #tpu.memory_space<vmem_shared>>
          %dma_start3A_87 = arith.constant 0 : i32
          %dma_start3A_88 = tpu.memref_slice %arg15[%add3A_84, %dma_start3A_87] : memref<100096x16xf32, #tpu.memory_space<vmem_shared>> -> memref<391x16xf32, #tpu.memory_space<vmem_shared>>
          tpu.enqueue_dma source(%arg9 : memref<391x16xf32, #tpu.memory_space<vmem>>) target(%dma_start3A_88 : memref<391x16xf32, #tpu.memory_space<vmem_shared>>) target_semaphore(%arg18 : memref<!tpu.dma_semaphore, #tpu.memory_space<semaphore_mem>>)
          %add3A_89 = arith.constant 4301 : i32
          %add3A_90 = arith.addi %mul3A_0, %add3A_89 : i32
          %dma_start3A_91 = arith.constant 0 : i32
          %dma_start3A_92 = tpu.memref_slice %arg15[%add3A_90, %dma_start3A_91] : memref<100096x16xf32, #tpu.memory_space<vmem_shared>> -> memref<391x16xf32, #tpu.memory_space<vmem_shared>>
          %dma_start3A_93 = arith.constant 0 : i32
          %dma_start3A_94 = tpu.memref_slice %arg15[%add3A_90, %dma_start3A_93] : memref<100096x16xf32, #tpu.memory_space<vmem_shared>> -> memref<391x16xf32, #tpu.memory_space<vmem_shared>>
          tpu.enqueue_dma source(%arg9 : memref<391x16xf32, #tpu.memory_space<vmem>>) target(%dma_start3A_94 : memref<391x16xf32, #tpu.memory_space<vmem_shared>>) target_semaphore(%arg18 : memref<!tpu.dma_semaphore, #tpu.memory_space<semaphore_mem>>)
          %add3A_95 = arith.constant 4692 : i32
          %add3A_96 = arith.addi %mul3A_0, %add3A_95 : i32
          %dma_start3A_97 = arith.constant 0 : i32
          %dma_start3A_98 = tpu.memref_slice %arg15[%add3A_96, %dma_start3A_97] : memref<100096x16xf32, #tpu.memory_space<vmem_shared>> -> memref<391x16xf32, #tpu.memory_space<vmem_shared>>
          %dma_start3A_99 = arith.constant 0 : i32
          %dma_start3A_100 = tpu.memref_slice %arg15[%add3A_96, %dma_start3A_99] : memref<100096x16xf32, #tpu.memory_space<vmem_shared>> -> memref<391x16xf32, #tpu.memory_space<vmem_shared>>
          tpu.enqueue_dma source(%arg9 : memref<391x16xf32, #tpu.memory_space<vmem>>) target(%dma_start3A_100 : memref<391x16xf32, #tpu.memory_space<vmem_shared>>) target_semaphore(%arg18 : memref<!tpu.dma_semaphore, #tpu.memory_space<semaphore_mem>>)
          %add3A_101 = arith.constant 5083 : i32
          %add3A_102 = arith.addi %mul3A_0, %add3A_101 : i32
          %dma_start3A_103 = arith.constant 0 : i32
          %dma_start3A_104 = tpu.memref_slice %arg15[%add3A_102, %dma_start3A_103] : memref<100096x16xf32, #tpu.memory_space<vmem_shared>> -> memref<391x16xf32, #tpu.memory_space<vmem_shared>>
          %dma_start3A_105 = arith.constant 0 : i32
          %dma_start3A_106 = tpu.memref_slice %arg15[%add3A_102, %dma_start3A_105] : memref<100096x16xf32, #tpu.memory_space<vmem_shared>> -> memref<391x16xf32, #tpu.memory_space<vmem_shared>>
          tpu.enqueue_dma source(%arg9 : memref<391x16xf32, #tpu.memory_space<vmem>>) target(%dma_start3A_106 : memref<391x16xf32, #tpu.memory_space<vmem_shared>>) target_semaphore(%arg18 : memref<!tpu.dma_semaphore, #tpu.memory_space<semaphore_mem>>)
          %add3A_107 = arith.constant 5474 : i32
          %add3A_108 = arith.addi %mul3A_0, %add3A_107 : i32
          %dma_start3A_109 = arith.constant 0 : i32
          %dma_start3A_110 = tpu.memref_slice %arg15[%add3A_108, %dma_start3A_109] : memref<100096x16xf32, #tpu.memory_space<vmem_shared>> -> memref<391x16xf32, #tpu.memory_space<vmem_shared>>
          %dma_start3A_111 = arith.constant 0 : i32
          %dma_start3A_112 = tpu.memref_slice %arg15[%add3A_108, %dma_start3A_111] : memref<100096x16xf32, #tpu.memory_space<vmem_shared>> -> memref<391x16xf32, #tpu.memory_space<vmem_shared>>
          tpu.enqueue_dma source(%arg9 : memref<391x16xf32, #tpu.memory_space<vmem>>) target(%dma_start3A_112 : memref<391x16xf32, #tpu.memory_space<vmem_shared>>) target_semaphore(%arg18 : memref<!tpu.dma_semaphore, #tpu.memory_space<semaphore_mem>>)
          %add3A_113 = arith.constant 5865 : i32
          %add3A_114 = arith.addi %mul3A_0, %add3A_113 : i32
          %dma_start3A_115 = arith.constant 0 : i32
          %dma_start3A_116 = tpu.memref_slice %arg15[%add3A_114, %dma_start3A_115] : memref<100096x16xf32, #tpu.memory_space<vmem_shared>> -> memref<391x16xf32, #tpu.memory_space<vmem_shared>>
          %dma_start3A_117 = arith.constant 0 : i32
          %dma_start3A_118 = tpu.memref_slice %arg15[%add3A_114, %dma_start3A_117] : memref<100096x16xf32, #tpu.memory_space<vmem_shared>> -> memref<391x16xf32, #tpu.memory_space<vmem_shared>>
          tpu.enqueue_dma source(%arg9 : memref<391x16xf32, #tpu.memory_space<vmem>>) target(%dma_start3A_118 : memref<391x16xf32, #tpu.memory_space<vmem_shared>>) target_semaphore(%arg18 : memref<!tpu.dma_semaphore, #tpu.memory_space<semaphore_mem>>)
          %dma_wait3A = arith.constant 0 : i32
          %dma_wait3A_119 = tpu.memref_slice %arg15[%mul3A_0, %dma_wait3A] : memref<100096x16xf32, #tpu.memory_space<vmem_shared>> -> memref<391x16xf32, #tpu.memory_space<vmem_shared>>
          %dma_wait3A_120 = arith.constant 0 : i32
          %dma_wait3A_121 = tpu.memref_slice %arg15[%mul3A_0, %dma_wait3A_120] : memref<100096x16xf32, #tpu.memory_space<vmem_shared>> -> memref<391x16xf32, #tpu.memory_space<vmem_shared>>
          tpu.wait_dma2 semaphore(%arg18 : memref<!tpu.dma_semaphore, #tpu.memory_space<semaphore_mem>>) src(%arg9 : memref<391x16xf32, #tpu.memory_space<vmem>>) dst(%dma_wait3A_121 : memref<391x16xf32, #tpu.memory_space<vmem_shared>>)
          %dma_wait3A_122 = arith.constant 0 : i32
          %dma_wait3A_123 = tpu.memref_slice %arg15[%mul3A_0, %dma_wait3A_122] : memref<100096x16xf32, #tpu.memory_space<vmem_shared>> -> memref<391x16xf32, #tpu.memory_space<vmem_shared>>
          %dma_wait3A_124 = arith.constant 0 : i32
          %dma_wait3A_125 = tpu.memref_slice %arg15[%mul3A_0, %dma_wait3A_124] : memref<100096x16xf32, #tpu.memory_space<vmem_shared>> -> memref<391x16xf32, #tpu.memory_space<vmem_shared>>
          tpu.wait_dma2 semaphore(%arg18 : memref<!tpu.dma_semaphore, #tpu.memory_space<semaphore_mem>>) src(%arg9 : memref<391x16xf32, #tpu.memory_space<vmem>>) dst(%dma_wait3A_125 : memref<391x16xf32, #tpu.memory_space<vmem_shared>>)
          %dma_wait3A_126 = arith.constant 0 : i32
          %dma_wait3A_127 = tpu.memref_slice %arg15[%mul3A_0, %dma_wait3A_126] : memref<100096x16xf32, #tpu.memory_space<vmem_shared>> -> memref<391x16xf32, #tpu.memory_space<vmem_shared>>
          %dma_wait3A_128 = arith.constant 0 : i32
          %dma_wait3A_129 = tpu.memref_slice %arg15[%mul3A_0, %dma_wait3A_128] : memref<100096x16xf32, #tpu.memory_space<vmem_shared>> -> memref<391x16xf32, #tpu.memory_space<vmem_shared>>
          tpu.wait_dma2 semaphore(%arg18 : memref<!tpu.dma_semaphore, #tpu.memory_space<semaphore_mem>>) src(%arg9 : memref<391x16xf32, #tpu.memory_space<vmem>>) dst(%dma_wait3A_129 : memref<391x16xf32, #tpu.memory_space<vmem_shared>>)
          %dma_wait3A_130 = arith.constant 0 : i32
          %dma_wait3A_131 = tpu.memref_slice %arg15[%mul3A_0, %dma_wait3A_130] : memref<100096x16xf32, #tpu.memory_space<vmem_shared>> -> memref<391x16xf32, #tpu.memory_space<vmem_shared>>
          %dma_wait3A_132 = arith.constant 0 : i32
          %dma_wait3A_133 = tpu.memref_slice %arg15[%mul3A_0, %dma_wait3A_132] : memref<100096x16xf32, #tpu.memory_space<vmem_shared>> -> memref<391x16xf32, #tpu.memory_space<vmem_shared>>
          tpu.wait_dma2 semaphore(%arg18 : memref<!tpu.dma_semaphore, #tpu.memory_space<semaphore_mem>>) src(%arg9 : memref<391x16xf32, #tpu.memory_space<vmem>>) dst(%dma_wait3A_133 : memref<391x16xf32, #tpu.memory_space<vmem_shared>>)
          %dma_wait3A_134 = arith.constant 0 : i32
          %dma_wait3A_135 = tpu.memref_slice %arg15[%mul3A_0, %dma_wait3A_134] : memref<100096x16xf32, #tpu.memory_space<vmem_shared>> -> memref<391x16xf32, #tpu.memory_space<vmem_shared>>
          %dma_wait3A_136 = arith.constant 0 : i32
          %dma_wait3A_137 = tpu.memref_slice %arg15[%mul3A_0, %dma_wait3A_136] : memref<100096x16xf32, #tpu.memory_space<vmem_shared>> -> memref<391x16xf32, #tpu.memory_space<vmem_shared>>
          tpu.wait_dma2 semaphore(%arg18 : memref<!tpu.dma_semaphore, #tpu.memory_space<semaphore_mem>>) src(%arg9 : memref<391x16xf32, #tpu.memory_space<vmem>>) dst(%dma_wait3A_137 : memref<391x16xf32, #tpu.memory_space<vmem_shared>>)
          %dma_wait3A_138 = arith.constant 0 : i32
          %dma_wait3A_139 = tpu.memref_slice %arg15[%mul3A_0, %dma_wait3A_138] : memref<100096x16xf32, #tpu.memory_space<vmem_shared>> -> memref<391x16xf32, #tpu.memory_space<vmem_shared>>
          %dma_wait3A_140 = arith.constant 0 : i32
          %dma_wait3A_141 = tpu.memref_slice %arg15[%mul3A_0, %dma_wait3A_140] : memref<100096x16xf32, #tpu.memory_space<vmem_shared>> -> memref<391x16xf32, #tpu.memory_space<vmem_shared>>
          tpu.wait_dma2 semaphore(%arg18 : memref<!tpu.dma_semaphore, #tpu.memory_space<semaphore_mem>>) src(%arg9 : memref<391x16xf32, #tpu.memory_space<vmem>>) dst(%dma_wait3A_141 : memref<391x16xf32, #tpu.memory_space<vmem_shared>>)
          %dma_wait3A_142 = arith.constant 0 : i32
          %dma_wait3A_143 = tpu.memref_slice %arg15[%mul3A_0, %dma_wait3A_142] : memref<100096x16xf32, #tpu.memory_space<vmem_shared>> -> memref<391x16xf32, #tpu.memory_space<vmem_shared>>
          %dma_wait3A_144 = arith.constant 0 : i32
          %dma_wait3A_145 = tpu.memref_slice %arg15[%mul3A_0, %dma_wait3A_144] : memref<100096x16xf32, #tpu.memory_space<vmem_shared>> -> memref<391x16xf32, #tpu.memory_space<vmem_shared>>
          tpu.wait_dma2 semaphore(%arg18 : memref<!tpu.dma_semaphore, #tpu.memory_space<semaphore_mem>>) src(%arg9 : memref<391x16xf32, #tpu.memory_space<vmem>>) dst(%dma_wait3A_145 : memref<391x16xf32, #tpu.memory_space<vmem_shared>>)
          %dma_wait3A_146 = arith.constant 0 : i32
          %dma_wait3A_147 = tpu.memref_slice %arg15[%mul3A_0, %dma_wait3A_146] : memref<100096x16xf32, #tpu.memory_space<vmem_shared>> -> memref<391x16xf32, #tpu.memory_space<vmem_shared>>
          %dma_wait3A_148 = arith.constant 0 : i32
          %dma_wait3A_149 = tpu.memref_slice %arg15[%mul3A_0, %dma_wait3A_148] : memref<100096x16xf32, #tpu.memory_space<vmem_shared>> -> memref<391x16xf32, #tpu.memory_space<vmem_shared>>
          tpu.wait_dma2 semaphore(%arg18 : memref<!tpu.dma_semaphore, #tpu.memory_space<semaphore_mem>>) src(%arg9 : memref<391x16xf32, #tpu.memory_space<vmem>>) dst(%dma_wait3A_149 : memref<391x16xf32, #tpu.memory_space<vmem_shared>>)
          %dma_wait3A_150 = arith.constant 0 : i32
          %dma_wait3A_151 = tpu.memref_slice %arg15[%mul3A_0, %dma_wait3A_150] : memref<100096x16xf32, #tpu.memory_space<vmem_shared>> -> memref<391x16xf32, #tpu.memory_space<vmem_shared>>
          %dma_wait3A_152 = arith.constant 0 : i32
          %dma_wait3A_153 = tpu.memref_slice %arg15[%mul3A_0, %dma_wait3A_152] : memref<100096x16xf32, #tpu.memory_space<vmem_shared>> -> memref<391x16xf32, #tpu.memory_space<vmem_shared>>
          tpu.wait_dma2 semaphore(%arg18 : memref<!tpu.dma_semaphore, #tpu.memory_space<semaphore_mem>>) src(%arg9 : memref<391x16xf32, #tpu.memory_space<vmem>>) dst(%dma_wait3A_153 : memref<391x16xf32, #tpu.memory_space<vmem_shared>>)
          %dma_wait3A_154 = arith.constant 0 : i32
          %dma_wait3A_155 = tpu.memref_slice %arg15[%mul3A_0, %dma_wait3A_154] : memref<100096x16xf32, #tpu.memory_space<vmem_shared>> -> memref<391x16xf32, #tpu.memory_space<vmem_shared>>
          %dma_wait3A_156 = arith.constant 0 : i32
          %dma_wait3A_157 = tpu.memref_slice %arg15[%mul3A_0, %dma_wait3A_156] : memref<100096x16xf32, #tpu.memory_space<vmem_shared>> -> memref<391x16xf32, #tpu.memory_space<vmem_shared>>
          tpu.wait_dma2 semaphore(%arg18 : memref<!tpu.dma_semaphore, #tpu.memory_space<semaphore_mem>>) src(%arg9 : memref<391x16xf32, #tpu.memory_space<vmem>>) dst(%dma_wait3A_157 : memref<391x16xf32, #tpu.memory_space<vmem_shared>>)
          %dma_wait3A_158 = arith.constant 0 : i32
          %dma_wait3A_159 = tpu.memref_slice %arg15[%mul3A_0, %dma_wait3A_158] : memref<100096x16xf32, #tpu.memory_space<vmem_shared>> -> memref<391x16xf32, #tpu.memory_space<vmem_shared>>
          %dma_wait3A_160 = arith.constant 0 : i32
          %dma_wait3A_161 = tpu.memref_slice %arg15[%mul3A_0, %dma_wait3A_160] : memref<100096x16xf32, #tpu.memory_space<vmem_shared>> -> memref<391x16xf32, #tpu.memory_space<vmem_shared>>
          tpu.wait_dma2 semaphore(%arg18 : memref<!tpu.dma_semaphore, #tpu.memory_space<semaphore_mem>>) src(%arg9 : memref<391x16xf32, #tpu.memory_space<vmem>>) dst(%dma_wait3A_161 : memref<391x16xf32, #tpu.memory_space<vmem_shared>>)
          %dma_wait3A_162 = arith.constant 0 : i32
          %dma_wait3A_163 = tpu.memref_slice %arg15[%mul3A_0, %dma_wait3A_162] : memref<100096x16xf32, #tpu.memory_space<vmem_shared>> -> memref<391x16xf32, #tpu.memory_space<vmem_shared>>
          %dma_wait3A_164 = arith.constant 0 : i32
          %dma_wait3A_165 = tpu.memref_slice %arg15[%mul3A_0, %dma_wait3A_164] : memref<100096x16xf32, #tpu.memory_space<vmem_shared>> -> memref<391x16xf32, #tpu.memory_space<vmem_shared>>
          tpu.wait_dma2 semaphore(%arg18 : memref<!tpu.dma_semaphore, #tpu.memory_space<semaphore_mem>>) src(%arg9 : memref<391x16xf32, #tpu.memory_space<vmem>>) dst(%dma_wait3A_165 : memref<391x16xf32, #tpu.memory_space<vmem_shared>>)
          %dma_wait3A_166 = arith.constant 0 : i32
          %dma_wait3A_167 = tpu.memref_slice %arg15[%mul3A_0, %dma_wait3A_166] : memref<100096x16xf32, #tpu.memory_space<vmem_shared>> -> memref<391x16xf32, #tpu.memory_space<vmem_shared>>
          %dma_wait3A_168 = arith.constant 0 : i32
          %dma_wait3A_169 = tpu.memref_slice %arg15[%mul3A_0, %dma_wait3A_168] : memref<100096x16xf32, #tpu.memory_space<vmem_shared>> -> memref<391x16xf32, #tpu.memory_space<vmem_shared>>
          tpu.wait_dma2 semaphore(%arg18 : memref<!tpu.dma_semaphore, #tpu.memory_space<semaphore_mem>>) src(%arg9 : memref<391x16xf32, #tpu.memory_space<vmem>>) dst(%dma_wait3A_169 : memref<391x16xf32, #tpu.memory_space<vmem_shared>>)
          %dma_wait3A_170 = arith.constant 0 : i32
          %dma_wait3A_171 = tpu.memref_slice %arg15[%mul3A_0, %dma_wait3A_170] : memref<100096x16xf32, #tpu.memory_space<vmem_shared>> -> memref<391x16xf32, #tpu.memory_space<vmem_shared>>
          %dma_wait3A_172 = arith.constant 0 : i32
          %dma_wait3A_173 = tpu.memref_slice %arg15[%mul3A_0, %dma_wait3A_172] : memref<100096x16xf32, #tpu.memory_space<vmem_shared>> -> memref<391x16xf32, #tpu.memory_space<vmem_shared>>
          tpu.wait_dma2 semaphore(%arg18 : memref<!tpu.dma_semaphore, #tpu.memory_space<semaphore_mem>>) src(%arg9 : memref<391x16xf32, #tpu.memory_space<vmem>>) dst(%dma_wait3A_173 : memref<391x16xf32, #tpu.memory_space<vmem_shared>>)
          %dma_wait3A_174 = arith.constant 0 : i32
          %dma_wait3A_175 = tpu.memref_slice %arg15[%mul3A_0, %dma_wait3A_174] : memref<100096x16xf32, #tpu.memory_space<vmem_shared>> -> memref<391x16xf32, #tpu.memory_space<vmem_shared>>
          %dma_wait3A_176 = arith.constant 0 : i32
          %dma_wait3A_177 = tpu.memref_slice %arg15[%mul3A_0, %dma_wait3A_176] : memref<100096x16xf32, #tpu.memory_space<vmem_shared>> -> memref<391x16xf32, #tpu.memory_space<vmem_shared>>
          tpu.wait_dma2 semaphore(%arg18 : memref<!tpu.dma_semaphore, #tpu.memory_space<semaphore_mem>>) src(%arg9 : memref<391x16xf32, #tpu.memory_space<vmem>>) dst(%dma_wait3A_177 : memref<391x16xf32, #tpu.memory_space<vmem_shared>>)
          %dma_wait3A_178 = arith.constant 0 : i32
          %dma_wait3A_179 = tpu.memref_slice %arg15[%mul3A_0, %dma_wait3A_178] : memref<100096x16xf32, #tpu.memory_space<vmem_shared>> -> memref<391x16xf32, #tpu.memory_space<vmem_shared>>
          %dma_wait3A_180 = arith.constant 0 : i32
          %dma_wait3A_181 = tpu.memref_slice %arg15[%mul3A_0, %dma_wait3A_180] : memref<100096x16xf32, #tpu.memory_space<vmem_shared>> -> memref<391x16xf32, #tpu.memory_space<vmem_shared>>
          tpu.wait_dma2 semaphore(%arg18 : memref<!tpu.dma_semaphore, #tpu.memory_space<semaphore_mem>>) src(%arg9 : memref<391x16xf32, #tpu.memory_space<vmem>>) dst(%dma_wait3A_181 : memref<391x16xf32, #tpu.memory_space<vmem_shared>>)
          %barrier3A = arith.constant 0 : index
          tpu.barrier barrier_id(%barrier3A)
          %scan3A_182 = arith.constant 0 : i32
          %scan3A_183 = arith.constant 0 : i32
          %scan3A_184 = arith.constant 7 : i32
          %scan3A_185 = arith.addi %scan3A_183, %scan3A_184 : i32
          %scan3A_186 = arith.constant 1 : i32
          %scan3A_187 = scf.for %scan3A_190 = %scan3A_183 to %scan3A_185 step %scan3A_186 iter_args(%scan3A_191 = %scan3A_182) -> (i32)  : i32 {
            "tpu.region"() ({
              %run_scoped3A = tpu.sem_alloc : memref<!tpu.dma_semaphore, #tpu.memory_space<semaphore_mem>>
              %dma_start3A_389 = arith.constant 0 : i32
              %dma_start3A_390 = arith.constant 0 : i32
              %dma_start3A_391 = tpu.memref_slice %arg4[%sub3A_23, %arg1, %scan3A_190, %dma_start3A_389, %dma_start3A_390] : memref<2x16x7x14x128xi32, #tpu.memory_space<hbm>> -> memref<1x1x1x14x128xi32, #tpu.memory_space<hbm>>
              %dma_start3A_392 = tpu.memref_squeeze %dma_start3A_391 : memref<1x1x1x14x128xi32, #tpu.memory_space<hbm>> -> memref<14x128xi32, #tpu.memory_space<hbm>>
              %dma_start3A_393 = arith.constant 0 : i32
              %dma_start3A_394 = arith.constant 0 : i32
              %dma_start3A_395 = tpu.memref_slice %arg4[%sub3A_23, %arg1, %scan3A_190, %dma_start3A_393, %dma_start3A_394] : memref<2x16x7x14x128xi32, #tpu.memory_space<hbm>> -> memref<1x1x1x14x128xi32, #tpu.memory_space<hbm>>
              %dma_start3A_396 = tpu.memref_squeeze %dma_start3A_395 : memref<1x1x1x14x128xi32, #tpu.memory_space<hbm>> -> memref<14x128xi32, #tpu.memory_space<hbm>>
              tpu.enqueue_dma source(%dma_start3A_396 : memref<14x128xi32, #tpu.memory_space<hbm>>) target(%arg14 : memref<14x128xi32, #tpu.memory_space<vmem>>) target_semaphore(%run_scoped3A : memref<!tpu.dma_semaphore, #tpu.memory_space<semaphore_mem>>)
              %dma_wait3A_397 = arith.constant 0 : i32
              %dma_wait3A_398 = arith.constant 0 : i32
              %dma_wait3A_399 = tpu.memref_slice %arg4[%sub3A_23, %arg1, %scan3A_190, %dma_wait3A_397, %dma_wait3A_398] : memref<2x16x7x14x128xi32, #tpu.memory_space<hbm>> -> memref<1x1x1x14x128xi32, #tpu.memory_space<hbm>>
              %dma_wait3A_400 = tpu.memref_squeeze %dma_wait3A_399 : memref<1x1x1x14x128xi32, #tpu.memory_space<hbm>> -> memref<14x128xi32, #tpu.memory_space<hbm>>
              %dma_wait3A_401 = arith.constant 0 : i32
              %dma_wait3A_402 = arith.constant 0 : i32
              %dma_wait3A_403 = tpu.memref_slice %arg4[%sub3A_23, %arg1, %scan3A_190, %dma_wait3A_401, %dma_wait3A_402] : memref<2x16x7x14x128xi32, #tpu.memory_space<hbm>> -> memref<1x1x1x14x128xi32, #tpu.memory_space<hbm>>
              %dma_wait3A_404 = tpu.memref_squeeze %dma_wait3A_403 : memref<1x1x1x14x128xi32, #tpu.memory_space<hbm>> -> memref<14x128xi32, #tpu.memory_space<hbm>>
              tpu.wait_dma2 semaphore(%run_scoped3A : memref<!tpu.dma_semaphore, #tpu.memory_space<semaphore_mem>>) src(%dma_wait3A_404 : memref<14x128xi32, #tpu.memory_space<hbm>>) dst(%arg14 : memref<14x128xi32, #tpu.memory_space<vmem>>)
              tpu.yield
            }) : () -> ()
            %dma_start3A_192 = arith.constant 0 : i32
            %dma_start3A_193 = arith.constant 0 : i32
            %dma_start3A_194 = tpu.memref_slice %arg14[%dma_start3A_192, %dma_start3A_193] : memref<14x128xi32, #tpu.memory_space<vmem>> -> memref<1x128xi32, #tpu.memory_space<vmem>>
            %dma_start3A_195 = tpu.memref_squeeze %dma_start3A_194 : memref<1x128xi32, #tpu.memory_space<vmem>> -> memref<128xi32, #tpu.memory_space<vmem>>
            %dma_start3A_196 = arith.constant 0 : i32
            %dma_start3A_197 = arith.constant 0 : i32
            %dma_start3A_198 = tpu.memref_slice %arg15[%dma_start3A_196, %dma_start3A_197] : memref<100096x16xf32, #tpu.memory_space<vmem_shared>> -> memref<100096x16xf32, #tpu.memory_space<vmem_shared>>
            tpu.enqueue_indirect_dma source(%arg10 : memref<128x16xf32, #tpu.memory_space<vmem>>) target(%dma_start3A_198 : memref<100096x16xf32, #tpu.memory_space<vmem_shared>>) offsets(%dma_start3A_195 : memref<128xi32, #tpu.memory_space<vmem>>) semaphore(%arg18 : memref<!tpu.dma_semaphore, #tpu.memory_space<semaphore_mem>>) {add = true}
            %dma_start3A_199 = arith.constant 1 : i32
            %dma_start3A_200 = arith.constant 0 : i32
            %dma_start3A_201 = tpu.memref_slice %arg14[%dma_start3A_199, %dma_start3A_200] : memref<14x128xi32, #tpu.memory_space<vmem>> -> memref<1x128xi32, #tpu.memory_space<vmem>>
            %dma_start3A_202 = tpu.memref_squeeze %dma_start3A_201 : memref<1x128xi32, #tpu.memory_space<vmem>> -> memref<128xi32, #tpu.memory_space<vmem>>
            %dma_start3A_203 = arith.constant 0 : i32
            %dma_start3A_204 = arith.constant 0 : i32
            %dma_start3A_205 = tpu.memref_slice %arg15[%dma_start3A_203, %dma_start3A_204] : memref<100096x16xf32, #tpu.memory_space<vmem_shared>> -> memref<100096x16xf32, #tpu.memory_space<vmem_shared>>
            tpu.enqueue_indirect_dma source(%arg10 : memref<128x16xf32, #tpu.memory_space<vmem>>) target(%dma_start3A_205 : memref<100096x16xf32, #tpu.memory_space<vmem_shared>>) offsets(%dma_start3A_202 : memref<128xi32, #tpu.memory_space<vmem>>) semaphore(%arg18 : memref<!tpu.dma_semaphore, #tpu.memory_space<semaphore_mem>>) {add = true}
            %dma_start3A_206 = arith.constant 2 : i32
            %dma_start3A_207 = arith.constant 0 : i32
            %dma_start3A_208 = tpu.memref_slice %arg14[%dma_start3A_206, %dma_start3A_207] : memref<14x128xi32, #tpu.memory_space<vmem>> -> memref<1x128xi32, #tpu.memory_space<vmem>>
            %dma_start3A_209 = tpu.memref_squeeze %dma_start3A_208 : memref<1x128xi32, #tpu.memory_space<vmem>> -> memref<128xi32, #tpu.memory_space<vmem>>
            %dma_start3A_210 = arith.constant 0 : i32
            %dma_start3A_211 = arith.constant 0 : i32
            %dma_start3A_212 = tpu.memref_slice %arg15[%dma_start3A_210, %dma_start3A_211] : memref<100096x16xf32, #tpu.memory_space<vmem_shared>> -> memref<100096x16xf32, #tpu.memory_space<vmem_shared>>
            tpu.enqueue_indirect_dma source(%arg10 : memref<128x16xf32, #tpu.memory_space<vmem>>) target(%dma_start3A_212 : memref<100096x16xf32, #tpu.memory_space<vmem_shared>>) offsets(%dma_start3A_209 : memref<128xi32, #tpu.memory_space<vmem>>) semaphore(%arg18 : memref<!tpu.dma_semaphore, #tpu.memory_space<semaphore_mem>>) {add = true}
            %dma_start3A_213 = arith.constant 3 : i32
            %dma_start3A_214 = arith.constant 0 : i32
            %dma_start3A_215 = tpu.memref_slice %arg14[%dma_start3A_213, %dma_start3A_214] : memref<14x128xi32, #tpu.memory_space<vmem>> -> memref<1x128xi32, #tpu.memory_space<vmem>>
            %dma_start3A_216 = tpu.memref_squeeze %dma_start3A_215 : memref<1x128xi32, #tpu.memory_space<vmem>> -> memref<128xi32, #tpu.memory_space<vmem>>
            %dma_start3A_217 = arith.constant 0 : i32
            %dma_start3A_218 = arith.constant 0 : i32
            %dma_start3A_219 = tpu.memref_slice %arg15[%dma_start3A_217, %dma_start3A_218] : memref<100096x16xf32, #tpu.memory_space<vmem_shared>> -> memref<100096x16xf32, #tpu.memory_space<vmem_shared>>
            tpu.enqueue_indirect_dma source(%arg10 : memref<128x16xf32, #tpu.memory_space<vmem>>) target(%dma_start3A_219 : memref<100096x16xf32, #tpu.memory_space<vmem_shared>>) offsets(%dma_start3A_216 : memref<128xi32, #tpu.memory_space<vmem>>) semaphore(%arg18 : memref<!tpu.dma_semaphore, #tpu.memory_space<semaphore_mem>>) {add = true}
            %dma_start3A_220 = arith.constant 4 : i32
            %dma_start3A_221 = arith.constant 0 : i32
            %dma_start3A_222 = tpu.memref_slice %arg14[%dma_start3A_220, %dma_start3A_221] : memref<14x128xi32, #tpu.memory_space<vmem>> -> memref<1x128xi32, #tpu.memory_space<vmem>>
            %dma_start3A_223 = tpu.memref_squeeze %dma_start3A_222 : memref<1x128xi32, #tpu.memory_space<vmem>> -> memref<128xi32, #tpu.memory_space<vmem>>
            %dma_start3A_224 = arith.constant 0 : i32
            %dma_start3A_225 = arith.constant 0 : i32
            %dma_start3A_226 = tpu.memref_slice %arg15[%dma_start3A_224, %dma_start3A_225] : memref<100096x16xf32, #tpu.memory_space<vmem_shared>> -> memref<100096x16xf32, #tpu.memory_space<vmem_shared>>
            tpu.enqueue_indirect_dma source(%arg10 : memref<128x16xf32, #tpu.memory_space<vmem>>) target(%dma_start3A_226 : memref<100096x16xf32, #tpu.memory_space<vmem_shared>>) offsets(%dma_start3A_223 : memref<128xi32, #tpu.memory_space<vmem>>) semaphore(%arg18 : memref<!tpu.dma_semaphore, #tpu.memory_space<semaphore_mem>>) {add = true}
            %dma_start3A_227 = arith.constant 5 : i32
            %dma_start3A_228 = arith.constant 0 : i32
            %dma_start3A_229 = tpu.memref_slice %arg14[%dma_start3A_227, %dma_start3A_228] : memref<14x128xi32, #tpu.memory_space<vmem>> -> memref<1x128xi32, #tpu.memory_space<vmem>>
            %dma_start3A_230 = tpu.memref_squeeze %dma_start3A_229 : memref<1x128xi32, #tpu.memory_space<vmem>> -> memref<128xi32, #tpu.memory_space<vmem>>
            %dma_start3A_231 = arith.constant 0 : i32
            %dma_start3A_232 = arith.constant 0 : i32
            %dma_start3A_233 = tpu.memref_slice %arg15[%dma_start3A_231, %dma_start3A_232] : memref<100096x16xf32, #tpu.memory_space<vmem_shared>> -> memref<100096x16xf32, #tpu.memory_space<vmem_shared>>
            tpu.enqueue_indirect_dma source(%arg10 : memref<128x16xf32, #tpu.memory_space<vmem>>) target(%dma_start3A_233 : memref<100096x16xf32, #tpu.memory_space<vmem_shared>>) offsets(%dma_start3A_230 : memref<128xi32, #tpu.memory_space<vmem>>) semaphore(%arg18 : memref<!tpu.dma_semaphore, #tpu.memory_space<semaphore_mem>>) {add = true}
            %dma_start3A_234 = arith.constant 6 : i32
            %dma_start3A_235 = arith.constant 0 : i32
            %dma_start3A_236 = tpu.memref_slice %arg14[%dma_start3A_234, %dma_start3A_235] : memref<14x128xi32, #tpu.memory_space<vmem>> -> memref<1x128xi32, #tpu.memory_space<vmem>>
            %dma_start3A_237 = tpu.memref_squeeze %dma_start3A_236 : memref<1x128xi32, #tpu.memory_space<vmem>> -> memref<128xi32, #tpu.memory_space<vmem>>
            %dma_start3A_238 = arith.constant 0 : i32
            %dma_start3A_239 = arith.constant 0 : i32
            %dma_start3A_240 = tpu.memref_slice %arg15[%dma_start3A_238, %dma_start3A_239] : memref<100096x16xf32, #tpu.memory_space<vmem_shared>> -> memref<100096x16xf32, #tpu.memory_space<vmem_shared>>
            tpu.enqueue_indirect_dma source(%arg10 : memref<128x16xf32, #tpu.memory_space<vmem>>) target(%dma_start3A_240 : memref<100096x16xf32, #tpu.memory_space<vmem_shared>>) offsets(%dma_start3A_237 : memref<128xi32, #tpu.memory_space<vmem>>) semaphore(%arg18 : memref<!tpu.dma_semaphore, #tpu.memory_space<semaphore_mem>>) {add = true}
            %dma_start3A_241 = arith.constant 7 : i32
            %dma_start3A_242 = arith.constant 0 : i32
            %dma_start3A_243 = tpu.memref_slice %arg14[%dma_start3A_241, %dma_start3A_242] : memref<14x128xi32, #tpu.memory_space<vmem>> -> memref<1x128xi32, #tpu.memory_space<vmem>>
            %dma_start3A_244 = tpu.memref_squeeze %dma_start3A_243 : memref<1x128xi32, #tpu.memory_space<vmem>> -> memref<128xi32, #tpu.memory_space<vmem>>
            %dma_start3A_245 = arith.constant 0 : i32
            %dma_start3A_246 = arith.constant 0 : i32
            %dma_start3A_247 = tpu.memref_slice %arg15[%dma_start3A_245, %dma_start3A_246] : memref<100096x16xf32, #tpu.memory_space<vmem_shared>> -> memref<100096x16xf32, #tpu.memory_space<vmem_shared>>
            tpu.enqueue_indirect_dma source(%arg10 : memref<128x16xf32, #tpu.memory_space<vmem>>) target(%dma_start3A_247 : memref<100096x16xf32, #tpu.memory_space<vmem_shared>>) offsets(%dma_start3A_244 : memref<128xi32, #tpu.memory_space<vmem>>) semaphore(%arg18 : memref<!tpu.dma_semaphore, #tpu.memory_space<semaphore_mem>>) {add = true}
            %dma_start3A_248 = arith.constant 8 : i32
            %dma_start3A_249 = arith.constant 0 : i32
            %dma_start3A_250 = tpu.memref_slice %arg14[%dma_start3A_248, %dma_start3A_249] : memref<14x128xi32, #tpu.memory_space<vmem>> -> memref<1x128xi32, #tpu.memory_space<vmem>>
            %dma_start3A_251 = tpu.memref_squeeze %dma_start3A_250 : memref<1x128xi32, #tpu.memory_space<vmem>> -> memref<128xi32, #tpu.memory_space<vmem>>
            %dma_start3A_252 = arith.constant 0 : i32
            %dma_start3A_253 = arith.constant 0 : i32
            %dma_start3A_254 = tpu.memref_slice %arg15[%dma_start3A_252, %dma_start3A_253] : memref<100096x16xf32, #tpu.memory_space<vmem_shared>> -> memref<100096x16xf32, #tpu.memory_space<vmem_shared>>
            tpu.enqueue_indirect_dma source(%arg10 : memref<128x16xf32, #tpu.memory_space<vmem>>) target(%dma_start3A_254 : memref<100096x16xf32, #tpu.memory_space<vmem_shared>>) offsets(%dma_start3A_251 : memref<128xi32, #tpu.memory_space<vmem>>) semaphore(%arg18 : memref<!tpu.dma_semaphore, #tpu.memory_space<semaphore_mem>>) {add = true}
            %dma_start3A_255 = arith.constant 9 : i32
            %dma_start3A_256 = arith.constant 0 : i32
            %dma_start3A_257 = tpu.memref_slice %arg14[%dma_start3A_255, %dma_start3A_256] : memref<14x128xi32, #tpu.memory_space<vmem>> -> memref<1x128xi32, #tpu.memory_space<vmem>>
            %dma_start3A_258 = tpu.memref_squeeze %dma_start3A_257 : memref<1x128xi32, #tpu.memory_space<vmem>> -> memref<128xi32, #tpu.memory_space<vmem>>
            %dma_start3A_259 = arith.constant 0 : i32
            %dma_start3A_260 = arith.constant 0 : i32
            %dma_start3A_261 = tpu.memref_slice %arg15[%dma_start3A_259, %dma_start3A_260] : memref<100096x16xf32, #tpu.memory_space<vmem_shared>> -> memref<100096x16xf32, #tpu.memory_space<vmem_shared>>
            tpu.enqueue_indirect_dma source(%arg10 : memref<128x16xf32, #tpu.memory_space<vmem>>) target(%dma_start3A_261 : memref<100096x16xf32, #tpu.memory_space<vmem_shared>>) offsets(%dma_start3A_258 : memref<128xi32, #tpu.memory_space<vmem>>) semaphore(%arg18 : memref<!tpu.dma_semaphore, #tpu.memory_space<semaphore_mem>>) {add = true}
            %dma_start3A_262 = arith.constant 10 : i32
            %dma_start3A_263 = arith.constant 0 : i32
            %dma_start3A_264 = tpu.memref_slice %arg14[%dma_start3A_262, %dma_start3A_263] : memref<14x128xi32, #tpu.memory_space<vmem>> -> memref<1x128xi32, #tpu.memory_space<vmem>>
            %dma_start3A_265 = tpu.memref_squeeze %dma_start3A_264 : memref<1x128xi32, #tpu.memory_space<vmem>> -> memref<128xi32, #tpu.memory_space<vmem>>
            %dma_start3A_266 = arith.constant 0 : i32
            %dma_start3A_267 = arith.constant 0 : i32
            %dma_start3A_268 = tpu.memref_slice %arg15[%dma_start3A_266, %dma_start3A_267] : memref<100096x16xf32, #tpu.memory_space<vmem_shared>> -> memref<100096x16xf32, #tpu.memory_space<vmem_shared>>
            tpu.enqueue_indirect_dma source(%arg10 : memref<128x16xf32, #tpu.memory_space<vmem>>) target(%dma_start3A_268 : memref<100096x16xf32, #tpu.memory_space<vmem_shared>>) offsets(%dma_start3A_265 : memref<128xi32, #tpu.memory_space<vmem>>) semaphore(%arg18 : memref<!tpu.dma_semaphore, #tpu.memory_space<semaphore_mem>>) {add = true}
            %dma_start3A_269 = arith.constant 11 : i32
            %dma_start3A_270 = arith.constant 0 : i32
            %dma_start3A_271 = tpu.memref_slice %arg14[%dma_start3A_269, %dma_start3A_270] : memref<14x128xi32, #tpu.memory_space<vmem>> -> memref<1x128xi32, #tpu.memory_space<vmem>>
            %dma_start3A_272 = tpu.memref_squeeze %dma_start3A_271 : memref<1x128xi32, #tpu.memory_space<vmem>> -> memref<128xi32, #tpu.memory_space<vmem>>
            %dma_start3A_273 = arith.constant 0 : i32
            %dma_start3A_274 = arith.constant 0 : i32
            %dma_start3A_275 = tpu.memref_slice %arg15[%dma_start3A_273, %dma_start3A_274] : memref<100096x16xf32, #tpu.memory_space<vmem_shared>> -> memref<100096x16xf32, #tpu.memory_space<vmem_shared>>
            tpu.enqueue_indirect_dma source(%arg10 : memref<128x16xf32, #tpu.memory_space<vmem>>) target(%dma_start3A_275 : memref<100096x16xf32, #tpu.memory_space<vmem_shared>>) offsets(%dma_start3A_272 : memref<128xi32, #tpu.memory_space<vmem>>) semaphore(%arg18 : memref<!tpu.dma_semaphore, #tpu.memory_space<semaphore_mem>>) {add = true}
            %dma_start3A_276 = arith.constant 12 : i32
            %dma_start3A_277 = arith.constant 0 : i32
            %dma_start3A_278 = tpu.memref_slice %arg14[%dma_start3A_276, %dma_start3A_277] : memref<14x128xi32, #tpu.memory_space<vmem>> -> memref<1x128xi32, #tpu.memory_space<vmem>>
            %dma_start3A_279 = tpu.memref_squeeze %dma_start3A_278 : memref<1x128xi32, #tpu.memory_space<vmem>> -> memref<128xi32, #tpu.memory_space<vmem>>
            %dma_start3A_280 = arith.constant 0 : i32
            %dma_start3A_281 = arith.constant 0 : i32
            %dma_start3A_282 = tpu.memref_slice %arg15[%dma_start3A_280, %dma_start3A_281] : memref<100096x16xf32, #tpu.memory_space<vmem_shared>> -> memref<100096x16xf32, #tpu.memory_space<vmem_shared>>
            tpu.enqueue_indirect_dma source(%arg10 : memref<128x16xf32, #tpu.memory_space<vmem>>) target(%dma_start3A_282 : memref<100096x16xf32, #tpu.memory_space<vmem_shared>>) offsets(%dma_start3A_279 : memref<128xi32, #tpu.memory_space<vmem>>) semaphore(%arg18 : memref<!tpu.dma_semaphore, #tpu.memory_space<semaphore_mem>>) {add = true}
            %dma_start3A_283 = arith.constant 13 : i32
            %dma_start3A_284 = arith.constant 0 : i32
            %dma_start3A_285 = tpu.memref_slice %arg14[%dma_start3A_283, %dma_start3A_284] : memref<14x128xi32, #tpu.memory_space<vmem>> -> memref<1x128xi32, #tpu.memory_space<vmem>>
            %dma_start3A_286 = tpu.memref_squeeze %dma_start3A_285 : memref<1x128xi32, #tpu.memory_space<vmem>> -> memref<128xi32, #tpu.memory_space<vmem>>
            %dma_start3A_287 = arith.constant 0 : i32
            %dma_start3A_288 = arith.constant 0 : i32
            %dma_start3A_289 = tpu.memref_slice %arg15[%dma_start3A_287, %dma_start3A_288] : memref<100096x16xf32, #tpu.memory_space<vmem_shared>> -> memref<100096x16xf32, #tpu.memory_space<vmem_shared>>
            tpu.enqueue_indirect_dma source(%arg10 : memref<128x16xf32, #tpu.memory_space<vmem>>) target(%dma_start3A_289 : memref<100096x16xf32, #tpu.memory_space<vmem_shared>>) offsets(%dma_start3A_286 : memref<128xi32, #tpu.memory_space<vmem>>) semaphore(%arg18 : memref<!tpu.dma_semaphore, #tpu.memory_space<semaphore_mem>>) {add = true}
            %dma_wait3A_290 = arith.constant 0 : i32
            %dma_wait3A_291 = arith.constant 0 : i32
            %dma_wait3A_292 = tpu.memref_slice %arg14[%dma_wait3A_290, %dma_wait3A_291] : memref<14x128xi32, #tpu.memory_space<vmem>> -> memref<1x128xi32, #tpu.memory_space<vmem>>
            %dma_wait3A_293 = tpu.memref_squeeze %dma_wait3A_292 : memref<1x128xi32, #tpu.memory_space<vmem>> -> memref<128xi32, #tpu.memory_space<vmem>>
            %dma_wait3A_294 = arith.constant 0 : i32
            %dma_wait3A_295 = arith.constant 0 : i32
            %dma_wait3A_296 = tpu.memref_slice %arg15[%dma_wait3A_294, %dma_wait3A_295] : memref<100096x16xf32, #tpu.memory_space<vmem_shared>> -> memref<100096x16xf32, #tpu.memory_space<vmem_shared>>
            tpu.wait_indirect_dma semaphore(%arg18 : memref<!tpu.dma_semaphore, #tpu.memory_space<semaphore_mem>>) src(%arg10 : memref<128x16xf32, #tpu.memory_space<vmem>>) dst(%dma_wait3A_296 : memref<100096x16xf32, #tpu.memory_space<vmem_shared>>)
            %dma_wait3A_297 = arith.constant 0 : i32
            %dma_wait3A_298 = arith.constant 0 : i32
            %dma_wait3A_299 = tpu.memref_slice %arg14[%dma_wait3A_297, %dma_wait3A_298] : memref<14x128xi32, #tpu.memory_space<vmem>> -> memref<1x128xi32, #tpu.memory_space<vmem>>
            %dma_wait3A_300 = tpu.memref_squeeze %dma_wait3A_299 : memref<1x128xi32, #tpu.memory_space<vmem>> -> memref<128xi32, #tpu.memory_space<vmem>>
            %dma_wait3A_301 = arith.constant 0 : i32
            %dma_wait3A_302 = arith.constant 0 : i32
            %dma_wait3A_303 = tpu.memref_slice %arg15[%dma_wait3A_301, %dma_wait3A_302] : memref<100096x16xf32, #tpu.memory_space<vmem_shared>> -> memref<100096x16xf32, #tpu.memory_space<vmem_shared>>
            tpu.wait_indirect_dma semaphore(%arg18 : memref<!tpu.dma_semaphore, #tpu.memory_space<semaphore_mem>>) src(%arg10 : memref<128x16xf32, #tpu.memory_space<vmem>>) dst(%dma_wait3A_303 : memref<100096x16xf32, #tpu.memory_space<vmem_shared>>)
            %dma_wait3A_304 = arith.constant 0 : i32
            %dma_wait3A_305 = arith.constant 0 : i32
            %dma_wait3A_306 = tpu.memref_slice %arg14[%dma_wait3A_304, %dma_wait3A_305] : memref<14x128xi32, #tpu.memory_space<vmem>> -> memref<1x128xi32, #tpu.memory_space<vmem>>
            %dma_wait3A_307 = tpu.memref_squeeze %dma_wait3A_306 : memref<1x128xi32, #tpu.memory_space<vmem>> -> memref<128xi32, #tpu.memory_space<vmem>>
            %dma_wait3A_308 = arith.constant 0 : i32
            %dma_wait3A_309 = arith.constant 0 : i32
            %dma_wait3A_310 = tpu.memref_slice %arg15[%dma_wait3A_308, %dma_wait3A_309] : memref<100096x16xf32, #tpu.memory_space<vmem_shared>> -> memref<100096x16xf32, #tpu.memory_space<vmem_shared>>
            tpu.wait_indirect_dma semaphore(%arg18 : memref<!tpu.dma_semaphore, #tpu.memory_space<semaphore_mem>>) src(%arg10 : memref<128x16xf32, #tpu.memory_space<vmem>>) dst(%dma_wait3A_310 : memref<100096x16xf32, #tpu.memory_space<vmem_shared>>)
            %dma_wait3A_311 = arith.constant 0 : i32
            %dma_wait3A_312 = arith.constant 0 : i32
            %dma_wait3A_313 = tpu.memref_slice %arg14[%dma_wait3A_311, %dma_wait3A_312] : memref<14x128xi32, #tpu.memory_space<vmem>> -> memref<1x128xi32, #tpu.memory_space<vmem>>
            %dma_wait3A_314 = tpu.memref_squeeze %dma_wait3A_313 : memref<1x128xi32, #tpu.memory_space<vmem>> -> memref<128xi32, #tpu.memory_space<vmem>>
            %dma_wait3A_315 = arith.constant 0 : i32
            %dma_wait3A_316 = arith.constant 0 : i32
            %dma_wait3A_317 = tpu.memref_slice %arg15[%dma_wait3A_315, %dma_wait3A_316] : memref<100096x16xf32, #tpu.memory_space<vmem_shared>> -> memref<100096x16xf32, #tpu.memory_space<vmem_shared>>
            tpu.wait_indirect_dma semaphore(%arg18 : memref<!tpu.dma_semaphore, #tpu.memory_space<semaphore_mem>>) src(%arg10 : memref<128x16xf32, #tpu.memory_space<vmem>>) dst(%dma_wait3A_317 : memref<100096x16xf32, #tpu.memory_space<vmem_shared>>)
            %dma_wait3A_318 = arith.constant 0 : i32
            %dma_wait3A_319 = arith.constant 0 : i32
            %dma_wait3A_320 = tpu.memref_slice %arg14[%dma_wait3A_318, %dma_wait3A_319] : memref<14x128xi32, #tpu.memory_space<vmem>> -> memref<1x128xi32, #tpu.memory_space<vmem>>
            %dma_wait3A_321 = tpu.memref_squeeze %dma_wait3A_320 : memref<1x128xi32, #tpu.memory_space<vmem>> -> memref<128xi32, #tpu.memory_space<vmem>>
            %dma_wait3A_322 = arith.constant 0 : i32
            %dma_wait3A_323 = arith.constant 0 : i32
            %dma_wait3A_324 = tpu.memref_slice %arg15[%dma_wait3A_322, %dma_wait3A_323] : memref<100096x16xf32, #tpu.memory_space<vmem_shared>> -> memref<100096x16xf32, #tpu.memory_space<vmem_shared>>
            tpu.wait_indirect_dma semaphore(%arg18 : memref<!tpu.dma_semaphore, #tpu.memory_space<semaphore_mem>>) src(%arg10 : memref<128x16xf32, #tpu.memory_space<vmem>>) dst(%dma_wait3A_324 : memref<100096x16xf32, #tpu.memory_space<vmem_shared>>)
            %dma_wait3A_325 = arith.constant 0 : i32
            %dma_wait3A_326 = arith.constant 0 : i32
            %dma_wait3A_327 = tpu.memref_slice %arg14[%dma_wait3A_325, %dma_wait3A_326] : memref<14x128xi32, #tpu.memory_space<vmem>> -> memref<1x128xi32, #tpu.memory_space<vmem>>
            %dma_wait3A_328 = tpu.memref_squeeze %dma_wait3A_327 : memref<1x128xi32, #tpu.memory_space<vmem>> -> memref<128xi32, #tpu.memory_space<vmem>>
            %dma_wait3A_329 = arith.constant 0 : i32
            %dma_wait3A_330 = arith.constant 0 : i32
            %dma_wait3A_331 = tpu.memref_slice %arg15[%dma_wait3A_329, %dma_wait3A_330] : memref<100096x16xf32, #tpu.memory_space<vmem_shared>> -> memref<100096x16xf32, #tpu.memory_space<vmem_shared>>
            tpu.wait_indirect_dma semaphore(%arg18 : memref<!tpu.dma_semaphore, #tpu.memory_space<semaphore_mem>>) src(%arg10 : memref<128x16xf32, #tpu.memory_space<vmem>>) dst(%dma_wait3A_331 : memref<100096x16xf32, #tpu.memory_space<vmem_shared>>)
            %dma_wait3A_332 = arith.constant 0 : i32
            %dma_wait3A_333 = arith.constant 0 : i32
            %dma_wait3A_334 = tpu.memref_slice %arg14[%dma_wait3A_332, %dma_wait3A_333] : memref<14x128xi32, #tpu.memory_space<vmem>> -> memref<1x128xi32, #tpu.memory_space<vmem>>
            %dma_wait3A_335 = tpu.memref_squeeze %dma_wait3A_334 : memref<1x128xi32, #tpu.memory_space<vmem>> -> memref<128xi32, #tpu.memory_space<vmem>>
            %dma_wait3A_336 = arith.constant 0 : i32
            %dma_wait3A_337 = arith.constant 0 : i32
            %dma_wait3A_338 = tpu.memref_slice %arg15[%dma_wait3A_336, %dma_wait3A_337] : memref<100096x16xf32, #tpu.memory_space<vmem_shared>> -> memref<100096x16xf32, #tpu.memory_space<vmem_shared>>
            tpu.wait_indirect_dma semaphore(%arg18 : memref<!tpu.dma_semaphore, #tpu.memory_space<semaphore_mem>>) src(%arg10 : memref<128x16xf32, #tpu.memory_space<vmem>>) dst(%dma_wait3A_338 : memref<100096x16xf32, #tpu.memory_space<vmem_shared>>)
            %dma_wait3A_339 = arith.constant 0 : i32
            %dma_wait3A_340 = arith.constant 0 : i32
            %dma_wait3A_341 = tpu.memref_slice %arg14[%dma_wait3A_339, %dma_wait3A_340] : memref<14x128xi32, #tpu.memory_space<vmem>> -> memref<1x128xi32, #tpu.memory_space<vmem>>
            %dma_wait3A_342 = tpu.memref_squeeze %dma_wait3A_341 : memref<1x128xi32, #tpu.memory_space<vmem>> -> memref<128xi32, #tpu.memory_space<vmem>>
            %dma_wait3A_343 = arith.constant 0 : i32
            %dma_wait3A_344 = arith.constant 0 : i32
            %dma_wait3A_345 = tpu.memref_slice %arg15[%dma_wait3A_343, %dma_wait3A_344] : memref<100096x16xf32, #tpu.memory_space<vmem_shared>> -> memref<100096x16xf32, #tpu.memory_space<vmem_shared>>
            tpu.wait_indirect_dma semaphore(%arg18 : memref<!tpu.dma_semaphore, #tpu.memory_space<semaphore_mem>>) src(%arg10 : memref<128x16xf32, #tpu.memory_space<vmem>>) dst(%dma_wait3A_345 : memref<100096x16xf32, #tpu.memory_space<vmem_shared>>)
            %dma_wait3A_346 = arith.constant 0 : i32
            %dma_wait3A_347 = arith.constant 0 : i32
            %dma_wait3A_348 = tpu.memref_slice %arg14[%dma_wait3A_346, %dma_wait3A_347] : memref<14x128xi32, #tpu.memory_space<vmem>> -> memref<1x128xi32, #tpu.memory_space<vmem>>
            %dma_wait3A_349 = tpu.memref_squeeze %dma_wait3A_348 : memref<1x128xi32, #tpu.memory_space<vmem>> -> memref<128xi32, #tpu.memory_space<vmem>>
            %dma_wait3A_350 = arith.constant 0 : i32
            %dma_wait3A_351 = arith.constant 0 : i32
            %dma_wait3A_352 = tpu.memref_slice %arg15[%dma_wait3A_350, %dma_wait3A_351] : memref<100096x16xf32, #tpu.memory_space<vmem_shared>> -> memref<100096x16xf32, #tpu.memory_space<vmem_shared>>
            tpu.wait_indirect_dma semaphore(%arg18 : memref<!tpu.dma_semaphore, #tpu.memory_space<semaphore_mem>>) src(%arg10 : memref<128x16xf32, #tpu.memory_space<vmem>>) dst(%dma_wait3A_352 : memref<100096x16xf32, #tpu.memory_space<vmem_shared>>)
            %dma_wait3A_353 = arith.constant 0 : i32
            %dma_wait3A_354 = arith.constant 0 : i32
            %dma_wait3A_355 = tpu.memref_slice %arg14[%dma_wait3A_353, %dma_wait3A_354] : memref<14x128xi32, #tpu.memory_space<vmem>> -> memref<1x128xi32, #tpu.memory_space<vmem>>
            %dma_wait3A_356 = tpu.memref_squeeze %dma_wait3A_355 : memref<1x128xi32, #tpu.memory_space<vmem>> -> memref<128xi32, #tpu.memory_space<vmem>>
            %dma_wait3A_357 = arith.constant 0 : i32
            %dma_wait3A_358 = arith.constant 0 : i32
            %dma_wait3A_359 = tpu.memref_slice %arg15[%dma_wait3A_357, %dma_wait3A_358] : memref<100096x16xf32, #tpu.memory_space<vmem_shared>> -> memref<100096x16xf32, #tpu.memory_space<vmem_shared>>
            tpu.wait_indirect_dma semaphore(%arg18 : memref<!tpu.dma_semaphore, #tpu.memory_space<semaphore_mem>>) src(%arg10 : memref<128x16xf32, #tpu.memory_space<vmem>>) dst(%dma_wait3A_359 : memref<100096x16xf32, #tpu.memory_space<vmem_shared>>)
            %dma_wait3A_360 = arith.constant 0 : i32
            %dma_wait3A_361 = arith.constant 0 : i32
            %dma_wait3A_362 = tpu.memref_slice %arg14[%dma_wait3A_360, %dma_wait3A_361] : memref<14x128xi32, #tpu.memory_space<vmem>> -> memref<1x128xi32, #tpu.memory_space<vmem>>
            %dma_wait3A_363 = tpu.memref_squeeze %dma_wait3A_362 : memref<1x128xi32, #tpu.memory_space<vmem>> -> memref<128xi32, #tpu.memory_space<vmem>>
            %dma_wait3A_364 = arith.constant 0 : i32
            %dma_wait3A_365 = arith.constant 0 : i32
            %dma_wait3A_366 = tpu.memref_slice %arg15[%dma_wait3A_364, %dma_wait3A_365] : memref<100096x16xf32, #tpu.memory_space<vmem_shared>> -> memref<100096x16xf32, #tpu.memory_space<vmem_shared>>
            tpu.wait_indirect_dma semaphore(%arg18 : memref<!tpu.dma_semaphore, #tpu.memory_space<semaphore_mem>>) src(%arg10 : memref<128x16xf32, #tpu.memory_space<vmem>>) dst(%dma_wait3A_366 : memref<100096x16xf32, #tpu.memory_space<vmem_shared>>)
            %dma_wait3A_367 = arith.constant 0 : i32
            %dma_wait3A_368 = arith.constant 0 : i32
            %dma_wait3A_369 = tpu.memref_slice %arg14[%dma_wait3A_367, %dma_wait3A_368] : memref<14x128xi32, #tpu.memory_space<vmem>> -> memref<1x128xi32, #tpu.memory_space<vmem>>
            %dma_wait3A_370 = tpu.memref_squeeze %dma_wait3A_369 : memref<1x128xi32, #tpu.memory_space<vmem>> -> memref<128xi32, #tpu.memory_space<vmem>>
            %dma_wait3A_371 = arith.constant 0 : i32
            %dma_wait3A_372 = arith.constant 0 : i32
            %dma_wait3A_373 = tpu.memref_slice %arg15[%dma_wait3A_371, %dma_wait3A_372] : memref<100096x16xf32, #tpu.memory_space<vmem_shared>> -> memref<100096x16xf32, #tpu.memory_space<vmem_shared>>
            tpu.wait_indirect_dma semaphore(%arg18 : memref<!tpu.dma_semaphore, #tpu.memory_space<semaphore_mem>>) src(%arg10 : memref<128x16xf32, #tpu.memory_space<vmem>>) dst(%dma_wait3A_373 : memref<100096x16xf32, #tpu.memory_space<vmem_shared>>)
            %dma_wait3A_374 = arith.constant 0 : i32
            %dma_wait3A_375 = arith.constant 0 : i32
            %dma_wait3A_376 = tpu.memref_slice %arg14[%dma_wait3A_374, %dma_wait3A_375] : memref<14x128xi32, #tpu.memory_space<vmem>> -> memref<1x128xi32, #tpu.memory_space<vmem>>
            %dma_wait3A_377 = tpu.memref_squeeze %dma_wait3A_376 : memref<1x128xi32, #tpu.memory_space<vmem>> -> memref<128xi32, #tpu.memory_space<vmem>>
            %dma_wait3A_378 = arith.constant 0 : i32
            %dma_wait3A_379 = arith.constant 0 : i32
            %dma_wait3A_380 = tpu.memref_slice %arg15[%dma_wait3A_378, %dma_wait3A_379] : memref<100096x16xf32, #tpu.memory_space<vmem_shared>> -> memref<100096x16xf32, #tpu.memory_space<vmem_shared>>
            tpu.wait_indirect_dma semaphore(%arg18 : memref<!tpu.dma_semaphore, #tpu.memory_space<semaphore_mem>>) src(%arg10 : memref<128x16xf32, #tpu.memory_space<vmem>>) dst(%dma_wait3A_380 : memref<100096x16xf32, #tpu.memory_space<vmem_shared>>)
            %dma_wait3A_381 = arith.constant 0 : i32
            %dma_wait3A_382 = arith.constant 0 : i32
            %dma_wait3A_383 = tpu.memref_slice %arg14[%dma_wait3A_381, %dma_wait3A_382] : memref<14x128xi32, #tpu.memory_space<vmem>> -> memref<1x128xi32, #tpu.memory_space<vmem>>
            %dma_wait3A_384 = tpu.memref_squeeze %dma_wait3A_383 : memref<1x128xi32, #tpu.memory_space<vmem>> -> memref<128xi32, #tpu.memory_space<vmem>>
            %dma_wait3A_385 = arith.constant 0 : i32
            %dma_wait3A_386 = arith.constant 0 : i32
            %dma_wait3A_387 = tpu.memref_slice %arg15[%dma_wait3A_385, %dma_wait3A_386] : memref<100096x16xf32, #tpu.memory_space<vmem_shared>> -> memref<100096x16xf32, #tpu.memory_space<vmem_shared>>
            tpu.wait_indirect_dma semaphore(%arg18 : memref<!tpu.dma_semaphore, #tpu.memory_space<semaphore_mem>>) src(%arg10 : memref<128x16xf32, #tpu.memory_space<vmem>>) dst(%dma_wait3A_387 : memref<100096x16xf32, #tpu.memory_space<vmem_shared>>)
            %scan3A_388 = arith.constant 0 : i32
            scf.yield %scan3A_388 : i32
          }
          %scan3A_188 = arith.constant 7 : i32
          %barrier3A_189 = arith.constant 0 : index
          tpu.barrier barrier_id(%barrier3A_189)
          "tpu.region"() ({
            %run_scoped3A = tpu.sem_alloc : memref<!tpu.dma_semaphore, #tpu.memory_space<semaphore_mem>>
            %dma_start3A_190 = arith.constant 0 : i32
            %dma_start3A_191 = tpu.memref_slice %arg8[%sub3A_23, %mul3A_0, %dma_start3A_190] : memref<2x100096x16xf32, #tpu.memory_space<hbm>> -> memref<1x6256x16xf32, #tpu.memory_space<hbm>>
            %dma_start3A_192 = tpu.memref_squeeze %dma_start3A_191 : memref<1x6256x16xf32, #tpu.memory_space<hbm>> -> memref<6256x16xf32, #tpu.memory_space<hbm>>
            %dma_start3A_193 = arith.constant 0 : i32
            %dma_start3A_194 = tpu.memref_slice %arg15[%mul3A_0, %dma_start3A_193] : memref<100096x16xf32, #tpu.memory_space<vmem_shared>> -> memref<6256x16xf32, #tpu.memory_space<vmem_shared>>
            tpu.enqueue_dma source(%dma_start3A_194 : memref<6256x16xf32, #tpu.memory_space<vmem_shared>>) target(%dma_start3A_192 : memref<6256x16xf32, #tpu.memory_space<hbm>>) target_semaphore(%run_scoped3A : memref<!tpu.dma_semaphore, #tpu.memory_space<semaphore_mem>>)
            %dma_wait3A_195 = arith.constant 0 : i32
            %dma_wait3A_196 = tpu.memref_slice %arg8[%sub3A_23, %mul3A_0, %dma_wait3A_195] : memref<2x100096x16xf32, #tpu.memory_space<hbm>> -> memref<1x6256x16xf32, #tpu.memory_space<hbm>>
            %dma_wait3A_197 = tpu.memref_squeeze %dma_wait3A_196 : memref<1x6256x16xf32, #tpu.memory_space<hbm>> -> memref<6256x16xf32, #tpu.memory_space<hbm>>
            %dma_wait3A_198 = arith.constant 0 : i32
            %dma_wait3A_199 = tpu.memref_slice %arg15[%mul3A_0, %dma_wait3A_198] : memref<100096x16xf32, #tpu.memory_space<vmem_shared>> -> memref<6256x16xf32, #tpu.memory_space<vmem_shared>>
            tpu.wait_dma2 semaphore(%run_scoped3A : memref<!tpu.dma_semaphore, #tpu.memory_space<semaphore_mem>>) src(%dma_wait3A_199 : memref<6256x16xf32, #tpu.memory_space<vmem_shared>>) dst(%dma_wait3A_197 : memref<6256x16xf32, #tpu.memory_space<hbm>>)
            tpu.yield
          }) : () -> ()
        } else {
        }
      } else {
      }
      %scan3A_13 = arith.constant 0 : i32
      scf.yield %scan3A_13 : i32
    }
    %scan3A_6 = arith.constant 9 : i32
    return
  }
}

#map = affine_map<(d0, d1) -> (0, 0)>
#map1 = affine_map<(d0, d1) -> (0, 0, 0, 0, 0)>
#map2 = affine_map<(d0, d1) -> (0, 0, 0)>
module attributes {stable_mosaic.version = 14 : i64} {
  func.func @k(%arg0: i32, %arg1: i32, %arg2: memref<800000x16xf32, #tpu.memory_space<hbm>>, %arg3: memref<1x8x16x7x1792xi32, #tpu.memory_space<hbm>>, %arg4: memref<1x16x7x14x128xi32, #tpu.memory_space<hbm>>, %arg5: memref<391x16xf32, #tpu.memory_space<hbm>>, %arg6: memref<128x16xf32, #tpu.memory_space<hbm>>, %arg7: memref<1x100096x128xf32, #tpu.memory_space<hbm>>, %arg8: memref<1x100096x16xf32, #tpu.memory_space<hbm>>, %arg9: memref<391x16xf32, #tpu.memory_space<vmem>>, %arg10: memref<128x16xf32, #tpu.memory_space<vmem>>, %arg11: memref<128x16xf32, #tpu.memory_space<vmem>>, %arg12: memref<128x16xf32, #tpu.memory_space<vmem>>, %arg13: memref<1792xi32, #tpu.memory_space<vmem>>, %arg14: memref<14x128xi32, #tpu.memory_space<vmem>>, %arg15: memref<100096x16xf32, #tpu.memory_space<vmem_shared>>, %arg16: memref<!tpu.dma_semaphore, #tpu.memory_space<semaphore_mem>>, %arg17: memref<!tpu.dma_semaphore, #tpu.memory_space<semaphore_mem>>, %arg18: memref<!tpu.dma_semaphore, #tpu.memory_space<semaphore_mem>>, %arg19: memref<!tpu.dma_semaphore, #tpu.memory_space<semaphore_mem>>) attributes {dimension_semantics = [#tpu.dimension_semantics<core_parallel>, #tpu.dimension_semantics<subcore_parallel>], iteration_bounds = array<i64: 2, 16>, scalar_prefetch = 0 : i64, scratch_operands = 11 : i64, tpu.core_type = #tpu.core_type<sc_vector_subcore>, window_params = [{transform_indices = #map}, {transform_indices = #map1}, {transform_indices = #map1}, {transform_indices = #map}, {transform_indices = #map}, {transform_indices = #map2}, {transform_indices = #map2}]} {
    %mul3A = arith.constant 6256 : i32
    %mul3A_0 = arith.muli %arg1, %mul3A : i32
    "tpu.region"() ({
      %run_scoped3A = tpu.sem_alloc : memref<!tpu.dma_semaphore, #tpu.memory_space<semaphore_mem>>
      tpu.enqueue_dma source(%arg5 : memref<391x16xf32, #tpu.memory_space<hbm>>) target(%arg9 : memref<391x16xf32, #tpu.memory_space<vmem>>) target_semaphore(%run_scoped3A : memref<!tpu.dma_semaphore, #tpu.memory_space<semaphore_mem>>)
      tpu.wait_dma2 semaphore(%run_scoped3A : memref<!tpu.dma_semaphore, #tpu.memory_space<semaphore_mem>>) src(%arg5 : memref<391x16xf32, #tpu.memory_space<hbm>>) dst(%arg9 : memref<391x16xf32, #tpu.memory_space<vmem>>)
      tpu.yield
    }) : () -> ()
    "tpu.region"() ({
      %run_scoped3A = tpu.sem_alloc : memref<!tpu.dma_semaphore, #tpu.memory_space<semaphore_mem>>
      tpu.enqueue_dma source(%arg6 : memref<128x16xf32, #tpu.memory_space<hbm>>) target(%arg10 : memref<128x16xf32, #tpu.memory_space<vmem>>) target_semaphore(%run_scoped3A : memref<!tpu.dma_semaphore, #tpu.memory_space<semaphore_mem>>)
      tpu.wait_dma2 semaphore(%run_scoped3A : memref<!tpu.dma_semaphore, #tpu.memory_space<semaphore_mem>>) src(%arg6 : memref<128x16xf32, #tpu.memory_space<hbm>>) dst(%arg10 : memref<128x16xf32, #tpu.memory_space<vmem>>)
      tpu.yield
    }) : () -> ()
    %scan3A = arith.constant 0 : i32
    %scan3A_1 = arith.constant 0 : i32
    %scan3A_2 = arith.constant 5 : i32
    %scan3A_3 = arith.addi %scan3A_1, %scan3A_2 : i32
    %scan3A_4 = arith.constant 1 : i32
    %scan3A_5 = scf.for %scan3A_7 = %scan3A_1 to %scan3A_3 step %scan3A_4 iter_args(%scan3A_8 = %scan3A) -> (i32)  : i32 {
      %mul3A_9 = arith.constant 2 : i32
      %mul3A_10 = arith.muli %mul3A_9, %scan3A_7 : i32
      %add3A = arith.addi %mul3A_10, %arg0 : i32
      %lt3A = arith.constant 9 : i32
      %lt3A_11 = arith.cmpi slt, %add3A, %lt3A : i32
      %convert_element_type3A = arith.extui %lt3A_11 : i1 to i32
      %cond3A = arith.constant 0 : i32
      %cond3A_12 = arith.cmpi ne, %convert_element_type3A, %cond3A : i32
      scf.if %cond3A_12 {
        %lt3A_14 = arith.constant 8 : i32
        %lt3A_15 = arith.cmpi slt, %add3A, %lt3A_14 : i32
        %convert_element_type3A_16 = arith.extui %lt3A_15 : i1 to i32
        %cond3A_17 = arith.constant 0 : i32
        %cond3A_18 = arith.cmpi ne, %convert_element_type3A_16, %cond3A_17 : i32
        scf.if %cond3A_18 {
          %jit3A = arith.constant 8 : i32
          %div3A = arith.divsi %add3A, %jit3A : i32
          %sign3A = arith.constant 0 : i32
          %sign3A_23 = arith.cmpi sgt, %add3A, %sign3A : i32
          %sign3A_24 = arith.extui %sign3A_23 : i1 to i32
          %sign3A_25 = arith.constant 0 : i32
          %sign3A_26 = arith.cmpi slt, %add3A, %sign3A_25 : i32
          %sign3A_27 = arith.extui %sign3A_26 : i1 to i32
          %sign3A_28 = arith.subi %sign3A_24, %sign3A_27 : i32
          %sign3A_29 = arith.constant 0 : i32
          %sign3A_30 = arith.cmpi sgt, %jit3A, %sign3A_29 : i32
          %sign3A_31 = arith.extui %sign3A_30 : i1 to i32
          %sign3A_32 = arith.constant 0 : i32
          %sign3A_33 = arith.cmpi slt, %jit3A, %sign3A_32 : i32
          %sign3A_34 = arith.extui %sign3A_33 : i1 to i32
          %sign3A_35 = arith.subi %sign3A_31, %sign3A_34 : i32
          %ne3A = arith.cmpi ne, %sign3A_28, %sign3A_35 : i32
          %rem3A = arith.remsi %add3A, %jit3A : i32
          %ne3A_36 = arith.constant 0 : i32
          %ne3A_37 = arith.cmpi ne, %rem3A, %ne3A_36 : i32
          %and3A = arith.andi %ne3A, %ne3A_37 : i1
          %sub3A = arith.constant 1 : i32
          %sub3A_38 = arith.subi %div3A, %sub3A : i32
          %select_n3A = arith.select %and3A, %sub3A_38, %div3A : i32
          %jit3A_39 = arith.constant 8 : i32
          %eq3A = arith.constant 0 : i32
          %eq3A_40 = arith.cmpi eq, %jit3A_39, %eq3A : i32
          %jit3A_41 = arith.constant 1 : i32
          %select_n3A_42 = arith.select %eq3A_40, %jit3A_41, %jit3A_39 : i32
          %rem3A_43 = arith.remsi %add3A, %select_n3A_42 : i32
          %ne3A_44 = arith.constant 0 : i32
          %ne3A_45 = arith.cmpi ne, %rem3A_43, %ne3A_44 : i32
          %lt3A_46 = arith.constant 0 : i32
          %lt3A_47 = arith.cmpi slt, %rem3A_43, %lt3A_46 : i32
          %lt3A_48 = arith.constant 0 : i32
          %lt3A_49 = arith.cmpi slt, %select_n3A_42, %lt3A_48 : i32
          %ne3A_50 = arith.xori %lt3A_47, %lt3A_49 : i1
          %and3A_51 = arith.andi %ne3A_50, %ne3A_45 : i1
          %add3A_52 = arith.addi %rem3A_43, %select_n3A_42 : i32
          %select_n3A_53 = arith.select %and3A_51, %add3A_52, %rem3A_43 : i32
          %add3A_54 = arith.constant 0 : i32
          %add3A_55 = arith.addi %mul3A_0, %add3A_54 : i32
          %dma_start3A = arith.constant 0 : i32
          %dma_start3A_56 = tpu.memref_slice %arg15[%add3A_55, %dma_start3A] : memref<100096x16xf32, #tpu.memory_space<vmem_shared>> -> memref<391x16xf32, #tpu.memory_space<vmem_shared>>
          %dma_start3A_57 = arith.constant 0 : i32
          %dma_start3A_58 = tpu.memref_slice %arg15[%add3A_55, %dma_start3A_57] : memref<100096x16xf32, #tpu.memory_space<vmem_shared>> -> memref<391x16xf32, #tpu.memory_space<vmem_shared>>
          tpu.enqueue_dma source(%arg9 : memref<391x16xf32, #tpu.memory_space<vmem>>) target(%dma_start3A_58 : memref<391x16xf32, #tpu.memory_space<vmem_shared>>) target_semaphore(%arg18 : memref<!tpu.dma_semaphore, #tpu.memory_space<semaphore_mem>>)
          %add3A_59 = arith.constant 391 : i32
          %add3A_60 = arith.addi %mul3A_0, %add3A_59 : i32
          %dma_start3A_61 = arith.constant 0 : i32
          %dma_start3A_62 = tpu.memref_slice %arg15[%add3A_60, %dma_start3A_61] : memref<100096x16xf32, #tpu.memory_space<vmem_shared>> -> memref<391x16xf32, #tpu.memory_space<vmem_shared>>
          %dma_start3A_63 = arith.constant 0 : i32
          %dma_start3A_64 = tpu.memref_slice %arg15[%add3A_60, %dma_start3A_63] : memref<100096x16xf32, #tpu.memory_space<vmem_shared>> -> memref<391x16xf32, #tpu.memory_space<vmem_shared>>
          tpu.enqueue_dma source(%arg9 : memref<391x16xf32, #tpu.memory_space<vmem>>) target(%dma_start3A_64 : memref<391x16xf32, #tpu.memory_space<vmem_shared>>) target_semaphore(%arg18 : memref<!tpu.dma_semaphore, #tpu.memory_space<semaphore_mem>>)
          %add3A_65 = arith.constant 782 : i32
          %add3A_66 = arith.addi %mul3A_0, %add3A_65 : i32
          %dma_start3A_67 = arith.constant 0 : i32
          %dma_start3A_68 = tpu.memref_slice %arg15[%add3A_66, %dma_start3A_67] : memref<100096x16xf32, #tpu.memory_space<vmem_shared>> -> memref<391x16xf32, #tpu.memory_space<vmem_shared>>
          %dma_start3A_69 = arith.constant 0 : i32
          %dma_start3A_70 = tpu.memref_slice %arg15[%add3A_66, %dma_start3A_69] : memref<100096x16xf32, #tpu.memory_space<vmem_shared>> -> memref<391x16xf32, #tpu.memory_space<vmem_shared>>
          tpu.enqueue_dma source(%arg9 : memref<391x16xf32, #tpu.memory_space<vmem>>) target(%dma_start3A_70 : memref<391x16xf32, #tpu.memory_space<vmem_shared>>) target_semaphore(%arg18 : memref<!tpu.dma_semaphore, #tpu.memory_space<semaphore_mem>>)
          %add3A_71 = arith.constant 1173 : i32
          %add3A_72 = arith.addi %mul3A_0, %add3A_71 : i32
          %dma_start3A_73 = arith.constant 0 : i32
          %dma_start3A_74 = tpu.memref_slice %arg15[%add3A_72, %dma_start3A_73] : memref<100096x16xf32, #tpu.memory_space<vmem_shared>> -> memref<391x16xf32, #tpu.memory_space<vmem_shared>>
          %dma_start3A_75 = arith.constant 0 : i32
          %dma_start3A_76 = tpu.memref_slice %arg15[%add3A_72, %dma_start3A_75] : memref<100096x16xf32, #tpu.memory_space<vmem_shared>> -> memref<391x16xf32, #tpu.memory_space<vmem_shared>>
          tpu.enqueue_dma source(%arg9 : memref<391x16xf32, #tpu.memory_space<vmem>>) target(%dma_start3A_76 : memref<391x16xf32, #tpu.memory_space<vmem_shared>>) target_semaphore(%arg18 : memref<!tpu.dma_semaphore, #tpu.memory_space<semaphore_mem>>)
          %add3A_77 = arith.constant 1564 : i32
          %add3A_78 = arith.addi %mul3A_0, %add3A_77 : i32
          %dma_start3A_79 = arith.constant 0 : i32
          %dma_start3A_80 = tpu.memref_slice %arg15[%add3A_78, %dma_start3A_79] : memref<100096x16xf32, #tpu.memory_space<vmem_shared>> -> memref<391x16xf32, #tpu.memory_space<vmem_shared>>
          %dma_start3A_81 = arith.constant 0 : i32
          %dma_start3A_82 = tpu.memref_slice %arg15[%add3A_78, %dma_start3A_81] : memref<100096x16xf32, #tpu.memory_space<vmem_shared>> -> memref<391x16xf32, #tpu.memory_space<vmem_shared>>
          tpu.enqueue_dma source(%arg9 : memref<391x16xf32, #tpu.memory_space<vmem>>) target(%dma_start3A_82 : memref<391x16xf32, #tpu.memory_space<vmem_shared>>) target_semaphore(%arg18 : memref<!tpu.dma_semaphore, #tpu.memory_space<semaphore_mem>>)
          %add3A_83 = arith.constant 1955 : i32
          %add3A_84 = arith.addi %mul3A_0, %add3A_83 : i32
          %dma_start3A_85 = arith.constant 0 : i32
          %dma_start3A_86 = tpu.memref_slice %arg15[%add3A_84, %dma_start3A_85] : memref<100096x16xf32, #tpu.memory_space<vmem_shared>> -> memref<391x16xf32, #tpu.memory_space<vmem_shared>>
          %dma_start3A_87 = arith.constant 0 : i32
          %dma_start3A_88 = tpu.memref_slice %arg15[%add3A_84, %dma_start3A_87] : memref<100096x16xf32, #tpu.memory_space<vmem_shared>> -> memref<391x16xf32, #tpu.memory_space<vmem_shared>>
          tpu.enqueue_dma source(%arg9 : memref<391x16xf32, #tpu.memory_space<vmem>>) target(%dma_start3A_88 : memref<391x16xf32, #tpu.memory_space<vmem_shared>>) target_semaphore(%arg18 : memref<!tpu.dma_semaphore, #tpu.memory_space<semaphore_mem>>)
          %add3A_89 = arith.constant 2346 : i32
          %add3A_90 = arith.addi %mul3A_0, %add3A_89 : i32
          %dma_start3A_91 = arith.constant 0 : i32
          %dma_start3A_92 = tpu.memref_slice %arg15[%add3A_90, %dma_start3A_91] : memref<100096x16xf32, #tpu.memory_space<vmem_shared>> -> memref<391x16xf32, #tpu.memory_space<vmem_shared>>
          %dma_start3A_93 = arith.constant 0 : i32
          %dma_start3A_94 = tpu.memref_slice %arg15[%add3A_90, %dma_start3A_93] : memref<100096x16xf32, #tpu.memory_space<vmem_shared>> -> memref<391x16xf32, #tpu.memory_space<vmem_shared>>
          tpu.enqueue_dma source(%arg9 : memref<391x16xf32, #tpu.memory_space<vmem>>) target(%dma_start3A_94 : memref<391x16xf32, #tpu.memory_space<vmem_shared>>) target_semaphore(%arg18 : memref<!tpu.dma_semaphore, #tpu.memory_space<semaphore_mem>>)
          %add3A_95 = arith.constant 2737 : i32
          %add3A_96 = arith.addi %mul3A_0, %add3A_95 : i32
          %dma_start3A_97 = arith.constant 0 : i32
          %dma_start3A_98 = tpu.memref_slice %arg15[%add3A_96, %dma_start3A_97] : memref<100096x16xf32, #tpu.memory_space<vmem_shared>> -> memref<391x16xf32, #tpu.memory_space<vmem_shared>>
          %dma_start3A_99 = arith.constant 0 : i32
          %dma_start3A_100 = tpu.memref_slice %arg15[%add3A_96, %dma_start3A_99] : memref<100096x16xf32, #tpu.memory_space<vmem_shared>> -> memref<391x16xf32, #tpu.memory_space<vmem_shared>>
          tpu.enqueue_dma source(%arg9 : memref<391x16xf32, #tpu.memory_space<vmem>>) target(%dma_start3A_100 : memref<391x16xf32, #tpu.memory_space<vmem_shared>>) target_semaphore(%arg18 : memref<!tpu.dma_semaphore, #tpu.memory_space<semaphore_mem>>)
          %add3A_101 = arith.constant 3128 : i32
          %add3A_102 = arith.addi %mul3A_0, %add3A_101 : i32
          %dma_start3A_103 = arith.constant 0 : i32
          %dma_start3A_104 = tpu.memref_slice %arg15[%add3A_102, %dma_start3A_103] : memref<100096x16xf32, #tpu.memory_space<vmem_shared>> -> memref<391x16xf32, #tpu.memory_space<vmem_shared>>
          %dma_start3A_105 = arith.constant 0 : i32
          %dma_start3A_106 = tpu.memref_slice %arg15[%add3A_102, %dma_start3A_105] : memref<100096x16xf32, #tpu.memory_space<vmem_shared>> -> memref<391x16xf32, #tpu.memory_space<vmem_shared>>
          tpu.enqueue_dma source(%arg9 : memref<391x16xf32, #tpu.memory_space<vmem>>) target(%dma_start3A_106 : memref<391x16xf32, #tpu.memory_space<vmem_shared>>) target_semaphore(%arg18 : memref<!tpu.dma_semaphore, #tpu.memory_space<semaphore_mem>>)
          %add3A_107 = arith.constant 3519 : i32
          %add3A_108 = arith.addi %mul3A_0, %add3A_107 : i32
          %dma_start3A_109 = arith.constant 0 : i32
          %dma_start3A_110 = tpu.memref_slice %arg15[%add3A_108, %dma_start3A_109] : memref<100096x16xf32, #tpu.memory_space<vmem_shared>> -> memref<391x16xf32, #tpu.memory_space<vmem_shared>>
          %dma_start3A_111 = arith.constant 0 : i32
          %dma_start3A_112 = tpu.memref_slice %arg15[%add3A_108, %dma_start3A_111] : memref<100096x16xf32, #tpu.memory_space<vmem_shared>> -> memref<391x16xf32, #tpu.memory_space<vmem_shared>>
          tpu.enqueue_dma source(%arg9 : memref<391x16xf32, #tpu.memory_space<vmem>>) target(%dma_start3A_112 : memref<391x16xf32, #tpu.memory_space<vmem_shared>>) target_semaphore(%arg18 : memref<!tpu.dma_semaphore, #tpu.memory_space<semaphore_mem>>)
          %add3A_113 = arith.constant 3910 : i32
          %add3A_114 = arith.addi %mul3A_0, %add3A_113 : i32
          %dma_start3A_115 = arith.constant 0 : i32
          %dma_start3A_116 = tpu.memref_slice %arg15[%add3A_114, %dma_start3A_115] : memref<100096x16xf32, #tpu.memory_space<vmem_shared>> -> memref<391x16xf32, #tpu.memory_space<vmem_shared>>
          %dma_start3A_117 = arith.constant 0 : i32
          %dma_start3A_118 = tpu.memref_slice %arg15[%add3A_114, %dma_start3A_117] : memref<100096x16xf32, #tpu.memory_space<vmem_shared>> -> memref<391x16xf32, #tpu.memory_space<vmem_shared>>
          tpu.enqueue_dma source(%arg9 : memref<391x16xf32, #tpu.memory_space<vmem>>) target(%dma_start3A_118 : memref<391x16xf32, #tpu.memory_space<vmem_shared>>) target_semaphore(%arg18 : memref<!tpu.dma_semaphore, #tpu.memory_space<semaphore_mem>>)
          %add3A_119 = arith.constant 4301 : i32
          %add3A_120 = arith.addi %mul3A_0, %add3A_119 : i32
          %dma_start3A_121 = arith.constant 0 : i32
          %dma_start3A_122 = tpu.memref_slice %arg15[%add3A_120, %dma_start3A_121] : memref<100096x16xf32, #tpu.memory_space<vmem_shared>> -> memref<391x16xf32, #tpu.memory_space<vmem_shared>>
          %dma_start3A_123 = arith.constant 0 : i32
          %dma_start3A_124 = tpu.memref_slice %arg15[%add3A_120, %dma_start3A_123] : memref<100096x16xf32, #tpu.memory_space<vmem_shared>> -> memref<391x16xf32, #tpu.memory_space<vmem_shared>>
          tpu.enqueue_dma source(%arg9 : memref<391x16xf32, #tpu.memory_space<vmem>>) target(%dma_start3A_124 : memref<391x16xf32, #tpu.memory_space<vmem_shared>>) target_semaphore(%arg18 : memref<!tpu.dma_semaphore, #tpu.memory_space<semaphore_mem>>)
          %add3A_125 = arith.constant 4692 : i32
          %add3A_126 = arith.addi %mul3A_0, %add3A_125 : i32
          %dma_start3A_127 = arith.constant 0 : i32
          %dma_start3A_128 = tpu.memref_slice %arg15[%add3A_126, %dma_start3A_127] : memref<100096x16xf32, #tpu.memory_space<vmem_shared>> -> memref<391x16xf32, #tpu.memory_space<vmem_shared>>
          %dma_start3A_129 = arith.constant 0 : i32
          %dma_start3A_130 = tpu.memref_slice %arg15[%add3A_126, %dma_start3A_129] : memref<100096x16xf32, #tpu.memory_space<vmem_shared>> -> memref<391x16xf32, #tpu.memory_space<vmem_shared>>
          tpu.enqueue_dma source(%arg9 : memref<391x16xf32, #tpu.memory_space<vmem>>) target(%dma_start3A_130 : memref<391x16xf32, #tpu.memory_space<vmem_shared>>) target_semaphore(%arg18 : memref<!tpu.dma_semaphore, #tpu.memory_space<semaphore_mem>>)
          %add3A_131 = arith.constant 5083 : i32
          %add3A_132 = arith.addi %mul3A_0, %add3A_131 : i32
          %dma_start3A_133 = arith.constant 0 : i32
          %dma_start3A_134 = tpu.memref_slice %arg15[%add3A_132, %dma_start3A_133] : memref<100096x16xf32, #tpu.memory_space<vmem_shared>> -> memref<391x16xf32, #tpu.memory_space<vmem_shared>>
          %dma_start3A_135 = arith.constant 0 : i32
          %dma_start3A_136 = tpu.memref_slice %arg15[%add3A_132, %dma_start3A_135] : memref<100096x16xf32, #tpu.memory_space<vmem_shared>> -> memref<391x16xf32, #tpu.memory_space<vmem_shared>>
          tpu.enqueue_dma source(%arg9 : memref<391x16xf32, #tpu.memory_space<vmem>>) target(%dma_start3A_136 : memref<391x16xf32, #tpu.memory_space<vmem_shared>>) target_semaphore(%arg18 : memref<!tpu.dma_semaphore, #tpu.memory_space<semaphore_mem>>)
          %add3A_137 = arith.constant 5474 : i32
          %add3A_138 = arith.addi %mul3A_0, %add3A_137 : i32
          %dma_start3A_139 = arith.constant 0 : i32
          %dma_start3A_140 = tpu.memref_slice %arg15[%add3A_138, %dma_start3A_139] : memref<100096x16xf32, #tpu.memory_space<vmem_shared>> -> memref<391x16xf32, #tpu.memory_space<vmem_shared>>
          %dma_start3A_141 = arith.constant 0 : i32
          %dma_start3A_142 = tpu.memref_slice %arg15[%add3A_138, %dma_start3A_141] : memref<100096x16xf32, #tpu.memory_space<vmem_shared>> -> memref<391x16xf32, #tpu.memory_space<vmem_shared>>
          tpu.enqueue_dma source(%arg9 : memref<391x16xf32, #tpu.memory_space<vmem>>) target(%dma_start3A_142 : memref<391x16xf32, #tpu.memory_space<vmem_shared>>) target_semaphore(%arg18 : memref<!tpu.dma_semaphore, #tpu.memory_space<semaphore_mem>>)
          %add3A_143 = arith.constant 5865 : i32
          %add3A_144 = arith.addi %mul3A_0, %add3A_143 : i32
          %dma_start3A_145 = arith.constant 0 : i32
          %dma_start3A_146 = tpu.memref_slice %arg15[%add3A_144, %dma_start3A_145] : memref<100096x16xf32, #tpu.memory_space<vmem_shared>> -> memref<391x16xf32, #tpu.memory_space<vmem_shared>>
          %dma_start3A_147 = arith.constant 0 : i32
          %dma_start3A_148 = tpu.memref_slice %arg15[%add3A_144, %dma_start3A_147] : memref<100096x16xf32, #tpu.memory_space<vmem_shared>> -> memref<391x16xf32, #tpu.memory_space<vmem_shared>>
          tpu.enqueue_dma source(%arg9 : memref<391x16xf32, #tpu.memory_space<vmem>>) target(%dma_start3A_148 : memref<391x16xf32, #tpu.memory_space<vmem_shared>>) target_semaphore(%arg18 : memref<!tpu.dma_semaphore, #tpu.memory_space<semaphore_mem>>)
          %dma_wait3A = arith.constant 0 : i32
          %dma_wait3A_149 = tpu.memref_slice %arg15[%mul3A_0, %dma_wait3A] : memref<100096x16xf32, #tpu.memory_space<vmem_shared>> -> memref<391x16xf32, #tpu.memory_space<vmem_shared>>
          %dma_wait3A_150 = arith.constant 0 : i32
          %dma_wait3A_151 = tpu.memref_slice %arg15[%mul3A_0, %dma_wait3A_150] : memref<100096x16xf32, #tpu.memory_space<vmem_shared>> -> memref<391x16xf32, #tpu.memory_space<vmem_shared>>
          tpu.wait_dma2 semaphore(%arg18 : memref<!tpu.dma_semaphore, #tpu.memory_space<semaphore_mem>>) src(%arg9 : memref<391x16xf32, #tpu.memory_space<vmem>>) dst(%dma_wait3A_151 : memref<391x16xf32, #tpu.memory_space<vmem_shared>>)
          %dma_wait3A_152 = arith.constant 0 : i32
          %dma_wait3A_153 = tpu.memref_slice %arg15[%mul3A_0, %dma_wait3A_152] : memref<100096x16xf32, #tpu.memory_space<vmem_shared>> -> memref<391x16xf32, #tpu.memory_space<vmem_shared>>
          %dma_wait3A_154 = arith.constant 0 : i32
          %dma_wait3A_155 = tpu.memref_slice %arg15[%mul3A_0, %dma_wait3A_154] : memref<100096x16xf32, #tpu.memory_space<vmem_shared>> -> memref<391x16xf32, #tpu.memory_space<vmem_shared>>
          tpu.wait_dma2 semaphore(%arg18 : memref<!tpu.dma_semaphore, #tpu.memory_space<semaphore_mem>>) src(%arg9 : memref<391x16xf32, #tpu.memory_space<vmem>>) dst(%dma_wait3A_155 : memref<391x16xf32, #tpu.memory_space<vmem_shared>>)
          %dma_wait3A_156 = arith.constant 0 : i32
          %dma_wait3A_157 = tpu.memref_slice %arg15[%mul3A_0, %dma_wait3A_156] : memref<100096x16xf32, #tpu.memory_space<vmem_shared>> -> memref<391x16xf32, #tpu.memory_space<vmem_shared>>
          %dma_wait3A_158 = arith.constant 0 : i32
          %dma_wait3A_159 = tpu.memref_slice %arg15[%mul3A_0, %dma_wait3A_158] : memref<100096x16xf32, #tpu.memory_space<vmem_shared>> -> memref<391x16xf32, #tpu.memory_space<vmem_shared>>
          tpu.wait_dma2 semaphore(%arg18 : memref<!tpu.dma_semaphore, #tpu.memory_space<semaphore_mem>>) src(%arg9 : memref<391x16xf32, #tpu.memory_space<vmem>>) dst(%dma_wait3A_159 : memref<391x16xf32, #tpu.memory_space<vmem_shared>>)
          %dma_wait3A_160 = arith.constant 0 : i32
          %dma_wait3A_161 = tpu.memref_slice %arg15[%mul3A_0, %dma_wait3A_160] : memref<100096x16xf32, #tpu.memory_space<vmem_shared>> -> memref<391x16xf32, #tpu.memory_space<vmem_shared>>
          %dma_wait3A_162 = arith.constant 0 : i32
          %dma_wait3A_163 = tpu.memref_slice %arg15[%mul3A_0, %dma_wait3A_162] : memref<100096x16xf32, #tpu.memory_space<vmem_shared>> -> memref<391x16xf32, #tpu.memory_space<vmem_shared>>
          tpu.wait_dma2 semaphore(%arg18 : memref<!tpu.dma_semaphore, #tpu.memory_space<semaphore_mem>>) src(%arg9 : memref<391x16xf32, #tpu.memory_space<vmem>>) dst(%dma_wait3A_163 : memref<391x16xf32, #tpu.memory_space<vmem_shared>>)
          %dma_wait3A_164 = arith.constant 0 : i32
          %dma_wait3A_165 = tpu.memref_slice %arg15[%mul3A_0, %dma_wait3A_164] : memref<100096x16xf32, #tpu.memory_space<vmem_shared>> -> memref<391x16xf32, #tpu.memory_space<vmem_shared>>
          %dma_wait3A_166 = arith.constant 0 : i32
          %dma_wait3A_167 = tpu.memref_slice %arg15[%mul3A_0, %dma_wait3A_166] : memref<100096x16xf32, #tpu.memory_space<vmem_shared>> -> memref<391x16xf32, #tpu.memory_space<vmem_shared>>
          tpu.wait_dma2 semaphore(%arg18 : memref<!tpu.dma_semaphore, #tpu.memory_space<semaphore_mem>>) src(%arg9 : memref<391x16xf32, #tpu.memory_space<vmem>>) dst(%dma_wait3A_167 : memref<391x16xf32, #tpu.memory_space<vmem_shared>>)
          %dma_wait3A_168 = arith.constant 0 : i32
          %dma_wait3A_169 = tpu.memref_slice %arg15[%mul3A_0, %dma_wait3A_168] : memref<100096x16xf32, #tpu.memory_space<vmem_shared>> -> memref<391x16xf32, #tpu.memory_space<vmem_shared>>
          %dma_wait3A_170 = arith.constant 0 : i32
          %dma_wait3A_171 = tpu.memref_slice %arg15[%mul3A_0, %dma_wait3A_170] : memref<100096x16xf32, #tpu.memory_space<vmem_shared>> -> memref<391x16xf32, #tpu.memory_space<vmem_shared>>
          tpu.wait_dma2 semaphore(%arg18 : memref<!tpu.dma_semaphore, #tpu.memory_space<semaphore_mem>>) src(%arg9 : memref<391x16xf32, #tpu.memory_space<vmem>>) dst(%dma_wait3A_171 : memref<391x16xf32, #tpu.memory_space<vmem_shared>>)
          %dma_wait3A_172 = arith.constant 0 : i32
          %dma_wait3A_173 = tpu.memref_slice %arg15[%mul3A_0, %dma_wait3A_172] : memref<100096x16xf32, #tpu.memory_space<vmem_shared>> -> memref<391x16xf32, #tpu.memory_space<vmem_shared>>
          %dma_wait3A_174 = arith.constant 0 : i32
          %dma_wait3A_175 = tpu.memref_slice %arg15[%mul3A_0, %dma_wait3A_174] : memref<100096x16xf32, #tpu.memory_space<vmem_shared>> -> memref<391x16xf32, #tpu.memory_space<vmem_shared>>
          tpu.wait_dma2 semaphore(%arg18 : memref<!tpu.dma_semaphore, #tpu.memory_space<semaphore_mem>>) src(%arg9 : memref<391x16xf32, #tpu.memory_space<vmem>>) dst(%dma_wait3A_175 : memref<391x16xf32, #tpu.memory_space<vmem_shared>>)
          %dma_wait3A_176 = arith.constant 0 : i32
          %dma_wait3A_177 = tpu.memref_slice %arg15[%mul3A_0, %dma_wait3A_176] : memref<100096x16xf32, #tpu.memory_space<vmem_shared>> -> memref<391x16xf32, #tpu.memory_space<vmem_shared>>
          %dma_wait3A_178 = arith.constant 0 : i32
          %dma_wait3A_179 = tpu.memref_slice %arg15[%mul3A_0, %dma_wait3A_178] : memref<100096x16xf32, #tpu.memory_space<vmem_shared>> -> memref<391x16xf32, #tpu.memory_space<vmem_shared>>
          tpu.wait_dma2 semaphore(%arg18 : memref<!tpu.dma_semaphore, #tpu.memory_space<semaphore_mem>>) src(%arg9 : memref<391x16xf32, #tpu.memory_space<vmem>>) dst(%dma_wait3A_179 : memref<391x16xf32, #tpu.memory_space<vmem_shared>>)
          %dma_wait3A_180 = arith.constant 0 : i32
          %dma_wait3A_181 = tpu.memref_slice %arg15[%mul3A_0, %dma_wait3A_180] : memref<100096x16xf32, #tpu.memory_space<vmem_shared>> -> memref<391x16xf32, #tpu.memory_space<vmem_shared>>
          %dma_wait3A_182 = arith.constant 0 : i32
          %dma_wait3A_183 = tpu.memref_slice %arg15[%mul3A_0, %dma_wait3A_182] : memref<100096x16xf32, #tpu.memory_space<vmem_shared>> -> memref<391x16xf32, #tpu.memory_space<vmem_shared>>
          tpu.wait_dma2 semaphore(%arg18 : memref<!tpu.dma_semaphore, #tpu.memory_space<semaphore_mem>>) src(%arg9 : memref<391x16xf32, #tpu.memory_space<vmem>>) dst(%dma_wait3A_183 : memref<391x16xf32, #tpu.memory_space<vmem_shared>>)
          %dma_wait3A_184 = arith.constant 0 : i32
          %dma_wait3A_185 = tpu.memref_slice %arg15[%mul3A_0, %dma_wait3A_184] : memref<100096x16xf32, #tpu.memory_space<vmem_shared>> -> memref<391x16xf32, #tpu.memory_space<vmem_shared>>
          %dma_wait3A_186 = arith.constant 0 : i32
          %dma_wait3A_187 = tpu.memref_slice %arg15[%mul3A_0, %dma_wait3A_186] : memref<100096x16xf32, #tpu.memory_space<vmem_shared>> -> memref<391x16xf32, #tpu.memory_space<vmem_shared>>
          tpu.wait_dma2 semaphore(%arg18 : memref<!tpu.dma_semaphore, #tpu.memory_space<semaphore_mem>>) src(%arg9 : memref<391x16xf32, #tpu.memory_space<vmem>>) dst(%dma_wait3A_187 : memref<391x16xf32, #tpu.memory_space<vmem_shared>>)
          %dma_wait3A_188 = arith.constant 0 : i32
          %dma_wait3A_189 = tpu.memref_slice %arg15[%mul3A_0, %dma_wait3A_188] : memref<100096x16xf32, #tpu.memory_space<vmem_shared>> -> memref<391x16xf32, #tpu.memory_space<vmem_shared>>
          %dma_wait3A_190 = arith.constant 0 : i32
          %dma_wait3A_191 = tpu.memref_slice %arg15[%mul3A_0, %dma_wait3A_190] : memref<100096x16xf32, #tpu.memory_space<vmem_shared>> -> memref<391x16xf32, #tpu.memory_space<vmem_shared>>
          tpu.wait_dma2 semaphore(%arg18 : memref<!tpu.dma_semaphore, #tpu.memory_space<semaphore_mem>>) src(%arg9 : memref<391x16xf32, #tpu.memory_space<vmem>>) dst(%dma_wait3A_191 : memref<391x16xf32, #tpu.memory_space<vmem_shared>>)
          %dma_wait3A_192 = arith.constant 0 : i32
          %dma_wait3A_193 = tpu.memref_slice %arg15[%mul3A_0, %dma_wait3A_192] : memref<100096x16xf32, #tpu.memory_space<vmem_shared>> -> memref<391x16xf32, #tpu.memory_space<vmem_shared>>
          %dma_wait3A_194 = arith.constant 0 : i32
          %dma_wait3A_195 = tpu.memref_slice %arg15[%mul3A_0, %dma_wait3A_194] : memref<100096x16xf32, #tpu.memory_space<vmem_shared>> -> memref<391x16xf32, #tpu.memory_space<vmem_shared>>
          tpu.wait_dma2 semaphore(%arg18 : memref<!tpu.dma_semaphore, #tpu.memory_space<semaphore_mem>>) src(%arg9 : memref<391x16xf32, #tpu.memory_space<vmem>>) dst(%dma_wait3A_195 : memref<391x16xf32, #tpu.memory_space<vmem_shared>>)
          %dma_wait3A_196 = arith.constant 0 : i32
          %dma_wait3A_197 = tpu.memref_slice %arg15[%mul3A_0, %dma_wait3A_196] : memref<100096x16xf32, #tpu.memory_space<vmem_shared>> -> memref<391x16xf32, #tpu.memory_space<vmem_shared>>
          %dma_wait3A_198 = arith.constant 0 : i32
          %dma_wait3A_199 = tpu.memref_slice %arg15[%mul3A_0, %dma_wait3A_198] : memref<100096x16xf32, #tpu.memory_space<vmem_shared>> -> memref<391x16xf32, #tpu.memory_space<vmem_shared>>
          tpu.wait_dma2 semaphore(%arg18 : memref<!tpu.dma_semaphore, #tpu.memory_space<semaphore_mem>>) src(%arg9 : memref<391x16xf32, #tpu.memory_space<vmem>>) dst(%dma_wait3A_199 : memref<391x16xf32, #tpu.memory_space<vmem_shared>>)
          %dma_wait3A_200 = arith.constant 0 : i32
          %dma_wait3A_201 = tpu.memref_slice %arg15[%mul3A_0, %dma_wait3A_200] : memref<100096x16xf32, #tpu.memory_space<vmem_shared>> -> memref<391x16xf32, #tpu.memory_space<vmem_shared>>
          %dma_wait3A_202 = arith.constant 0 : i32
          %dma_wait3A_203 = tpu.memref_slice %arg15[%mul3A_0, %dma_wait3A_202] : memref<100096x16xf32, #tpu.memory_space<vmem_shared>> -> memref<391x16xf32, #tpu.memory_space<vmem_shared>>
          tpu.wait_dma2 semaphore(%arg18 : memref<!tpu.dma_semaphore, #tpu.memory_space<semaphore_mem>>) src(%arg9 : memref<391x16xf32, #tpu.memory_space<vmem>>) dst(%dma_wait3A_203 : memref<391x16xf32, #tpu.memory_space<vmem_shared>>)
          %dma_wait3A_204 = arith.constant 0 : i32
          %dma_wait3A_205 = tpu.memref_slice %arg15[%mul3A_0, %dma_wait3A_204] : memref<100096x16xf32, #tpu.memory_space<vmem_shared>> -> memref<391x16xf32, #tpu.memory_space<vmem_shared>>
          %dma_wait3A_206 = arith.constant 0 : i32
          %dma_wait3A_207 = tpu.memref_slice %arg15[%mul3A_0, %dma_wait3A_206] : memref<100096x16xf32, #tpu.memory_space<vmem_shared>> -> memref<391x16xf32, #tpu.memory_space<vmem_shared>>
          tpu.wait_dma2 semaphore(%arg18 : memref<!tpu.dma_semaphore, #tpu.memory_space<semaphore_mem>>) src(%arg9 : memref<391x16xf32, #tpu.memory_space<vmem>>) dst(%dma_wait3A_207 : memref<391x16xf32, #tpu.memory_space<vmem_shared>>)
          %dma_wait3A_208 = arith.constant 0 : i32
          %dma_wait3A_209 = tpu.memref_slice %arg15[%mul3A_0, %dma_wait3A_208] : memref<100096x16xf32, #tpu.memory_space<vmem_shared>> -> memref<391x16xf32, #tpu.memory_space<vmem_shared>>
          %dma_wait3A_210 = arith.constant 0 : i32
          %dma_wait3A_211 = tpu.memref_slice %arg15[%mul3A_0, %dma_wait3A_210] : memref<100096x16xf32, #tpu.memory_space<vmem_shared>> -> memref<391x16xf32, #tpu.memory_space<vmem_shared>>
          tpu.wait_dma2 semaphore(%arg18 : memref<!tpu.dma_semaphore, #tpu.memory_space<semaphore_mem>>) src(%arg9 : memref<391x16xf32, #tpu.memory_space<vmem>>) dst(%dma_wait3A_211 : memref<391x16xf32, #tpu.memory_space<vmem_shared>>)
          %barrier3A = arith.constant 0 : index
          tpu.barrier barrier_id(%barrier3A)
          %scan3A_212 = arith.constant 0 : i32
          %scan3A_213 = arith.constant 0 : i32
          %scan3A_214 = arith.constant 7 : i32
          %scan3A_215 = arith.addi %scan3A_213, %scan3A_214 : i32
          %scan3A_216 = arith.constant 1 : i32
          %scan3A_217 = scf.for %scan3A_222 = %scan3A_213 to %scan3A_215 step %scan3A_216 iter_args(%scan3A_223 = %scan3A_212) -> (i32)  : i32 {
            "tpu.region"() ({
              %run_scoped3A = tpu.sem_alloc : memref<!tpu.dma_semaphore, #tpu.memory_space<semaphore_mem>>
              %dma_start3A_244 = arith.constant 0 : i32
              %dma_start3A_245 = tpu.memref_slice %arg3[%select_n3A, %select_n3A_53, %arg1, %scan3A_222, %dma_start3A_244] : memref<1x8x16x7x1792xi32, #tpu.memory_space<hbm>> -> memref<1x1x1x1x1792xi32, #tpu.memory_space<hbm>>
              %dma_start3A_246 = tpu.memref_squeeze %dma_start3A_245 : memref<1x1x1x1x1792xi32, #tpu.memory_space<hbm>> -> memref<1792xi32, #tpu.memory_space<hbm>>
              %dma_start3A_247 = arith.constant 0 : i32
              %dma_start3A_248 = tpu.memref_slice %arg3[%select_n3A, %select_n3A_53, %arg1, %scan3A_222, %dma_start3A_247] : memref<1x8x16x7x1792xi32, #tpu.memory_space<hbm>> -> memref<1x1x1x1x1792xi32, #tpu.memory_space<hbm>>
              %dma_start3A_249 = tpu.memref_squeeze %dma_start3A_248 : memref<1x1x1x1x1792xi32, #tpu.memory_space<hbm>> -> memref<1792xi32, #tpu.memory_space<hbm>>
              tpu.enqueue_dma source(%dma_start3A_249 : memref<1792xi32, #tpu.memory_space<hbm>>) target(%arg13 : memref<1792xi32, #tpu.memory_space<vmem>>) target_semaphore(%run_scoped3A : memref<!tpu.dma_semaphore, #tpu.memory_space<semaphore_mem>>)
              %dma_wait3A_250 = arith.constant 0 : i32
              %dma_wait3A_251 = tpu.memref_slice %arg3[%select_n3A, %select_n3A_53, %arg1, %scan3A_222, %dma_wait3A_250] : memref<1x8x16x7x1792xi32, #tpu.memory_space<hbm>> -> memref<1x1x1x1x1792xi32, #tpu.memory_space<hbm>>
              %dma_wait3A_252 = tpu.memref_squeeze %dma_wait3A_251 : memref<1x1x1x1x1792xi32, #tpu.memory_space<hbm>> -> memref<1792xi32, #tpu.memory_space<hbm>>
              %dma_wait3A_253 = arith.constant 0 : i32
              %dma_wait3A_254 = tpu.memref_slice %arg3[%select_n3A, %select_n3A_53, %arg1, %scan3A_222, %dma_wait3A_253] : memref<1x8x16x7x1792xi32, #tpu.memory_space<hbm>> -> memref<1x1x1x1x1792xi32, #tpu.memory_space<hbm>>
              %dma_wait3A_255 = tpu.memref_squeeze %dma_wait3A_254 : memref<1x1x1x1x1792xi32, #tpu.memory_space<hbm>> -> memref<1792xi32, #tpu.memory_space<hbm>>
              tpu.wait_dma2 semaphore(%run_scoped3A : memref<!tpu.dma_semaphore, #tpu.memory_space<semaphore_mem>>) src(%dma_wait3A_255 : memref<1792xi32, #tpu.memory_space<hbm>>) dst(%arg13 : memref<1792xi32, #tpu.memory_space<vmem>>)
              tpu.yield
            }) : () -> ()
            "tpu.region"() ({
              %run_scoped3A = tpu.sem_alloc : memref<!tpu.dma_semaphore, #tpu.memory_space<semaphore_mem>>
              %dma_start3A_244 = arith.constant 0 : i32
              %dma_start3A_245 = arith.constant 0 : i32
              %dma_start3A_246 = tpu.memref_slice %arg4[%select_n3A, %arg1, %scan3A_222, %dma_start3A_244, %dma_start3A_245] : memref<1x16x7x14x128xi32, #tpu.memory_space<hbm>> -> memref<1x1x1x14x128xi32, #tpu.memory_space<hbm>>
              %dma_start3A_247 = tpu.memref_squeeze %dma_start3A_246 : memref<1x1x1x14x128xi32, #tpu.memory_space<hbm>> -> memref<14x128xi32, #tpu.memory_space<hbm>>
              %dma_start3A_248 = arith.constant 0 : i32
              %dma_start3A_249 = arith.constant 0 : i32
              %dma_start3A_250 = tpu.memref_slice %arg4[%select_n3A, %arg1, %scan3A_222, %dma_start3A_248, %dma_start3A_249] : memref<1x16x7x14x128xi32, #tpu.memory_space<hbm>> -> memref<1x1x1x14x128xi32, #tpu.memory_space<hbm>>
              %dma_start3A_251 = tpu.memref_squeeze %dma_start3A_250 : memref<1x1x1x14x128xi32, #tpu.memory_space<hbm>> -> memref<14x128xi32, #tpu.memory_space<hbm>>
              tpu.enqueue_dma source(%dma_start3A_251 : memref<14x128xi32, #tpu.memory_space<hbm>>) target(%arg14 : memref<14x128xi32, #tpu.memory_space<vmem>>) target_semaphore(%run_scoped3A : memref<!tpu.dma_semaphore, #tpu.memory_space<semaphore_mem>>)
              %dma_wait3A_252 = arith.constant 0 : i32
              %dma_wait3A_253 = arith.constant 0 : i32
              %dma_wait3A_254 = tpu.memref_slice %arg4[%select_n3A, %arg1, %scan3A_222, %dma_wait3A_252, %dma_wait3A_253] : memref<1x16x7x14x128xi32, #tpu.memory_space<hbm>> -> memref<1x1x1x14x128xi32, #tpu.memory_space<hbm>>
              %dma_wait3A_255 = tpu.memref_squeeze %dma_wait3A_254 : memref<1x1x1x14x128xi32, #tpu.memory_space<hbm>> -> memref<14x128xi32, #tpu.memory_space<hbm>>
              %dma_wait3A_256 = arith.constant 0 : i32
              %dma_wait3A_257 = arith.constant 0 : i32
              %dma_wait3A_258 = tpu.memref_slice %arg4[%select_n3A, %arg1, %scan3A_222, %dma_wait3A_256, %dma_wait3A_257] : memref<1x16x7x14x128xi32, #tpu.memory_space<hbm>> -> memref<1x1x1x14x128xi32, #tpu.memory_space<hbm>>
              %dma_wait3A_259 = tpu.memref_squeeze %dma_wait3A_258 : memref<1x1x1x14x128xi32, #tpu.memory_space<hbm>> -> memref<14x128xi32, #tpu.memory_space<hbm>>
              tpu.wait_dma2 semaphore(%run_scoped3A : memref<!tpu.dma_semaphore, #tpu.memory_space<semaphore_mem>>) src(%dma_wait3A_259 : memref<14x128xi32, #tpu.memory_space<hbm>>) dst(%arg14 : memref<14x128xi32, #tpu.memory_space<vmem>>)
              tpu.yield
            }) : () -> ()
            %dma_start3A_224 = arith.constant 0 : i32
            %dma_start3A_225 = tpu.memref_slice %arg13[%dma_start3A_224] : memref<1792xi32, #tpu.memory_space<vmem>> -> memref<128xi32, #tpu.memory_space<vmem>>
            %dma_start3A_226 = arith.constant 0 : i32
            %dma_start3A_227 = arith.constant 0 : i32
            %dma_start3A_228 = tpu.memref_slice %arg2[%dma_start3A_226, %dma_start3A_227] : memref<800000x16xf32, #tpu.memory_space<hbm>> -> memref<800000x16xf32, #tpu.memory_space<hbm>>
            tpu.enqueue_indirect_dma source(%dma_start3A_228 : memref<800000x16xf32, #tpu.memory_space<hbm>>) target(%arg11 : memref<128x16xf32, #tpu.memory_space<vmem>>) offsets(%dma_start3A_225 : memref<128xi32, #tpu.memory_space<vmem>>) semaphore(%arg16 : memref<!tpu.dma_semaphore, #tpu.memory_space<semaphore_mem>>)
            %scan3A_229 = arith.constant 0 : i32
            %scan3A_230 = arith.constant 0 : i32
            %scan3A_231 = arith.constant 7 : i32
            %scan3A_232 = arith.addi %scan3A_230, %scan3A_231 : i32
            %scan3A_233 = arith.constant 1 : i32
            %scan3A_234 = scf.for %scan3A_244 = %scan3A_230 to %scan3A_232 step %scan3A_233 iter_args(%scan3A_245 = %scan3A_229) -> (i32)  : i32 {
              %mul3A_246 = arith.constant 2 : i32
              %mul3A_247 = arith.muli %mul3A_246, %scan3A_244 : i32
              %mul3A_248 = arith.constant 2 : i32
              %mul3A_249 = arith.muli %mul3A_248, %scan3A_244 : i32
              %add3A_250 = arith.constant 1 : i32
              %add3A_251 = arith.addi %mul3A_249, %add3A_250 : i32
              %gt3A = arith.constant 0 : i32
              %gt3A_252 = arith.cmpi sgt, %scan3A_244, %gt3A : i32
              %convert_element_type3A_253 = arith.extui %gt3A_252 : i1 to i32
              %cond3A_254 = arith.constant 0 : i32
              %cond3A_255 = arith.cmpi ne, %convert_element_type3A_253, %cond3A_254 : i32
              scf.if %cond3A_255 {
                %sub3A_300 = arith.constant 1 : i32
                %sub3A_301 = arith.subi %mul3A_247, %sub3A_300 : i32
                %dma_wait3A_302 = arith.constant 0 : i32
                %dma_wait3A_303 = tpu.memref_slice %arg14[%sub3A_301, %dma_wait3A_302] : memref<14x128xi32, #tpu.memory_space<vmem>> -> memref<1x128xi32, #tpu.memory_space<vmem>>
                %dma_wait3A_304 = tpu.memref_squeeze %dma_wait3A_303 : memref<1x128xi32, #tpu.memory_space<vmem>> -> memref<128xi32, #tpu.memory_space<vmem>>
                %dma_wait3A_305 = arith.constant 0 : i32
                %dma_wait3A_306 = arith.constant 0 : i32
                %dma_wait3A_307 = tpu.memref_slice %arg15[%dma_wait3A_305, %dma_wait3A_306] : memref<100096x16xf32, #tpu.memory_space<vmem_shared>> -> memref<100096x16xf32, #tpu.memory_space<vmem_shared>>
                tpu.wait_indirect_dma semaphore(%arg19 : memref<!tpu.dma_semaphore, #tpu.memory_space<semaphore_mem>>) src(%arg12 : memref<128x16xf32, #tpu.memory_space<vmem>>) dst(%dma_wait3A_307 : memref<100096x16xf32, #tpu.memory_space<vmem_shared>>)
              } else {
              }
              %mul3A_256 = arith.constant 128 : i32
              %mul3A_257 = arith.muli %add3A_251, %mul3A_256 : i32
              %dma_start3A_258 = tpu.memref_slice %arg13[%mul3A_257] : memref<1792xi32, #tpu.memory_space<vmem>> -> memref<128xi32, #tpu.memory_space<vmem>>
              %dma_start3A_259 = arith.constant 0 : i32
              %dma_start3A_260 = arith.constant 0 : i32
              %dma_start3A_261 = tpu.memref_slice %arg2[%dma_start3A_259, %dma_start3A_260] : memref<800000x16xf32, #tpu.memory_space<hbm>> -> memref<800000x16xf32, #tpu.memory_space<hbm>>
              tpu.enqueue_indirect_dma source(%dma_start3A_261 : memref<800000x16xf32, #tpu.memory_space<hbm>>) target(%arg12 : memref<128x16xf32, #tpu.memory_space<vmem>>) offsets(%dma_start3A_258 : memref<128xi32, #tpu.memory_space<vmem>>) semaphore(%arg17 : memref<!tpu.dma_semaphore, #tpu.memory_space<semaphore_mem>>)
              %mul3A_262 = arith.constant 128 : i32
              %mul3A_263 = arith.muli %mul3A_247, %mul3A_262 : i32
              %dma_wait3A_264 = tpu.memref_slice %arg13[%mul3A_263] : memref<1792xi32, #tpu.memory_space<vmem>> -> memref<128xi32, #tpu.memory_space<vmem>>
              %dma_wait3A_265 = arith.constant 0 : i32
              %dma_wait3A_266 = arith.constant 0 : i32
              %dma_wait3A_267 = tpu.memref_slice %arg2[%dma_wait3A_265, %dma_wait3A_266] : memref<800000x16xf32, #tpu.memory_space<hbm>> -> memref<800000x16xf32, #tpu.memory_space<hbm>>
              tpu.wait_indirect_dma semaphore(%arg16 : memref<!tpu.dma_semaphore, #tpu.memory_space<semaphore_mem>>) src(%dma_wait3A_267 : memref<800000x16xf32, #tpu.memory_space<hbm>>) dst(%arg11 : memref<128x16xf32, #tpu.memory_space<vmem>>)
              %dma_start3A_268 = arith.constant 0 : i32
              %dma_start3A_269 = tpu.memref_slice %arg14[%mul3A_247, %dma_start3A_268] : memref<14x128xi32, #tpu.memory_space<vmem>> -> memref<1x128xi32, #tpu.memory_space<vmem>>
              %dma_start3A_270 = tpu.memref_squeeze %dma_start3A_269 : memref<1x128xi32, #tpu.memory_space<vmem>> -> memref<128xi32, #tpu.memory_space<vmem>>
              %dma_start3A_271 = arith.constant 0 : i32
              %dma_start3A_272 = arith.constant 0 : i32
              %dma_start3A_273 = tpu.memref_slice %arg15[%dma_start3A_271, %dma_start3A_272] : memref<100096x16xf32, #tpu.memory_space<vmem_shared>> -> memref<100096x16xf32, #tpu.memory_space<vmem_shared>>
              tpu.enqueue_indirect_dma source(%arg11 : memref<128x16xf32, #tpu.memory_space<vmem>>) target(%dma_start3A_273 : memref<100096x16xf32, #tpu.memory_space<vmem_shared>>) offsets(%dma_start3A_270 : memref<128xi32, #tpu.memory_space<vmem>>) semaphore(%arg18 : memref<!tpu.dma_semaphore, #tpu.memory_space<semaphore_mem>>) {add = true}
              %dma_wait3A_274 = arith.constant 0 : i32
              %dma_wait3A_275 = tpu.memref_slice %arg14[%mul3A_247, %dma_wait3A_274] : memref<14x128xi32, #tpu.memory_space<vmem>> -> memref<1x128xi32, #tpu.memory_space<vmem>>
              %dma_wait3A_276 = tpu.memref_squeeze %dma_wait3A_275 : memref<1x128xi32, #tpu.memory_space<vmem>> -> memref<128xi32, #tpu.memory_space<vmem>>
              %dma_wait3A_277 = arith.constant 0 : i32
              %dma_wait3A_278 = arith.constant 0 : i32
              %dma_wait3A_279 = tpu.memref_slice %arg15[%dma_wait3A_277, %dma_wait3A_278] : memref<100096x16xf32, #tpu.memory_space<vmem_shared>> -> memref<100096x16xf32, #tpu.memory_space<vmem_shared>>
              tpu.wait_indirect_dma semaphore(%arg18 : memref<!tpu.dma_semaphore, #tpu.memory_space<semaphore_mem>>) src(%arg11 : memref<128x16xf32, #tpu.memory_space<vmem>>) dst(%dma_wait3A_279 : memref<100096x16xf32, #tpu.memory_space<vmem_shared>>)
              %add3A_280 = arith.constant 1 : i32
              %add3A_281 = arith.addi %add3A_251, %add3A_280 : i32
              %lt3A_282 = arith.constant 14 : i32
              %lt3A_283 = arith.cmpi slt, %add3A_281, %lt3A_282 : i32
              %convert_element_type3A_284 = arith.extui %lt3A_283 : i1 to i32
              %cond3A_285 = arith.constant 0 : i32
              %cond3A_286 = arith.cmpi ne, %convert_element_type3A_284, %cond3A_285 : i32
              scf.if %cond3A_286 {
                %add3A_300 = arith.constant 1 : i32
                %add3A_301 = arith.addi %add3A_251, %add3A_300 : i32
                %mul3A_302 = arith.constant 128 : i32
                %mul3A_303 = arith.muli %add3A_301, %mul3A_302 : i32
                %dma_start3A_304 = tpu.memref_slice %arg13[%mul3A_303] : memref<1792xi32, #tpu.memory_space<vmem>> -> memref<128xi32, #tpu.memory_space<vmem>>
                %dma_start3A_305 = arith.constant 0 : i32
                %dma_start3A_306 = arith.constant 0 : i32
                %dma_start3A_307 = tpu.memref_slice %arg2[%dma_start3A_305, %dma_start3A_306] : memref<800000x16xf32, #tpu.memory_space<hbm>> -> memref<800000x16xf32, #tpu.memory_space<hbm>>
                tpu.enqueue_indirect_dma source(%dma_start3A_307 : memref<800000x16xf32, #tpu.memory_space<hbm>>) target(%arg11 : memref<128x16xf32, #tpu.memory_space<vmem>>) offsets(%dma_start3A_304 : memref<128xi32, #tpu.memory_space<vmem>>) semaphore(%arg16 : memref<!tpu.dma_semaphore, #tpu.memory_space<semaphore_mem>>)
              } else {
              }
              %mul3A_287 = arith.constant 128 : i32
              %mul3A_288 = arith.muli %add3A_251, %mul3A_287 : i32
              %dma_wait3A_289 = tpu.memref_slice %arg13[%mul3A_288] : memref<1792xi32, #tpu.memory_space<vmem>> -> memref<128xi32, #tpu.memory_space<vmem>>
              %dma_wait3A_290 = arith.constant 0 : i32
              %dma_wait3A_291 = arith.constant 0 : i32
              %dma_wait3A_292 = tpu.memref_slice %arg2[%dma_wait3A_290, %dma_wait3A_291] : memref<800000x16xf32, #tpu.memory_space<hbm>> -> memref<800000x16xf32, #tpu.memory_space<hbm>>
              tpu.wait_indirect_dma semaphore(%arg17 : memref<!tpu.dma_semaphore, #tpu.memory_space<semaphore_mem>>) src(%dma_wait3A_292 : memref<800000x16xf32, #tpu.memory_space<hbm>>) dst(%arg12 : memref<128x16xf32, #tpu.memory_space<vmem>>)
              %dma_start3A_293 = arith.constant 0 : i32
              %dma_start3A_294 = tpu.memref_slice %arg14[%add3A_251, %dma_start3A_293] : memref<14x128xi32, #tpu.memory_space<vmem>> -> memref<1x128xi32, #tpu.memory_space<vmem>>
              %dma_start3A_295 = tpu.memref_squeeze %dma_start3A_294 : memref<1x128xi32, #tpu.memory_space<vmem>> -> memref<128xi32, #tpu.memory_space<vmem>>
              %dma_start3A_296 = arith.constant 0 : i32
              %dma_start3A_297 = arith.constant 0 : i32
              %dma_start3A_298 = tpu.memref_slice %arg15[%dma_start3A_296, %dma_start3A_297] : memref<100096x16xf32, #tpu.memory_space<vmem_shared>> -> memref<100096x16xf32, #tpu.memory_space<vmem_shared>>
              tpu.enqueue_indirect_dma source(%arg12 : memref<128x16xf32, #tpu.memory_space<vmem>>) target(%dma_start3A_298 : memref<100096x16xf32, #tpu.memory_space<vmem_shared>>) offsets(%dma_start3A_295 : memref<128xi32, #tpu.memory_space<vmem>>) semaphore(%arg19 : memref<!tpu.dma_semaphore, #tpu.memory_space<semaphore_mem>>) {add = true}
              %scan3A_299 = arith.constant 0 : i32
              scf.yield %scan3A_299 : i32
            }
            %scan3A_235 = arith.constant 7 : i32
            %dma_wait3A_236 = arith.constant 13 : i32
            %dma_wait3A_237 = arith.constant 0 : i32
            %dma_wait3A_238 = tpu.memref_slice %arg14[%dma_wait3A_236, %dma_wait3A_237] : memref<14x128xi32, #tpu.memory_space<vmem>> -> memref<1x128xi32, #tpu.memory_space<vmem>>
            %dma_wait3A_239 = tpu.memref_squeeze %dma_wait3A_238 : memref<1x128xi32, #tpu.memory_space<vmem>> -> memref<128xi32, #tpu.memory_space<vmem>>
            %dma_wait3A_240 = arith.constant 0 : i32
            %dma_wait3A_241 = arith.constant 0 : i32
            %dma_wait3A_242 = tpu.memref_slice %arg15[%dma_wait3A_240, %dma_wait3A_241] : memref<100096x16xf32, #tpu.memory_space<vmem_shared>> -> memref<100096x16xf32, #tpu.memory_space<vmem_shared>>
            tpu.wait_indirect_dma semaphore(%arg19 : memref<!tpu.dma_semaphore, #tpu.memory_space<semaphore_mem>>) src(%arg12 : memref<128x16xf32, #tpu.memory_space<vmem>>) dst(%dma_wait3A_242 : memref<100096x16xf32, #tpu.memory_space<vmem_shared>>)
            %scan3A_243 = arith.constant 0 : i32
            scf.yield %scan3A_243 : i32
          }
          %scan3A_218 = arith.constant 7 : i32
          %barrier3A_219 = arith.constant 0 : index
          tpu.barrier barrier_id(%barrier3A_219)
          %mul3A_220 = arith.constant 16 : i32
          %mul3A_221 = arith.muli %select_n3A_53, %mul3A_220 : i32
          "tpu.region"() ({
            %run_scoped3A = tpu.sem_alloc : memref<!tpu.dma_semaphore, #tpu.memory_space<semaphore_mem>>
            %dma_start3A_222 = tpu.memref_slice %arg7[%select_n3A, %mul3A_0, %mul3A_221] : memref<1x100096x128xf32, #tpu.memory_space<hbm>> -> memref<1x6256x16xf32, #tpu.memory_space<hbm>>
            %dma_start3A_223 = tpu.memref_squeeze %dma_start3A_222 : memref<1x6256x16xf32, #tpu.memory_space<hbm>> -> memref<6256x16xf32, #tpu.memory_space<hbm>>
            %dma_start3A_224 = arith.constant 0 : i32
            %dma_start3A_225 = tpu.memref_slice %arg15[%mul3A_0, %dma_start3A_224] : memref<100096x16xf32, #tpu.memory_space<vmem_shared>> -> memref<6256x16xf32, #tpu.memory_space<vmem_shared>>
            tpu.enqueue_dma source(%dma_start3A_225 : memref<6256x16xf32, #tpu.memory_space<vmem_shared>>) target(%dma_start3A_223 : memref<6256x16xf32, #tpu.memory_space<hbm>>) target_semaphore(%run_scoped3A : memref<!tpu.dma_semaphore, #tpu.memory_space<semaphore_mem>>)
            %dma_wait3A_226 = tpu.memref_slice %arg7[%select_n3A, %mul3A_0, %mul3A_221] : memref<1x100096x128xf32, #tpu.memory_space<hbm>> -> memref<1x6256x16xf32, #tpu.memory_space<hbm>>
            %dma_wait3A_227 = tpu.memref_squeeze %dma_wait3A_226 : memref<1x6256x16xf32, #tpu.memory_space<hbm>> -> memref<6256x16xf32, #tpu.memory_space<hbm>>
            %dma_wait3A_228 = arith.constant 0 : i32
            %dma_wait3A_229 = tpu.memref_slice %arg15[%mul3A_0, %dma_wait3A_228] : memref<100096x16xf32, #tpu.memory_space<vmem_shared>> -> memref<6256x16xf32, #tpu.memory_space<vmem_shared>>
            tpu.wait_dma2 semaphore(%run_scoped3A : memref<!tpu.dma_semaphore, #tpu.memory_space<semaphore_mem>>) src(%dma_wait3A_229 : memref<6256x16xf32, #tpu.memory_space<vmem_shared>>) dst(%dma_wait3A_227 : memref<6256x16xf32, #tpu.memory_space<hbm>>)
            tpu.yield
          }) : () -> ()
        } else {
        }
        %ge3A = arith.constant 8 : i32
        %ge3A_19 = arith.cmpi sge, %add3A, %ge3A : i32
        %convert_element_type3A_20 = arith.extui %ge3A_19 : i1 to i32
        %cond3A_21 = arith.constant 0 : i32
        %cond3A_22 = arith.cmpi ne, %convert_element_type3A_20, %cond3A_21 : i32
        scf.if %cond3A_22 {
          %sub3A = arith.constant 8 : i32
          %sub3A_23 = arith.subi %add3A, %sub3A : i32
          %add3A_24 = arith.constant 0 : i32
          %add3A_25 = arith.addi %mul3A_0, %add3A_24 : i32
          %dma_start3A = arith.constant 0 : i32
          %dma_start3A_26 = tpu.memref_slice %arg15[%add3A_25, %dma_start3A] : memref<100096x16xf32, #tpu.memory_space<vmem_shared>> -> memref<391x16xf32, #tpu.memory_space<vmem_shared>>
          %dma_start3A_27 = arith.constant 0 : i32
          %dma_start3A_28 = tpu.memref_slice %arg15[%add3A_25, %dma_start3A_27] : memref<100096x16xf32, #tpu.memory_space<vmem_shared>> -> memref<391x16xf32, #tpu.memory_space<vmem_shared>>
          tpu.enqueue_dma source(%arg9 : memref<391x16xf32, #tpu.memory_space<vmem>>) target(%dma_start3A_28 : memref<391x16xf32, #tpu.memory_space<vmem_shared>>) target_semaphore(%arg18 : memref<!tpu.dma_semaphore, #tpu.memory_space<semaphore_mem>>)
          %add3A_29 = arith.constant 391 : i32
          %add3A_30 = arith.addi %mul3A_0, %add3A_29 : i32
          %dma_start3A_31 = arith.constant 0 : i32
          %dma_start3A_32 = tpu.memref_slice %arg15[%add3A_30, %dma_start3A_31] : memref<100096x16xf32, #tpu.memory_space<vmem_shared>> -> memref<391x16xf32, #tpu.memory_space<vmem_shared>>
          %dma_start3A_33 = arith.constant 0 : i32
          %dma_start3A_34 = tpu.memref_slice %arg15[%add3A_30, %dma_start3A_33] : memref<100096x16xf32, #tpu.memory_space<vmem_shared>> -> memref<391x16xf32, #tpu.memory_space<vmem_shared>>
          tpu.enqueue_dma source(%arg9 : memref<391x16xf32, #tpu.memory_space<vmem>>) target(%dma_start3A_34 : memref<391x16xf32, #tpu.memory_space<vmem_shared>>) target_semaphore(%arg18 : memref<!tpu.dma_semaphore, #tpu.memory_space<semaphore_mem>>)
          %add3A_35 = arith.constant 782 : i32
          %add3A_36 = arith.addi %mul3A_0, %add3A_35 : i32
          %dma_start3A_37 = arith.constant 0 : i32
          %dma_start3A_38 = tpu.memref_slice %arg15[%add3A_36, %dma_start3A_37] : memref<100096x16xf32, #tpu.memory_space<vmem_shared>> -> memref<391x16xf32, #tpu.memory_space<vmem_shared>>
          %dma_start3A_39 = arith.constant 0 : i32
          %dma_start3A_40 = tpu.memref_slice %arg15[%add3A_36, %dma_start3A_39] : memref<100096x16xf32, #tpu.memory_space<vmem_shared>> -> memref<391x16xf32, #tpu.memory_space<vmem_shared>>
          tpu.enqueue_dma source(%arg9 : memref<391x16xf32, #tpu.memory_space<vmem>>) target(%dma_start3A_40 : memref<391x16xf32, #tpu.memory_space<vmem_shared>>) target_semaphore(%arg18 : memref<!tpu.dma_semaphore, #tpu.memory_space<semaphore_mem>>)
          %add3A_41 = arith.constant 1173 : i32
          %add3A_42 = arith.addi %mul3A_0, %add3A_41 : i32
          %dma_start3A_43 = arith.constant 0 : i32
          %dma_start3A_44 = tpu.memref_slice %arg15[%add3A_42, %dma_start3A_43] : memref<100096x16xf32, #tpu.memory_space<vmem_shared>> -> memref<391x16xf32, #tpu.memory_space<vmem_shared>>
          %dma_start3A_45 = arith.constant 0 : i32
          %dma_start3A_46 = tpu.memref_slice %arg15[%add3A_42, %dma_start3A_45] : memref<100096x16xf32, #tpu.memory_space<vmem_shared>> -> memref<391x16xf32, #tpu.memory_space<vmem_shared>>
          tpu.enqueue_dma source(%arg9 : memref<391x16xf32, #tpu.memory_space<vmem>>) target(%dma_start3A_46 : memref<391x16xf32, #tpu.memory_space<vmem_shared>>) target_semaphore(%arg18 : memref<!tpu.dma_semaphore, #tpu.memory_space<semaphore_mem>>)
          %add3A_47 = arith.constant 1564 : i32
          %add3A_48 = arith.addi %mul3A_0, %add3A_47 : i32
          %dma_start3A_49 = arith.constant 0 : i32
          %dma_start3A_50 = tpu.memref_slice %arg15[%add3A_48, %dma_start3A_49] : memref<100096x16xf32, #tpu.memory_space<vmem_shared>> -> memref<391x16xf32, #tpu.memory_space<vmem_shared>>
          %dma_start3A_51 = arith.constant 0 : i32
          %dma_start3A_52 = tpu.memref_slice %arg15[%add3A_48, %dma_start3A_51] : memref<100096x16xf32, #tpu.memory_space<vmem_shared>> -> memref<391x16xf32, #tpu.memory_space<vmem_shared>>
          tpu.enqueue_dma source(%arg9 : memref<391x16xf32, #tpu.memory_space<vmem>>) target(%dma_start3A_52 : memref<391x16xf32, #tpu.memory_space<vmem_shared>>) target_semaphore(%arg18 : memref<!tpu.dma_semaphore, #tpu.memory_space<semaphore_mem>>)
          %add3A_53 = arith.constant 1955 : i32
          %add3A_54 = arith.addi %mul3A_0, %add3A_53 : i32
          %dma_start3A_55 = arith.constant 0 : i32
          %dma_start3A_56 = tpu.memref_slice %arg15[%add3A_54, %dma_start3A_55] : memref<100096x16xf32, #tpu.memory_space<vmem_shared>> -> memref<391x16xf32, #tpu.memory_space<vmem_shared>>
          %dma_start3A_57 = arith.constant 0 : i32
          %dma_start3A_58 = tpu.memref_slice %arg15[%add3A_54, %dma_start3A_57] : memref<100096x16xf32, #tpu.memory_space<vmem_shared>> -> memref<391x16xf32, #tpu.memory_space<vmem_shared>>
          tpu.enqueue_dma source(%arg9 : memref<391x16xf32, #tpu.memory_space<vmem>>) target(%dma_start3A_58 : memref<391x16xf32, #tpu.memory_space<vmem_shared>>) target_semaphore(%arg18 : memref<!tpu.dma_semaphore, #tpu.memory_space<semaphore_mem>>)
          %add3A_59 = arith.constant 2346 : i32
          %add3A_60 = arith.addi %mul3A_0, %add3A_59 : i32
          %dma_start3A_61 = arith.constant 0 : i32
          %dma_start3A_62 = tpu.memref_slice %arg15[%add3A_60, %dma_start3A_61] : memref<100096x16xf32, #tpu.memory_space<vmem_shared>> -> memref<391x16xf32, #tpu.memory_space<vmem_shared>>
          %dma_start3A_63 = arith.constant 0 : i32
          %dma_start3A_64 = tpu.memref_slice %arg15[%add3A_60, %dma_start3A_63] : memref<100096x16xf32, #tpu.memory_space<vmem_shared>> -> memref<391x16xf32, #tpu.memory_space<vmem_shared>>
          tpu.enqueue_dma source(%arg9 : memref<391x16xf32, #tpu.memory_space<vmem>>) target(%dma_start3A_64 : memref<391x16xf32, #tpu.memory_space<vmem_shared>>) target_semaphore(%arg18 : memref<!tpu.dma_semaphore, #tpu.memory_space<semaphore_mem>>)
          %add3A_65 = arith.constant 2737 : i32
          %add3A_66 = arith.addi %mul3A_0, %add3A_65 : i32
          %dma_start3A_67 = arith.constant 0 : i32
          %dma_start3A_68 = tpu.memref_slice %arg15[%add3A_66, %dma_start3A_67] : memref<100096x16xf32, #tpu.memory_space<vmem_shared>> -> memref<391x16xf32, #tpu.memory_space<vmem_shared>>
          %dma_start3A_69 = arith.constant 0 : i32
          %dma_start3A_70 = tpu.memref_slice %arg15[%add3A_66, %dma_start3A_69] : memref<100096x16xf32, #tpu.memory_space<vmem_shared>> -> memref<391x16xf32, #tpu.memory_space<vmem_shared>>
          tpu.enqueue_dma source(%arg9 : memref<391x16xf32, #tpu.memory_space<vmem>>) target(%dma_start3A_70 : memref<391x16xf32, #tpu.memory_space<vmem_shared>>) target_semaphore(%arg18 : memref<!tpu.dma_semaphore, #tpu.memory_space<semaphore_mem>>)
          %add3A_71 = arith.constant 3128 : i32
          %add3A_72 = arith.addi %mul3A_0, %add3A_71 : i32
          %dma_start3A_73 = arith.constant 0 : i32
          %dma_start3A_74 = tpu.memref_slice %arg15[%add3A_72, %dma_start3A_73] : memref<100096x16xf32, #tpu.memory_space<vmem_shared>> -> memref<391x16xf32, #tpu.memory_space<vmem_shared>>
          %dma_start3A_75 = arith.constant 0 : i32
          %dma_start3A_76 = tpu.memref_slice %arg15[%add3A_72, %dma_start3A_75] : memref<100096x16xf32, #tpu.memory_space<vmem_shared>> -> memref<391x16xf32, #tpu.memory_space<vmem_shared>>
          tpu.enqueue_dma source(%arg9 : memref<391x16xf32, #tpu.memory_space<vmem>>) target(%dma_start3A_76 : memref<391x16xf32, #tpu.memory_space<vmem_shared>>) target_semaphore(%arg18 : memref<!tpu.dma_semaphore, #tpu.memory_space<semaphore_mem>>)
          %add3A_77 = arith.constant 3519 : i32
          %add3A_78 = arith.addi %mul3A_0, %add3A_77 : i32
          %dma_start3A_79 = arith.constant 0 : i32
          %dma_start3A_80 = tpu.memref_slice %arg15[%add3A_78, %dma_start3A_79] : memref<100096x16xf32, #tpu.memory_space<vmem_shared>> -> memref<391x16xf32, #tpu.memory_space<vmem_shared>>
          %dma_start3A_81 = arith.constant 0 : i32
          %dma_start3A_82 = tpu.memref_slice %arg15[%add3A_78, %dma_start3A_81] : memref<100096x16xf32, #tpu.memory_space<vmem_shared>> -> memref<391x16xf32, #tpu.memory_space<vmem_shared>>
          tpu.enqueue_dma source(%arg9 : memref<391x16xf32, #tpu.memory_space<vmem>>) target(%dma_start3A_82 : memref<391x16xf32, #tpu.memory_space<vmem_shared>>) target_semaphore(%arg18 : memref<!tpu.dma_semaphore, #tpu.memory_space<semaphore_mem>>)
          %add3A_83 = arith.constant 3910 : i32
          %add3A_84 = arith.addi %mul3A_0, %add3A_83 : i32
          %dma_start3A_85 = arith.constant 0 : i32
          %dma_start3A_86 = tpu.memref_slice %arg15[%add3A_84, %dma_start3A_85] : memref<100096x16xf32, #tpu.memory_space<vmem_shared>> -> memref<391x16xf32, #tpu.memory_space<vmem_shared>>
          %dma_start3A_87 = arith.constant 0 : i32
          %dma_start3A_88 = tpu.memref_slice %arg15[%add3A_84, %dma_start3A_87] : memref<100096x16xf32, #tpu.memory_space<vmem_shared>> -> memref<391x16xf32, #tpu.memory_space<vmem_shared>>
          tpu.enqueue_dma source(%arg9 : memref<391x16xf32, #tpu.memory_space<vmem>>) target(%dma_start3A_88 : memref<391x16xf32, #tpu.memory_space<vmem_shared>>) target_semaphore(%arg18 : memref<!tpu.dma_semaphore, #tpu.memory_space<semaphore_mem>>)
          %add3A_89 = arith.constant 4301 : i32
          %add3A_90 = arith.addi %mul3A_0, %add3A_89 : i32
          %dma_start3A_91 = arith.constant 0 : i32
          %dma_start3A_92 = tpu.memref_slice %arg15[%add3A_90, %dma_start3A_91] : memref<100096x16xf32, #tpu.memory_space<vmem_shared>> -> memref<391x16xf32, #tpu.memory_space<vmem_shared>>
          %dma_start3A_93 = arith.constant 0 : i32
          %dma_start3A_94 = tpu.memref_slice %arg15[%add3A_90, %dma_start3A_93] : memref<100096x16xf32, #tpu.memory_space<vmem_shared>> -> memref<391x16xf32, #tpu.memory_space<vmem_shared>>
          tpu.enqueue_dma source(%arg9 : memref<391x16xf32, #tpu.memory_space<vmem>>) target(%dma_start3A_94 : memref<391x16xf32, #tpu.memory_space<vmem_shared>>) target_semaphore(%arg18 : memref<!tpu.dma_semaphore, #tpu.memory_space<semaphore_mem>>)
          %add3A_95 = arith.constant 4692 : i32
          %add3A_96 = arith.addi %mul3A_0, %add3A_95 : i32
          %dma_start3A_97 = arith.constant 0 : i32
          %dma_start3A_98 = tpu.memref_slice %arg15[%add3A_96, %dma_start3A_97] : memref<100096x16xf32, #tpu.memory_space<vmem_shared>> -> memref<391x16xf32, #tpu.memory_space<vmem_shared>>
          %dma_start3A_99 = arith.constant 0 : i32
          %dma_start3A_100 = tpu.memref_slice %arg15[%add3A_96, %dma_start3A_99] : memref<100096x16xf32, #tpu.memory_space<vmem_shared>> -> memref<391x16xf32, #tpu.memory_space<vmem_shared>>
          tpu.enqueue_dma source(%arg9 : memref<391x16xf32, #tpu.memory_space<vmem>>) target(%dma_start3A_100 : memref<391x16xf32, #tpu.memory_space<vmem_shared>>) target_semaphore(%arg18 : memref<!tpu.dma_semaphore, #tpu.memory_space<semaphore_mem>>)
          %add3A_101 = arith.constant 5083 : i32
          %add3A_102 = arith.addi %mul3A_0, %add3A_101 : i32
          %dma_start3A_103 = arith.constant 0 : i32
          %dma_start3A_104 = tpu.memref_slice %arg15[%add3A_102, %dma_start3A_103] : memref<100096x16xf32, #tpu.memory_space<vmem_shared>> -> memref<391x16xf32, #tpu.memory_space<vmem_shared>>
          %dma_start3A_105 = arith.constant 0 : i32
          %dma_start3A_106 = tpu.memref_slice %arg15[%add3A_102, %dma_start3A_105] : memref<100096x16xf32, #tpu.memory_space<vmem_shared>> -> memref<391x16xf32, #tpu.memory_space<vmem_shared>>
          tpu.enqueue_dma source(%arg9 : memref<391x16xf32, #tpu.memory_space<vmem>>) target(%dma_start3A_106 : memref<391x16xf32, #tpu.memory_space<vmem_shared>>) target_semaphore(%arg18 : memref<!tpu.dma_semaphore, #tpu.memory_space<semaphore_mem>>)
          %add3A_107 = arith.constant 5474 : i32
          %add3A_108 = arith.addi %mul3A_0, %add3A_107 : i32
          %dma_start3A_109 = arith.constant 0 : i32
          %dma_start3A_110 = tpu.memref_slice %arg15[%add3A_108, %dma_start3A_109] : memref<100096x16xf32, #tpu.memory_space<vmem_shared>> -> memref<391x16xf32, #tpu.memory_space<vmem_shared>>
          %dma_start3A_111 = arith.constant 0 : i32
          %dma_start3A_112 = tpu.memref_slice %arg15[%add3A_108, %dma_start3A_111] : memref<100096x16xf32, #tpu.memory_space<vmem_shared>> -> memref<391x16xf32, #tpu.memory_space<vmem_shared>>
          tpu.enqueue_dma source(%arg9 : memref<391x16xf32, #tpu.memory_space<vmem>>) target(%dma_start3A_112 : memref<391x16xf32, #tpu.memory_space<vmem_shared>>) target_semaphore(%arg18 : memref<!tpu.dma_semaphore, #tpu.memory_space<semaphore_mem>>)
          %add3A_113 = arith.constant 5865 : i32
          %add3A_114 = arith.addi %mul3A_0, %add3A_113 : i32
          %dma_start3A_115 = arith.constant 0 : i32
          %dma_start3A_116 = tpu.memref_slice %arg15[%add3A_114, %dma_start3A_115] : memref<100096x16xf32, #tpu.memory_space<vmem_shared>> -> memref<391x16xf32, #tpu.memory_space<vmem_shared>>
          %dma_start3A_117 = arith.constant 0 : i32
          %dma_start3A_118 = tpu.memref_slice %arg15[%add3A_114, %dma_start3A_117] : memref<100096x16xf32, #tpu.memory_space<vmem_shared>> -> memref<391x16xf32, #tpu.memory_space<vmem_shared>>
          tpu.enqueue_dma source(%arg9 : memref<391x16xf32, #tpu.memory_space<vmem>>) target(%dma_start3A_118 : memref<391x16xf32, #tpu.memory_space<vmem_shared>>) target_semaphore(%arg18 : memref<!tpu.dma_semaphore, #tpu.memory_space<semaphore_mem>>)
          %dma_wait3A = arith.constant 0 : i32
          %dma_wait3A_119 = tpu.memref_slice %arg15[%mul3A_0, %dma_wait3A] : memref<100096x16xf32, #tpu.memory_space<vmem_shared>> -> memref<391x16xf32, #tpu.memory_space<vmem_shared>>
          %dma_wait3A_120 = arith.constant 0 : i32
          %dma_wait3A_121 = tpu.memref_slice %arg15[%mul3A_0, %dma_wait3A_120] : memref<100096x16xf32, #tpu.memory_space<vmem_shared>> -> memref<391x16xf32, #tpu.memory_space<vmem_shared>>
          tpu.wait_dma2 semaphore(%arg18 : memref<!tpu.dma_semaphore, #tpu.memory_space<semaphore_mem>>) src(%arg9 : memref<391x16xf32, #tpu.memory_space<vmem>>) dst(%dma_wait3A_121 : memref<391x16xf32, #tpu.memory_space<vmem_shared>>)
          %dma_wait3A_122 = arith.constant 0 : i32
          %dma_wait3A_123 = tpu.memref_slice %arg15[%mul3A_0, %dma_wait3A_122] : memref<100096x16xf32, #tpu.memory_space<vmem_shared>> -> memref<391x16xf32, #tpu.memory_space<vmem_shared>>
          %dma_wait3A_124 = arith.constant 0 : i32
          %dma_wait3A_125 = tpu.memref_slice %arg15[%mul3A_0, %dma_wait3A_124] : memref<100096x16xf32, #tpu.memory_space<vmem_shared>> -> memref<391x16xf32, #tpu.memory_space<vmem_shared>>
          tpu.wait_dma2 semaphore(%arg18 : memref<!tpu.dma_semaphore, #tpu.memory_space<semaphore_mem>>) src(%arg9 : memref<391x16xf32, #tpu.memory_space<vmem>>) dst(%dma_wait3A_125 : memref<391x16xf32, #tpu.memory_space<vmem_shared>>)
          %dma_wait3A_126 = arith.constant 0 : i32
          %dma_wait3A_127 = tpu.memref_slice %arg15[%mul3A_0, %dma_wait3A_126] : memref<100096x16xf32, #tpu.memory_space<vmem_shared>> -> memref<391x16xf32, #tpu.memory_space<vmem_shared>>
          %dma_wait3A_128 = arith.constant 0 : i32
          %dma_wait3A_129 = tpu.memref_slice %arg15[%mul3A_0, %dma_wait3A_128] : memref<100096x16xf32, #tpu.memory_space<vmem_shared>> -> memref<391x16xf32, #tpu.memory_space<vmem_shared>>
          tpu.wait_dma2 semaphore(%arg18 : memref<!tpu.dma_semaphore, #tpu.memory_space<semaphore_mem>>) src(%arg9 : memref<391x16xf32, #tpu.memory_space<vmem>>) dst(%dma_wait3A_129 : memref<391x16xf32, #tpu.memory_space<vmem_shared>>)
          %dma_wait3A_130 = arith.constant 0 : i32
          %dma_wait3A_131 = tpu.memref_slice %arg15[%mul3A_0, %dma_wait3A_130] : memref<100096x16xf32, #tpu.memory_space<vmem_shared>> -> memref<391x16xf32, #tpu.memory_space<vmem_shared>>
          %dma_wait3A_132 = arith.constant 0 : i32
          %dma_wait3A_133 = tpu.memref_slice %arg15[%mul3A_0, %dma_wait3A_132] : memref<100096x16xf32, #tpu.memory_space<vmem_shared>> -> memref<391x16xf32, #tpu.memory_space<vmem_shared>>
          tpu.wait_dma2 semaphore(%arg18 : memref<!tpu.dma_semaphore, #tpu.memory_space<semaphore_mem>>) src(%arg9 : memref<391x16xf32, #tpu.memory_space<vmem>>) dst(%dma_wait3A_133 : memref<391x16xf32, #tpu.memory_space<vmem_shared>>)
          %dma_wait3A_134 = arith.constant 0 : i32
          %dma_wait3A_135 = tpu.memref_slice %arg15[%mul3A_0, %dma_wait3A_134] : memref<100096x16xf32, #tpu.memory_space<vmem_shared>> -> memref<391x16xf32, #tpu.memory_space<vmem_shared>>
          %dma_wait3A_136 = arith.constant 0 : i32
          %dma_wait3A_137 = tpu.memref_slice %arg15[%mul3A_0, %dma_wait3A_136] : memref<100096x16xf32, #tpu.memory_space<vmem_shared>> -> memref<391x16xf32, #tpu.memory_space<vmem_shared>>
          tpu.wait_dma2 semaphore(%arg18 : memref<!tpu.dma_semaphore, #tpu.memory_space<semaphore_mem>>) src(%arg9 : memref<391x16xf32, #tpu.memory_space<vmem>>) dst(%dma_wait3A_137 : memref<391x16xf32, #tpu.memory_space<vmem_shared>>)
          %dma_wait3A_138 = arith.constant 0 : i32
          %dma_wait3A_139 = tpu.memref_slice %arg15[%mul3A_0, %dma_wait3A_138] : memref<100096x16xf32, #tpu.memory_space<vmem_shared>> -> memref<391x16xf32, #tpu.memory_space<vmem_shared>>
          %dma_wait3A_140 = arith.constant 0 : i32
          %dma_wait3A_141 = tpu.memref_slice %arg15[%mul3A_0, %dma_wait3A_140] : memref<100096x16xf32, #tpu.memory_space<vmem_shared>> -> memref<391x16xf32, #tpu.memory_space<vmem_shared>>
          tpu.wait_dma2 semaphore(%arg18 : memref<!tpu.dma_semaphore, #tpu.memory_space<semaphore_mem>>) src(%arg9 : memref<391x16xf32, #tpu.memory_space<vmem>>) dst(%dma_wait3A_141 : memref<391x16xf32, #tpu.memory_space<vmem_shared>>)
          %dma_wait3A_142 = arith.constant 0 : i32
          %dma_wait3A_143 = tpu.memref_slice %arg15[%mul3A_0, %dma_wait3A_142] : memref<100096x16xf32, #tpu.memory_space<vmem_shared>> -> memref<391x16xf32, #tpu.memory_space<vmem_shared>>
          %dma_wait3A_144 = arith.constant 0 : i32
          %dma_wait3A_145 = tpu.memref_slice %arg15[%mul3A_0, %dma_wait3A_144] : memref<100096x16xf32, #tpu.memory_space<vmem_shared>> -> memref<391x16xf32, #tpu.memory_space<vmem_shared>>
          tpu.wait_dma2 semaphore(%arg18 : memref<!tpu.dma_semaphore, #tpu.memory_space<semaphore_mem>>) src(%arg9 : memref<391x16xf32, #tpu.memory_space<vmem>>) dst(%dma_wait3A_145 : memref<391x16xf32, #tpu.memory_space<vmem_shared>>)
          %dma_wait3A_146 = arith.constant 0 : i32
          %dma_wait3A_147 = tpu.memref_slice %arg15[%mul3A_0, %dma_wait3A_146] : memref<100096x16xf32, #tpu.memory_space<vmem_shared>> -> memref<391x16xf32, #tpu.memory_space<vmem_shared>>
          %dma_wait3A_148 = arith.constant 0 : i32
          %dma_wait3A_149 = tpu.memref_slice %arg15[%mul3A_0, %dma_wait3A_148] : memref<100096x16xf32, #tpu.memory_space<vmem_shared>> -> memref<391x16xf32, #tpu.memory_space<vmem_shared>>
          tpu.wait_dma2 semaphore(%arg18 : memref<!tpu.dma_semaphore, #tpu.memory_space<semaphore_mem>>) src(%arg9 : memref<391x16xf32, #tpu.memory_space<vmem>>) dst(%dma_wait3A_149 : memref<391x16xf32, #tpu.memory_space<vmem_shared>>)
          %dma_wait3A_150 = arith.constant 0 : i32
          %dma_wait3A_151 = tpu.memref_slice %arg15[%mul3A_0, %dma_wait3A_150] : memref<100096x16xf32, #tpu.memory_space<vmem_shared>> -> memref<391x16xf32, #tpu.memory_space<vmem_shared>>
          %dma_wait3A_152 = arith.constant 0 : i32
          %dma_wait3A_153 = tpu.memref_slice %arg15[%mul3A_0, %dma_wait3A_152] : memref<100096x16xf32, #tpu.memory_space<vmem_shared>> -> memref<391x16xf32, #tpu.memory_space<vmem_shared>>
          tpu.wait_dma2 semaphore(%arg18 : memref<!tpu.dma_semaphore, #tpu.memory_space<semaphore_mem>>) src(%arg9 : memref<391x16xf32, #tpu.memory_space<vmem>>) dst(%dma_wait3A_153 : memref<391x16xf32, #tpu.memory_space<vmem_shared>>)
          %dma_wait3A_154 = arith.constant 0 : i32
          %dma_wait3A_155 = tpu.memref_slice %arg15[%mul3A_0, %dma_wait3A_154] : memref<100096x16xf32, #tpu.memory_space<vmem_shared>> -> memref<391x16xf32, #tpu.memory_space<vmem_shared>>
          %dma_wait3A_156 = arith.constant 0 : i32
          %dma_wait3A_157 = tpu.memref_slice %arg15[%mul3A_0, %dma_wait3A_156] : memref<100096x16xf32, #tpu.memory_space<vmem_shared>> -> memref<391x16xf32, #tpu.memory_space<vmem_shared>>
          tpu.wait_dma2 semaphore(%arg18 : memref<!tpu.dma_semaphore, #tpu.memory_space<semaphore_mem>>) src(%arg9 : memref<391x16xf32, #tpu.memory_space<vmem>>) dst(%dma_wait3A_157 : memref<391x16xf32, #tpu.memory_space<vmem_shared>>)
          %dma_wait3A_158 = arith.constant 0 : i32
          %dma_wait3A_159 = tpu.memref_slice %arg15[%mul3A_0, %dma_wait3A_158] : memref<100096x16xf32, #tpu.memory_space<vmem_shared>> -> memref<391x16xf32, #tpu.memory_space<vmem_shared>>
          %dma_wait3A_160 = arith.constant 0 : i32
          %dma_wait3A_161 = tpu.memref_slice %arg15[%mul3A_0, %dma_wait3A_160] : memref<100096x16xf32, #tpu.memory_space<vmem_shared>> -> memref<391x16xf32, #tpu.memory_space<vmem_shared>>
          tpu.wait_dma2 semaphore(%arg18 : memref<!tpu.dma_semaphore, #tpu.memory_space<semaphore_mem>>) src(%arg9 : memref<391x16xf32, #tpu.memory_space<vmem>>) dst(%dma_wait3A_161 : memref<391x16xf32, #tpu.memory_space<vmem_shared>>)
          %dma_wait3A_162 = arith.constant 0 : i32
          %dma_wait3A_163 = tpu.memref_slice %arg15[%mul3A_0, %dma_wait3A_162] : memref<100096x16xf32, #tpu.memory_space<vmem_shared>> -> memref<391x16xf32, #tpu.memory_space<vmem_shared>>
          %dma_wait3A_164 = arith.constant 0 : i32
          %dma_wait3A_165 = tpu.memref_slice %arg15[%mul3A_0, %dma_wait3A_164] : memref<100096x16xf32, #tpu.memory_space<vmem_shared>> -> memref<391x16xf32, #tpu.memory_space<vmem_shared>>
          tpu.wait_dma2 semaphore(%arg18 : memref<!tpu.dma_semaphore, #tpu.memory_space<semaphore_mem>>) src(%arg9 : memref<391x16xf32, #tpu.memory_space<vmem>>) dst(%dma_wait3A_165 : memref<391x16xf32, #tpu.memory_space<vmem_shared>>)
          %dma_wait3A_166 = arith.constant 0 : i32
          %dma_wait3A_167 = tpu.memref_slice %arg15[%mul3A_0, %dma_wait3A_166] : memref<100096x16xf32, #tpu.memory_space<vmem_shared>> -> memref<391x16xf32, #tpu.memory_space<vmem_shared>>
          %dma_wait3A_168 = arith.constant 0 : i32
          %dma_wait3A_169 = tpu.memref_slice %arg15[%mul3A_0, %dma_wait3A_168] : memref<100096x16xf32, #tpu.memory_space<vmem_shared>> -> memref<391x16xf32, #tpu.memory_space<vmem_shared>>
          tpu.wait_dma2 semaphore(%arg18 : memref<!tpu.dma_semaphore, #tpu.memory_space<semaphore_mem>>) src(%arg9 : memref<391x16xf32, #tpu.memory_space<vmem>>) dst(%dma_wait3A_169 : memref<391x16xf32, #tpu.memory_space<vmem_shared>>)
          %dma_wait3A_170 = arith.constant 0 : i32
          %dma_wait3A_171 = tpu.memref_slice %arg15[%mul3A_0, %dma_wait3A_170] : memref<100096x16xf32, #tpu.memory_space<vmem_shared>> -> memref<391x16xf32, #tpu.memory_space<vmem_shared>>
          %dma_wait3A_172 = arith.constant 0 : i32
          %dma_wait3A_173 = tpu.memref_slice %arg15[%mul3A_0, %dma_wait3A_172] : memref<100096x16xf32, #tpu.memory_space<vmem_shared>> -> memref<391x16xf32, #tpu.memory_space<vmem_shared>>
          tpu.wait_dma2 semaphore(%arg18 : memref<!tpu.dma_semaphore, #tpu.memory_space<semaphore_mem>>) src(%arg9 : memref<391x16xf32, #tpu.memory_space<vmem>>) dst(%dma_wait3A_173 : memref<391x16xf32, #tpu.memory_space<vmem_shared>>)
          %dma_wait3A_174 = arith.constant 0 : i32
          %dma_wait3A_175 = tpu.memref_slice %arg15[%mul3A_0, %dma_wait3A_174] : memref<100096x16xf32, #tpu.memory_space<vmem_shared>> -> memref<391x16xf32, #tpu.memory_space<vmem_shared>>
          %dma_wait3A_176 = arith.constant 0 : i32
          %dma_wait3A_177 = tpu.memref_slice %arg15[%mul3A_0, %dma_wait3A_176] : memref<100096x16xf32, #tpu.memory_space<vmem_shared>> -> memref<391x16xf32, #tpu.memory_space<vmem_shared>>
          tpu.wait_dma2 semaphore(%arg18 : memref<!tpu.dma_semaphore, #tpu.memory_space<semaphore_mem>>) src(%arg9 : memref<391x16xf32, #tpu.memory_space<vmem>>) dst(%dma_wait3A_177 : memref<391x16xf32, #tpu.memory_space<vmem_shared>>)
          %dma_wait3A_178 = arith.constant 0 : i32
          %dma_wait3A_179 = tpu.memref_slice %arg15[%mul3A_0, %dma_wait3A_178] : memref<100096x16xf32, #tpu.memory_space<vmem_shared>> -> memref<391x16xf32, #tpu.memory_space<vmem_shared>>
          %dma_wait3A_180 = arith.constant 0 : i32
          %dma_wait3A_181 = tpu.memref_slice %arg15[%mul3A_0, %dma_wait3A_180] : memref<100096x16xf32, #tpu.memory_space<vmem_shared>> -> memref<391x16xf32, #tpu.memory_space<vmem_shared>>
          tpu.wait_dma2 semaphore(%arg18 : memref<!tpu.dma_semaphore, #tpu.memory_space<semaphore_mem>>) src(%arg9 : memref<391x16xf32, #tpu.memory_space<vmem>>) dst(%dma_wait3A_181 : memref<391x16xf32, #tpu.memory_space<vmem_shared>>)
          %barrier3A = arith.constant 0 : index
          tpu.barrier barrier_id(%barrier3A)
          %scan3A_182 = arith.constant 0 : i32
          %scan3A_183 = arith.constant 0 : i32
          %scan3A_184 = arith.constant 7 : i32
          %scan3A_185 = arith.addi %scan3A_183, %scan3A_184 : i32
          %scan3A_186 = arith.constant 1 : i32
          %scan3A_187 = scf.for %scan3A_190 = %scan3A_183 to %scan3A_185 step %scan3A_186 iter_args(%scan3A_191 = %scan3A_182) -> (i32)  : i32 {
            "tpu.region"() ({
              %run_scoped3A = tpu.sem_alloc : memref<!tpu.dma_semaphore, #tpu.memory_space<semaphore_mem>>
              %dma_start3A_389 = arith.constant 0 : i32
              %dma_start3A_390 = arith.constant 0 : i32
              %dma_start3A_391 = tpu.memref_slice %arg4[%sub3A_23, %arg1, %scan3A_190, %dma_start3A_389, %dma_start3A_390] : memref<1x16x7x14x128xi32, #tpu.memory_space<hbm>> -> memref<1x1x1x14x128xi32, #tpu.memory_space<hbm>>
              %dma_start3A_392 = tpu.memref_squeeze %dma_start3A_391 : memref<1x1x1x14x128xi32, #tpu.memory_space<hbm>> -> memref<14x128xi32, #tpu.memory_space<hbm>>
              %dma_start3A_393 = arith.constant 0 : i32
              %dma_start3A_394 = arith.constant 0 : i32
              %dma_start3A_395 = tpu.memref_slice %arg4[%sub3A_23, %arg1, %scan3A_190, %dma_start3A_393, %dma_start3A_394] : memref<1x16x7x14x128xi32, #tpu.memory_space<hbm>> -> memref<1x1x1x14x128xi32, #tpu.memory_space<hbm>>
              %dma_start3A_396 = tpu.memref_squeeze %dma_start3A_395 : memref<1x1x1x14x128xi32, #tpu.memory_space<hbm>> -> memref<14x128xi32, #tpu.memory_space<hbm>>
              tpu.enqueue_dma source(%dma_start3A_396 : memref<14x128xi32, #tpu.memory_space<hbm>>) target(%arg14 : memref<14x128xi32, #tpu.memory_space<vmem>>) target_semaphore(%run_scoped3A : memref<!tpu.dma_semaphore, #tpu.memory_space<semaphore_mem>>)
              %dma_wait3A_397 = arith.constant 0 : i32
              %dma_wait3A_398 = arith.constant 0 : i32
              %dma_wait3A_399 = tpu.memref_slice %arg4[%sub3A_23, %arg1, %scan3A_190, %dma_wait3A_397, %dma_wait3A_398] : memref<1x16x7x14x128xi32, #tpu.memory_space<hbm>> -> memref<1x1x1x14x128xi32, #tpu.memory_space<hbm>>
              %dma_wait3A_400 = tpu.memref_squeeze %dma_wait3A_399 : memref<1x1x1x14x128xi32, #tpu.memory_space<hbm>> -> memref<14x128xi32, #tpu.memory_space<hbm>>
              %dma_wait3A_401 = arith.constant 0 : i32
              %dma_wait3A_402 = arith.constant 0 : i32
              %dma_wait3A_403 = tpu.memref_slice %arg4[%sub3A_23, %arg1, %scan3A_190, %dma_wait3A_401, %dma_wait3A_402] : memref<1x16x7x14x128xi32, #tpu.memory_space<hbm>> -> memref<1x1x1x14x128xi32, #tpu.memory_space<hbm>>
              %dma_wait3A_404 = tpu.memref_squeeze %dma_wait3A_403 : memref<1x1x1x14x128xi32, #tpu.memory_space<hbm>> -> memref<14x128xi32, #tpu.memory_space<hbm>>
              tpu.wait_dma2 semaphore(%run_scoped3A : memref<!tpu.dma_semaphore, #tpu.memory_space<semaphore_mem>>) src(%dma_wait3A_404 : memref<14x128xi32, #tpu.memory_space<hbm>>) dst(%arg14 : memref<14x128xi32, #tpu.memory_space<vmem>>)
              tpu.yield
            }) : () -> ()
            %dma_start3A_192 = arith.constant 0 : i32
            %dma_start3A_193 = arith.constant 0 : i32
            %dma_start3A_194 = tpu.memref_slice %arg14[%dma_start3A_192, %dma_start3A_193] : memref<14x128xi32, #tpu.memory_space<vmem>> -> memref<1x128xi32, #tpu.memory_space<vmem>>
            %dma_start3A_195 = tpu.memref_squeeze %dma_start3A_194 : memref<1x128xi32, #tpu.memory_space<vmem>> -> memref<128xi32, #tpu.memory_space<vmem>>
            %dma_start3A_196 = arith.constant 0 : i32
            %dma_start3A_197 = arith.constant 0 : i32
            %dma_start3A_198 = tpu.memref_slice %arg15[%dma_start3A_196, %dma_start3A_197] : memref<100096x16xf32, #tpu.memory_space<vmem_shared>> -> memref<100096x16xf32, #tpu.memory_space<vmem_shared>>
            tpu.enqueue_indirect_dma source(%arg10 : memref<128x16xf32, #tpu.memory_space<vmem>>) target(%dma_start3A_198 : memref<100096x16xf32, #tpu.memory_space<vmem_shared>>) offsets(%dma_start3A_195 : memref<128xi32, #tpu.memory_space<vmem>>) semaphore(%arg18 : memref<!tpu.dma_semaphore, #tpu.memory_space<semaphore_mem>>) {add = true}
            %dma_start3A_199 = arith.constant 1 : i32
            %dma_start3A_200 = arith.constant 0 : i32
            %dma_start3A_201 = tpu.memref_slice %arg14[%dma_start3A_199, %dma_start3A_200] : memref<14x128xi32, #tpu.memory_space<vmem>> -> memref<1x128xi32, #tpu.memory_space<vmem>>
            %dma_start3A_202 = tpu.memref_squeeze %dma_start3A_201 : memref<1x128xi32, #tpu.memory_space<vmem>> -> memref<128xi32, #tpu.memory_space<vmem>>
            %dma_start3A_203 = arith.constant 0 : i32
            %dma_start3A_204 = arith.constant 0 : i32
            %dma_start3A_205 = tpu.memref_slice %arg15[%dma_start3A_203, %dma_start3A_204] : memref<100096x16xf32, #tpu.memory_space<vmem_shared>> -> memref<100096x16xf32, #tpu.memory_space<vmem_shared>>
            tpu.enqueue_indirect_dma source(%arg10 : memref<128x16xf32, #tpu.memory_space<vmem>>) target(%dma_start3A_205 : memref<100096x16xf32, #tpu.memory_space<vmem_shared>>) offsets(%dma_start3A_202 : memref<128xi32, #tpu.memory_space<vmem>>) semaphore(%arg18 : memref<!tpu.dma_semaphore, #tpu.memory_space<semaphore_mem>>) {add = true}
            %dma_start3A_206 = arith.constant 2 : i32
            %dma_start3A_207 = arith.constant 0 : i32
            %dma_start3A_208 = tpu.memref_slice %arg14[%dma_start3A_206, %dma_start3A_207] : memref<14x128xi32, #tpu.memory_space<vmem>> -> memref<1x128xi32, #tpu.memory_space<vmem>>
            %dma_start3A_209 = tpu.memref_squeeze %dma_start3A_208 : memref<1x128xi32, #tpu.memory_space<vmem>> -> memref<128xi32, #tpu.memory_space<vmem>>
            %dma_start3A_210 = arith.constant 0 : i32
            %dma_start3A_211 = arith.constant 0 : i32
            %dma_start3A_212 = tpu.memref_slice %arg15[%dma_start3A_210, %dma_start3A_211] : memref<100096x16xf32, #tpu.memory_space<vmem_shared>> -> memref<100096x16xf32, #tpu.memory_space<vmem_shared>>
            tpu.enqueue_indirect_dma source(%arg10 : memref<128x16xf32, #tpu.memory_space<vmem>>) target(%dma_start3A_212 : memref<100096x16xf32, #tpu.memory_space<vmem_shared>>) offsets(%dma_start3A_209 : memref<128xi32, #tpu.memory_space<vmem>>) semaphore(%arg18 : memref<!tpu.dma_semaphore, #tpu.memory_space<semaphore_mem>>) {add = true}
            %dma_start3A_213 = arith.constant 3 : i32
            %dma_start3A_214 = arith.constant 0 : i32
            %dma_start3A_215 = tpu.memref_slice %arg14[%dma_start3A_213, %dma_start3A_214] : memref<14x128xi32, #tpu.memory_space<vmem>> -> memref<1x128xi32, #tpu.memory_space<vmem>>
            %dma_start3A_216 = tpu.memref_squeeze %dma_start3A_215 : memref<1x128xi32, #tpu.memory_space<vmem>> -> memref<128xi32, #tpu.memory_space<vmem>>
            %dma_start3A_217 = arith.constant 0 : i32
            %dma_start3A_218 = arith.constant 0 : i32
            %dma_start3A_219 = tpu.memref_slice %arg15[%dma_start3A_217, %dma_start3A_218] : memref<100096x16xf32, #tpu.memory_space<vmem_shared>> -> memref<100096x16xf32, #tpu.memory_space<vmem_shared>>
            tpu.enqueue_indirect_dma source(%arg10 : memref<128x16xf32, #tpu.memory_space<vmem>>) target(%dma_start3A_219 : memref<100096x16xf32, #tpu.memory_space<vmem_shared>>) offsets(%dma_start3A_216 : memref<128xi32, #tpu.memory_space<vmem>>) semaphore(%arg18 : memref<!tpu.dma_semaphore, #tpu.memory_space<semaphore_mem>>) {add = true}
            %dma_start3A_220 = arith.constant 4 : i32
            %dma_start3A_221 = arith.constant 0 : i32
            %dma_start3A_222 = tpu.memref_slice %arg14[%dma_start3A_220, %dma_start3A_221] : memref<14x128xi32, #tpu.memory_space<vmem>> -> memref<1x128xi32, #tpu.memory_space<vmem>>
            %dma_start3A_223 = tpu.memref_squeeze %dma_start3A_222 : memref<1x128xi32, #tpu.memory_space<vmem>> -> memref<128xi32, #tpu.memory_space<vmem>>
            %dma_start3A_224 = arith.constant 0 : i32
            %dma_start3A_225 = arith.constant 0 : i32
            %dma_start3A_226 = tpu.memref_slice %arg15[%dma_start3A_224, %dma_start3A_225] : memref<100096x16xf32, #tpu.memory_space<vmem_shared>> -> memref<100096x16xf32, #tpu.memory_space<vmem_shared>>
            tpu.enqueue_indirect_dma source(%arg10 : memref<128x16xf32, #tpu.memory_space<vmem>>) target(%dma_start3A_226 : memref<100096x16xf32, #tpu.memory_space<vmem_shared>>) offsets(%dma_start3A_223 : memref<128xi32, #tpu.memory_space<vmem>>) semaphore(%arg18 : memref<!tpu.dma_semaphore, #tpu.memory_space<semaphore_mem>>) {add = true}
            %dma_start3A_227 = arith.constant 5 : i32
            %dma_start3A_228 = arith.constant 0 : i32
            %dma_start3A_229 = tpu.memref_slice %arg14[%dma_start3A_227, %dma_start3A_228] : memref<14x128xi32, #tpu.memory_space<vmem>> -> memref<1x128xi32, #tpu.memory_space<vmem>>
            %dma_start3A_230 = tpu.memref_squeeze %dma_start3A_229 : memref<1x128xi32, #tpu.memory_space<vmem>> -> memref<128xi32, #tpu.memory_space<vmem>>
            %dma_start3A_231 = arith.constant 0 : i32
            %dma_start3A_232 = arith.constant 0 : i32
            %dma_start3A_233 = tpu.memref_slice %arg15[%dma_start3A_231, %dma_start3A_232] : memref<100096x16xf32, #tpu.memory_space<vmem_shared>> -> memref<100096x16xf32, #tpu.memory_space<vmem_shared>>
            tpu.enqueue_indirect_dma source(%arg10 : memref<128x16xf32, #tpu.memory_space<vmem>>) target(%dma_start3A_233 : memref<100096x16xf32, #tpu.memory_space<vmem_shared>>) offsets(%dma_start3A_230 : memref<128xi32, #tpu.memory_space<vmem>>) semaphore(%arg18 : memref<!tpu.dma_semaphore, #tpu.memory_space<semaphore_mem>>) {add = true}
            %dma_start3A_234 = arith.constant 6 : i32
            %dma_start3A_235 = arith.constant 0 : i32
            %dma_start3A_236 = tpu.memref_slice %arg14[%dma_start3A_234, %dma_start3A_235] : memref<14x128xi32, #tpu.memory_space<vmem>> -> memref<1x128xi32, #tpu.memory_space<vmem>>
            %dma_start3A_237 = tpu.memref_squeeze %dma_start3A_236 : memref<1x128xi32, #tpu.memory_space<vmem>> -> memref<128xi32, #tpu.memory_space<vmem>>
            %dma_start3A_238 = arith.constant 0 : i32
            %dma_start3A_239 = arith.constant 0 : i32
            %dma_start3A_240 = tpu.memref_slice %arg15[%dma_start3A_238, %dma_start3A_239] : memref<100096x16xf32, #tpu.memory_space<vmem_shared>> -> memref<100096x16xf32, #tpu.memory_space<vmem_shared>>
            tpu.enqueue_indirect_dma source(%arg10 : memref<128x16xf32, #tpu.memory_space<vmem>>) target(%dma_start3A_240 : memref<100096x16xf32, #tpu.memory_space<vmem_shared>>) offsets(%dma_start3A_237 : memref<128xi32, #tpu.memory_space<vmem>>) semaphore(%arg18 : memref<!tpu.dma_semaphore, #tpu.memory_space<semaphore_mem>>) {add = true}
            %dma_start3A_241 = arith.constant 7 : i32
            %dma_start3A_242 = arith.constant 0 : i32
            %dma_start3A_243 = tpu.memref_slice %arg14[%dma_start3A_241, %dma_start3A_242] : memref<14x128xi32, #tpu.memory_space<vmem>> -> memref<1x128xi32, #tpu.memory_space<vmem>>
            %dma_start3A_244 = tpu.memref_squeeze %dma_start3A_243 : memref<1x128xi32, #tpu.memory_space<vmem>> -> memref<128xi32, #tpu.memory_space<vmem>>
            %dma_start3A_245 = arith.constant 0 : i32
            %dma_start3A_246 = arith.constant 0 : i32
            %dma_start3A_247 = tpu.memref_slice %arg15[%dma_start3A_245, %dma_start3A_246] : memref<100096x16xf32, #tpu.memory_space<vmem_shared>> -> memref<100096x16xf32, #tpu.memory_space<vmem_shared>>
            tpu.enqueue_indirect_dma source(%arg10 : memref<128x16xf32, #tpu.memory_space<vmem>>) target(%dma_start3A_247 : memref<100096x16xf32, #tpu.memory_space<vmem_shared>>) offsets(%dma_start3A_244 : memref<128xi32, #tpu.memory_space<vmem>>) semaphore(%arg18 : memref<!tpu.dma_semaphore, #tpu.memory_space<semaphore_mem>>) {add = true}
            %dma_start3A_248 = arith.constant 8 : i32
            %dma_start3A_249 = arith.constant 0 : i32
            %dma_start3A_250 = tpu.memref_slice %arg14[%dma_start3A_248, %dma_start3A_249] : memref<14x128xi32, #tpu.memory_space<vmem>> -> memref<1x128xi32, #tpu.memory_space<vmem>>
            %dma_start3A_251 = tpu.memref_squeeze %dma_start3A_250 : memref<1x128xi32, #tpu.memory_space<vmem>> -> memref<128xi32, #tpu.memory_space<vmem>>
            %dma_start3A_252 = arith.constant 0 : i32
            %dma_start3A_253 = arith.constant 0 : i32
            %dma_start3A_254 = tpu.memref_slice %arg15[%dma_start3A_252, %dma_start3A_253] : memref<100096x16xf32, #tpu.memory_space<vmem_shared>> -> memref<100096x16xf32, #tpu.memory_space<vmem_shared>>
            tpu.enqueue_indirect_dma source(%arg10 : memref<128x16xf32, #tpu.memory_space<vmem>>) target(%dma_start3A_254 : memref<100096x16xf32, #tpu.memory_space<vmem_shared>>) offsets(%dma_start3A_251 : memref<128xi32, #tpu.memory_space<vmem>>) semaphore(%arg18 : memref<!tpu.dma_semaphore, #tpu.memory_space<semaphore_mem>>) {add = true}
            %dma_start3A_255 = arith.constant 9 : i32
            %dma_start3A_256 = arith.constant 0 : i32
            %dma_start3A_257 = tpu.memref_slice %arg14[%dma_start3A_255, %dma_start3A_256] : memref<14x128xi32, #tpu.memory_space<vmem>> -> memref<1x128xi32, #tpu.memory_space<vmem>>
            %dma_start3A_258 = tpu.memref_squeeze %dma_start3A_257 : memref<1x128xi32, #tpu.memory_space<vmem>> -> memref<128xi32, #tpu.memory_space<vmem>>
            %dma_start3A_259 = arith.constant 0 : i32
            %dma_start3A_260 = arith.constant 0 : i32
            %dma_start3A_261 = tpu.memref_slice %arg15[%dma_start3A_259, %dma_start3A_260] : memref<100096x16xf32, #tpu.memory_space<vmem_shared>> -> memref<100096x16xf32, #tpu.memory_space<vmem_shared>>
            tpu.enqueue_indirect_dma source(%arg10 : memref<128x16xf32, #tpu.memory_space<vmem>>) target(%dma_start3A_261 : memref<100096x16xf32, #tpu.memory_space<vmem_shared>>) offsets(%dma_start3A_258 : memref<128xi32, #tpu.memory_space<vmem>>) semaphore(%arg18 : memref<!tpu.dma_semaphore, #tpu.memory_space<semaphore_mem>>) {add = true}
            %dma_start3A_262 = arith.constant 10 : i32
            %dma_start3A_263 = arith.constant 0 : i32
            %dma_start3A_264 = tpu.memref_slice %arg14[%dma_start3A_262, %dma_start3A_263] : memref<14x128xi32, #tpu.memory_space<vmem>> -> memref<1x128xi32, #tpu.memory_space<vmem>>
            %dma_start3A_265 = tpu.memref_squeeze %dma_start3A_264 : memref<1x128xi32, #tpu.memory_space<vmem>> -> memref<128xi32, #tpu.memory_space<vmem>>
            %dma_start3A_266 = arith.constant 0 : i32
            %dma_start3A_267 = arith.constant 0 : i32
            %dma_start3A_268 = tpu.memref_slice %arg15[%dma_start3A_266, %dma_start3A_267] : memref<100096x16xf32, #tpu.memory_space<vmem_shared>> -> memref<100096x16xf32, #tpu.memory_space<vmem_shared>>
            tpu.enqueue_indirect_dma source(%arg10 : memref<128x16xf32, #tpu.memory_space<vmem>>) target(%dma_start3A_268 : memref<100096x16xf32, #tpu.memory_space<vmem_shared>>) offsets(%dma_start3A_265 : memref<128xi32, #tpu.memory_space<vmem>>) semaphore(%arg18 : memref<!tpu.dma_semaphore, #tpu.memory_space<semaphore_mem>>) {add = true}
            %dma_start3A_269 = arith.constant 11 : i32
            %dma_start3A_270 = arith.constant 0 : i32
            %dma_start3A_271 = tpu.memref_slice %arg14[%dma_start3A_269, %dma_start3A_270] : memref<14x128xi32, #tpu.memory_space<vmem>> -> memref<1x128xi32, #tpu.memory_space<vmem>>
            %dma_start3A_272 = tpu.memref_squeeze %dma_start3A_271 : memref<1x128xi32, #tpu.memory_space<vmem>> -> memref<128xi32, #tpu.memory_space<vmem>>
            %dma_start3A_273 = arith.constant 0 : i32
            %dma_start3A_274 = arith.constant 0 : i32
            %dma_start3A_275 = tpu.memref_slice %arg15[%dma_start3A_273, %dma_start3A_274] : memref<100096x16xf32, #tpu.memory_space<vmem_shared>> -> memref<100096x16xf32, #tpu.memory_space<vmem_shared>>
            tpu.enqueue_indirect_dma source(%arg10 : memref<128x16xf32, #tpu.memory_space<vmem>>) target(%dma_start3A_275 : memref<100096x16xf32, #tpu.memory_space<vmem_shared>>) offsets(%dma_start3A_272 : memref<128xi32, #tpu.memory_space<vmem>>) semaphore(%arg18 : memref<!tpu.dma_semaphore, #tpu.memory_space<semaphore_mem>>) {add = true}
            %dma_start3A_276 = arith.constant 12 : i32
            %dma_start3A_277 = arith.constant 0 : i32
            %dma_start3A_278 = tpu.memref_slice %arg14[%dma_start3A_276, %dma_start3A_277] : memref<14x128xi32, #tpu.memory_space<vmem>> -> memref<1x128xi32, #tpu.memory_space<vmem>>
            %dma_start3A_279 = tpu.memref_squeeze %dma_start3A_278 : memref<1x128xi32, #tpu.memory_space<vmem>> -> memref<128xi32, #tpu.memory_space<vmem>>
            %dma_start3A_280 = arith.constant 0 : i32
            %dma_start3A_281 = arith.constant 0 : i32
            %dma_start3A_282 = tpu.memref_slice %arg15[%dma_start3A_280, %dma_start3A_281] : memref<100096x16xf32, #tpu.memory_space<vmem_shared>> -> memref<100096x16xf32, #tpu.memory_space<vmem_shared>>
            tpu.enqueue_indirect_dma source(%arg10 : memref<128x16xf32, #tpu.memory_space<vmem>>) target(%dma_start3A_282 : memref<100096x16xf32, #tpu.memory_space<vmem_shared>>) offsets(%dma_start3A_279 : memref<128xi32, #tpu.memory_space<vmem>>) semaphore(%arg18 : memref<!tpu.dma_semaphore, #tpu.memory_space<semaphore_mem>>) {add = true}
            %dma_start3A_283 = arith.constant 13 : i32
            %dma_start3A_284 = arith.constant 0 : i32
            %dma_start3A_285 = tpu.memref_slice %arg14[%dma_start3A_283, %dma_start3A_284] : memref<14x128xi32, #tpu.memory_space<vmem>> -> memref<1x128xi32, #tpu.memory_space<vmem>>
            %dma_start3A_286 = tpu.memref_squeeze %dma_start3A_285 : memref<1x128xi32, #tpu.memory_space<vmem>> -> memref<128xi32, #tpu.memory_space<vmem>>
            %dma_start3A_287 = arith.constant 0 : i32
            %dma_start3A_288 = arith.constant 0 : i32
            %dma_start3A_289 = tpu.memref_slice %arg15[%dma_start3A_287, %dma_start3A_288] : memref<100096x16xf32, #tpu.memory_space<vmem_shared>> -> memref<100096x16xf32, #tpu.memory_space<vmem_shared>>
            tpu.enqueue_indirect_dma source(%arg10 : memref<128x16xf32, #tpu.memory_space<vmem>>) target(%dma_start3A_289 : memref<100096x16xf32, #tpu.memory_space<vmem_shared>>) offsets(%dma_start3A_286 : memref<128xi32, #tpu.memory_space<vmem>>) semaphore(%arg18 : memref<!tpu.dma_semaphore, #tpu.memory_space<semaphore_mem>>) {add = true}
            %dma_wait3A_290 = arith.constant 0 : i32
            %dma_wait3A_291 = arith.constant 0 : i32
            %dma_wait3A_292 = tpu.memref_slice %arg14[%dma_wait3A_290, %dma_wait3A_291] : memref<14x128xi32, #tpu.memory_space<vmem>> -> memref<1x128xi32, #tpu.memory_space<vmem>>
            %dma_wait3A_293 = tpu.memref_squeeze %dma_wait3A_292 : memref<1x128xi32, #tpu.memory_space<vmem>> -> memref<128xi32, #tpu.memory_space<vmem>>
            %dma_wait3A_294 = arith.constant 0 : i32
            %dma_wait3A_295 = arith.constant 0 : i32
            %dma_wait3A_296 = tpu.memref_slice %arg15[%dma_wait3A_294, %dma_wait3A_295] : memref<100096x16xf32, #tpu.memory_space<vmem_shared>> -> memref<100096x16xf32, #tpu.memory_space<vmem_shared>>
            tpu.wait_indirect_dma semaphore(%arg18 : memref<!tpu.dma_semaphore, #tpu.memory_space<semaphore_mem>>) src(%arg10 : memref<128x16xf32, #tpu.memory_space<vmem>>) dst(%dma_wait3A_296 : memref<100096x16xf32, #tpu.memory_space<vmem_shared>>)
            %dma_wait3A_297 = arith.constant 0 : i32
            %dma_wait3A_298 = arith.constant 0 : i32
            %dma_wait3A_299 = tpu.memref_slice %arg14[%dma_wait3A_297, %dma_wait3A_298] : memref<14x128xi32, #tpu.memory_space<vmem>> -> memref<1x128xi32, #tpu.memory_space<vmem>>
            %dma_wait3A_300 = tpu.memref_squeeze %dma_wait3A_299 : memref<1x128xi32, #tpu.memory_space<vmem>> -> memref<128xi32, #tpu.memory_space<vmem>>
            %dma_wait3A_301 = arith.constant 0 : i32
            %dma_wait3A_302 = arith.constant 0 : i32
            %dma_wait3A_303 = tpu.memref_slice %arg15[%dma_wait3A_301, %dma_wait3A_302] : memref<100096x16xf32, #tpu.memory_space<vmem_shared>> -> memref<100096x16xf32, #tpu.memory_space<vmem_shared>>
            tpu.wait_indirect_dma semaphore(%arg18 : memref<!tpu.dma_semaphore, #tpu.memory_space<semaphore_mem>>) src(%arg10 : memref<128x16xf32, #tpu.memory_space<vmem>>) dst(%dma_wait3A_303 : memref<100096x16xf32, #tpu.memory_space<vmem_shared>>)
            %dma_wait3A_304 = arith.constant 0 : i32
            %dma_wait3A_305 = arith.constant 0 : i32
            %dma_wait3A_306 = tpu.memref_slice %arg14[%dma_wait3A_304, %dma_wait3A_305] : memref<14x128xi32, #tpu.memory_space<vmem>> -> memref<1x128xi32, #tpu.memory_space<vmem>>
            %dma_wait3A_307 = tpu.memref_squeeze %dma_wait3A_306 : memref<1x128xi32, #tpu.memory_space<vmem>> -> memref<128xi32, #tpu.memory_space<vmem>>
            %dma_wait3A_308 = arith.constant 0 : i32
            %dma_wait3A_309 = arith.constant 0 : i32
            %dma_wait3A_310 = tpu.memref_slice %arg15[%dma_wait3A_308, %dma_wait3A_309] : memref<100096x16xf32, #tpu.memory_space<vmem_shared>> -> memref<100096x16xf32, #tpu.memory_space<vmem_shared>>
            tpu.wait_indirect_dma semaphore(%arg18 : memref<!tpu.dma_semaphore, #tpu.memory_space<semaphore_mem>>) src(%arg10 : memref<128x16xf32, #tpu.memory_space<vmem>>) dst(%dma_wait3A_310 : memref<100096x16xf32, #tpu.memory_space<vmem_shared>>)
            %dma_wait3A_311 = arith.constant 0 : i32
            %dma_wait3A_312 = arith.constant 0 : i32
            %dma_wait3A_313 = tpu.memref_slice %arg14[%dma_wait3A_311, %dma_wait3A_312] : memref<14x128xi32, #tpu.memory_space<vmem>> -> memref<1x128xi32, #tpu.memory_space<vmem>>
            %dma_wait3A_314 = tpu.memref_squeeze %dma_wait3A_313 : memref<1x128xi32, #tpu.memory_space<vmem>> -> memref<128xi32, #tpu.memory_space<vmem>>
            %dma_wait3A_315 = arith.constant 0 : i32
            %dma_wait3A_316 = arith.constant 0 : i32
            %dma_wait3A_317 = tpu.memref_slice %arg15[%dma_wait3A_315, %dma_wait3A_316] : memref<100096x16xf32, #tpu.memory_space<vmem_shared>> -> memref<100096x16xf32, #tpu.memory_space<vmem_shared>>
            tpu.wait_indirect_dma semaphore(%arg18 : memref<!tpu.dma_semaphore, #tpu.memory_space<semaphore_mem>>) src(%arg10 : memref<128x16xf32, #tpu.memory_space<vmem>>) dst(%dma_wait3A_317 : memref<100096x16xf32, #tpu.memory_space<vmem_shared>>)
            %dma_wait3A_318 = arith.constant 0 : i32
            %dma_wait3A_319 = arith.constant 0 : i32
            %dma_wait3A_320 = tpu.memref_slice %arg14[%dma_wait3A_318, %dma_wait3A_319] : memref<14x128xi32, #tpu.memory_space<vmem>> -> memref<1x128xi32, #tpu.memory_space<vmem>>
            %dma_wait3A_321 = tpu.memref_squeeze %dma_wait3A_320 : memref<1x128xi32, #tpu.memory_space<vmem>> -> memref<128xi32, #tpu.memory_space<vmem>>
            %dma_wait3A_322 = arith.constant 0 : i32
            %dma_wait3A_323 = arith.constant 0 : i32
            %dma_wait3A_324 = tpu.memref_slice %arg15[%dma_wait3A_322, %dma_wait3A_323] : memref<100096x16xf32, #tpu.memory_space<vmem_shared>> -> memref<100096x16xf32, #tpu.memory_space<vmem_shared>>
            tpu.wait_indirect_dma semaphore(%arg18 : memref<!tpu.dma_semaphore, #tpu.memory_space<semaphore_mem>>) src(%arg10 : memref<128x16xf32, #tpu.memory_space<vmem>>) dst(%dma_wait3A_324 : memref<100096x16xf32, #tpu.memory_space<vmem_shared>>)
            %dma_wait3A_325 = arith.constant 0 : i32
            %dma_wait3A_326 = arith.constant 0 : i32
            %dma_wait3A_327 = tpu.memref_slice %arg14[%dma_wait3A_325, %dma_wait3A_326] : memref<14x128xi32, #tpu.memory_space<vmem>> -> memref<1x128xi32, #tpu.memory_space<vmem>>
            %dma_wait3A_328 = tpu.memref_squeeze %dma_wait3A_327 : memref<1x128xi32, #tpu.memory_space<vmem>> -> memref<128xi32, #tpu.memory_space<vmem>>
            %dma_wait3A_329 = arith.constant 0 : i32
            %dma_wait3A_330 = arith.constant 0 : i32
            %dma_wait3A_331 = tpu.memref_slice %arg15[%dma_wait3A_329, %dma_wait3A_330] : memref<100096x16xf32, #tpu.memory_space<vmem_shared>> -> memref<100096x16xf32, #tpu.memory_space<vmem_shared>>
            tpu.wait_indirect_dma semaphore(%arg18 : memref<!tpu.dma_semaphore, #tpu.memory_space<semaphore_mem>>) src(%arg10 : memref<128x16xf32, #tpu.memory_space<vmem>>) dst(%dma_wait3A_331 : memref<100096x16xf32, #tpu.memory_space<vmem_shared>>)
            %dma_wait3A_332 = arith.constant 0 : i32
            %dma_wait3A_333 = arith.constant 0 : i32
            %dma_wait3A_334 = tpu.memref_slice %arg14[%dma_wait3A_332, %dma_wait3A_333] : memref<14x128xi32, #tpu.memory_space<vmem>> -> memref<1x128xi32, #tpu.memory_space<vmem>>
            %dma_wait3A_335 = tpu.memref_squeeze %dma_wait3A_334 : memref<1x128xi32, #tpu.memory_space<vmem>> -> memref<128xi32, #tpu.memory_space<vmem>>
            %dma_wait3A_336 = arith.constant 0 : i32
            %dma_wait3A_337 = arith.constant 0 : i32
            %dma_wait3A_338 = tpu.memref_slice %arg15[%dma_wait3A_336, %dma_wait3A_337] : memref<100096x16xf32, #tpu.memory_space<vmem_shared>> -> memref<100096x16xf32, #tpu.memory_space<vmem_shared>>
            tpu.wait_indirect_dma semaphore(%arg18 : memref<!tpu.dma_semaphore, #tpu.memory_space<semaphore_mem>>) src(%arg10 : memref<128x16xf32, #tpu.memory_space<vmem>>) dst(%dma_wait3A_338 : memref<100096x16xf32, #tpu.memory_space<vmem_shared>>)
            %dma_wait3A_339 = arith.constant 0 : i32
            %dma_wait3A_340 = arith.constant 0 : i32
            %dma_wait3A_341 = tpu.memref_slice %arg14[%dma_wait3A_339, %dma_wait3A_340] : memref<14x128xi32, #tpu.memory_space<vmem>> -> memref<1x128xi32, #tpu.memory_space<vmem>>
            %dma_wait3A_342 = tpu.memref_squeeze %dma_wait3A_341 : memref<1x128xi32, #tpu.memory_space<vmem>> -> memref<128xi32, #tpu.memory_space<vmem>>
            %dma_wait3A_343 = arith.constant 0 : i32
            %dma_wait3A_344 = arith.constant 0 : i32
            %dma_wait3A_345 = tpu.memref_slice %arg15[%dma_wait3A_343, %dma_wait3A_344] : memref<100096x16xf32, #tpu.memory_space<vmem_shared>> -> memref<100096x16xf32, #tpu.memory_space<vmem_shared>>
            tpu.wait_indirect_dma semaphore(%arg18 : memref<!tpu.dma_semaphore, #tpu.memory_space<semaphore_mem>>) src(%arg10 : memref<128x16xf32, #tpu.memory_space<vmem>>) dst(%dma_wait3A_345 : memref<100096x16xf32, #tpu.memory_space<vmem_shared>>)
            %dma_wait3A_346 = arith.constant 0 : i32
            %dma_wait3A_347 = arith.constant 0 : i32
            %dma_wait3A_348 = tpu.memref_slice %arg14[%dma_wait3A_346, %dma_wait3A_347] : memref<14x128xi32, #tpu.memory_space<vmem>> -> memref<1x128xi32, #tpu.memory_space<vmem>>
            %dma_wait3A_349 = tpu.memref_squeeze %dma_wait3A_348 : memref<1x128xi32, #tpu.memory_space<vmem>> -> memref<128xi32, #tpu.memory_space<vmem>>
            %dma_wait3A_350 = arith.constant 0 : i32
            %dma_wait3A_351 = arith.constant 0 : i32
            %dma_wait3A_352 = tpu.memref_slice %arg15[%dma_wait3A_350, %dma_wait3A_351] : memref<100096x16xf32, #tpu.memory_space<vmem_shared>> -> memref<100096x16xf32, #tpu.memory_space<vmem_shared>>
            tpu.wait_indirect_dma semaphore(%arg18 : memref<!tpu.dma_semaphore, #tpu.memory_space<semaphore_mem>>) src(%arg10 : memref<128x16xf32, #tpu.memory_space<vmem>>) dst(%dma_wait3A_352 : memref<100096x16xf32, #tpu.memory_space<vmem_shared>>)
            %dma_wait3A_353 = arith.constant 0 : i32
            %dma_wait3A_354 = arith.constant 0 : i32
            %dma_wait3A_355 = tpu.memref_slice %arg14[%dma_wait3A_353, %dma_wait3A_354] : memref<14x128xi32, #tpu.memory_space<vmem>> -> memref<1x128xi32, #tpu.memory_space<vmem>>
            %dma_wait3A_356 = tpu.memref_squeeze %dma_wait3A_355 : memref<1x128xi32, #tpu.memory_space<vmem>> -> memref<128xi32, #tpu.memory_space<vmem>>
            %dma_wait3A_357 = arith.constant 0 : i32
            %dma_wait3A_358 = arith.constant 0 : i32
            %dma_wait3A_359 = tpu.memref_slice %arg15[%dma_wait3A_357, %dma_wait3A_358] : memref<100096x16xf32, #tpu.memory_space<vmem_shared>> -> memref<100096x16xf32, #tpu.memory_space<vmem_shared>>
            tpu.wait_indirect_dma semaphore(%arg18 : memref<!tpu.dma_semaphore, #tpu.memory_space<semaphore_mem>>) src(%arg10 : memref<128x16xf32, #tpu.memory_space<vmem>>) dst(%dma_wait3A_359 : memref<100096x16xf32, #tpu.memory_space<vmem_shared>>)
            %dma_wait3A_360 = arith.constant 0 : i32
            %dma_wait3A_361 = arith.constant 0 : i32
            %dma_wait3A_362 = tpu.memref_slice %arg14[%dma_wait3A_360, %dma_wait3A_361] : memref<14x128xi32, #tpu.memory_space<vmem>> -> memref<1x128xi32, #tpu.memory_space<vmem>>
            %dma_wait3A_363 = tpu.memref_squeeze %dma_wait3A_362 : memref<1x128xi32, #tpu.memory_space<vmem>> -> memref<128xi32, #tpu.memory_space<vmem>>
            %dma_wait3A_364 = arith.constant 0 : i32
            %dma_wait3A_365 = arith.constant 0 : i32
            %dma_wait3A_366 = tpu.memref_slice %arg15[%dma_wait3A_364, %dma_wait3A_365] : memref<100096x16xf32, #tpu.memory_space<vmem_shared>> -> memref<100096x16xf32, #tpu.memory_space<vmem_shared>>
            tpu.wait_indirect_dma semaphore(%arg18 : memref<!tpu.dma_semaphore, #tpu.memory_space<semaphore_mem>>) src(%arg10 : memref<128x16xf32, #tpu.memory_space<vmem>>) dst(%dma_wait3A_366 : memref<100096x16xf32, #tpu.memory_space<vmem_shared>>)
            %dma_wait3A_367 = arith.constant 0 : i32
            %dma_wait3A_368 = arith.constant 0 : i32
            %dma_wait3A_369 = tpu.memref_slice %arg14[%dma_wait3A_367, %dma_wait3A_368] : memref<14x128xi32, #tpu.memory_space<vmem>> -> memref<1x128xi32, #tpu.memory_space<vmem>>
            %dma_wait3A_370 = tpu.memref_squeeze %dma_wait3A_369 : memref<1x128xi32, #tpu.memory_space<vmem>> -> memref<128xi32, #tpu.memory_space<vmem>>
            %dma_wait3A_371 = arith.constant 0 : i32
            %dma_wait3A_372 = arith.constant 0 : i32
            %dma_wait3A_373 = tpu.memref_slice %arg15[%dma_wait3A_371, %dma_wait3A_372] : memref<100096x16xf32, #tpu.memory_space<vmem_shared>> -> memref<100096x16xf32, #tpu.memory_space<vmem_shared>>
            tpu.wait_indirect_dma semaphore(%arg18 : memref<!tpu.dma_semaphore, #tpu.memory_space<semaphore_mem>>) src(%arg10 : memref<128x16xf32, #tpu.memory_space<vmem>>) dst(%dma_wait3A_373 : memref<100096x16xf32, #tpu.memory_space<vmem_shared>>)
            %dma_wait3A_374 = arith.constant 0 : i32
            %dma_wait3A_375 = arith.constant 0 : i32
            %dma_wait3A_376 = tpu.memref_slice %arg14[%dma_wait3A_374, %dma_wait3A_375] : memref<14x128xi32, #tpu.memory_space<vmem>> -> memref<1x128xi32, #tpu.memory_space<vmem>>
            %dma_wait3A_377 = tpu.memref_squeeze %dma_wait3A_376 : memref<1x128xi32, #tpu.memory_space<vmem>> -> memref<128xi32, #tpu.memory_space<vmem>>
            %dma_wait3A_378 = arith.constant 0 : i32
            %dma_wait3A_379 = arith.constant 0 : i32
            %dma_wait3A_380 = tpu.memref_slice %arg15[%dma_wait3A_378, %dma_wait3A_379] : memref<100096x16xf32, #tpu.memory_space<vmem_shared>> -> memref<100096x16xf32, #tpu.memory_space<vmem_shared>>
            tpu.wait_indirect_dma semaphore(%arg18 : memref<!tpu.dma_semaphore, #tpu.memory_space<semaphore_mem>>) src(%arg10 : memref<128x16xf32, #tpu.memory_space<vmem>>) dst(%dma_wait3A_380 : memref<100096x16xf32, #tpu.memory_space<vmem_shared>>)
            %dma_wait3A_381 = arith.constant 0 : i32
            %dma_wait3A_382 = arith.constant 0 : i32
            %dma_wait3A_383 = tpu.memref_slice %arg14[%dma_wait3A_381, %dma_wait3A_382] : memref<14x128xi32, #tpu.memory_space<vmem>> -> memref<1x128xi32, #tpu.memory_space<vmem>>
            %dma_wait3A_384 = tpu.memref_squeeze %dma_wait3A_383 : memref<1x128xi32, #tpu.memory_space<vmem>> -> memref<128xi32, #tpu.memory_space<vmem>>
            %dma_wait3A_385 = arith.constant 0 : i32
            %dma_wait3A_386 = arith.constant 0 : i32
            %dma_wait3A_387 = tpu.memref_slice %arg15[%dma_wait3A_385, %dma_wait3A_386] : memref<100096x16xf32, #tpu.memory_space<vmem_shared>> -> memref<100096x16xf32, #tpu.memory_space<vmem_shared>>
            tpu.wait_indirect_dma semaphore(%arg18 : memref<!tpu.dma_semaphore, #tpu.memory_space<semaphore_mem>>) src(%arg10 : memref<128x16xf32, #tpu.memory_space<vmem>>) dst(%dma_wait3A_387 : memref<100096x16xf32, #tpu.memory_space<vmem_shared>>)
            %scan3A_388 = arith.constant 0 : i32
            scf.yield %scan3A_388 : i32
          }
          %scan3A_188 = arith.constant 7 : i32
          %barrier3A_189 = arith.constant 0 : index
          tpu.barrier barrier_id(%barrier3A_189)
          "tpu.region"() ({
            %run_scoped3A = tpu.sem_alloc : memref<!tpu.dma_semaphore, #tpu.memory_space<semaphore_mem>>
            %dma_start3A_190 = arith.constant 0 : i32
            %dma_start3A_191 = tpu.memref_slice %arg8[%sub3A_23, %mul3A_0, %dma_start3A_190] : memref<1x100096x16xf32, #tpu.memory_space<hbm>> -> memref<1x6256x16xf32, #tpu.memory_space<hbm>>
            %dma_start3A_192 = tpu.memref_squeeze %dma_start3A_191 : memref<1x6256x16xf32, #tpu.memory_space<hbm>> -> memref<6256x16xf32, #tpu.memory_space<hbm>>
            %dma_start3A_193 = arith.constant 0 : i32
            %dma_start3A_194 = tpu.memref_slice %arg15[%mul3A_0, %dma_start3A_193] : memref<100096x16xf32, #tpu.memory_space<vmem_shared>> -> memref<6256x16xf32, #tpu.memory_space<vmem_shared>>
            tpu.enqueue_dma source(%dma_start3A_194 : memref<6256x16xf32, #tpu.memory_space<vmem_shared>>) target(%dma_start3A_192 : memref<6256x16xf32, #tpu.memory_space<hbm>>) target_semaphore(%run_scoped3A : memref<!tpu.dma_semaphore, #tpu.memory_space<semaphore_mem>>)
            %dma_wait3A_195 = arith.constant 0 : i32
            %dma_wait3A_196 = tpu.memref_slice %arg8[%sub3A_23, %mul3A_0, %dma_wait3A_195] : memref<1x100096x16xf32, #tpu.memory_space<hbm>> -> memref<1x6256x16xf32, #tpu.memory_space<hbm>>
            %dma_wait3A_197 = tpu.memref_squeeze %dma_wait3A_196 : memref<1x6256x16xf32, #tpu.memory_space<hbm>> -> memref<6256x16xf32, #tpu.memory_space<hbm>>
            %dma_wait3A_198 = arith.constant 0 : i32
            %dma_wait3A_199 = tpu.memref_slice %arg15[%mul3A_0, %dma_wait3A_198] : memref<100096x16xf32, #tpu.memory_space<vmem_shared>> -> memref<6256x16xf32, #tpu.memory_space<vmem_shared>>
            tpu.wait_dma2 semaphore(%run_scoped3A : memref<!tpu.dma_semaphore, #tpu.memory_space<semaphore_mem>>) src(%dma_wait3A_199 : memref<6256x16xf32, #tpu.memory_space<vmem_shared>>) dst(%dma_wait3A_197 : memref<6256x16xf32, #tpu.memory_space<hbm>>)
            tpu.yield
          }) : () -> ()
        } else {
        }
      } else {
      }
      %scan3A_13 = arith.constant 0 : i32
      scf.yield %scan3A_13 : i32
    }
    %scan3A_6 = arith.constant 5 : i32
    return
  }
}

module attributes {stable_mosaic.version = 14 : i64} {
  func.func @body(%arg0: i32, %arg1: memref<2x256x128xf32, #tpu.memory_space<vmem>>, %arg2: memref<2x256x16xf32, #tpu.memory_space<vmem>>, %arg3: memref<2x128x128xf32, #tpu.memory_space<vmem>>, %arg4: memref<1x128xf32, #tpu.memory_space<vmem>>, %arg5: memref<256x128xf32, #tpu.memory_space<vmem>>) attributes {dimension_semantics = [#tpu.dimension_semantics<arbitrary>], iteration_bounds = array<i64: 391>, scalar_prefetch = 0 : i64, scratch_operands = 0 : i64, tpu.core_type = #tpu.core_type<tc>, window_params = [{transform_indices = @transform_0, window_bounds = array<i64: 2, 256, 128>}, {transform_indices = @transform_1, window_bounds = array<i64: 2, 256, 16>}, {pipeline_mode = #tpu.pipeline_mode<synchronous>, transform_indices = @transform_2, window_bounds = array<i64: 2, 128, 128>}, {pipeline_mode = #tpu.pipeline_mode<synchronous>, transform_indices = @transform_3, window_bounds = array<i64: 1, 128>}, {transform_indices = @transform_4, window_bounds = array<i64: 256, 128>}]} {
    %broadcast_in_dim3A = arith.constant 0.000000e+00 : f32
    %broadcast_in_dim3A_0 = vector.broadcast %broadcast_in_dim3A : f32 to vector<256x128xf32>
    %get3A = arith.constant 0 : index
    %get3A_1 = arith.constant 0 : index
    %get3A_2 = vector.load %arg4[%get3A, %get3A_1] : memref<1x128xf32, #tpu.memory_space<vmem>>, vector<1x128xf32>
    %get3A_3 = vector.shape_cast %get3A_2 : vector<1x128xf32> to vector<128xf32>
    %broadcast_in_dim3A_4 = vector.shape_cast %get3A_3 : vector<128xf32> to vector<1x128xf32>
    %add3A = vector.broadcast %broadcast_in_dim3A_4 : vector<1x128xf32> to vector<256x128xf32>
    %add3A_5 = arith.addf %broadcast_in_dim3A_0, %add3A : vector<256x128xf32>
    %get3A_6 = arith.constant 0 : index
    %get3A_7 = arith.constant 0 : index
    %get3A_8 = arith.constant 0 : index
    %get3A_9 = vector.load %arg1[%get3A_6, %get3A_7, %get3A_8] : memref<2x256x128xf32, #tpu.memory_space<vmem>>, vector<1x256x128xf32>
    %get3A_10 = vector.shape_cast %get3A_9 : vector<1x256x128xf32> to vector<256x128xf32>
    %get3A_11 = arith.constant 0 : index
    %get3A_12 = arith.constant 0 : index
    %get3A_13 = arith.constant 0 : index
    %get3A_14 = vector.load %arg3[%get3A_11, %get3A_12, %get3A_13] : memref<2x128x128xf32, #tpu.memory_space<vmem>>, vector<1x128x128xf32>
    %get3A_15 = vector.shape_cast %get3A_14 : vector<1x128x128xf32> to vector<128x128xf32>
    %dot_general3A = arith.constant dense<0.000000e+00> : vector<256x128xf32>
    %dot_general3A_16 = tpu.matmul %get3A_10, %get3A_15, %dot_general3A {dimension_numbers = #tpu.dot_dimension_numbers<[1], [0], [0], [1], [0, 0, 1, 1], [], []>, precision = #tpu.contract_precision<fp32>, transpose_lhs_hint = false} : vector<256x128xf32>, vector<128x128xf32>, vector<256x128xf32> -> vector<256x128xf32>
    %get3A_17 = arith.constant 0 : index
    %get3A_18 = arith.constant 0 : index
    %get3A_19 = arith.constant 0 : index
    %get3A_20 = vector.load %arg2[%get3A_17, %get3A_18, %get3A_19] : memref<2x256x16xf32, #tpu.memory_space<vmem>>, vector<1x256x1xf32>
    %get3A_21 = vector.shape_cast %get3A_20 : vector<1x256x1xf32> to vector<256xf32>
    %gt3A = arith.constant 0.000000e+00 : f32
    %gt3A_22 = vector.broadcast %gt3A : f32 to vector<256xf32>
    %gt3A_23 = arith.cmpf ogt, %get3A_21, %gt3A_22 : vector<256xf32>
    %div3A = arith.constant 1.000000e+00 : f32
    %div3A_24 = vector.broadcast %div3A : f32 to vector<256xf32>
    %div3A_25 = arith.divf %div3A_24, %get3A_21 : vector<256xf32>
    %jit3A = arith.constant 0.000000e+00 : f32
    %broadcast_in_dim3A_26 = vector.broadcast %jit3A : f32 to vector<256xf32>
    %select_n3A = arith.select %gt3A_23, %div3A_25, %broadcast_in_dim3A_26 : vector<256xi1>, vector<256xf32>
    %broadcast_in_dim3A_27 = vector.shape_cast %select_n3A : vector<256xf32> to vector<256x1xf32>
    %mul3A = vector.broadcast %broadcast_in_dim3A_27 : vector<256x1xf32> to vector<256x128xf32>
    %mul3A_28 = arith.mulf %dot_general3A_16, %mul3A : vector<256x128xf32>
    %add3A_29 = arith.addf %add3A_5, %mul3A_28 : vector<256x128xf32>
    %get3A_30 = arith.constant 1 : index
    %get3A_31 = arith.constant 0 : index
    %get3A_32 = arith.constant 0 : index
    %get3A_33 = vector.load %arg1[%get3A_30, %get3A_31, %get3A_32] : memref<2x256x128xf32, #tpu.memory_space<vmem>>, vector<1x256x128xf32>
    %get3A_34 = vector.shape_cast %get3A_33 : vector<1x256x128xf32> to vector<256x128xf32>
    %get3A_35 = arith.constant 1 : index
    %get3A_36 = arith.constant 0 : index
    %get3A_37 = arith.constant 0 : index
    %get3A_38 = vector.load %arg3[%get3A_35, %get3A_36, %get3A_37] : memref<2x128x128xf32, #tpu.memory_space<vmem>>, vector<1x128x128xf32>
    %get3A_39 = vector.shape_cast %get3A_38 : vector<1x128x128xf32> to vector<128x128xf32>
    %dot_general3A_40 = arith.constant dense<0.000000e+00> : vector<256x128xf32>
    %dot_general3A_41 = tpu.matmul %get3A_34, %get3A_39, %dot_general3A_40 {dimension_numbers = #tpu.dot_dimension_numbers<[1], [0], [0], [1], [0, 0, 1, 1], [], []>, precision = #tpu.contract_precision<fp32>, transpose_lhs_hint = false} : vector<256x128xf32>, vector<128x128xf32>, vector<256x128xf32> -> vector<256x128xf32>
    %get3A_42 = arith.constant 1 : index
    %get3A_43 = arith.constant 0 : index
    %get3A_44 = arith.constant 0 : index
    %get3A_45 = vector.load %arg2[%get3A_42, %get3A_43, %get3A_44] : memref<2x256x16xf32, #tpu.memory_space<vmem>>, vector<1x256x1xf32>
    %get3A_46 = vector.shape_cast %get3A_45 : vector<1x256x1xf32> to vector<256xf32>
    %gt3A_47 = arith.constant 0.000000e+00 : f32
    %gt3A_48 = vector.broadcast %gt3A_47 : f32 to vector<256xf32>
    %gt3A_49 = arith.cmpf ogt, %get3A_46, %gt3A_48 : vector<256xf32>
    %div3A_50 = arith.constant 1.000000e+00 : f32
    %div3A_51 = vector.broadcast %div3A_50 : f32 to vector<256xf32>
    %div3A_52 = arith.divf %div3A_51, %get3A_46 : vector<256xf32>
    %jit3A_53 = arith.constant 0.000000e+00 : f32
    %broadcast_in_dim3A_54 = vector.broadcast %jit3A_53 : f32 to vector<256xf32>
    %select_n3A_55 = arith.select %gt3A_49, %div3A_52, %broadcast_in_dim3A_54 : vector<256xi1>, vector<256xf32>
    %broadcast_in_dim3A_56 = vector.shape_cast %select_n3A_55 : vector<256xf32> to vector<256x1xf32>
    %mul3A_57 = vector.broadcast %broadcast_in_dim3A_56 : vector<256x1xf32> to vector<256x128xf32>
    %mul3A_58 = arith.mulf %dot_general3A_41, %mul3A_57 : vector<256x128xf32>
    %add3A_59 = arith.addf %add3A_29, %mul3A_58 : vector<256x128xf32>
    %swap3A = arith.constant 0 : index
    %swap3A_60 = arith.constant 0 : index
    %swap3A_61 = vector.load %arg5[%swap3A, %swap3A_60] : memref<256x128xf32, #tpu.memory_space<vmem>>, vector<256x128xf32>
    tpu.vector_store %arg5[%swap3A, %swap3A_60], %add3A_59 {strides = array<i32>} : memref<256x128xf32, #tpu.memory_space<vmem>>, vector<256x128xf32>,
    return
  }
  func.func @transform_0(%arg0: i32) -> (i32, i32, i32) {
    %c0_i32 = arith.constant 0 : i32
    %c0_i32_0 = arith.constant 0 : i32
    %c0_i32_1 = arith.constant 0 : i32
    return %c0_i32, %arg0, %c0_i32_0 : i32, i32, i32
  }
  func.func @transform_1(%arg0: i32) -> (i32, i32, i32) {
    %c0_i32 = arith.constant 0 : i32
    %c0_i32_0 = arith.constant 0 : i32
    %c0_i32_1 = arith.constant 0 : i32
    return %c0_i32, %arg0, %c0_i32_0 : i32, i32, i32
  }
  func.func @transform_2(%arg0: i32) -> (i32, i32, i32) {
    %c0_i32 = arith.constant 0 : i32
    %c0_i32_0 = arith.constant 0 : i32
    %c0_i32_1 = arith.constant 0 : i32
    %c0_i32_2 = arith.constant 0 : i32
    return %c0_i32, %c0_i32_0, %c0_i32_1 : i32, i32, i32
  }
  func.func @transform_3(%arg0: i32) -> (i32, i32) {
    %c0_i32 = arith.constant 0 : i32
    %c0_i32_0 = arith.constant 0 : i32
    %c0_i32_1 = arith.constant 0 : i32
    return %c0_i32, %c0_i32_0 : i32, i32
  }
  func.func @transform_4(%arg0: i32) -> (i32, i32) {
    %c0_i32 = arith.constant 0 : i32
    %c0_i32_0 = arith.constant 0 : i32
    return %arg0, %c0_i32 : i32, i32
  }
}

module attributes {stable_mosaic.version = 14 : i64} {
  func.func @body(%arg0: i32, %arg1: memref<1x256x128xf32, #tpu.memory_space<vmem>>, %arg2: memref<1x256x16xf32, #tpu.memory_space<vmem>>, %arg3: memref<1x128x128xf32, #tpu.memory_space<vmem>>, %arg4: memref<256x128xf32, #tpu.memory_space<vmem>>, %arg5: memref<256x128xf32, #tpu.memory_space<vmem>>) attributes {dimension_semantics = [#tpu.dimension_semantics<arbitrary>], iteration_bounds = array<i64: 391>, scalar_prefetch = 0 : i64, scratch_operands = 0 : i64, tpu.core_type = #tpu.core_type<tc>, window_params = [{transform_indices = @transform_0, window_bounds = array<i64: 1, 256, 128>}, {transform_indices = @transform_1, window_bounds = array<i64: 1, 256, 16>}, {pipeline_mode = #tpu.pipeline_mode<synchronous>, transform_indices = @transform_2, window_bounds = array<i64: 1, 128, 128>}, {transform_indices = @transform_3, window_bounds = array<i64: 256, 128>}, {transform_indices = @transform_4, window_bounds = array<i64: 256, 128>}]} {
    %get3A = arith.constant 0 : index
    %get3A_0 = arith.constant 0 : index
    %get3A_1 = vector.load %arg4[%get3A, %get3A_0] : memref<256x128xf32, #tpu.memory_space<vmem>>, vector<256x128xf32>
    %get3A_2 = arith.constant 0 : index
    %get3A_3 = arith.constant 0 : index
    %get3A_4 = arith.constant 0 : index
    %get3A_5 = vector.load %arg1[%get3A_2, %get3A_3, %get3A_4] : memref<1x256x128xf32, #tpu.memory_space<vmem>>, vector<1x256x128xf32>
    %get3A_6 = vector.shape_cast %get3A_5 : vector<1x256x128xf32> to vector<256x128xf32>
    %get3A_7 = arith.constant 0 : index
    %get3A_8 = arith.constant 0 : index
    %get3A_9 = arith.constant 0 : index
    %get3A_10 = vector.load %arg3[%get3A_7, %get3A_8, %get3A_9] : memref<1x128x128xf32, #tpu.memory_space<vmem>>, vector<1x128x128xf32>
    %get3A_11 = vector.shape_cast %get3A_10 : vector<1x128x128xf32> to vector<128x128xf32>
    %dot_general3A = arith.constant dense<0.000000e+00> : vector<256x128xf32>
    %dot_general3A_12 = tpu.matmul %get3A_6, %get3A_11, %dot_general3A {dimension_numbers = #tpu.dot_dimension_numbers<[1], [0], [0], [1], [0, 0, 1, 1], [], []>, precision = #tpu.contract_precision<fp32>, transpose_lhs_hint = false} : vector<256x128xf32>, vector<128x128xf32>, vector<256x128xf32> -> vector<256x128xf32>
    %get3A_13 = arith.constant 0 : index
    %get3A_14 = arith.constant 0 : index
    %get3A_15 = arith.constant 0 : index
    %get3A_16 = vector.load %arg2[%get3A_13, %get3A_14, %get3A_15] : memref<1x256x16xf32, #tpu.memory_space<vmem>>, vector<1x256x1xf32>
    %get3A_17 = vector.shape_cast %get3A_16 : vector<1x256x1xf32> to vector<256xf32>
    %gt3A = arith.constant 0.000000e+00 : f32
    %gt3A_18 = vector.broadcast %gt3A : f32 to vector<256xf32>
    %gt3A_19 = arith.cmpf ogt, %get3A_17, %gt3A_18 : vector<256xf32>
    %div3A = arith.constant 1.000000e+00 : f32
    %div3A_20 = vector.broadcast %div3A : f32 to vector<256xf32>
    %div3A_21 = arith.divf %div3A_20, %get3A_17 : vector<256xf32>
    %jit3A = arith.constant 0.000000e+00 : f32
    %broadcast_in_dim3A = vector.broadcast %jit3A : f32 to vector<256xf32>
    %select_n3A = arith.select %gt3A_19, %div3A_21, %broadcast_in_dim3A : vector<256xi1>, vector<256xf32>
    %broadcast_in_dim3A_22 = vector.shape_cast %select_n3A : vector<256xf32> to vector<256x1xf32>
    %mul3A = vector.broadcast %broadcast_in_dim3A_22 : vector<256x1xf32> to vector<256x128xf32>
    %mul3A_23 = arith.mulf %dot_general3A_12, %mul3A : vector<256x128xf32>
    %add3A = arith.addf %get3A_1, %mul3A_23 : vector<256x128xf32>
    %swap3A = arith.constant 0 : index
    %swap3A_24 = arith.constant 0 : index
    %swap3A_25 = vector.load %arg5[%swap3A, %swap3A_24] : memref<256x128xf32, #tpu.memory_space<vmem>>, vector<256x128xf32>
    tpu.vector_store %arg5[%swap3A, %swap3A_24], %add3A {strides = array<i32>} : memref<256x128xf32, #tpu.memory_space<vmem>>, vector<256x128xf32>,
    return
  }
  func.func @transform_0(%arg0: i32) -> (i32, i32, i32) {
    %c0_i32 = arith.constant 0 : i32
    %c0_i32_0 = arith.constant 0 : i32
    %c0_i32_1 = arith.constant 0 : i32
    return %c0_i32, %arg0, %c0_i32_0 : i32, i32, i32
  }
  func.func @transform_1(%arg0: i32) -> (i32, i32, i32) {
    %c0_i32 = arith.constant 0 : i32
    %c0_i32_0 = arith.constant 0 : i32
    %c0_i32_1 = arith.constant 0 : i32
    return %c0_i32, %arg0, %c0_i32_0 : i32, i32, i32
  }
  func.func @transform_2(%arg0: i32) -> (i32, i32, i32) {
    %c0_i32 = arith.constant 0 : i32
    %c0_i32_0 = arith.constant 0 : i32
    %c0_i32_1 = arith.constant 0 : i32
    %c0_i32_2 = arith.constant 0 : i32
    return %c0_i32, %c0_i32_0, %c0_i32_1 : i32, i32, i32
  }
  func.func @transform_3(%arg0: i32) -> (i32, i32) {
    %c0_i32 = arith.constant 0 : i32
    %c0_i32_0 = arith.constant 0 : i32
    return %arg0, %c0_i32 : i32, i32
  }
  func.func @transform_4(%arg0: i32) -> (i32, i32) {
    %c0_i32 = arith.constant 0 : i32
    %c0_i32_0 = arith.constant 0 : i32
    return %arg0, %c0_i32 : i32, i32
  }
}

</mosaic_0001>

<sc_bundles>
// kernel: kernel.6.cloned.1.call-start
scs
__scs_entry_jumppad:
0x0: {  	(pc) =	sbr.rel $0x88, $3  }
0x1: {  	(tag) =	ssettag $0x0;
	lr =	simm.s32 $0x1  }
0x2: {  	[smem:$0x3F9D] =	sst lr;
	_ =	strace $0xD0000000  }
0x3: {  	_ = 	snop  }
0x4: {  	_ = 	snop  }
0x5: {  	_ = 	snop  }
0x6: {  	_ = 	snop  }
0x7: {  	_ = 	snop  }
__scs_overlays_trampoline_lowered:
0x8: {  	[smem:$0x3FAC] =	sst s0  }
0x9: {  	[smem:$0x3FAD] =	sst s1  }
0xa: {  	[smem:$0x3FAE] =	sst s2  }
0xb: {  	[smem:$0x3FAF] =	sst s3  }
0xc: {  	[smem:$0x3FB0] =	sst s4  }
0xd: {  	[smem:$0x3FB1] =	sst s5  }
0xe: {  	[smem:$0x3FB2] =	sst s6  }
0xf: {  	[smem:$0x3FB3] =	sst s7  }
0x10: {  	[smem:$0x3FB4] =	sst s8  }
0x11: {  	[smem:$0x3FB5] =	sst s9;
	s0 =	simm.s32 @!p0 $0x0  }
0x12: {  	s1 =	sld [smem:$0x3F9B];
	s0 =	simm.s32 @p0 $0x1  }
0x13: {  	[smem:$0x3FB6] =	sst s0;
	s0 =	simm.s32 @!p1 $0x0  }
0x14: {  	s2 =	sld [smem:$0x3F9A];
	s0 =	simm.s32 @p1 $0x1  }
0x15: {  	[smem:$0x3FB7] =	sst s0;
	s0 =	simm.s32 @!p2 $0x0  }
0x16: {  	s3 =	sld [smem:$0x3FDB];
	s0 =	simm.s32 @p2 $0x1  }
0x17: {  	s4 =	simm.s32 $0x1BF5;
	[smem:$0x3FB9] =	sst s0  }
0x18: {  	s0 =	sld [smem:$0x3F9C];
	_ =	swait.ge [sflag:s4], $0x0  }
0x19: {  	s7 =	sld [smem:$0x3F9D]  }
0x1a: {  	s8 =	sadd.s32 $0xFFFFE003, lr  }
0x1b: {  	s9 =	sadd.s32 $0xFFFFFEF7, lr;
	s5 =	simm.s32 $0xFFFFFFFF;
	p2 =	slt.u32 s8, $0xFFFFF086  }
0x1c: {  	p1 =	slt.u32 s9, $0xF7A;
	s5 =	simm.s32 @!p2 $0x0  }
0x1d: {  	s5 =	simm.s32 @p1 $0x1;
	p0 =	seq.s32 s7, s2  }
0x1e: {  	s7 =	smul.u32 @!p0 $0xF7A, s2;
	p2 =	seq.s32 @!p0 s5, $0x0  }
0x1f: {  	s9 =	smul.u32 $0xF7A, s1;
	s8 =	simm.s32 @!p0 $0x1BF5;
	p2 =	por !p2, p0  }
0x20: {  	[sflag:s8] =	ssyncset.s32 @!p0 $0xFFFFF086;
	s6 =	sadd.s32 @!p0 s3, s7;
	s7 =	simm.s32 @!p0 $0x108  }
0x21: {  	s3 =	sadd.s32 s3, s9;
	s6 =	sadd.s32 @!p0 $0x88, s6;
	s7 =	simm.s32 @p2 $0x1082  }
0x22: {  	[simem:s7], [sflag:s8] =	dma.local @!p0 [hbm:s6], $0xF7A  }
0x23: {  	s9 =	sor.u32 $0xD0000000, s2;
	s6 =	simm.s32 $0x108;
	_ =	swait.ge @!p0 [sflag:s8], $0x0  }
0x24: {  	s3 =	sadd.s32 $0x88, s3;
	s6 =	simm.s32 @!p1 $0x1082;
	[sflag:s4] =	ssyncset.s32 $0xFFFFF086  }
0x25: {  	[simem:s6], [sflag:s4] =	dma.local [hbm:s3], $0xF7A  }
0x26: {  	[smem:$0x3F9D] =	sst s1;
	(tag) =	ssettag s2;
	_ =	strace s9  }
0x27: {  	s1 =	sld [smem:$0x3FAD]  }
0x28: {  	s2 =	sld [smem:$0x3FAE]  }
0x29: {  	s4 =	sld [smem:$0x3FB0]  }
0x2a: {  	p0 =	seq.s32 s5, $0x0;
	s5 =	sld [smem:$0x3FB1]  }
0x2b: {  	s6 =	sld [smem:$0x3FB2]  }
0x2c: {  	s7 =	sld [smem:$0x3FB3]  }
0x2d: {  	s3 =	simm.s32 $0x108;
	s8 =	sld [smem:$0x3FB4]  }
0x2e: {  	s3 =	simm.s32 @!p0 $0x1082;
	s9 =	sld [smem:$0x3FB5]  }
0x2f: {  	lr =	sadd.s32 s0, s3;
	s0 =	sld [smem:$0x3FAC]  }
0x30: {  	s3 =	sld [smem:$0x3FAF]  }
0x31: {  	[smem:$0x3FB8] =	sst s10  }
0x32: {  	s10 =	sld [smem:$0x3FB6];
	_ =	sdelay $0x3  }
0x33: {  	p0 =	seq.s32 s10, $0x1;
	s10 =	sld [smem:$0x3FB8];
	_ =	sdelay $0x3  }
0x34: {  	[smem:$0x3FB8] =	sst s10  }
0x35: {  	s10 =	sld [smem:$0x3FB7];
	_ =	sdelay $0x3  }
0x36: {  	p1 =	seq.s32 s10, $0x1;
	s10 =	sld [smem:$0x3FB8];
	_ =	sdelay $0x3  }
0x37: {  	[smem:$0x3FB8] =	sst s10  }
0x38: {  	s10 =	sld [smem:$0x3FB9]  }
0x39: {  	_ = 	snop;
	(pc) =	sbr.ind lr, $3  }
0x3a: {  	_ = 	snop  }
0x3b: {  	_ = 	snop  }
0x3c: {  	p2 =	seq.s32 s10, $0x1;
	s10 =	sld [smem:$0x3FB8]  }
0x3d: {  	_ =	shalt  }
0x3e: {  	_ =	shalt  }
0x3f: {  	_ =	shalt  }
0x40: {  	_ =	shalt  }
0x41: {  	_ =	shalt  }
0x42: {  	_ =	shalt  }
0x43: {  	_ =	shalt  }
0x44: {  	_ =	shalt  }
0x45: {  	_ =	shalt  }
0x46: {  	_ =	shalt  }
0x47: {  	_ =	shalt  }
0x48: {  	_ =	shalt  }
0x49: {  	_ =	shalt  }
0x4a: {  	_ =	shalt  }
0x4b: {  	_ =	shalt  }
0x4c: {  	_ =	shalt  }
0x4d: {  	_ =	shalt  }
0x4e: {  	_ =	shalt  }
0x4f: {  	_ =	shalt  }
0x50: {  	_ =	shalt  }
0x51: {  	_ =	shalt  }
0x52: {  	_ =	shalt  }
0x53: {  	_ =	shalt  }
0x54: {  	_ =	shalt  }
0x55: {  	_ =	shalt  }
0x56: {  	_ =	shalt  }
0x57: {  	_ =	shalt  }
0x58: {  	_ =	shalt  }
0x59: {  	_ =	shalt  }
0x5a: {  	_ =	shalt  }
0x5b: {  	_ =	shalt  }
0x5c: {  	_ =	shalt  }
0x5d: {  	_ =	shalt  }
0x5e: {  	_ =	shalt  }
0x5f: {  	_ =	shalt  }
0x60: {  	_ =	shalt  }
0x61: {  	_ =	shalt  }
0x62: {  	_ =	shalt  }
0x63: {  	_ =	shalt  }
0x64: {  	_ =	shalt  }
0x65: {  	_ =	shalt  }
0x66: {  	_ =	shalt  }
0x67: {  	_ =	shalt  }
0x68: {  	_ =	shalt  }
0x69: {  	_ =	shalt  }
0x6a: {  	_ =	shalt  }
0x6b: {  	_ =	shalt  }
0x6c: {  	_ =	shalt  }
0x6d: {  	_ =	shalt  }
0x6e: {  	_ =	shalt  }
0x6f: {  	_ =	shalt  }
0x70: {  	_ =	shalt  }
0x71: {  	_ =	shalt  }
0x72: {  	_ =	shalt  }
0x73: {  	_ =	shalt  }
0x74: {  	_ =	shalt  }
0x75: {  	_ =	shalt  }
0x76: {  	_ =	shalt  }
0x77: {  	_ =	shalt  }
0x78: {  	_ =	shalt  }
0x79: {  	_ =	shalt  }
0x7a: {  	_ =	shalt  }
0x7b: {  	_ =	shalt  }
0x7c: {  	_ =	shalt  }
0x7d: {  	_ =	shalt  }
0x7e: {  	_ =	shalt  }
0x7f: {  	_ =	shalt  }
0x80: {  	_ =	shalt  }
0x81: {  	_ =	shalt  }
0x82: {  	_ =	shalt  }
0x83: {  	_ =	shalt  }
0x84: {  	_ =	shalt  }
0x85: {  	_ =	shalt  }
0x86: {  	_ =	shalt  }
0x87: {  	_ =	shalt  }
.Lfunc_end0:
.L_simem_size_0:
called_computation_lowered:
.L_overlay_start_0:
0x88: {  	s2 =	sld [smem:$0x3FD9]  }
0x89: {  	s3 =	sld [smem:$0x3FFE];
	_ =	sdelay $0x1  }
0x8a: {  	s1 =	srdreg.scid  }
0x8b: {  	s0 =	sand.u32 $0x1, s1  }
0x8c: {  	s17 =	sshll.u32 s0, $0xA;
	s2 =	sadd.s32 s3, s2  }
0x8d: {  	s2 =	sadd.s32 s2, s17  }
0x8e: {  	[smem:$0x3FC4] =	sst s2  }
0x8f: {  	_ = 	snop  }
0x90: {  	s2 =	sld [smem:$0x3FC9]  }
0x91: {  	s18 =	sld [smem:$0x3FD0];
	(tm) =	ssettm $0x1  }
0x92: {  	s4 =	sld [smem:$0x3FFB];
	_ =	sdelay $0x3  }
0x93: {  	_ =	strace s4  }
0x94: {  	s4 =	sld [smem:$0x3FFC];
	_ =	sdelay $0x3  }
0x95: {  	_ =	strace s4  }
0x96: {  	s4 =	sld [smem:$0x3FFD];
	_ =	sdelay $0x3  }
0x97: {  	_ =	strace s4  }
0x98: {  	_ =	strace $0x8FFFFFFF  }
0x99: {  	s19 =	sld [smem:$0x3FDB];
	_ =	sdelay $0x1  }
0x9a: {  	s5 =	simm.s32 $_scs_section_size  }
0x9b: {  	s6 =	simm.s32 $_size__tile_overlayer_lowered;
	s7 =	simm.s32 $_tile_overlayer_lowered  }
0x9c: {  	s22 =	simm.s32 $0x1BFF;
	s21 =	sshll.u32 s7, $0x1;
	s4 =	sadd.s32 s5, s19  }
0x9d: {  	s8 =	simm.s32 $0x0;
	s20 =	sshll.u32 s6, $0x1;
	s6 =	sadd.s32 s21, s4  }
0x9e: {  	[timem:s8], [sflag:s22] =	dma.local [hbm:s6], s20  }
0x9f: {  	_ =	swait.ge [sflag:s22], s20  }
0xa0: {  	s5 =	ssub.s32 $0x0, s20;
	[sflag:s22] =	ssyncset.done $0x0  }
0xa1: {  	[sflag:s22] =	ssyncadd.s32 s5;
	_ =	sdelay $0x1  }
0xa2: {  	s23 =	simm.s32 $0x1B8B  }
0xa3: {  	_ =	swait.ge [sflag:s23], $0x1  }
0xa4: {  	[sflag:s23] =	ssyncset.done $0x0  }
0xa5: {  	s25 =	simm.s32 $0x1B8E;
	s24 =	sld [smem:$0x3FFE];
	[sflag:s23] =	ssyncadd.s32 $0xFFFFFFFF  }
0xa6: {  	s26 =	simm.s32 $execute0_lowered;
	[smem:$0x3FD2] =	sst s25  }
0xa7: {  	s6 =	sshll.u32 s26, $0x1;
	_ =	strace $0x80000046;
	[dreg:$0x1] =	wrdreg $0xFFFFFFFF  }
0xa8: {  	s28 =	simm.s32 $_size_execute0_lowered;
	s4 =	sadd.s32 s4, s6;
	[dreg:$0x0] =	wrdreg $0x0  }
0xa9: {  	s6 =	sshll.u32 s28, $0x1;
	[dreg:$0x2] =	wrdreg s4  }
0xaa: {  	[dreg:$0x3] =	wrdreg s6  }
0xab: {  	[dreg:$0x4] =	wrdreg $0xC0  }
0xac: {  	_ =	task [dreg:s8], $0x5FFFF  }
0xad: {  	[dreg:$0x1] =	wrdreg $0xFFFFFFFF  }
0xae: {  	[dreg:$0x0] =	wrdreg $0x60  }
0xaf: {  	[dreg:$0x2] =	wrdreg s2  }
0xb0: {  	[dreg:$0x3] =	wrdreg s18  }
0xb1: {  	[dreg:$0x4] =	wrdreg s24  }
0xb2: {  	[dreg:$0x5] =	wrdreg $0x3E700  }
0xb3: {  	[dreg:$0x6] =	wrdreg $0x9  }
0xb4: {  	_ =	task.clear_ibuf [dreg:s8], $0x7FFFF;
	_ =	strace $0x90000046  }
0xb5: {  	s29 =	simm.s32 $0x9;
	_ =	strace $0x80000048  }
0xb6: {  	_ =	swait.ge [sflag:s29], $0x1  }
0xb7: {  	[sflag:s29] =	ssyncadd.s32 $0xFFFFFFFF  }
0xb8: {  	_ =	strace $0x90000048  }
0xb9: {  	_ =	sfence  }
0xba: {  	s30 =	sld [smem:$0x0];
	_ =	sdelay $0x2  }
0xbb: {  	s31 =	sshll.u32 s1, $0xD;
	s1 =	sshrl.u32 s1, $0x2  }
0xbc: {  	s3 =	sand.u32 $0x4000, s31;
	s1 =	sadd.s32 s1, s30  }
0xbd: {  	s0 =	sor.u32 s3, s0;
	s1 =	sshll.u32 s1, $0x11  }
0xbe: {  	s0 =	sor.u32 s1, s0  }
0xbf: {  	s0 =	sadd.s32 $0x8F2B, s0  }
0xc0: {  	[sflag:s0] =	ssyncadd.remote.s32 $0x1  }
0xc1: {  	_ =	sfence.sel $0xFFFF  }
0xc2: {  	[dreg:$0x0] =	wrdreg $0xFFFFFFFF;
	(pc) =	sbr.abs _section_cstart, $3  }
0xc3: {  	[dreg:$0x1] =	wrdreg $0xFFFFFFFF  }
0xc4: {  	_ =	task.clear_ibuf [dreg:s8], $0x2FFFF;
	_ =	strace $0x9FFFFFFF  }
0xc5: {  	(tm) =	ssettm $0x7FFFFFFF  }
tec
execute0_lowered:
.L_overlay_start_1:
0x0: {  	(tag) =	ssettag $0x1  }
0x1: {  	s1 =	rddreg [dreg:$0x0]  }
0x2: {  	s0 =	rddreg [dreg:$0x2]  }
0x3: {  	s3 =	rddreg [dreg:$0x3];
	s4 =	simm.s32 $0x0  }
0x4: {  	[smem:$0x7FF] =	sst s4;
	s2 =	sadd.s32 $0x1400, s0  }
0x5: {  	s5 =	sadd.s32 $0xD800, s0;
	_ =	strace $0x80000047;
	[dreg:$0x13] =	wrdreg s2  }
0x6: {  	s10 =	sadd.s32 $0xDC00, s0;
	[dreg:$0x14] =	wrdreg s5  }
0x7: {  	s8 =	sadd.s32 $0x6FA00, s0;
	[dreg:$0x16] =	wrdreg s10  }
0x8: {  	s0 =	sadd.s32 $0xDE00, s0;
	[dreg:$0x17] =	wrdreg s8  }
0x9: {  	s15 =	simm.s32 $0x30F0;
	[dreg:$0x18] =	wrdreg s0  }
0xa: {  	s16 =	simm.s32 $0x3170;
	[dreg:$0x7] =	wrdreg s15  }
0xb: {  	s18 =	simm.s32 $0x31F0;
	[dreg:$0x8] =	wrdreg s16  }
0xc: {  	s20 =	simm.s32 $0x3270;
	[dreg:$0x9] =	wrdreg s18  }
0xd: {  	s22 =	simm.s32 $0x32F0;
	[dreg:$0xa] =	wrdreg s20  }
0xe: {  	s9 =	srdreg.scid;
	s24 =	simm.s32 $0x3370;
	[dreg:$0xb] =	wrdreg s22  }
0xf: {  	s6 =	stileid.u32;
	s26 =	simm.s32 $0x33F0;
	[dreg:$0xc] =	wrdreg s24  }
0x10: {  	s7 =	sand.u32 $0x1, s9;
	s9 =	simm.s32 $0x3470;
	[dreg:$0xd] =	wrdreg s26  }
0x11: {  	s12 =	smul.u32 $0x61C00, s6;
	[dreg:$0xe] =	wrdreg s9  }
0x12: {  	s9 =	smul.u32 $0x3100, s6;
	[dreg:$0x15] =	wrdreg s7;
	s16 =	simm.s32 $0x3670  }
0x13: {  	s14 =	sshrl.u32 s12, $0x2;
	s12 =	simm.s32 $0x3570;
	[dreg:$0x12] =	wrdreg s16  }
0x14: {  	s26 =	smul.u32 $0xC3800, s6;
	[dreg:$0x10] =	wrdreg s12  }
0x15: {  	s11 =	ssub.s32 $0x2, s7;
	s22 =	smul.u32 $0x18700, s6;
	[smem:$0x7F2] =	sst s9  }
0x16: {  	s13 =	sshrl.u32 s11, $0x1;
	[smem:$0x7FB] =	sst s26  }
0x17: {  	s0 =	ssub.s32 s11, s13;
	s11 =	simm.s32 $0x34F0;
	[smem:$0x7FC] =	sst s22  }
0x18: {  	s8 =	sadd.s32 s14, s3;
	s14 =	simm.s32 $0x35F0;
	[dreg:$0xf] =	wrdreg s11  }
0x19: {  	s29 =	simm.s32 $0x3070;
	s28 =	simm.s32 $0x3CF0;
	[dreg:$0x11] =	wrdreg s14  }
0x1a: {  	s31 =	simm.s32 $0x3D70;
	s17 =	sadd.s32 $0x1870, s8;
	[dreg:$0x19] =	wrdreg s8  }
0x1b: {  	s2 =	simm.s32 $0x80;
	s19 =	sadd.s32 $0x30E0, s8;
	[dreg:$0x1a] =	wrdreg s17  }
0x1c: {  	s16 =	simm.s32 $0x3870;
	s21 =	sadd.s32 $0x4950, s8;
	[dreg:$0x1b] =	wrdreg s19  }
0x1d: {  	s13 =	smul.u32 $0x31000, s7;
	s23 =	sadd.s32 $0x61C0, s8;
	[dreg:$0x1c] =	wrdreg s21  }
0x1e: {  	s12 =	simm.s32 $0x5;
	s25 =	sadd.s32 $0x7A30, s8;
	[dreg:$0x1d] =	wrdreg s23  }
0x1f: {  	s7 =	simm.s32 $0x4;
	s30 =	sadd.s32 $0x92A0, s8;
	[dreg:$0x1e] =	wrdreg s25  }
0x20: {  	s26 =	simm.s32 $0x3C70;
	s10 =	sadd.s32 $0xAB10, s8;
	[dreg:$0x1f] =	wrdreg s30  }
0x21: {  	s15 =	sadd.s32 $0xC380, s8;
	s18 =	sadd.s32 $0xF460, s8;
	[smem:$0x7EF] =	sst s10  }
0x22: {  	s0 =	smax.u32 s0, $0x1;
	s20 =	sadd.s32 $0x10CD0, s8;
	[smem:$0x7F0] =	sst s15  }
0x23: {  	s24 =	sadd.s32 $0x15620, s8;
	s11 =	simm.s32 $0x3770;
	[smem:$0x7F3] =	sst s18  }
0x24: {  	s14 =	simm.s32 $0x2;
	s17 =	sadd.s32 $0xDBF0, s8;
	[smem:$0x7F4] =	sst s0  }
0x25: {  	s5 =	sadd.s32 s9, s13;
	[smem:$0x7F6] =	sst s20;
	s21 =	sadd.s32 $0x12540, s8  }
0x26: {  	s23 =	sadd.s32 $0x13DB0, s8;
	[smem:$0x7F9] =	sst s24;
	s25 =	sadd.s32 $0x16E90, s8  }
0x27: {  	s30 =	sadd.s32 s22, s3;
	s20 =	simm.s32 $0x1870;
	s9 =	simm.s32 $0x6  }
0x28: {  	s10 =	simm.s32 $0x2870;
	s13 =	simm.s32 $0x1;
	s15 =	simm.s32 $0x37F0  }
0x29: {  	s18 =	simm.s32 $0x3970;
	s22 =	simm.s32 $0x3AF0;
	[smem:$0x7F1] =	sst s17  }
0x2a: {  	s8 =	simm.s32 $0x3B70;
	s0 =	simm.s32 $0x3DF0;
	[smem:$0x7F7] =	sst s21  }
0x2b: {  	s24 =	simm.s32 $0x0;
	s19 =	sadd.s32 $0xFFD52000, s5;
	[smem:$0x7F8] =	sst s23  }
0x2c: {  	[smem:$0x7FA] =	sst s25;
	s25 =	simm.s32 $0x3;
	s5 =	simm.s32 $0x2070  }
0x2d: {  	s17 =	simm.s32 $0x38F0;
	s21 =	simm.s32 $0x3A70;
	[smem:$0x7FD] =	sst s30  }
0x2e: {  	s23 =	simm.s32 $0x3BF0;
	[smem:$0x7F5] =	sst s19;
	s19 =	simm.s32 $0x39F0  }
.LBB2_1:
0x2f: {  	[smem:$0x7EC] =	sst s24  }
0x30: {  	s6 =	rddreg [dreg:$0x14]  }
0x31: {  	[tilespmem:s4], [sflag:$0x5] =	stream.linear.gather [hbm4b:s6+s4], $0x1870, $0x38;
	[tilespmem:$0x1C570] =	vst v63  }
0x32: {  	_ =	swait.ge [sflag:s12], $0x1870  }
0x33: {  	[sflag:s12] =	ssyncset.done $0x0  }
0x34: {  	s30 =	rddreg [dreg:$0x16];
	[sflag:s12] =	ssyncadd.s32 $0xFFFFE790  }
0x35: {  	[tilespmem:s20], [sflag:$0x5] =	stream.linear.gather [hbm4b:s30+s4], $0x800, $0x38;
	[tilespmem:$0x1C570] =	vst v63  }
0x36: {  	_ =	swait.ge [sflag:s12], $0x800  }
0x37: {  	s24 =	sld [smem:$0x7F5]  }
0x38: {  	s30 =	rddreg [dreg:$0x15]  }
0x39: {  	[smem:$0x7EE] =	sst s30  }
0x3a: {  	s20 =	simm.s32 $0x0;
	[sflag:s12] =	ssyncset.done $0x0;
	[smem:$0x7ED] =	sst s24  }
0x3b: {  	[sflag:s12] =	ssyncadd.s32 $0xFFFFF800;
	s12 =	smov.u32 s30;
	s24 =	rddreg [dreg:$0x19]  }
.LBB2_2:
0x3c: {  	s6 =	simm.s32 $0x0  }
0x3d: {  	[spmem:s24] =	stream.linear.scatter [tilespmem:s6], [sflag:$0x3], $0x1870, $0x38;
	[tilespmem:$0x1C570] =	vst v63  }
0x3e: {  	s24 =	smov.u32 s12;
	s12 =	rddreg [dreg:$0x1a]  }
0x3f: {  	[spmem:s12] =	stream.linear.scatter [tilespmem:s6], [sflag:$0x3], $0x1870, $0x38;
	[tilespmem:$0x1C570] =	vst v63  }
0x40: {  	s12 =	rddreg [dreg:$0x1b]  }
0x41: {  	[spmem:s12] =	stream.linear.scatter [tilespmem:s6], [sflag:$0x3], $0x1870, $0x38;
	[tilespmem:$0x1C570] =	vst v63  }
0x42: {  	s12 =	rddreg [dreg:$0x1c]  }
0x43: {  	[spmem:s12] =	stream.linear.scatter [tilespmem:s6], [sflag:$0x3], $0x1870, $0x38;
	[tilespmem:$0x1C570] =	vst v63  }
0x44: {  	s12 =	rddreg [dreg:$0x1d]  }
0x45: {  	[spmem:s12] =	stream.linear.scatter [tilespmem:s6], [sflag:$0x3], $0x1870, $0x38;
	[tilespmem:$0x1C570] =	vst v63  }
0x46: {  	s12 =	rddreg [dreg:$0x1e]  }
0x47: {  	[spmem:s12] =	stream.linear.scatter [tilespmem:s6], [sflag:$0x3], $0x1870, $0x38;
	[tilespmem:$0x1C570] =	vst v63  }
0x48: {  	s12 =	rddreg [dreg:$0x1f]  }
0x49: {  	[spmem:s12] =	stream.linear.scatter [tilespmem:s6], [sflag:$0x3], $0x1870, $0x38;
	[tilespmem:$0x1C570] =	vst v63  }
0x4a: {  	s12 =	sld [smem:$0x7EF];
	_ =	sdelay $0x2  }
0x4b: {  	[spmem:s12] =	stream.linear.scatter [tilespmem:s6], [sflag:$0x3], $0x1870, $0x38;
	[tilespmem:$0x1C570] =	vst v63  }
0x4c: {  	s12 =	sld [smem:$0x7F0];
	_ =	sdelay $0x2  }
0x4d: {  	[spmem:s12] =	stream.linear.scatter [tilespmem:s6], [sflag:$0x3], $0x1870, $0x38;
	[tilespmem:$0x1C570] =	vst v63  }
0x4e: {  	s12 =	sld [smem:$0x7F1];
	_ =	sdelay $0x1  }
0x4f: {  	[smem:$0x7E9] =	sst s24  }
0x50: {  	[spmem:s12] =	stream.linear.scatter [tilespmem:s6], [sflag:$0x3], $0x1870, $0x38;
	[tilespmem:$0x1C570] =	vst v63  }
0x51: {  	s12 =	sand.u32 $0x7, s24;
	s24 =	sld [smem:$0x7F3];
	_ =	sdelay $0x1  }
0x52: {  	[smem:$0x7E7] =	sst s20;
	s20 =	sshrl.u32 s20, $0x2  }
0x53: {  	[spmem:s24] =	stream.linear.scatter [tilespmem:s6], [sflag:$0x3], $0x1870, $0x38;
	[tilespmem:$0x1C570] =	vst v63  }
0x54: {  	s30 =	smul.u32 $0x31000, s20;
	s24 =	sld [smem:$0x7F2]  }
0x55: {  	[smem:$0x7E8] =	sst s20;
	s20 =	smul.u32 $0x188000, s20  }
0x56: {  	_ = 	snop  }
0x57: {  	s30 =	sadd.s32 s30, s24;
	s20 =	sadd.s32 s20, s24;
	s24 =	sld [smem:$0x7F6]  }
0x58: {  	_ =	sdelay $0x1  }
0x59: {  	[spmem:s24] =	stream.linear.scatter [tilespmem:s6], [sflag:$0x3], $0x1870, $0x38;
	[tilespmem:$0x1C570] =	vst v63  }
0x5a: {  	s24 =	sld [smem:$0x7F7];
	_ =	sdelay $0x1  }
0x5b: {  	s12 =	smul.u32 $0x31000, s12  }
0x5c: {  	[spmem:s24] =	stream.linear.scatter [tilespmem:s6], [sflag:$0x3], $0x1870, $0x38;
	[tilespmem:$0x1C570] =	vst v63  }
0x5d: {  	s12 =	sadd.s32 s12, s20;
	s20 =	sshrl.u32 s30, $0x3;
	s24 =	rddreg [dreg:$0x13]  }
0x5e: {  	s20 =	sadd.s32 s20, s24;
	s24 =	sld [smem:$0x7F8];
	_ =	sdelay $0x2  }
0x5f: {  	[spmem:s24] =	stream.linear.scatter [tilespmem:s6], [sflag:$0x3], $0x1870, $0x38;
	[tilespmem:$0x1C570] =	vst v63  }
0x60: {  	s12 =	sshrl.u32 s12, $0x3;
	s24 =	rddreg [dreg:$0x1]  }
0x61: {  	s12 =	sadd.s32 s12, s24;
	s24 =	sld [smem:$0x7F9]  }
0x62: {  	[dreg:$0x5] =	wrdreg s20  }
0x63: {  	s20 =	sld [smem:$0x7FA]  }
0x64: {  	[spmem:s24] =	stream.linear.scatter [tilespmem:s6], [sflag:$0x3], $0x1870, $0x38;
	[tilespmem:$0x1C570] =	vst v63  }
0x65: {  	[dreg:$0x6] =	wrdreg s12  }
0x66: {  	[spmem:s20] =	stream.linear.scatter [tilespmem:s6], [sflag:$0x3], $0x1870, $0x38;
	[tilespmem:$0x1C570] =	vst v63  }
0x67: {  	_ =	swait.ge [sflag:s25], $0x1870  }
0x68: {  	[sflag:s25] =	ssyncset.done $0x0  }
0x69: {  	[sflag:s25] =	ssyncadd.s32 $0xFFFFE790  }
0x6a: {  	_ =	swait.ge [sflag:s25], $0x1870  }
0x6b: {  	[sflag:s25] =	ssyncset.done $0x0  }
0x6c: {  	[sflag:s25] =	ssyncadd.s32 $0xFFFFE790  }
0x6d: {  	_ =	swait.ge [sflag:s25], $0x1870  }
0x6e: {  	[sflag:s25] =	ssyncset.done $0x0  }
0x6f: {  	[sflag:s25] =	ssyncadd.s32 $0xFFFFE790  }
0x70: {  	_ =	swait.ge [sflag:s25], $0x1870  }
0x71: {  	[sflag:s25] =	ssyncset.done $0x0  }
0x72: {  	[sflag:s25] =	ssyncadd.s32 $0xFFFFE790  }
0x73: {  	_ =	swait.ge [sflag:s25], $0x1870  }
0x74: {  	[sflag:s25] =	ssyncset.done $0x0  }
0x75: {  	[sflag:s25] =	ssyncadd.s32 $0xFFFFE790  }
0x76: {  	_ =	swait.ge [sflag:s25], $0x1870  }
0x77: {  	[sflag:s25] =	ssyncset.done $0x0  }
0x78: {  	[sflag:s25] =	ssyncadd.s32 $0xFFFFE790  }
0x79: {  	_ =	swait.ge [sflag:s25], $0x1870  }
0x7a: {  	[sflag:s25] =	ssyncset.done $0x0  }
0x7b: {  	[sflag:s25] =	ssyncadd.s32 $0xFFFFE790  }
0x7c: {  	_ =	swait.ge [sflag:s25], $0x1870  }
0x7d: {  	[sflag:s25] =	ssyncset.done $0x0  }
0x7e: {  	[sflag:s25] =	ssyncadd.s32 $0xFFFFE790  }
0x7f: {  	_ =	swait.ge [sflag:s25], $0x1870  }
0x80: {  	[sflag:s25] =	ssyncset.done $0x0  }
0x81: {  	[sflag:s25] =	ssyncadd.s32 $0xFFFFE790  }
0x82: {  	_ =	swait.ge [sflag:s25], $0x1870  }
0x83: {  	[sflag:s25] =	ssyncset.done $0x0  }
0x84: {  	[sflag:s25] =	ssyncadd.s32 $0xFFFFE790  }
0x85: {  	_ =	swait.ge [sflag:s25], $0x1870  }
0x86: {  	[sflag:s25] =	ssyncset.done $0x0  }
0x87: {  	[sflag:s25] =	ssyncadd.s32 $0xFFFFE790  }
0x88: {  	_ =	swait.ge [sflag:s25], $0x1870  }
0x89: {  	[sflag:s25] =	ssyncset.done $0x0  }
0x8a: {  	[sflag:s25] =	ssyncadd.s32 $0xFFFFE790  }
0x8b: {  	_ =	swait.ge [sflag:s25], $0x1870  }
0x8c: {  	[sflag:s25] =	ssyncset.done $0x0  }
0x8d: {  	[sflag:s25] =	ssyncadd.s32 $0xFFFFE790  }
0x8e: {  	_ =	swait.ge [sflag:s25], $0x1870  }
0x8f: {  	[sflag:s25] =	ssyncset.done $0x0  }
0x90: {  	[sflag:s25] =	ssyncadd.s32 $0xFFFFE790  }
0x91: {  	_ =	swait.ge [sflag:s25], $0x1870  }
0x92: {  	[sflag:s25] =	ssyncset.done $0x0  }
0x93: {  	[sflag:s25] =	ssyncadd.s32 $0xFFFFE790  }
0x94: {  	_ =	swait.ge [sflag:s25], $0x1870  }
0x95: {  	[sflag:s25] =	ssyncset.done $0x0  }
0x96: {  	[sflag:s25] =	ssyncadd.s32 $0xFFFFE790  }
0x97: {  	[bflag:$0x0] =	sbarrier.arrive $0xFFFF  }
0x98: {  	s24 =	rddreg [dreg:$0x6]  }
0x99: {  	s6 =	sadd.s32 $0x0, s24  }
0x9a: {  	[tilespmem:s29], [sflag:$0x6] =	stream.linear.gather [hbm4b:s6+s4], $0x700, $0x38;
	[tilespmem:$0x1C570] =	vst v63  }
0x9b: {  	_ =	swait.ge [sflag:s9], $0x700  }
0x9c: {  	s12 =	rddreg [dreg:$0x5];
	[sflag:s9] =	ssyncset.done $0x0  }
0x9d: {  	[sflag:s9] =	ssyncadd.s32 $0xFFFFF900;
	s6 =	sadd.s32 $0x0, s12  }
0x9e: {  	[tilespmem:s11], [sflag:$0x6] =	stream.linear.gather [hbm4b:s6+s4], $0x700, $0x38;
	[tilespmem:$0x1C570] =	vst v63  }
0x9f: {  	_ =	swait.ge [sflag:s9], $0x700  }
0xa0: {  	[sflag:s9] =	ssyncset.done $0x0  }
0xa1: {  	[sflag:s9] =	ssyncadd.s32 $0xFFFFF900  }
0xa2: {  	[tilespmem:s5], [sflag:$0x1] =	stream.indirect.gather [hbm4b:s1+s2], $0x10, s29, s2, $0xb8;
	[tilespmem:$0x1C570] =	vst v63  }
0xa3: {  	s20 =	rddreg [dreg:$0x7]  }
0xa4: {  	[tilespmem:s10], [sflag:$0x2] =	stream.indirect.gather [hbm4b:s1+s2], $0x10, s20, s2, $0xb8;
	[tilespmem:$0x1C570] =	vst v63  }
0xa5: {  	_ =	swait.ge [sflag:s13], $0x800  }
0xa6: {  	[sflag:s13] =	ssyncset.done $0x0  }
0xa7: {  	[sflag:s13] =	ssyncadd.s32 $0xFFFFF800  }
0xa8: {  	[spmem:s3] =	stream.indirect.scatter.add.f32 [tilespmem:s5], [sflag:$0x3], $0x10, s11, s2, $0xb8;
	[tilespmem:$0x1C570] =	vst v63  }
0xa9: {  	_ =	swait.ge [sflag:s25], $0x800  }
0xaa: {  	[sflag:s25] =	ssyncset.done $0x0  }
0xab: {  	s24 =	rddreg [dreg:$0x8];
	[sflag:s25] =	ssyncadd.s32 $0xFFFFF800  }
0xac: {  	[tilespmem:s5], [sflag:$0x1] =	stream.indirect.gather [hbm4b:s1+s2], $0x10, s24, s2, $0xb8;
	[tilespmem:$0x1C570] =	vst v63  }
0xad: {  	_ =	swait.ge [sflag:s14], $0x800  }
0xae: {  	[sflag:s14] =	ssyncset.done $0x0  }
0xaf: {  	[sflag:s14] =	ssyncadd.s32 $0xFFFFF800  }
0xb0: {  	[spmem:s3] =	stream.indirect.scatter.add.f32 [tilespmem:s10], [sflag:$0x4], $0x10, s15, s2, $0xb8;
	[tilespmem:$0x1C570] =	vst v63  }
0xb1: {  	_ =	swait.ge [sflag:s7], $0x800  }
0xb2: {  	[sflag:s7] =	ssyncset.done $0x0  }
0xb3: {  	s12 =	rddreg [dreg:$0x9];
	[sflag:s7] =	ssyncadd.s32 $0xFFFFF800  }
0xb4: {  	[tilespmem:s10], [sflag:$0x2] =	stream.indirect.gather [hbm4b:s1+s2], $0x10, s12, s2, $0xb8;
	[tilespmem:$0x1C570] =	vst v63  }
0xb5: {  	_ =	swait.ge [sflag:s13], $0x800  }
0xb6: {  	[sflag:s13] =	ssyncset.done $0x0  }
0xb7: {  	[sflag:s13] =	ssyncadd.s32 $0xFFFFF800  }
0xb8: {  	[spmem:s3] =	stream.indirect.scatter.add.f32 [tilespmem:s5], [sflag:$0x3], $0x10, s16, s2, $0xb8;
	[tilespmem:$0x1C570] =	vst v63  }
0xb9: {  	_ =	swait.ge [sflag:s25], $0x800  }
0xba: {  	[sflag:s25] =	ssyncset.done $0x0  }
0xbb: {  	s20 =	rddreg [dreg:$0xa];
	[sflag:s25] =	ssyncadd.s32 $0xFFFFF800  }
0xbc: {  	[tilespmem:s5], [sflag:$0x1] =	stream.indirect.gather [hbm4b:s1+s2], $0x10, s20, s2, $0xb8;
	[tilespmem:$0x1C570] =	vst v63  }
0xbd: {  	_ =	swait.ge [sflag:s14], $0x800  }
0xbe: {  	[sflag:s14] =	ssyncset.done $0x0  }
0xbf: {  	[sflag:s14] =	ssyncadd.s32 $0xFFFFF800  }
0xc0: {  	[spmem:s3] =	stream.indirect.scatter.add.f32 [tilespmem:s10], [sflag:$0x4], $0x10, s17, s2, $0xb8;
	[tilespmem:$0x1C570] =	vst v63  }
0xc1: {  	_ =	swait.ge [sflag:s7], $0x800  }
0xc2: {  	[sflag:s7] =	ssyncset.done $0x0  }
0xc3: {  	s24 =	rddreg [dreg:$0xb];
	[sflag:s7] =	ssyncadd.s32 $0xFFFFF800  }
0xc4: {  	[tilespmem:s10], [sflag:$0x2] =	stream.indirect.gather [hbm4b:s1+s2], $0x10, s24, s2, $0xb8;
	[tilespmem:$0x1C570] =	vst v63  }
0xc5: {  	_ =	swait.ge [sflag:s13], $0x800  }
0xc6: {  	[sflag:s13] =	ssyncset.done $0x0  }
0xc7: {  	[sflag:s13] =	ssyncadd.s32 $0xFFFFF800  }
0xc8: {  	[spmem:s3] =	stream.indirect.scatter.add.f32 [tilespmem:s5], [sflag:$0x3], $0x10, s18, s2, $0xb8;
	[tilespmem:$0x1C570] =	vst v63  }
0xc9: {  	_ =	swait.ge [sflag:s25], $0x800  }
0xca: {  	[sflag:s25] =	ssyncset.done $0x0  }
0xcb: {  	s12 =	rddreg [dreg:$0xc];
	[sflag:s25] =	ssyncadd.s32 $0xFFFFF800  }
0xcc: {  	[tilespmem:s5], [sflag:$0x1] =	stream.indirect.gather [hbm4b:s1+s2], $0x10, s12, s2, $0xb8;
	[tilespmem:$0x1C570] =	vst v63  }
0xcd: {  	_ =	swait.ge [sflag:s14], $0x800  }
0xce: {  	[sflag:s14] =	ssyncset.done $0x0  }
0xcf: {  	[sflag:s14] =	ssyncadd.s32 $0xFFFFF800  }
0xd0: {  	[spmem:s3] =	stream.indirect.scatter.add.f32 [tilespmem:s10], [sflag:$0x4], $0x10, s19, s2, $0xb8;
	[tilespmem:$0x1C570] =	vst v63  }
0xd1: {  	_ =	swait.ge [sflag:s7], $0x800  }
0xd2: {  	[sflag:s7] =	ssyncset.done $0x0  }
0xd3: {  	s20 =	rddreg [dreg:$0xd];
	[sflag:s7] =	ssyncadd.s32 $0xFFFFF800  }
0xd4: {  	[tilespmem:s10], [sflag:$0x2] =	stream.indirect.gather [hbm4b:s1+s2], $0x10, s20, s2, $0xb8;
	[tilespmem:$0x1C570] =	vst v63  }
0xd5: {  	_ =	swait.ge [sflag:s13], $0x800  }
0xd6: {  	[sflag:s13] =	ssyncset.done $0x0  }
0xd7: {  	[sflag:s13] =	ssyncadd.s32 $0xFFFFF800  }
0xd8: {  	[spmem:s3] =	stream.indirect.scatter.add.f32 [tilespmem:s5], [sflag:$0x3], $0x10, s21, s2, $0xb8;
	[tilespmem:$0x1C570] =	vst v63  }
0xd9: {  	_ =	swait.ge [sflag:s25], $0x800  }
0xda: {  	[sflag:s25] =	ssyncset.done $0x0  }
0xdb: {  	s24 =	rddreg [dreg:$0xe];
	[sflag:s25] =	ssyncadd.s32 $0xFFFFF800  }
0xdc: {  	[tilespmem:s5], [sflag:$0x1] =	stream.indirect.gather [hbm4b:s1+s2], $0x10, s24, s2, $0xb8;
	[tilespmem:$0x1C570] =	vst v63  }
0xdd: {  	_ =	swait.ge [sflag:s14], $0x800  }
0xde: {  	[sflag:s14] =	ssyncset.done $0x0  }
0xdf: {  	[sflag:s14] =	ssyncadd.s32 $0xFFFFF800  }
0xe0: {  	[spmem:s3] =	stream.indirect.scatter.add.f32 [tilespmem:s10], [sflag:$0x4], $0x10, s22, s2, $0xb8;
	[tilespmem:$0x1C570] =	vst v63  }
0xe1: {  	_ =	swait.ge [sflag:s7], $0x800  }
0xe2: {  	[sflag:s7] =	ssyncset.done $0x0  }
0xe3: {  	s12 =	rddreg [dreg:$0xf];
	[sflag:s7] =	ssyncadd.s32 $0xFFFFF800  }
0xe4: {  	[tilespmem:s10], [sflag:$0x2] =	stream.indirect.gather [hbm4b:s1+s2], $0x10, s12, s2, $0xb8;
	[tilespmem:$0x1C570] =	vst v63  }
0xe5: {  	_ =	swait.ge [sflag:s13], $0x800  }
0xe6: {  	[sflag:s13] =	ssyncset.done $0x0  }
0xe7: {  	[sflag:s13] =	ssyncadd.s32 $0xFFFFF800  }
0xe8: {  	[spmem:s3] =	stream.indirect.scatter.add.f32 [tilespmem:s5], [sflag:$0x3], $0x10, s8, s2, $0xb8;
	[tilespmem:$0x1C570] =	vst v63  }
0xe9: {  	_ =	swait.ge [sflag:s25], $0x800  }
0xea: {  	[sflag:s25] =	ssyncset.done $0x0  }
0xeb: {  	s20 =	rddreg [dreg:$0x10];
	[sflag:s25] =	ssyncadd.s32 $0xFFFFF800  }
0xec: {  	[tilespmem:s5], [sflag:$0x1] =	stream.indirect.gather [hbm4b:s1+s2], $0x10, s20, s2, $0xb8;
	[tilespmem:$0x1C570] =	vst v63  }
0xed: {  	_ =	swait.ge [sflag:s14], $0x800  }
0xee: {  	[sflag:s14] =	ssyncset.done $0x0  }
0xef: {  	[sflag:s14] =	ssyncadd.s32 $0xFFFFF800  }
0xf0: {  	[spmem:s3] =	stream.indirect.scatter.add.f32 [tilespmem:s10], [sflag:$0x4], $0x10, s23, s2, $0xb8;
	[tilespmem:$0x1C570] =	vst v63  }
0xf1: {  	_ =	swait.ge [sflag:s7], $0x800  }
0xf2: {  	[sflag:s7] =	ssyncset.done $0x0  }
0xf3: {  	s24 =	rddreg [dreg:$0x11];
	[sflag:s7] =	ssyncadd.s32 $0xFFFFF800  }
0xf4: {  	[tilespmem:s10], [sflag:$0x2] =	stream.indirect.gather [hbm4b:s1+s2], $0x10, s24, s2, $0xb8;
	[tilespmem:$0x1C570] =	vst v63  }
0xf5: {  	_ =	swait.ge [sflag:s13], $0x800  }
0xf6: {  	[sflag:s13] =	ssyncset.done $0x0  }
0xf7: {  	[sflag:s13] =	ssyncadd.s32 $0xFFFFF800  }
0xf8: {  	[spmem:s3] =	stream.indirect.scatter.add.f32 [tilespmem:s5], [sflag:$0x3], $0x10, s26, s2, $0xb8;
	[tilespmem:$0x1C570] =	vst v63  }
0xf9: {  	_ =	swait.ge [sflag:s25], $0x800  }
0xfa: {  	[sflag:s25] =	ssyncset.done $0x0  }
0xfb: {  	s12 =	rddreg [dreg:$0x12];
	[sflag:s25] =	ssyncadd.s32 $0xFFFFF800  }
0xfc: {  	[tilespmem:s5], [sflag:$0x1] =	stream.indirect.gather [hbm4b:s1+s2], $0x10, s12, s2, $0xb8;
	[tilespmem:$0x1C570] =	vst v63  }
0xfd: {  	_ =	swait.ge [sflag:s14], $0x800  }
0xfe: {  	[sflag:s14] =	ssyncset.done $0x0  }
0xff: {  	[sflag:s14] =	ssyncadd.s32 $0xFFFFF800  }
0x100: {  	[spmem:s3] =	stream.indirect.scatter.add.f32 [tilespmem:s10], [sflag:$0x4], $0x10, s28, s2, $0xb8;
	[tilespmem:$0x1C570] =	vst v63  }
0x101: {  	_ =	swait.ge [sflag:s7], $0x800  }
0x102: {  	[sflag:s7] =	ssyncset.done $0x0  }
0x103: {  	s30 =	simm.s32 $0x36F0;
	[sflag:s7] =	ssyncadd.s32 $0xFFFFF800  }
0x104: {  	[tilespmem:s10], [sflag:$0x2] =	stream.indirect.gather [hbm4b:s1+s2], $0x10, s30, s2, $0xb8;
	[tilespmem:$0x1C570] =	vst v63  }
0x105: {  	_ =	swait.ge [sflag:s13], $0x800  }
0x106: {  	[sflag:s13] =	ssyncset.done $0x0  }
0x107: {  	[sflag:s13] =	ssyncadd.s32 $0xFFFFF800  }
0x108: {  	[spmem:s3] =	stream.indirect.scatter.add.f32 [tilespmem:s5], [sflag:$0x3], $0x10, s31, s2, $0xb8;
	[tilespmem:$0x1C570] =	vst v63  }
0x109: {  	_ =	swait.ge [sflag:s25], $0x800  }
0x10a: {  	[sflag:s25] =	ssyncset.done $0x0  }
0x10b: {  	[sflag:s25] =	ssyncadd.s32 $0xFFFFF800  }
0x10c: {  	_ =	swait.ge [sflag:s14], $0x800  }
0x10d: {  	[sflag:s14] =	ssyncset.done $0x0;
	s20 =	sld [smem:$0x7EE]  }
0x10e: {  	[sflag:s14] =	ssyncadd.s32 $0xFFFFF800  }
0x10f: {  	[spmem:s3] =	stream.indirect.scatter.add.f32 [tilespmem:s10], [sflag:$0x4], $0x10, s0, s2, $0xb8;
	[tilespmem:$0x1C570] =	vst v63  }
0x110: {  	s6 =	sand.u32 $0x7, s20  }
0x111: {  	[smem:$0x7EA] =	sst s6  }
0x112: {  	_ =	swait.ge [sflag:s7], $0x800  }
0x113: {  	s24 =	sld [smem:$0x7ED];
	_ =	sdelay $0x1  }
0x114: {  	s12 =	simm.s32 $0xE0;
	s6 =	rddreg [dreg:$0x6]  }
0x115: {  	s20 =	simm.s32 $0x1C0;
	[sflag:s7] =	ssyncset.done $0x0;
	[smem:$0x7EB] =	sst s24  }
.LBB2_3:
0x116: {  	[sflag:s7] =	ssyncadd.s32 $0xFFFFF800;
	s6 =	sadd.s32 s12, s6  }
0x117: {  	[tilespmem:s29], [sflag:$0x6] =	stream.linear.gather [hbm4b:s6+s4], $0x700, $0x38;
	[tilespmem:$0x1C570] =	vst v63  }
0x118: {  	_ =	swait.ge [sflag:s9], $0x700  }
0x119: {  	s6 =	rddreg [dreg:$0x5];
	[sflag:s9] =	ssyncset.done $0x0  }
0x11a: {  	[sflag:s9] =	ssyncadd.s32 $0xFFFFF900;
	s6 =	sadd.s32 s12, s6  }
0x11b: {  	[tilespmem:s11], [sflag:$0x6] =	stream.linear.gather [hbm4b:s6+s4], $0x700, $0x38;
	[tilespmem:$0x1C570] =	vst v63  }
0x11c: {  	_ =	swait.ge [sflag:s9], $0x700  }
0x11d: {  	[sflag:s9] =	ssyncset.done $0x0  }
0x11e: {  	s24 =	smov.u32 s20;
	[sflag:s9] =	ssyncadd.s32 $0xFFFFF900  }
0x11f: {  	[tilespmem:s5], [sflag:$0x1] =	stream.indirect.gather [hbm4b:s1+s2], $0x10, s29, s2, $0xb8;
	[tilespmem:$0x1C570] =	vst v63  }
0x120: {  	s12 =	smov.u32 s24;
	s24 =	rddreg [dreg:$0x7]  }
0x121: {  	[tilespmem:s10], [sflag:$0x2] =	stream.indirect.gather [hbm4b:s1+s2], $0x10, s24, s2, $0xb8;
	[tilespmem:$0x1C570] =	vst v63  }
0x122: {  	_ =	swait.ge [sflag:s13], $0x800  }
0x123: {  	[sflag:s13] =	ssyncset.done $0x0  }
0x124: {  	[sflag:s13] =	ssyncadd.s32 $0xFFFFF800  }
0x125: {  	[spmem:s3] =	stream.indirect.scatter.add.f32 [tilespmem:s5], [sflag:$0x3], $0x10, s11, s2, $0xb8;
	[tilespmem:$0x1C570] =	vst v63  }
0x126: {  	_ =	swait.ge [sflag:s25], $0x800  }
0x127: {  	[sflag:s25] =	ssyncset.done $0x0  }
0x128: {  	s24 =	rddreg [dreg:$0x8];
	[sflag:s25] =	ssyncadd.s32 $0xFFFFF800  }
0x129: {  	[tilespmem:s5], [sflag:$0x1] =	stream.indirect.gather [hbm4b:s1+s2], $0x10, s24, s2, $0xb8;
	[tilespmem:$0x1C570] =	vst v63  }
0x12a: {  	_ =	swait.ge [sflag:s14], $0x800  }
0x12b: {  	[sflag:s14] =	ssyncset.done $0x0  }
0x12c: {  	[sflag:s14] =	ssyncadd.s32 $0xFFFFF800  }
0x12d: {  	[spmem:s3] =	stream.indirect.scatter.add.f32 [tilespmem:s10], [sflag:$0x4], $0x10, s15, s2, $0xb8;
	[tilespmem:$0x1C570] =	vst v63  }
0x12e: {  	_ =	swait.ge [sflag:s7], $0x800  }
0x12f: {  	[sflag:s7] =	ssyncset.done $0x0  }
0x130: {  	s24 =	rddreg [dreg:$0x9];
	[sflag:s7] =	ssyncadd.s32 $0xFFFFF800  }
0x131: {  	[tilespmem:s10], [sflag:$0x2] =	stream.indirect.gather [hbm4b:s1+s2], $0x10, s24, s2, $0xb8;
	[tilespmem:$0x1C570] =	vst v63  }
0x132: {  	_ =	swait.ge [sflag:s13], $0x800  }
0x133: {  	[sflag:s13] =	ssyncset.done $0x0  }
0x134: {  	[sflag:s13] =	ssyncadd.s32 $0xFFFFF800  }
0x135: {  	[spmem:s3] =	stream.indirect.scatter.add.f32 [tilespmem:s5], [sflag:$0x3], $0x10, s16, s2, $0xb8;
	[tilespmem:$0x1C570] =	vst v63  }
0x136: {  	_ =	swait.ge [sflag:s25], $0x800  }
0x137: {  	[sflag:s25] =	ssyncset.done $0x0  }
0x138: {  	s24 =	rddreg [dreg:$0xa];
	[sflag:s25] =	ssyncadd.s32 $0xFFFFF800  }
0x139: {  	[tilespmem:s5], [sflag:$0x1] =	stream.indirect.gather [hbm4b:s1+s2], $0x10, s24, s2, $0xb8;
	[tilespmem:$0x1C570] =	vst v63  }
0x13a: {  	_ =	swait.ge [sflag:s14], $0x800  }
0x13b: {  	[sflag:s14] =	ssyncset.done $0x0  }
0x13c: {  	[sflag:s14] =	ssyncadd.s32 $0xFFFFF800  }
0x13d: {  	[spmem:s3] =	stream.indirect.scatter.add.f32 [tilespmem:s10], [sflag:$0x4], $0x10, s17, s2, $0xb8;
	[tilespmem:$0x1C570] =	vst v63  }
0x13e: {  	_ =	swait.ge [sflag:s7], $0x800  }
0x13f: {  	[sflag:s7] =	ssyncset.done $0x0  }
0x140: {  	s24 =	rddreg [dreg:$0xb];
	[sflag:s7] =	ssyncadd.s32 $0xFFFFF800  }
0x141: {  	[tilespmem:s10], [sflag:$0x2] =	stream.indirect.gather [hbm4b:s1+s2], $0x10, s24, s2, $0xb8;
	[tilespmem:$0x1C570] =	vst v63  }
0x142: {  	_ =	swait.ge [sflag:s13], $0x800  }
0x143: {  	[sflag:s13] =	ssyncset.done $0x0  }
0x144: {  	[sflag:s13] =	ssyncadd.s32 $0xFFFFF800  }
0x145: {  	[spmem:s3] =	stream.indirect.scatter.add.f32 [tilespmem:s5], [sflag:$0x3], $0x10, s18, s2, $0xb8;
	[tilespmem:$0x1C570] =	vst v63  }
0x146: {  	_ =	swait.ge [sflag:s25], $0x800  }
0x147: {  	[sflag:s25] =	ssyncset.done $0x0  }
0x148: {  	s24 =	rddreg [dreg:$0xc];
	[sflag:s25] =	ssyncadd.s32 $0xFFFFF800  }
0x149: {  	[tilespmem:s5], [sflag:$0x1] =	stream.indirect.gather [hbm4b:s1+s2], $0x10, s24, s2, $0xb8;
	[tilespmem:$0x1C570] =	vst v63  }
0x14a: {  	_ =	swait.ge [sflag:s14], $0x800  }
0x14b: {  	[sflag:s14] =	ssyncset.done $0x0  }
0x14c: {  	[sflag:s14] =	ssyncadd.s32 $0xFFFFF800  }
0x14d: {  	[spmem:s3] =	stream.indirect.scatter.add.f32 [tilespmem:s10], [sflag:$0x4], $0x10, s19, s2, $0xb8;
	[tilespmem:$0x1C570] =	vst v63  }
0x14e: {  	_ =	swait.ge [sflag:s7], $0x800  }
0x14f: {  	[sflag:s7] =	ssyncset.done $0x0  }
0x150: {  	s24 =	rddreg [dreg:$0xd];
	[sflag:s7] =	ssyncadd.s32 $0xFFFFF800  }
0x151: {  	[tilespmem:s10], [sflag:$0x2] =	stream.indirect.gather [hbm4b:s1+s2], $0x10, s24, s2, $0xb8;
	[tilespmem:$0x1C570] =	vst v63  }
0x152: {  	_ =	swait.ge [sflag:s13], $0x800  }
0x153: {  	[sflag:s13] =	ssyncset.done $0x0  }
0x154: {  	[sflag:s13] =	ssyncadd.s32 $0xFFFFF800  }
0x155: {  	[spmem:s3] =	stream.indirect.scatter.add.f32 [tilespmem:s5], [sflag:$0x3], $0x10, s21, s2, $0xb8;
	[tilespmem:$0x1C570] =	vst v63  }
0x156: {  	_ =	swait.ge [sflag:s25], $0x800  }
0x157: {  	[sflag:s25] =	ssyncset.done $0x0  }
0x158: {  	s24 =	rddreg [dreg:$0xe];
	[sflag:s25] =	ssyncadd.s32 $0xFFFFF800  }
0x159: {  	[tilespmem:s5], [sflag:$0x1] =	stream.indirect.gather [hbm4b:s1+s2], $0x10, s24, s2, $0xb8;
	[tilespmem:$0x1C570] =	vst v63  }
0x15a: {  	_ =	swait.ge [sflag:s14], $0x800  }
0x15b: {  	[sflag:s14] =	ssyncset.done $0x0  }
0x15c: {  	[sflag:s14] =	ssyncadd.s32 $0xFFFFF800  }
0x15d: {  	[spmem:s3] =	stream.indirect.scatter.add.f32 [tilespmem:s10], [sflag:$0x4], $0x10, s22, s2, $0xb8;
	[tilespmem:$0x1C570] =	vst v63  }
0x15e: {  	_ =	swait.ge [sflag:s7], $0x800  }
0x15f: {  	[sflag:s7] =	ssyncset.done $0x0  }
0x160: {  	s24 =	rddreg [dreg:$0xf];
	[sflag:s7] =	ssyncadd.s32 $0xFFFFF800  }
0x161: {  	[tilespmem:s10], [sflag:$0x2] =	stream.indirect.gather [hbm4b:s1+s2], $0x10, s24, s2, $0xb8;
	[tilespmem:$0x1C570] =	vst v63  }
0x162: {  	_ =	swait.ge [sflag:s13], $0x800  }
0x163: {  	[sflag:s13] =	ssyncset.done $0x0  }
0x164: {  	[sflag:s13] =	ssyncadd.s32 $0xFFFFF800  }
0x165: {  	[spmem:s3] =	stream.indirect.scatter.add.f32 [tilespmem:s5], [sflag:$0x3], $0x10, s8, s2, $0xb8;
	[tilespmem:$0x1C570] =	vst v63  }
0x166: {  	_ =	swait.ge [sflag:s25], $0x800  }
0x167: {  	[sflag:s25] =	ssyncset.done $0x0  }
0x168: {  	s24 =	rddreg [dreg:$0x10];
	[sflag:s25] =	ssyncadd.s32 $0xFFFFF800  }
0x169: {  	[tilespmem:s5], [sflag:$0x1] =	stream.indirect.gather [hbm4b:s1+s2], $0x10, s24, s2, $0xb8;
	[tilespmem:$0x1C570] =	vst v63  }
0x16a: {  	_ =	swait.ge [sflag:s14], $0x800  }
0x16b: {  	[sflag:s14] =	ssyncset.done $0x0  }
0x16c: {  	[sflag:s14] =	ssyncadd.s32 $0xFFFFF800  }
0x16d: {  	[spmem:s3] =	stream.indirect.scatter.add.f32 [tilespmem:s10], [sflag:$0x4], $0x10, s23, s2, $0xb8;
	[tilespmem:$0x1C570] =	vst v63  }
0x16e: {  	_ =	swait.ge [sflag:s7], $0x800  }
0x16f: {  	[sflag:s7] =	ssyncset.done $0x0  }
0x170: {  	s24 =	rddreg [dreg:$0x11];
	[sflag:s7] =	ssyncadd.s32 $0xFFFFF800  }
0x171: {  	[tilespmem:s10], [sflag:$0x2] =	stream.indirect.gather [hbm4b:s1+s2], $0x10, s24, s2, $0xb8;
	[tilespmem:$0x1C570] =	vst v63  }
0x172: {  	_ =	swait.ge [sflag:s13], $0x800  }
0x173: {  	[sflag:s13] =	ssyncset.done $0x0  }
0x174: {  	[sflag:s13] =	ssyncadd.s32 $0xFFFFF800  }
0x175: {  	[spmem:s3] =	stream.indirect.scatter.add.f32 [tilespmem:s5], [sflag:$0x3], $0x10, s26, s2, $0xb8;
	[tilespmem:$0x1C570] =	vst v63  }
0x176: {  	_ =	swait.ge [sflag:s25], $0x800  }
0x177: {  	[sflag:s25] =	ssyncset.done $0x0  }
0x178: {  	s24 =	rddreg [dreg:$0x12];
	[sflag:s25] =	ssyncadd.s32 $0xFFFFF800  }
0x179: {  	[tilespmem:s5], [sflag:$0x1] =	stream.indirect.gather [hbm4b:s1+s2], $0x10, s24, s2, $0xb8;
	[tilespmem:$0x1C570] =	vst v63  }
0x17a: {  	_ =	swait.ge [sflag:s14], $0x800  }
0x17b: {  	[sflag:s14] =	ssyncset.done $0x0  }
0x17c: {  	[sflag:s14] =	ssyncadd.s32 $0xFFFFF800  }
0x17d: {  	[spmem:s3] =	stream.indirect.scatter.add.f32 [tilespmem:s10], [sflag:$0x4], $0x10, s28, s2, $0xb8;
	[tilespmem:$0x1C570] =	vst v63  }
0x17e: {  	_ =	swait.ge [sflag:s7], $0x800  }
0x17f: {  	[sflag:s7] =	ssyncset.done $0x0  }
0x180: {  	[sflag:s7] =	ssyncadd.s32 $0xFFFFF800  }
0x181: {  	[tilespmem:s10], [sflag:$0x2] =	stream.indirect.gather [hbm4b:s1+s2], $0x10, s30, s2, $0xb8;
	[tilespmem:$0x1C570] =	vst v63  }
0x182: {  	_ =	swait.ge [sflag:s13], $0x800  }
0x183: {  	[sflag:s13] =	ssyncset.done $0x0  }
0x184: {  	[sflag:s13] =	ssyncadd.s32 $0xFFFFF800  }
0x185: {  	[spmem:s3] =	stream.indirect.scatter.add.f32 [tilespmem:s5], [sflag:$0x3], $0x10, s31, s2, $0xb8;
	[tilespmem:$0x1C570] =	vst v63  }
0x186: {  	_ =	swait.ge [sflag:s25], $0x800  }
0x187: {  	[sflag:s25] =	ssyncset.done $0x0  }
0x188: {  	[sflag:s25] =	ssyncadd.s32 $0xFFFFF800  }
0x189: {  	p0 =	seq.s32 s20, $0x540;
	_ =	swait.ge [sflag:s14], $0x800  }
.Ltmp0:
0x18a: {  	[sflag:s14] =	ssyncset.done $0x0;
	(pc) =	sbr.rel @!p0 .LBB2_3-.Ltmp0, $4  }
0x18b: {  	[sflag:s14] =	ssyncadd.s32 $0xFFFFF800  }
0x18c: {  	[spmem:s3] =	stream.indirect.scatter.add.f32 [tilespmem:s10], [sflag:$0x4], $0x10, s0, s2, $0xb8;
	[tilespmem:$0x1C570] =	vst v63  }
0x18d: {  	_ =	swait.ge [sflag:s7], $0x800  }
0x18e: {  	s20 =	sadd.s32 $0xE0, s20;
	s6 =	rddreg [dreg:$0x6];
	[sflag:s7] =	ssyncset.done $0x0  }
0x18f: {  	[sflag:s7] =	ssyncadd.s32 $0xFFFFF800;
	s6 =	sadd.s32 s12, s6  }
0x190: {  	[tilespmem:s29], [sflag:$0x6] =	stream.linear.gather [hbm4b:s6+s4], $0x700, $0x38;
	[tilespmem:$0x1C570] =	vst v63  }
0x191: {  	_ =	swait.ge [sflag:s9], $0x700  }
0x192: {  	s20 =	rddreg [dreg:$0x5];
	[sflag:s9] =	ssyncset.done $0x0  }
0x193: {  	s6 =	sadd.s32 s12, s20;
	[sflag:s9] =	ssyncadd.s32 $0xFFFFF900  }
0x194: {  	[tilespmem:s11], [sflag:$0x6] =	stream.linear.gather [hbm4b:s6+s4], $0x700, $0x38;
	[tilespmem:$0x1C570] =	vst v63  }
0x195: {  	_ =	swait.ge [sflag:s9], $0x700  }
0x196: {  	[sflag:s9] =	ssyncset.done $0x0  }
0x197: {  	[sflag:s9] =	ssyncadd.s32 $0xFFFFF900  }
0x198: {  	[tilespmem:s5], [sflag:$0x1] =	stream.indirect.gather [hbm4b:s1+s2], $0x10, s29, s2, $0xb8;
	[tilespmem:$0x1C570] =	vst v63  }
0x199: {  	s24 =	rddreg [dreg:$0x7]  }
0x19a: {  	[tilespmem:s10], [sflag:$0x2] =	stream.indirect.gather [hbm4b:s1+s2], $0x10, s24, s2, $0xb8;
	[tilespmem:$0x1C570] =	vst v63  }
0x19b: {  	_ =	swait.ge [sflag:s13], $0x800  }
0x19c: {  	[sflag:s13] =	ssyncset.done $0x0  }
0x19d: {  	[sflag:s13] =	ssyncadd.s32 $0xFFFFF800  }
0x19e: {  	[spmem:s3] =	stream.indirect.scatter.add.f32 [tilespmem:s5], [sflag:$0x3], $0x10, s11, s2, $0xb8;
	[tilespmem:$0x1C570] =	vst v63  }
0x19f: {  	_ =	swait.ge [sflag:s25], $0x800  }
0x1a0: {  	[sflag:s25] =	ssyncset.done $0x0  }
0x1a1: {  	s12 =	rddreg [dreg:$0x8];
	[sflag:s25] =	ssyncadd.s32 $0xFFFFF800  }
0x1a2: {  	[tilespmem:s5], [sflag:$0x1] =	stream.indirect.gather [hbm4b:s1+s2], $0x10, s12, s2, $0xb8;
	[tilespmem:$0x1C570] =	vst v63  }
0x1a3: {  	_ =	swait.ge [sflag:s14], $0x800  }
0x1a4: {  	[sflag:s14] =	ssyncset.done $0x0  }
0x1a5: {  	[sflag:s14] =	ssyncadd.s32 $0xFFFFF800  }
0x1a6: {  	[spmem:s3] =	stream.indirect.scatter.add.f32 [tilespmem:s10], [sflag:$0x4], $0x10, s15, s2, $0xb8;
	[tilespmem:$0x1C570] =	vst v63  }
0x1a7: {  	_ =	swait.ge [sflag:s7], $0x800  }
0x1a8: {  	[sflag:s7] =	ssyncset.done $0x0  }
0x1a9: {  	s20 =	rddreg [dreg:$0x9];
	[sflag:s7] =	ssyncadd.s32 $0xFFFFF800  }
0x1aa: {  	[tilespmem:s10], [sflag:$0x2] =	stream.indirect.gather [hbm4b:s1+s2], $0x10, s20, s2, $0xb8;
	[tilespmem:$0x1C570] =	vst v63  }
0x1ab: {  	_ =	swait.ge [sflag:s13], $0x800  }
0x1ac: {  	[sflag:s13] =	ssyncset.done $0x0  }
0x1ad: {  	[sflag:s13] =	ssyncadd.s32 $0xFFFFF800  }
0x1ae: {  	[spmem:s3] =	stream.indirect.scatter.add.f32 [tilespmem:s5], [sflag:$0x3], $0x10, s16, s2, $0xb8;
	[tilespmem:$0x1C570] =	vst v63  }
0x1af: {  	_ =	swait.ge [sflag:s25], $0x800  }
0x1b0: {  	[sflag:s25] =	ssyncset.done $0x0  }
0x1b1: {  	s24 =	rddreg [dreg:$0xa];
	[sflag:s25] =	ssyncadd.s32 $0xFFFFF800  }
0x1b2: {  	[tilespmem:s5], [sflag:$0x1] =	stream.indirect.gather [hbm4b:s1+s2], $0x10, s24, s2, $0xb8;
	[tilespmem:$0x1C570] =	vst v63  }
0x1b3: {  	_ =	swait.ge [sflag:s14], $0x800  }
0x1b4: {  	[sflag:s14] =	ssyncset.done $0x0  }
0x1b5: {  	[sflag:s14] =	ssyncadd.s32 $0xFFFFF800  }
0x1b6: {  	[spmem:s3] =	stream.indirect.scatter.add.f32 [tilespmem:s10], [sflag:$0x4], $0x10, s17, s2, $0xb8;
	[tilespmem:$0x1C570] =	vst v63  }
0x1b7: {  	_ =	swait.ge [sflag:s7], $0x800  }
0x1b8: {  	[sflag:s7] =	ssyncset.done $0x0  }
0x1b9: {  	s12 =	rddreg [dreg:$0xb];
	[sflag:s7] =	ssyncadd.s32 $0xFFFFF800  }
0x1ba: {  	[tilespmem:s10], [sflag:$0x2] =	stream.indirect.gather [hbm4b:s1+s2], $0x10, s12, s2, $0xb8;
	[tilespmem:$0x1C570] =	vst v63  }
0x1bb: {  	_ =	swait.ge [sflag:s13], $0x800  }
0x1bc: {  	[sflag:s13] =	ssyncset.done $0x0  }
0x1bd: {  	[sflag:s13] =	ssyncadd.s32 $0xFFFFF800  }
0x1be: {  	[spmem:s3] =	stream.indirect.scatter.add.f32 [tilespmem:s5], [sflag:$0x3], $0x10, s18, s2, $0xb8;
	[tilespmem:$0x1C570] =	vst v63  }
0x1bf: {  	_ =	swait.ge [sflag:s25], $0x800  }
0x1c0: {  	[sflag:s25] =	ssyncset.done $0x0  }
0x1c1: {  	s20 =	rddreg [dreg:$0xc];
	[sflag:s25] =	ssyncadd.s32 $0xFFFFF800  }
0x1c2: {  	[tilespmem:s5], [sflag:$0x1] =	stream.indirect.gather [hbm4b:s1+s2], $0x10, s20, s2, $0xb8;
	[tilespmem:$0x1C570] =	vst v63  }
0x1c3: {  	_ =	swait.ge [sflag:s14], $0x800  }
0x1c4: {  	[sflag:s14] =	ssyncset.done $0x0  }
0x1c5: {  	[sflag:s14] =	ssyncadd.s32 $0xFFFFF800  }
0x1c6: {  	[spmem:s3] =	stream.indirect.scatter.add.f32 [tilespmem:s10], [sflag:$0x4], $0x10, s19, s2, $0xb8;
	[tilespmem:$0x1C570] =	vst v63  }
0x1c7: {  	_ =	swait.ge [sflag:s7], $0x800  }
0x1c8: {  	[sflag:s7] =	ssyncset.done $0x0  }
0x1c9: {  	s24 =	rddreg [dreg:$0xd];
	[sflag:s7] =	ssyncadd.s32 $0xFFFFF800  }
0x1ca: {  	[tilespmem:s10], [sflag:$0x2] =	stream.indirect.gather [hbm4b:s1+s2], $0x10, s24, s2, $0xb8;
	[tilespmem:$0x1C570] =	vst v63  }
0x1cb: {  	_ =	swait.ge [sflag:s13], $0x800  }
0x1cc: {  	[sflag:s13] =	ssyncset.done $0x0  }
0x1cd: {  	[sflag:s13] =	ssyncadd.s32 $0xFFFFF800  }
0x1ce: {  	[spmem:s3] =	stream.indirect.scatter.add.f32 [tilespmem:s5], [sflag:$0x3], $0x10, s21, s2, $0xb8;
	[tilespmem:$0x1C570] =	vst v63  }
0x1cf: {  	_ =	swait.ge [sflag:s25], $0x800  }
0x1d0: {  	[sflag:s25] =	ssyncset.done $0x0  }
0x1d1: {  	s12 =	rddreg [dreg:$0xe];
	[sflag:s25] =	ssyncadd.s32 $0xFFFFF800  }
0x1d2: {  	[tilespmem:s5], [sflag:$0x1] =	stream.indirect.gather [hbm4b:s1+s2], $0x10, s12, s2, $0xb8;
	[tilespmem:$0x1C570] =	vst v63  }
0x1d3: {  	_ =	swait.ge [sflag:s14], $0x800  }
0x1d4: {  	[sflag:s14] =	ssyncset.done $0x0  }
0x1d5: {  	[sflag:s14] =	ssyncadd.s32 $0xFFFFF800  }
0x1d6: {  	[spmem:s3] =	stream.indirect.scatter.add.f32 [tilespmem:s10], [sflag:$0x4], $0x10, s22, s2, $0xb8;
	[tilespmem:$0x1C570] =	vst v63  }
0x1d7: {  	_ =	swait.ge [sflag:s7], $0x800  }
0x1d8: {  	[sflag:s7] =	ssyncset.done $0x0  }
0x1d9: {  	s20 =	rddreg [dreg:$0xf];
	[sflag:s7] =	ssyncadd.s32 $0xFFFFF800  }
0x1da: {  	[tilespmem:s10], [sflag:$0x2] =	stream.indirect.gather [hbm4b:s1+s2], $0x10, s20, s2, $0xb8;
	[tilespmem:$0x1C570] =	vst v63  }
0x1db: {  	_ =	swait.ge [sflag:s13], $0x800  }
0x1dc: {  	[sflag:s13] =	ssyncset.done $0x0  }
0x1dd: {  	[sflag:s13] =	ssyncadd.s32 $0xFFFFF800  }
0x1de: {  	[spmem:s3] =	stream.indirect.scatter.add.f32 [tilespmem:s5], [sflag:$0x3], $0x10, s8, s2, $0xb8;
	[tilespmem:$0x1C570] =	vst v63  }
0x1df: {  	_ =	swait.ge [sflag:s25], $0x800  }
0x1e0: {  	[sflag:s25] =	ssyncset.done $0x0  }
0x1e1: {  	s24 =	rddreg [dreg:$0x10];
	[sflag:s25] =	ssyncadd.s32 $0xFFFFF800  }
0x1e2: {  	[tilespmem:s5], [sflag:$0x1] =	stream.indirect.gather [hbm4b:s1+s2], $0x10, s24, s2, $0xb8;
	[tilespmem:$0x1C570] =	vst v63  }
0x1e3: {  	_ =	swait.ge [sflag:s14], $0x800  }
0x1e4: {  	[sflag:s14] =	ssyncset.done $0x0  }
0x1e5: {  	[sflag:s14] =	ssyncadd.s32 $0xFFFFF800  }
0x1e6: {  	[spmem:s3] =	stream.indirect.scatter.add.f32 [tilespmem:s10], [sflag:$0x4], $0x10, s23, s2, $0xb8;
	[tilespmem:$0x1C570] =	vst v63  }
0x1e7: {  	_ =	swait.ge [sflag:s7], $0x800  }
0x1e8: {  	[sflag:s7] =	ssyncset.done $0x0  }
0x1e9: {  	s12 =	rddreg [dreg:$0x11];
	[sflag:s7] =	ssyncadd.s32 $0xFFFFF800  }
0x1ea: {  	[tilespmem:s10], [sflag:$0x2] =	stream.indirect.gather [hbm4b:s1+s2], $0x10, s12, s2, $0xb8;
	[tilespmem:$0x1C570] =	vst v63  }
0x1eb: {  	_ =	swait.ge [sflag:s13], $0x800  }
0x1ec: {  	[sflag:s13] =	ssyncset.done $0x0  }
0x1ed: {  	[sflag:s13] =	ssyncadd.s32 $0xFFFFF800  }
0x1ee: {  	[spmem:s3] =	stream.indirect.scatter.add.f32 [tilespmem:s5], [sflag:$0x3], $0x10, s26, s2, $0xb8;
	[tilespmem:$0x1C570] =	vst v63  }
0x1ef: {  	_ =	swait.ge [sflag:s25], $0x800  }
0x1f0: {  	[sflag:s25] =	ssyncset.done $0x0  }
0x1f1: {  	s20 =	rddreg [dreg:$0x12];
	[sflag:s25] =	ssyncadd.s32 $0xFFFFF800  }
0x1f2: {  	[tilespmem:s5], [sflag:$0x1] =	stream.indirect.gather [hbm4b:s1+s2], $0x10, s20, s2, $0xb8;
	[tilespmem:$0x1C570] =	vst v63  }
0x1f3: {  	_ =	swait.ge [sflag:s14], $0x800  }
0x1f4: {  	[sflag:s14] =	ssyncset.done $0x0  }
0x1f5: {  	[sflag:s14] =	ssyncadd.s32 $0xFFFFF800  }
0x1f6: {  	[spmem:s3] =	stream.indirect.scatter.add.f32 [tilespmem:s10], [sflag:$0x4], $0x10, s28, s2, $0xb8;
	[tilespmem:$0x1C570] =	vst v63  }
0x1f7: {  	_ =	swait.ge [sflag:s7], $0x800  }
0x1f8: {  	[sflag:s7] =	ssyncset.done $0x0  }
0x1f9: {  	[sflag:s7] =	ssyncadd.s32 $0xFFFFF800  }
0x1fa: {  	[tilespmem:s10], [sflag:$0x2] =	stream.indirect.gather [hbm4b:s1+s2], $0x10, s30, s2, $0xb8;
	[tilespmem:$0x1C570] =	vst v63  }
0x1fb: {  	_ =	swait.ge [sflag:s13], $0x800  }
0x1fc: {  	[sflag:s13] =	ssyncset.done $0x0  }
0x1fd: {  	[sflag:s13] =	ssyncadd.s32 $0xFFFFF800  }
0x1fe: {  	[spmem:s3] =	stream.indirect.scatter.add.f32 [tilespmem:s5], [sflag:$0x3], $0x10, s31, s2, $0xb8;
	[tilespmem:$0x1C570] =	vst v63  }
0x1ff: {  	_ =	swait.ge [sflag:s25], $0x800  }
0x200: {  	[sflag:s25] =	ssyncset.done $0x0  }
0x201: {  	[sflag:s25] =	ssyncadd.s32 $0xFFFFF800  }
0x202: {  	_ =	swait.ge [sflag:s14], $0x800  }
0x203: {  	[sflag:s14] =	ssyncset.done $0x0  }
0x204: {  	[sflag:s14] =	ssyncadd.s32 $0xFFFFF800  }
0x205: {  	[spmem:s3] =	stream.indirect.scatter.add.f32 [tilespmem:s10], [sflag:$0x4], $0x10, s0, s2, $0xb8;
	[tilespmem:$0x1C570] =	vst v63  }
0x206: {  	_ =	swait.ge [sflag:s7], $0x800  }
0x207: {  	s24 =	sld [smem:$0x7E8]  }
0x208: {  	s20 =	sld [smem:$0x7EA]  }
0x209: {  	[sflag:s7] =	ssyncset.done $0x0;
	s30 =	sld [smem:$0x7FB]  }
0x20a: {  	[sflag:s7] =	ssyncadd.s32 $0xFFFFF800;
	s6 =	smul.u32 $0xC38000, s24  }
0x20b: {  	[bflag:$0x0] =	sbarrier.arrive $0xFFFF;
	s12 =	sshll.u32 s20, $0x4;
	s24 =	stileid.u32  }
0x20c: {  	s20 =	sshll.u32 s24, $0x6;
	s24 =	rddreg [dreg:$0x19];
	s6 =	sadd.s32 s30, s6  }
0x20d: {  	s30 =	rddreg [dreg:$0x17];
	s6 =	sor.u32 s6, s12  }
0x20e: {  	[smem:$0x7E5] =	sst s20;
	s12 =	sor.u32 $0x1C06, s20;
	s6 =	sshrl.u32 s6, $0x3  }
0x20f: {  	s20 =	sshrl.u32 s24, $0x3;
	s30 =	sadd.s32 s30, s6;
	s6 =	simm.s32 $0x10  }
0x210: {  	[hbm:s30@s6], [sflag:s12] =	dma.strided [spmem:s20@s14], $0x30E0, s13, $0x2   }
0x211: {  	_ =	swait.ge [sflag:s9], $0x30E0  }
0x212: {  	s6 =	sld [smem:$0x7E7];
	_ =	sdelay $0x2  }
0x213: {  	s20 =	sadd.s32 $0x1, s6  }
0x214: {  	s30 =	rddreg [dreg:$0x15];
	s12 =	sshll.u32 s20, $0x1  }
0x215: {  	s6 =	sor.u32 s30, s12;
	s30 =	sld [smem:$0x7E9]  }
0x216: {  	p0 =	seq.s32 s20, $0x8;
	[smem:$0x7EE] =	sst s6  }
.Ltmp1:
0x217: {  	s6 =	sld [smem:$0x7EB];
	(pc) =	sbr.rel @!p0 .LBB2_2-.Ltmp1, $3  }
0x218: {  	_ =	sdelay $0x1  }
0x219: {  	[sflag:s9] =	ssyncset.done $0x0;
	s12 =	sadd.s32 $0x2, s30;
	s30 =	sadd.s32 $0x62000, s6  }
0x21a: {  	[sflag:s9] =	ssyncadd.s32 $0xFFFFCF20;
	[smem:$0x7ED] =	sst s30  }
0x21b: {  	s12 =	sld [smem:$0x7FD];
	_ =	sdelay $0x1  }
0x21c: {  	s24 =	rddreg [dreg:$0x1a]  }
0x21d: {  	[spmem:s12] =	stream.linear.scatter [tilespmem:s4], [sflag:$0x3], $0x1870, $0x38;
	[tilespmem:$0x1C570] =	vst v63  }
0x21e: {  	s30 =	rddreg [dreg:$0x1b]  }
0x21f: {  	[spmem:s24] =	stream.linear.scatter [tilespmem:s4], [sflag:$0x3], $0x1870, $0x38;
	[tilespmem:$0x1C570] =	vst v63  }
0x220: {  	s20 =	rddreg [dreg:$0x1c]  }
0x221: {  	[spmem:s30] =	stream.linear.scatter [tilespmem:s4], [sflag:$0x3], $0x1870, $0x38;
	[tilespmem:$0x1C570] =	vst v63  }
0x222: {  	s24 =	rddreg [dreg:$0x1d]  }
0x223: {  	[spmem:s20] =	stream.linear.scatter [tilespmem:s4], [sflag:$0x3], $0x1870, $0x38;
	[tilespmem:$0x1C570] =	vst v63  }
0x224: {  	s30 =	rddreg [dreg:$0x1e]  }
0x225: {  	[spmem:s24] =	stream.linear.scatter [tilespmem:s4], [sflag:$0x3], $0x1870, $0x38;
	[tilespmem:$0x1C570] =	vst v63  }
0x226: {  	s20 =	rddreg [dreg:$0x1f]  }
0x227: {  	[spmem:s30] =	stream.linear.scatter [tilespmem:s4], [sflag:$0x3], $0x1870, $0x38;
	[tilespmem:$0x1C570] =	vst v63  }
0x228: {  	s24 =	sld [smem:$0x7EF]  }
0x229: {  	[spmem:s20] =	stream.linear.scatter [tilespmem:s4], [sflag:$0x3], $0x1870, $0x38;
	[tilespmem:$0x1C570] =	vst v63  }
0x22a: {  	s30 =	sld [smem:$0x7F0]  }
0x22b: {  	[spmem:s24] =	stream.linear.scatter [tilespmem:s4], [sflag:$0x3], $0x1870, $0x38;
	[tilespmem:$0x1C570] =	vst v63  }
0x22c: {  	s20 =	sld [smem:$0x7F1]  }
0x22d: {  	[spmem:s30] =	stream.linear.scatter [tilespmem:s4], [sflag:$0x3], $0x1870, $0x38;
	[tilespmem:$0x1C570] =	vst v63  }
0x22e: {  	s24 =	sld [smem:$0x7F3]  }
0x22f: {  	[spmem:s20] =	stream.linear.scatter [tilespmem:s4], [sflag:$0x3], $0x1870, $0x38;
	[tilespmem:$0x1C570] =	vst v63  }
0x230: {  	s30 =	sld [smem:$0x7F6]  }
0x231: {  	[spmem:s24] =	stream.linear.scatter [tilespmem:s4], [sflag:$0x3], $0x1870, $0x38;
	[tilespmem:$0x1C570] =	vst v63  }
0x232: {  	s20 =	sld [smem:$0x7F7]  }
0x233: {  	[spmem:s30] =	stream.linear.scatter [tilespmem:s4], [sflag:$0x3], $0x1870, $0x38;
	[tilespmem:$0x1C570] =	vst v63  }
0x234: {  	s24 =	sld [smem:$0x7F8]  }
0x235: {  	[spmem:s20] =	stream.linear.scatter [tilespmem:s4], [sflag:$0x3], $0x1870, $0x38;
	[tilespmem:$0x1C570] =	vst v63  }
0x236: {  	s30 =	sld [smem:$0x7F9]  }
0x237: {  	[spmem:s24] =	stream.linear.scatter [tilespmem:s4], [sflag:$0x3], $0x1870, $0x38;
	[tilespmem:$0x1C570] =	vst v63  }
0x238: {  	s20 =	sld [smem:$0x7FA]  }
0x239: {  	[spmem:s30] =	stream.linear.scatter [tilespmem:s4], [sflag:$0x3], $0x1870, $0x38;
	[tilespmem:$0x1C570] =	vst v63  }
0x23a: {  	_ = 	snop  }
0x23b: {  	[spmem:s20] =	stream.linear.scatter [tilespmem:s4], [sflag:$0x3], $0x1870, $0x38;
	[tilespmem:$0x1C570] =	vst v63  }
0x23c: {  	_ =	swait.ge [sflag:s25], $0x1870  }
0x23d: {  	[sflag:s25] =	ssyncset.done $0x0  }
0x23e: {  	[sflag:s25] =	ssyncadd.s32 $0xFFFFE790  }
0x23f: {  	_ =	swait.ge [sflag:s25], $0x1870  }
0x240: {  	[sflag:s25] =	ssyncset.done $0x0  }
0x241: {  	[sflag:s25] =	ssyncadd.s32 $0xFFFFE790  }
0x242: {  	_ =	swait.ge [sflag:s25], $0x1870  }
0x243: {  	[sflag:s25] =	ssyncset.done $0x0  }
0x244: {  	[sflag:s25] =	ssyncadd.s32 $0xFFFFE790  }
0x245: {  	_ =	swait.ge [sflag:s25], $0x1870  }
0x246: {  	[sflag:s25] =	ssyncset.done $0x0  }
0x247: {  	[sflag:s25] =	ssyncadd.s32 $0xFFFFE790  }
0x248: {  	_ =	swait.ge [sflag:s25], $0x1870  }
0x249: {  	[sflag:s25] =	ssyncset.done $0x0  }
0x24a: {  	[sflag:s25] =	ssyncadd.s32 $0xFFFFE790  }
0x24b: {  	_ =	swait.ge [sflag:s25], $0x1870  }
0x24c: {  	[sflag:s25] =	ssyncset.done $0x0  }
0x24d: {  	[sflag:s25] =	ssyncadd.s32 $0xFFFFE790  }
0x24e: {  	_ =	swait.ge [sflag:s25], $0x1870  }
0x24f: {  	[sflag:s25] =	ssyncset.done $0x0  }
0x250: {  	[sflag:s25] =	ssyncadd.s32 $0xFFFFE790  }
0x251: {  	_ =	swait.ge [sflag:s25], $0x1870  }
0x252: {  	[sflag:s25] =	ssyncset.done $0x0  }
0x253: {  	[sflag:s25] =	ssyncadd.s32 $0xFFFFE790  }
0x254: {  	_ =	swait.ge [sflag:s25], $0x1870  }
0x255: {  	[sflag:s25] =	ssyncset.done $0x0  }
0x256: {  	[sflag:s25] =	ssyncadd.s32 $0xFFFFE790  }
0x257: {  	_ =	swait.ge [sflag:s25], $0x1870  }
0x258: {  	[sflag:s25] =	ssyncset.done $0x0  }
0x259: {  	[sflag:s25] =	ssyncadd.s32 $0xFFFFE790  }
0x25a: {  	_ =	swait.ge [sflag:s25], $0x1870  }
0x25b: {  	[sflag:s25] =	ssyncset.done $0x0  }
0x25c: {  	[sflag:s25] =	ssyncadd.s32 $0xFFFFE790  }
0x25d: {  	_ =	swait.ge [sflag:s25], $0x1870  }
0x25e: {  	[sflag:s25] =	ssyncset.done $0x0  }
0x25f: {  	[sflag:s25] =	ssyncadd.s32 $0xFFFFE790  }
0x260: {  	_ =	swait.ge [sflag:s25], $0x1870  }
0x261: {  	[sflag:s25] =	ssyncset.done $0x0  }
0x262: {  	[sflag:s25] =	ssyncadd.s32 $0xFFFFE790  }
0x263: {  	_ =	swait.ge [sflag:s25], $0x1870  }
0x264: {  	[sflag:s25] =	ssyncset.done $0x0  }
0x265: {  	[sflag:s25] =	ssyncadd.s32 $0xFFFFE790  }
0x266: {  	_ =	swait.ge [sflag:s25], $0x1870  }
0x267: {  	[sflag:s25] =	ssyncset.done $0x0  }
0x268: {  	[sflag:s25] =	ssyncadd.s32 $0xFFFFE790  }
0x269: {  	_ =	swait.ge [sflag:s25], $0x1870  }
0x26a: {  	[sflag:s25] =	ssyncset.done $0x0  }
0x26b: {  	[sflag:s25] =	ssyncadd.s32 $0xFFFFE790  }
0x26c: {  	s12 =	smov.u32 s6;
	[bflag:$0x0] =	sbarrier.arrive $0xFFFF  }
0x26d: {  	s24 =	sshrl.u32 s12, $0x3;
	s20 =	rddreg [dreg:$0x13]  }
0x26e: {  	s6 =	sadd.s32 s20, s24  }
0x26f: {  	[tilespmem:s11], [sflag:$0x6] =	stream.linear.gather [hbm4b:s6+s4], $0x700, $0x38;
	[tilespmem:$0x1C570] =	vst v63  }
0x270: {  	_ =	swait.ge [sflag:s9], $0x700  }
0x271: {  	[sflag:s9] =	ssyncset.done $0x0  }
0x272: {  	s24 =	simm.s32 $0x1870;
	[sflag:s9] =	ssyncadd.s32 $0xFFFFF900  }
0x273: {  	[spmem:s3] =	stream.indirect.scatter.add.f32 [tilespmem:s24], [sflag:$0x3], $0x10, s11, s2, $0xb8;
	[tilespmem:$0x1C570] =	vst v63  }
0x274: {  	_ = 	snop  }
0x275: {  	[spmem:s3] =	stream.indirect.scatter.add.f32 [tilespmem:s24], [sflag:$0x3], $0x10, s15, s2, $0xb8;
	[tilespmem:$0x1C570] =	vst v63  }
0x276: {  	_ = 	snop  }
0x277: {  	[spmem:s3] =	stream.indirect.scatter.add.f32 [tilespmem:s24], [sflag:$0x3], $0x10, s16, s2, $0xb8;
	[tilespmem:$0x1C570] =	vst v63  }
0x278: {  	_ = 	snop  }
0x279: {  	[spmem:s3] =	stream.indirect.scatter.add.f32 [tilespmem:s24], [sflag:$0x3], $0x10, s17, s2, $0xb8;
	[tilespmem:$0x1C570] =	vst v63  }
0x27a: {  	_ = 	snop  }
0x27b: {  	[spmem:s3] =	stream.indirect.scatter.add.f32 [tilespmem:s24], [sflag:$0x3], $0x10, s18, s2, $0xb8;
	[tilespmem:$0x1C570] =	vst v63  }
0x27c: {  	_ = 	snop  }
0x27d: {  	[spmem:s3] =	stream.indirect.scatter.add.f32 [tilespmem:s24], [sflag:$0x3], $0x10, s19, s2, $0xb8;
	[tilespmem:$0x1C570] =	vst v63  }
0x27e: {  	_ = 	snop  }
0x27f: {  	[spmem:s3] =	stream.indirect.scatter.add.f32 [tilespmem:s24], [sflag:$0x3], $0x10, s21, s2, $0xb8;
	[tilespmem:$0x1C570] =	vst v63  }
0x280: {  	_ = 	snop  }
0x281: {  	[spmem:s3] =	stream.indirect.scatter.add.f32 [tilespmem:s24], [sflag:$0x3], $0x10, s22, s2, $0xb8;
	[tilespmem:$0x1C570] =	vst v63  }
0x282: {  	_ = 	snop  }
0x283: {  	[spmem:s3] =	stream.indirect.scatter.add.f32 [tilespmem:s24], [sflag:$0x3], $0x10, s8, s2, $0xb8;
	[tilespmem:$0x1C570] =	vst v63  }
0x284: {  	_ = 	snop  }
0x285: {  	[spmem:s3] =	stream.indirect.scatter.add.f32 [tilespmem:s24], [sflag:$0x3], $0x10, s23, s2, $0xb8;
	[tilespmem:$0x1C570] =	vst v63  }
0x286: {  	_ = 	snop  }
0x287: {  	[spmem:s3] =	stream.indirect.scatter.add.f32 [tilespmem:s24], [sflag:$0x3], $0x10, s26, s2, $0xb8;
	[tilespmem:$0x1C570] =	vst v63  }
0x288: {  	_ = 	snop  }
0x289: {  	[spmem:s3] =	stream.indirect.scatter.add.f32 [tilespmem:s24], [sflag:$0x3], $0x10, s28, s2, $0xb8;
	[tilespmem:$0x1C570] =	vst v63  }
0x28a: {  	_ = 	snop  }
0x28b: {  	[spmem:s3] =	stream.indirect.scatter.add.f32 [tilespmem:s24], [sflag:$0x3], $0x10, s31, s2, $0xb8;
	[tilespmem:$0x1C570] =	vst v63  }
0x28c: {  	_ = 	snop  }
0x28d: {  	[spmem:s3] =	stream.indirect.scatter.add.f32 [tilespmem:s24], [sflag:$0x3], $0x10, s0, s2, $0xb8;
	[tilespmem:$0x1C570] =	vst v63  }
0x28e: {  	_ =	swait.ge [sflag:s25], $0x800  }
0x28f: {  	[sflag:s25] =	ssyncset.done $0x0  }
0x290: {  	[sflag:s25] =	ssyncadd.s32 $0xFFFFF800  }
0x291: {  	_ =	swait.ge [sflag:s25], $0x800  }
0x292: {  	[sflag:s25] =	ssyncset.done $0x0  }
0x293: {  	[sflag:s25] =	ssyncadd.s32 $0xFFFFF800  }
0x294: {  	_ =	swait.ge [sflag:s25], $0x800  }
0x295: {  	[sflag:s25] =	ssyncset.done $0x0  }
0x296: {  	[sflag:s25] =	ssyncadd.s32 $0xFFFFF800  }
0x297: {  	_ =	swait.ge [sflag:s25], $0x800  }
0x298: {  	[sflag:s25] =	ssyncset.done $0x0  }
0x299: {  	[sflag:s25] =	ssyncadd.s32 $0xFFFFF800  }
0x29a: {  	_ =	swait.ge [sflag:s25], $0x800  }
0x29b: {  	[sflag:s25] =	ssyncset.done $0x0  }
0x29c: {  	[sflag:s25] =	ssyncadd.s32 $0xFFFFF800  }
0x29d: {  	_ =	swait.ge [sflag:s25], $0x800  }
0x29e: {  	[sflag:s25] =	ssyncset.done $0x0  }
0x29f: {  	[sflag:s25] =	ssyncadd.s32 $0xFFFFF800  }
0x2a0: {  	_ =	swait.ge [sflag:s25], $0x800  }
0x2a1: {  	[sflag:s25] =	ssyncset.done $0x0  }
0x2a2: {  	[sflag:s25] =	ssyncadd.s32 $0xFFFFF800  }
0x2a3: {  	_ =	swait.ge [sflag:s25], $0x800  }
0x2a4: {  	[sflag:s25] =	ssyncset.done $0x0  }
0x2a5: {  	[sflag:s25] =	ssyncadd.s32 $0xFFFFF800  }
0x2a6: {  	_ =	swait.ge [sflag:s25], $0x800  }
0x2a7: {  	[sflag:s25] =	ssyncset.done $0x0  }
0x2a8: {  	[sflag:s25] =	ssyncadd.s32 $0xFFFFF800  }
0x2a9: {  	_ =	swait.ge [sflag:s25], $0x800  }
0x2aa: {  	[sflag:s25] =	ssyncset.done $0x0  }
0x2ab: {  	[sflag:s25] =	ssyncadd.s32 $0xFFFFF800  }
0x2ac: {  	_ =	swait.ge [sflag:s25], $0x800  }
0x2ad: {  	[sflag:s25] =	ssyncset.done $0x0  }
0x2ae: {  	[sflag:s25] =	ssyncadd.s32 $0xFFFFF800  }
0x2af: {  	_ =	swait.ge [sflag:s25], $0x800  }
0x2b0: {  	[sflag:s25] =	ssyncset.done $0x0  }
0x2b1: {  	[sflag:s25] =	ssyncadd.s32 $0xFFFFF800  }
0x2b2: {  	_ =	swait.ge [sflag:s25], $0x800  }
0x2b3: {  	s30 =	sld [smem:$0x7EE];
	_ =	sdelay $0x2  }
0x2b4: {  	[sflag:s25] =	ssyncset.done $0x0;
	s6 =	sadd.s32 $0xFFFFFFF0, s30  }
0x2b5: {  	[sflag:s25] =	ssyncadd.s32 $0xFFFFF800;
	[smem:$0x7E6] =	sst s6  }
0x2b6: {  	s20 =	sadd.s32 $0x700, s12;
	_ =	swait.ge [sflag:s25], $0x800  }
0x2b7: {  	s12 =	simm.s32 $0x5;
	s6 =	sshrl.u32 s20, $0x3;
	[sflag:s25] =	ssyncset.done $0x0  }
.LBB2_6:
0x2b8: {  	s30 =	rddreg [dreg:$0x13]  }
0x2b9: {  	[sflag:s25] =	ssyncadd.s32 $0xFFFFF800;
	s6 =	sadd.s32 s30, s6  }
0x2ba: {  	[tilespmem:s11], [sflag:$0x6] =	stream.linear.gather [hbm4b:s6+s4], $0x700, $0x38;
	[tilespmem:$0x1C570] =	vst v63  }
0x2bb: {  	_ =	swait.ge [sflag:s9], $0x700  }
0x2bc: {  	[sflag:s9] =	ssyncset.done $0x0  }
0x2bd: {  	[sflag:s9] =	ssyncadd.s32 $0xFFFFF900  }
0x2be: {  	[spmem:s3] =	stream.indirect.scatter.add.f32 [tilespmem:s24], [sflag:$0x3], $0x10, s11, s2, $0xb8;
	[tilespmem:$0x1C570] =	vst v63  }
0x2bf: {  	_ = 	snop  }
0x2c0: {  	[spmem:s3] =	stream.indirect.scatter.add.f32 [tilespmem:s24], [sflag:$0x3], $0x10, s15, s2, $0xb8;
	[tilespmem:$0x1C570] =	vst v63  }
0x2c1: {  	_ = 	snop  }
0x2c2: {  	[spmem:s3] =	stream.indirect.scatter.add.f32 [tilespmem:s24], [sflag:$0x3], $0x10, s16, s2, $0xb8;
	[tilespmem:$0x1C570] =	vst v63  }
0x2c3: {  	_ = 	snop  }
0x2c4: {  	[spmem:s3] =	stream.indirect.scatter.add.f32 [tilespmem:s24], [sflag:$0x3], $0x10, s17, s2, $0xb8;
	[tilespmem:$0x1C570] =	vst v63  }
0x2c5: {  	_ = 	snop  }
0x2c6: {  	[spmem:s3] =	stream.indirect.scatter.add.f32 [tilespmem:s24], [sflag:$0x3], $0x10, s18, s2, $0xb8;
	[tilespmem:$0x1C570] =	vst v63  }
0x2c7: {  	_ = 	snop  }
0x2c8: {  	[spmem:s3] =	stream.indirect.scatter.add.f32 [tilespmem:s24], [sflag:$0x3], $0x10, s19, s2, $0xb8;
	[tilespmem:$0x1C570] =	vst v63  }
0x2c9: {  	_ = 	snop  }
0x2ca: {  	[spmem:s3] =	stream.indirect.scatter.add.f32 [tilespmem:s24], [sflag:$0x3], $0x10, s21, s2, $0xb8;
	[tilespmem:$0x1C570] =	vst v63  }
0x2cb: {  	_ = 	snop  }
0x2cc: {  	[spmem:s3] =	stream.indirect.scatter.add.f32 [tilespmem:s24], [sflag:$0x3], $0x10, s22, s2, $0xb8;
	[tilespmem:$0x1C570] =	vst v63  }
0x2cd: {  	_ = 	snop  }
0x2ce: {  	[spmem:s3] =	stream.indirect.scatter.add.f32 [tilespmem:s24], [sflag:$0x3], $0x10, s8, s2, $0xb8;
	[tilespmem:$0x1C570] =	vst v63  }
0x2cf: {  	_ = 	snop  }
0x2d0: {  	[spmem:s3] =	stream.indirect.scatter.add.f32 [tilespmem:s24], [sflag:$0x3], $0x10, s23, s2, $0xb8;
	[tilespmem:$0x1C570] =	vst v63  }
0x2d1: {  	_ = 	snop  }
0x2d2: {  	[spmem:s3] =	stream.indirect.scatter.add.f32 [tilespmem:s24], [sflag:$0x3], $0x10, s26, s2, $0xb8;
	[tilespmem:$0x1C570] =	vst v63  }
0x2d3: {  	_ = 	snop  }
0x2d4: {  	[spmem:s3] =	stream.indirect.scatter.add.f32 [tilespmem:s24], [sflag:$0x3], $0x10, s28, s2, $0xb8;
	[tilespmem:$0x1C570] =	vst v63  }
0x2d5: {  	_ = 	snop  }
0x2d6: {  	[spmem:s3] =	stream.indirect.scatter.add.f32 [tilespmem:s24], [sflag:$0x3], $0x10, s31, s2, $0xb8;
	[tilespmem:$0x1C570] =	vst v63  }
0x2d7: {  	_ = 	snop  }
0x2d8: {  	[spmem:s3] =	stream.indirect.scatter.add.f32 [tilespmem:s24], [sflag:$0x3], $0x10, s0, s2, $0xb8;
	[tilespmem:$0x1C570] =	vst v63  }
0x2d9: {  	_ =	swait.ge [sflag:s25], $0x800  }
0x2da: {  	[sflag:s25] =	ssyncset.done $0x0  }
0x2db: {  	[sflag:s25] =	ssyncadd.s32 $0xFFFFF800  }
0x2dc: {  	_ =	swait.ge [sflag:s25], $0x800  }
0x2dd: {  	[sflag:s25] =	ssyncset.done $0x0  }
0x2de: {  	[sflag:s25] =	ssyncadd.s32 $0xFFFFF800  }
0x2df: {  	_ =	swait.ge [sflag:s25], $0x800  }
0x2e0: {  	[sflag:s25] =	ssyncset.done $0x0  }
0x2e1: {  	[sflag:s25] =	ssyncadd.s32 $0xFFFFF800  }
0x2e2: {  	_ =	swait.ge [sflag:s25], $0x800  }
0x2e3: {  	[sflag:s25] =	ssyncset.done $0x0  }
0x2e4: {  	[sflag:s25] =	ssyncadd.s32 $0xFFFFF800  }
0x2e5: {  	_ =	swait.ge [sflag:s25], $0x800  }
0x2e6: {  	[sflag:s25] =	ssyncset.done $0x0  }
0x2e7: {  	[sflag:s25] =	ssyncadd.s32 $0xFFFFF800  }
0x2e8: {  	_ =	swait.ge [sflag:s25], $0x800  }
0x2e9: {  	[sflag:s25] =	ssyncset.done $0x0  }
0x2ea: {  	[sflag:s25] =	ssyncadd.s32 $0xFFFFF800  }
0x2eb: {  	_ =	swait.ge [sflag:s25], $0x800  }
0x2ec: {  	[sflag:s25] =	ssyncset.done $0x0  }
0x2ed: {  	[sflag:s25] =	ssyncadd.s32 $0xFFFFF800  }
0x2ee: {  	_ =	swait.ge [sflag:s25], $0x800  }
0x2ef: {  	[sflag:s25] =	ssyncset.done $0x0  }
0x2f0: {  	[sflag:s25] =	ssyncadd.s32 $0xFFFFF800  }
0x2f1: {  	_ =	swait.ge [sflag:s25], $0x800  }
0x2f2: {  	[sflag:s25] =	ssyncset.done $0x0  }
0x2f3: {  	[sflag:s25] =	ssyncadd.s32 $0xFFFFF800  }
0x2f4: {  	_ =	swait.ge [sflag:s25], $0x800  }
0x2f5: {  	[sflag:s25] =	ssyncset.done $0x0  }
0x2f6: {  	[sflag:s25] =	ssyncadd.s32 $0xFFFFF800  }
0x2f7: {  	_ =	swait.ge [sflag:s25], $0x800  }
0x2f8: {  	[sflag:s25] =	ssyncset.done $0x0  }
0x2f9: {  	[sflag:s25] =	ssyncadd.s32 $0xFFFFF800  }
0x2fa: {  	_ =	swait.ge [sflag:s25], $0x800  }
0x2fb: {  	[sflag:s25] =	ssyncset.done $0x0  }
0x2fc: {  	p0 =	seq.s32 s12, $0x1;
	[sflag:s25] =	ssyncadd.s32 $0xFFFFF800  }
.Ltmp2:
0x2fd: {  	_ =	swait.ge [sflag:s25], $0x800;
	(pc) =	sbr.rel @!p0 .LBB2_6-.Ltmp2, $4  }
0x2fe: {  	[sflag:s25] =	ssyncset.done $0x0  }
0x2ff: {  	[sflag:s25] =	ssyncadd.s32 $0xFFFFF800  }
0x300: {  	s20 =	sadd.s32 $0x700, s20;
	_ =	swait.ge [sflag:s25], $0x800  }
0x301: {  	s12 =	sadd.s32 $0xFFFFFFFF, s12;
	s6 =	sshrl.u32 s20, $0x3;
	[sflag:s25] =	ssyncset.done $0x0  }
0x302: {  	s12 =	rddreg [dreg:$0x13]  }
0x303: {  	[sflag:s25] =	ssyncadd.s32 $0xFFFFF800;
	s6 =	sadd.s32 s12, s6  }
0x304: {  	[tilespmem:s11], [sflag:$0x6] =	stream.linear.gather [hbm4b:s6+s4], $0x700, $0x38;
	[tilespmem:$0x1C570] =	vst v63  }
0x305: {  	_ =	swait.ge [sflag:s9], $0x700  }
0x306: {  	[sflag:s9] =	ssyncset.done $0x0  }
0x307: {  	[sflag:s9] =	ssyncadd.s32 $0xFFFFF900  }
0x308: {  	[spmem:s3] =	stream.indirect.scatter.add.f32 [tilespmem:s24], [sflag:$0x3], $0x10, s11, s2, $0xb8;
	[tilespmem:$0x1C570] =	vst v63  }
0x309: {  	_ = 	snop  }
0x30a: {  	[spmem:s3] =	stream.indirect.scatter.add.f32 [tilespmem:s24], [sflag:$0x3], $0x10, s15, s2, $0xb8;
	[tilespmem:$0x1C570] =	vst v63  }
0x30b: {  	_ = 	snop  }
0x30c: {  	[spmem:s3] =	stream.indirect.scatter.add.f32 [tilespmem:s24], [sflag:$0x3], $0x10, s16, s2, $0xb8;
	[tilespmem:$0x1C570] =	vst v63  }
0x30d: {  	_ = 	snop  }
0x30e: {  	[spmem:s3] =	stream.indirect.scatter.add.f32 [tilespmem:s24], [sflag:$0x3], $0x10, s17, s2, $0xb8;
	[tilespmem:$0x1C570] =	vst v63  }
0x30f: {  	_ = 	snop  }
0x310: {  	[spmem:s3] =	stream.indirect.scatter.add.f32 [tilespmem:s24], [sflag:$0x3], $0x10, s18, s2, $0xb8;
	[tilespmem:$0x1C570] =	vst v63  }
0x311: {  	_ = 	snop  }
0x312: {  	[spmem:s3] =	stream.indirect.scatter.add.f32 [tilespmem:s24], [sflag:$0x3], $0x10, s19, s2, $0xb8;
	[tilespmem:$0x1C570] =	vst v63  }
0x313: {  	_ = 	snop  }
0x314: {  	[spmem:s3] =	stream.indirect.scatter.add.f32 [tilespmem:s24], [sflag:$0x3], $0x10, s21, s2, $0xb8;
	[tilespmem:$0x1C570] =	vst v63  }
0x315: {  	_ = 	snop  }
0x316: {  	[spmem:s3] =	stream.indirect.scatter.add.f32 [tilespmem:s24], [sflag:$0x3], $0x10, s22, s2, $0xb8;
	[tilespmem:$0x1C570] =	vst v63  }
0x317: {  	_ = 	snop  }
0x318: {  	[spmem:s3] =	stream.indirect.scatter.add.f32 [tilespmem:s24], [sflag:$0x3], $0x10, s8, s2, $0xb8;
	[tilespmem:$0x1C570] =	vst v63  }
0x319: {  	_ = 	snop  }
0x31a: {  	[spmem:s3] =	stream.indirect.scatter.add.f32 [tilespmem:s24], [sflag:$0x3], $0x10, s23, s2, $0xb8;
	[tilespmem:$0x1C570] =	vst v63  }
0x31b: {  	_ = 	snop  }
0x31c: {  	[spmem:s3] =	stream.indirect.scatter.add.f32 [tilespmem:s24], [sflag:$0x3], $0x10, s26, s2, $0xb8;
	[tilespmem:$0x1C570] =	vst v63  }
0x31d: {  	_ = 	snop  }
0x31e: {  	[spmem:s3] =	stream.indirect.scatter.add.f32 [tilespmem:s24], [sflag:$0x3], $0x10, s28, s2, $0xb8;
	[tilespmem:$0x1C570] =	vst v63  }
0x31f: {  	_ = 	snop  }
0x320: {  	[spmem:s3] =	stream.indirect.scatter.add.f32 [tilespmem:s24], [sflag:$0x3], $0x10, s31, s2, $0xb8;
	[tilespmem:$0x1C570] =	vst v63  }
0x321: {  	_ = 	snop  }
0x322: {  	[spmem:s3] =	stream.indirect.scatter.add.f32 [tilespmem:s24], [sflag:$0x3], $0x10, s0, s2, $0xb8;
	[tilespmem:$0x1C570] =	vst v63  }
0x323: {  	_ =	swait.ge [sflag:s25], $0x800  }
0x324: {  	[sflag:s25] =	ssyncset.done $0x0  }
0x325: {  	[sflag:s25] =	ssyncadd.s32 $0xFFFFF800  }
0x326: {  	_ =	swait.ge [sflag:s25], $0x800  }
0x327: {  	[sflag:s25] =	ssyncset.done $0x0  }
0x328: {  	[sflag:s25] =	ssyncadd.s32 $0xFFFFF800  }
0x329: {  	_ =	swait.ge [sflag:s25], $0x800  }
0x32a: {  	[sflag:s25] =	ssyncset.done $0x0  }
0x32b: {  	[sflag:s25] =	ssyncadd.s32 $0xFFFFF800  }
0x32c: {  	_ =	swait.ge [sflag:s25], $0x800  }
0x32d: {  	[sflag:s25] =	ssyncset.done $0x0  }
0x32e: {  	[sflag:s25] =	ssyncadd.s32 $0xFFFFF800  }
0x32f: {  	_ =	swait.ge [sflag:s25], $0x800  }
0x330: {  	[sflag:s25] =	ssyncset.done $0x0  }
0x331: {  	[sflag:s25] =	ssyncadd.s32 $0xFFFFF800  }
0x332: {  	_ =	swait.ge [sflag:s25], $0x800  }
0x333: {  	[sflag:s25] =	ssyncset.done $0x0  }
0x334: {  	[sflag:s25] =	ssyncadd.s32 $0xFFFFF800  }
0x335: {  	_ =	swait.ge [sflag:s25], $0x800  }
0x336: {  	[sflag:s25] =	ssyncset.done $0x0  }
0x337: {  	[sflag:s25] =	ssyncadd.s32 $0xFFFFF800  }
0x338: {  	_ =	swait.ge [sflag:s25], $0x800  }
0x339: {  	[sflag:s25] =	ssyncset.done $0x0  }
0x33a: {  	[sflag:s25] =	ssyncadd.s32 $0xFFFFF800  }
0x33b: {  	_ =	swait.ge [sflag:s25], $0x800  }
0x33c: {  	[sflag:s25] =	ssyncset.done $0x0  }
0x33d: {  	[sflag:s25] =	ssyncadd.s32 $0xFFFFF800  }
0x33e: {  	_ =	swait.ge [sflag:s25], $0x800  }
0x33f: {  	[sflag:s25] =	ssyncset.done $0x0  }
0x340: {  	[sflag:s25] =	ssyncadd.s32 $0xFFFFF800  }
0x341: {  	_ =	swait.ge [sflag:s25], $0x800  }
0x342: {  	[sflag:s25] =	ssyncset.done $0x0  }
0x343: {  	[sflag:s25] =	ssyncadd.s32 $0xFFFFF800  }
0x344: {  	_ =	swait.ge [sflag:s25], $0x800  }
0x345: {  	[sflag:s25] =	ssyncset.done $0x0  }
0x346: {  	[sflag:s25] =	ssyncadd.s32 $0xFFFFF800  }
0x347: {  	_ =	swait.ge [sflag:s25], $0x800  }
0x348: {  	[sflag:s25] =	ssyncset.done $0x0  }
0x349: {  	[sflag:s25] =	ssyncadd.s32 $0xFFFFF800  }
0x34a: {  	_ =	swait.ge [sflag:s25], $0x800  }
0x34b: {  	s12 =	sld [smem:$0x7E6];
	_ =	sdelay $0x1  }
0x34c: {  	[sflag:s25] =	ssyncset.done $0x0;
	s20 =	sld [smem:$0x7FC]  }
0x34d: {  	[sflag:s25] =	ssyncadd.s32 $0xFFFFF800;
	s6 =	smul.u32 $0x187000, s12  }
0x34e: {  	s24 =	sld [smem:$0x7EC];
	[bflag:$0x0] =	sbarrier.arrive $0xFFFF  }
0x34f: {  	s30 =	rddreg [dreg:$0x18];
	s6 =	sadd.s32 s20, s6  }
0x350: {  	s20 =	sld [smem:$0x7E5];
	s6 =	sshrl.u32 s6, $0x3  }
0x351: {  	s6 =	sadd.s32 s30, s6;
	s30 =	sld [smem:$0x7FD];
	_ =	sdelay $0x2  }
0x352: {  	s12 =	sor.u32 $0x1C05, s20;
	s20 =	sshrl.u32 s30, $0x3  }
0x353: {  	[hbm:s6], [sflag:s12] =	dma.local [spmem:s20], $0x30E0  }
0x354: {  	s12 =	simm.s32 $0x5  }
0x355: {  	_ =	swait.ge [sflag:s12], $0x30E0  }
0x356: {  	s30 =	sld [smem:$0x7F4];
	_ =	sdelay $0x1  }
0x357: {  	s24 =	sadd.s32 $0x1, s24  }
0x358: {  	p0 =	sne.s32 s24, s30  }
.Ltmp3:
0x359: {  	_ = 	snop;
	(pc) =	sbr.rel @p0 .LBB2_1-.Ltmp3, $3  }
0x35a: {  	_ =	sdelay $0x1  }
0x35b: {  	[sflag:s12] =	ssyncset.done $0x0  }
0x35c: {  	s20 =	simm.s32 $0x1870;
	[sflag:s12] =	ssyncadd.s32 $0xFFFFCF20  }
0x35d: {  	_ =	sfence.sel $0x180000  }
0x35e: {  	[bflag:$0x0] =	sbarrier.arrive $0xFFFF  }
0x35f: {  	_ =	strace $0x90000047  }
0x360: {  	s0 =	stileid.u32;
	[bflag:$0x2] =	sbarrier.arrive $0xFFFF  }
0x361: {  	p0 =	sne.s32 s0, $0x0;
	s0 =	rddreg [dreg:$0x4]  }
0x362: {  	s0 =	sadd.s32 @!p0 $0x100000, s0  }
0x363: {  	[sflag:s0] =	ssyncadd.tile.s32 @!p0 $0x1;
	_ =	shalt  }
.Lfunc_end2:
_tile_overlayer_lowered:
.L_overlay_start_2:
0x364: {  	(tag) =	ssettag $0x2  }
0x365: {  	s0 =	rddreg [dreg:$0x0];
	s2 =	stileid.u32  }
0x366: {  	s1 =	rddreg [dreg:$0x1];
	p0 =	sne.s32 s2, $0x0  }
0x367: {  	s3 =	rddreg [dreg:$0x2];
	[bflag:$0x3] =	sbarrier.arrive $0xFFFF;
	s2 =	simm.s32 @!p0 $0x1C05  }
0x368: {  	[timem:s3], [sflag:s2] =	dma.local @!p0 [hbm:s0], s1  }
0x369: {  	s0 =	simm.s32 @!p0 $0x5  }
0x36a: {  	_ =	swait.ge @!p0 [sflag:s0], s1  }
0x36b: {  	s1 =	ssub.s32 @!p0 $0x0, s1;
	[sflag:s0] =	ssyncset.done @!p0 $0x0  }
0x36c: {  	[sflag:s0] =	ssyncadd.s32 @!p0 s1  }
0x36d: {  	[bflag:$0x3] =	sbarrier.arrive $0xFFFF  }
0x36e: {  	_ =	shalt  }

// kernel: kernel.9.cloned.1.call-start
scs
__scs_entry_jumppad:
0x0: {  	(pc) =	sbr.rel $0x88, $3  }
0x1: {  	(tag) =	ssettag $0x0;
	lr =	simm.s32 $0x1  }
0x2: {  	[smem:$0x3F9D] =	sst lr;
	_ =	strace $0xD0000000  }
0x3: {  	_ = 	snop  }
0x4: {  	_ = 	snop  }
0x5: {  	_ = 	snop  }
0x6: {  	_ = 	snop  }
0x7: {  	_ = 	snop  }
__scs_overlays_trampoline_lowered:
0x8: {  	[smem:$0x3FAC] =	sst s0  }
0x9: {  	[smem:$0x3FAD] =	sst s1  }
0xa: {  	[smem:$0x3FAE] =	sst s2  }
0xb: {  	[smem:$0x3FAF] =	sst s3  }
0xc: {  	[smem:$0x3FB0] =	sst s4  }
0xd: {  	[smem:$0x3FB1] =	sst s5  }
0xe: {  	[smem:$0x3FB2] =	sst s6  }
0xf: {  	[smem:$0x3FB3] =	sst s7  }
0x10: {  	[smem:$0x3FB4] =	sst s8  }
0x11: {  	[smem:$0x3FB5] =	sst s9;
	s0 =	simm.s32 @!p0 $0x0  }
0x12: {  	s1 =	sld [smem:$0x3F9B];
	s0 =	simm.s32 @p0 $0x1  }
0x13: {  	[smem:$0x3FB6] =	sst s0;
	s0 =	simm.s32 @!p1 $0x0  }
0x14: {  	s2 =	sld [smem:$0x3F9A];
	s0 =	simm.s32 @p1 $0x1  }
0x15: {  	[smem:$0x3FB7] =	sst s0;
	s0 =	simm.s32 @!p2 $0x0  }
0x16: {  	s3 =	sld [smem:$0x3FDB];
	s0 =	simm.s32 @p2 $0x1  }
0x17: {  	s4 =	simm.s32 $0x1BF5;
	[smem:$0x3FB9] =	sst s0  }
0x18: {  	s0 =	sld [smem:$0x3F9C];
	_ =	swait.ge [sflag:s4], $0x0  }
0x19: {  	s7 =	sld [smem:$0x3F9D]  }
0x1a: {  	s8 =	sadd.s32 $0xFFFFE003, lr  }
0x1b: {  	s9 =	sadd.s32 $0xFFFFFEF7, lr;
	s5 =	simm.s32 $0xFFFFFFFF;
	p2 =	slt.u32 s8, $0xFFFFF086  }
0x1c: {  	p1 =	slt.u32 s9, $0xF7A;
	s5 =	simm.s32 @!p2 $0x0  }
0x1d: {  	s5 =	simm.s32 @p1 $0x1;
	p0 =	seq.s32 s7, s2  }
0x1e: {  	s7 =	smul.u32 @!p0 $0xF7A, s2;
	p2 =	seq.s32 @!p0 s5, $0x0  }
0x1f: {  	s9 =	smul.u32 $0xF7A, s1;
	s8 =	simm.s32 @!p0 $0x1BF5;
	p2 =	por !p2, p0  }
0x20: {  	[sflag:s8] =	ssyncset.s32 @!p0 $0xFFFFF086;
	s6 =	sadd.s32 @!p0 s3, s7;
	s7 =	simm.s32 @!p0 $0x108  }
0x21: {  	s3 =	sadd.s32 s3, s9;
	s6 =	sadd.s32 @!p0 $0x88, s6;
	s7 =	simm.s32 @p2 $0x1082  }
0x22: {  	[simem:s7], [sflag:s8] =	dma.local @!p0 [hbm:s6], $0xF7A  }
0x23: {  	s9 =	sor.u32 $0xD0000000, s2;
	s6 =	simm.s32 $0x108;
	_ =	swait.ge @!p0 [sflag:s8], $0x0  }
0x24: {  	s3 =	sadd.s32 $0x88, s3;
	s6 =	simm.s32 @!p1 $0x1082;
	[sflag:s4] =	ssyncset.s32 $0xFFFFF086  }
0x25: {  	[simem:s6], [sflag:s4] =	dma.local [hbm:s3], $0xF7A  }
0x26: {  	[smem:$0x3F9D] =	sst s1;
	(tag) =	ssettag s2;
	_ =	strace s9  }
0x27: {  	s1 =	sld [smem:$0x3FAD]  }
0x28: {  	s2 =	sld [smem:$0x3FAE]  }
0x29: {  	s4 =	sld [smem:$0x3FB0]  }
0x2a: {  	p0 =	seq.s32 s5, $0x0;
	s5 =	sld [smem:$0x3FB1]  }
0x2b: {  	s6 =	sld [smem:$0x3FB2]  }
0x2c: {  	s7 =	sld [smem:$0x3FB3]  }
0x2d: {  	s3 =	simm.s32 $0x108;
	s8 =	sld [smem:$0x3FB4]  }
0x2e: {  	s3 =	simm.s32 @!p0 $0x1082;
	s9 =	sld [smem:$0x3FB5]  }
0x2f: {  	lr =	sadd.s32 s0, s3;
	s0 =	sld [smem:$0x3FAC]  }
0x30: {  	s3 =	sld [smem:$0x3FAF]  }
0x31: {  	[smem:$0x3FB8] =	sst s10  }
0x32: {  	s10 =	sld [smem:$0x3FB6];
	_ =	sdelay $0x3  }
0x33: {  	p0 =	seq.s32 s10, $0x1;
	s10 =	sld [smem:$0x3FB8];
	_ =	sdelay $0x3  }
0x34: {  	[smem:$0x3FB8] =	sst s10  }
0x35: {  	s10 =	sld [smem:$0x3FB7];
	_ =	sdelay $0x3  }
0x36: {  	p1 =	seq.s32 s10, $0x1;
	s10 =	sld [smem:$0x3FB8];
	_ =	sdelay $0x3  }
0x37: {  	[smem:$0x3FB8] =	sst s10  }
0x38: {  	s10 =	sld [smem:$0x3FB9]  }
0x39: {  	_ = 	snop;
	(pc) =	sbr.ind lr, $3  }
0x3a: {  	_ = 	snop  }
0x3b: {  	_ = 	snop  }
0x3c: {  	p2 =	seq.s32 s10, $0x1;
	s10 =	sld [smem:$0x3FB8]  }
0x3d: {  	_ =	shalt  }
0x3e: {  	_ =	shalt  }
0x3f: {  	_ =	shalt  }
0x40: {  	_ =	shalt  }
0x41: {  	_ =	shalt  }
0x42: {  	_ =	shalt  }
0x43: {  	_ =	shalt  }
0x44: {  	_ =	shalt  }
0x45: {  	_ =	shalt  }
0x46: {  	_ =	shalt  }
0x47: {  	_ =	shalt  }
0x48: {  	_ =	shalt  }
0x49: {  	_ =	shalt  }
0x4a: {  	_ =	shalt  }
0x4b: {  	_ =	shalt  }
0x4c: {  	_ =	shalt  }
0x4d: {  	_ =	shalt  }
0x4e: {  	_ =	shalt  }
0x4f: {  	_ =	shalt  }
0x50: {  	_ =	shalt  }
0x51: {  	_ =	shalt  }
0x52: {  	_ =	shalt  }
0x53: {  	_ =	shalt  }
0x54: {  	_ =	shalt  }
0x55: {  	_ =	shalt  }
0x56: {  	_ =	shalt  }
0x57: {  	_ =	shalt  }
0x58: {  	_ =	shalt  }
0x59: {  	_ =	shalt  }
0x5a: {  	_ =	shalt  }
0x5b: {  	_ =	shalt  }
0x5c: {  	_ =	shalt  }
0x5d: {  	_ =	shalt  }
0x5e: {  	_ =	shalt  }
0x5f: {  	_ =	shalt  }
0x60: {  	_ =	shalt  }
0x61: {  	_ =	shalt  }
0x62: {  	_ =	shalt  }
0x63: {  	_ =	shalt  }
0x64: {  	_ =	shalt  }
0x65: {  	_ =	shalt  }
0x66: {  	_ =	shalt  }
0x67: {  	_ =	shalt  }
0x68: {  	_ =	shalt  }
0x69: {  	_ =	shalt  }
0x6a: {  	_ =	shalt  }
0x6b: {  	_ =	shalt  }
0x6c: {  	_ =	shalt  }
0x6d: {  	_ =	shalt  }
0x6e: {  	_ =	shalt  }
0x6f: {  	_ =	shalt  }
0x70: {  	_ =	shalt  }
0x71: {  	_ =	shalt  }
0x72: {  	_ =	shalt  }
0x73: {  	_ =	shalt  }
0x74: {  	_ =	shalt  }
0x75: {  	_ =	shalt  }
0x76: {  	_ =	shalt  }
0x77: {  	_ =	shalt  }
0x78: {  	_ =	shalt  }
0x79: {  	_ =	shalt  }
0x7a: {  	_ =	shalt  }
0x7b: {  	_ =	shalt  }
0x7c: {  	_ =	shalt  }
0x7d: {  	_ =	shalt  }
0x7e: {  	_ =	shalt  }
0x7f: {  	_ =	shalt  }
0x80: {  	_ =	shalt  }
0x81: {  	_ =	shalt  }
0x82: {  	_ =	shalt  }
0x83: {  	_ =	shalt  }
0x84: {  	_ =	shalt  }
0x85: {  	_ =	shalt  }
0x86: {  	_ =	shalt  }
0x87: {  	_ =	shalt  }
.Lfunc_end0:
.L_simem_size_0:
called_computation.1_lowered:
.L_overlay_start_0:
0x88: {  	s2 =	sld [smem:$0x3FD9]  }
0x89: {  	s3 =	sld [smem:$0x3FFE];
	_ =	sdelay $0x1  }
0x8a: {  	s1 =	srdreg.scid  }
0x8b: {  	s0 =	sand.u32 $0x1, s1  }
0x8c: {  	s17 =	sshll.u32 s0, $0xA;
	s2 =	sadd.s32 s3, s2  }
0x8d: {  	s2 =	sadd.s32 s2, s17  }
0x8e: {  	[smem:$0x3FC4] =	sst s2  }
0x8f: {  	_ = 	snop  }
0x90: {  	s18 =	sld [smem:$0x3FC9];
	(tm) =	ssettm $0x1  }
0x91: {  	s19 =	sld [smem:$0x3FFB];
	_ =	sdelay $0x3  }
0x92: {  	_ =	strace s19  }
0x93: {  	s2 =	sld [smem:$0x3FFC];
	_ =	sdelay $0x3  }
0x94: {  	_ =	strace s2  }
0x95: {  	s2 =	sld [smem:$0x3FFD];
	_ =	sdelay $0x3  }
0x96: {  	_ =	strace s2  }
0x97: {  	_ =	strace $0x8FFFFFFF  }
0x98: {  	s20 =	sld [smem:$0x3FDB];
	_ =	sdelay $0x1  }
0x99: {  	s4 =	simm.s32 $_scs_section_size  }
0x9a: {  	s5 =	simm.s32 $_size__tile_overlayer_lowered;
	s6 =	simm.s32 $_tile_overlayer_lowered  }
0x9b: {  	s7 =	simm.s32 $0x1BFF;
	s21 =	sshll.u32 s6, $0x1;
	s4 =	sadd.s32 s4, s20  }
0x9c: {  	s22 =	simm.s32 $0x0;
	s5 =	sshll.u32 s5, $0x1;
	s6 =	sadd.s32 s21, s4  }
0x9d: {  	[timem:s22], [sflag:s7] =	dma.local [hbm:s6], s5  }
0x9e: {  	_ =	swait.ge [sflag:s7], s5  }
0x9f: {  	s5 =	ssub.s32 $0x0, s5;
	[sflag:s7] =	ssyncset.done $0x0  }
0xa0: {  	[sflag:s7] =	ssyncadd.s32 s5;
	_ =	sdelay $0x1  }
0xa1: {  	s23 =	simm.s32 $0x1B8B  }
0xa2: {  	_ =	swait.ge [sflag:s23], $0x1  }
0xa3: {  	[sflag:s23] =	ssyncset.done $0x0  }
0xa4: {  	[sflag:s23] =	ssyncadd.s32 $0xFFFFFFFF  }
0xa5: {  	s5 =	sld [smem:$0x0]  }
0xa6: {  	s6 =	sand.u32 $0xFFFFFFFE, s1  }
0xa7: {  	p0 =	sne.s32 s1, s6  }
0xa8: {  	s6 =	sshll.u32 @p0 s6, $0xE  }
0xa9: {  	s6 =	sadd.s32 @p0 $0x11B8D, s6;
	s7 =	sshll.u32 @p0 s5, $0x11  }
0xaa: {  	s6 =	sor.u32 @p0 s7, s6  }
0xab: {  	[sflag:s6] =	ssyncadd.remote.s32 @p0 $0x1;
	_ =	sdelay $0x1  }
0xac: {  	s6 =	simm.s32 @p0 $0x1B8D  }
0xad: {  	_ =	swait.eq @p0 [sflag:s6], $0x1  }
0xae: {  	[sflag:s6] =	ssyncadd.s32 @p0 $0xFFFFFFFF  }
0xaf: {  	s7 =	sshll.u32 @!p0 s1, $0xE  }
0xb0: {  	s7 =	sor.u32 @!p0 $0x4000, s7;
	s6 =	simm.s32 @!p0 $0x1B8D  }
0xb1: {  	s5 =	sshll.u32 @!p0 s5, $0x11;
	s7 =	sadd.s32 @!p0 $0x11B8D, s7;
	_ =	swait.eq @!p0 [sflag:s6], $0x1  }
0xb2: {  	s5 =	sor.u32 @!p0 s5, s7;
	[sflag:s6] =	ssyncadd.s32 @!p0 $0xFFFFFFFF  }
0xb3: {  	s25 =	simm.s32 $0x1B8E;
	s24 =	sld [smem:$0x3FFE];
	[sflag:s5] =	ssyncadd.remote.s32 @!p0 $0x1  }
0xb4: {  	s26 =	simm.s32 $execute0_lowered;
	[smem:$0x3FD2] =	sst s25  }
0xb5: {  	s6 =	sshll.u32 s26, $0x1;
	_ =	strace $0x80000049;
	[dreg:$0x1] =	wrdreg $0xFFFFFFFF  }
0xb6: {  	s28 =	simm.s32 $_size_execute0_lowered;
	s4 =	sadd.s32 s4, s6;
	[dreg:$0x0] =	wrdreg $0x0  }
0xb7: {  	s6 =	sshll.u32 s28, $0x1;
	[dreg:$0x2] =	wrdreg s4  }
0xb8: {  	[dreg:$0x3] =	wrdreg s6  }
0xb9: {  	[dreg:$0x4] =	wrdreg $0xC0  }
0xba: {  	_ =	task [dreg:s22], $0x5FFFF  }
0xbb: {  	[dreg:$0x1] =	wrdreg $0xFFFFFFFF  }
0xbc: {  	[dreg:$0x0] =	wrdreg $0x60  }
0xbd: {  	[dreg:$0x2] =	wrdreg s18  }
0xbe: {  	[dreg:$0x3] =	wrdreg s24  }
0xbf: {  	[dreg:$0x4] =	wrdreg $0x3E700  }
0xc0: {  	[dreg:$0x5] =	wrdreg $0xA  }
0xc1: {  	_ =	task.clear_ibuf [dreg:s22], $0x6FFFF;
	_ =	strace $0x90000049  }
0xc2: {  	s29 =	simm.s32 $0xA;
	_ =	strace $0x8000004B  }
0xc3: {  	_ =	swait.ge [sflag:s29], $0x1  }
0xc4: {  	[sflag:s29] =	ssyncadd.s32 $0xFFFFFFFF  }
0xc5: {  	_ =	strace $0x9000004B  }
0xc6: {  	_ =	sfence  }
0xc7: {  	s30 =	sld [smem:$0x0];
	_ =	sdelay $0x2  }
0xc8: {  	s31 =	sshll.u32 s1, $0xD;
	s1 =	sshrl.u32 s1, $0x2  }
0xc9: {  	s4 =	sand.u32 $0x4000, s31;
	s1 =	sadd.s32 s1, s30  }
0xca: {  	s0 =	sor.u32 s4, s0;
	s1 =	sshll.u32 s1, $0x11  }
0xcb: {  	s0 =	sor.u32 s1, s0  }
0xcc: {  	s0 =	sadd.s32 $0x8F2B, s0  }
0xcd: {  	[sflag:s0] =	ssyncadd.remote.s32 $0x1  }
0xce: {  	_ =	sfence.sel $0xFFFF  }
0xcf: {  	[dreg:$0x0] =	wrdreg $0xFFFFFFFF;
	(pc) =	sbr.abs _section_cstart, $3  }
0xd0: {  	[dreg:$0x1] =	wrdreg $0xFFFFFFFF  }
0xd1: {  	_ =	task.clear_ibuf [dreg:s22], $0x2FFFF;
	_ =	strace $0x9FFFFFFF  }
0xd2: {  	(tm) =	ssettm $0x7FFFFFFF  }
0xd3: {  	_ =	shalt  }
tec
execute0_lowered:
.L_overlay_start_1:
0x0: {  	(tag) =	ssettag $0x1  }
0x1: {  	s1 =	rddreg [dreg:$0x0]  }
0x2: {  	s0 =	rddreg [dreg:$0x1]  }
0x3: {  	s2 =	rddreg [dreg:$0x2];
	s4 =	simm.s32 $0x0  }
0x4: {  	[smem:$0x7FF] =	sst s4;
	s3 =	sadd.s32 $0x37DA00, s0  }
0x5: {  	s5 =	sadd.s32 $0xD800, s0;
	_ =	strace $0x8000004A;
	[dreg:$0x12] =	wrdreg s3  }
0x6: {  	s6 =	sadd.s32 $0xDC00, s0;
	[dreg:$0x14] =	wrdreg s5  }
0x7: {  	s13 =	sadd.s32 $0x3E5A00, s0;
	[dreg:$0x15] =	wrdreg s6  }
0x8: {  	s8 =	simm.s32 $0x30F0;
	[dreg:$0x17] =	wrdreg s13  }
0x9: {  	s16 =	simm.s32 $0x3170;
	[dreg:$0x6] =	wrdreg s8  }
0xa: {  	s17 =	simm.s32 $0x31F0;
	[dreg:$0x7] =	wrdreg s16  }
0xb: {  	s18 =	simm.s32 $0x3270;
	[dreg:$0x8] =	wrdreg s17  }
0xc: {  	s19 =	simm.s32 $0x32F0;
	[dreg:$0x9] =	wrdreg s18  }
0xd: {  	s9 =	stileid.u32;
	s21 =	simm.s32 $0x3370;
	[dreg:$0xa] =	wrdreg s19  }
0xe: {  	s11 =	srdreg.scid;
	s23 =	simm.s32 $0x33F0;
	[dreg:$0xb] =	wrdreg s21  }
0xf: {  	s26 =	simm.s32 $0x3470;
	s10 =	sadd.s32 $0x3AEA00, s0;
	[dreg:$0xc] =	wrdreg s23  }
0x10: {  	s25 =	sand.u32 $0x1, s11;
	s7 =	smul.u32 $0x61C00, s9;
	[dreg:$0xd] =	wrdreg s26  }
0x11: {  	s3 =	smul.u32 $0x18700, s9;
	s14 =	ssub.s32 $0x2, s25;
	[dreg:$0x13] =	wrdreg s10  }
0x12: {  	s17 =	simm.s32 $0x3670;
	[dreg:$0x16] =	wrdreg s25;
	s15 =	sshrl.u32 s14, $0x1  }
0x13: {  	[dreg:$0x11] =	wrdreg s17;
	s5 =	ssub.s32 s14, s15;
	s14 =	simm.s32 $0x3570  }
0x14: {  	s7 =	sshrl.u32 s7, $0x2;
	s15 =	simm.s32 $0x35F0;
	[dreg:$0xf] =	wrdreg s14  }
0x15: {  	s12 =	sshrl.u32 s3, $0x3;
	s3 =	sadd.s32 s3, s2;
	[dreg:$0x10] =	wrdreg s15  }
0x16: {  	s28 =	simm.s32 $0x2870;
	s11 =	sadd.s32 s7, s2;
	[smem:$0x7F1] =	sst s3  }
0x17: {  	s29 =	simm.s32 $0x1;
	s7 =	sadd.s32 $0x1870, s11;
	[dreg:$0x18] =	wrdreg s11  }
0x18: {  	s30 =	simm.s32 $0x2;
	s20 =	sadd.s32 $0x30E0, s11;
	[dreg:$0x19] =	wrdreg s7  }
0x19: {  	s31 =	simm.s32 $0x4;
	s22 =	sadd.s32 $0x4950, s11;
	[dreg:$0x1a] =	wrdreg s20  }
0x1a: {  	s16 =	smul.u32 $0x31000, s25;
	s24 =	sadd.s32 $0x61C0, s11;
	[dreg:$0x1b] =	wrdreg s22  }
0x1b: {  	s19 =	smul.u32 $0x620, s9;
	s8 =	sadd.s32 $0x7A30, s11;
	[dreg:$0x1c] =	wrdreg s24  }
0x1c: {  	s17 =	simm.s32 $0x3C70;
	s13 =	sadd.s32 $0x92A0, s11;
	[dreg:$0x1d] =	wrdreg s8  }
0x1d: {  	s0 =	sadd.s32 s12, s0;
	s12 =	simm.s32 $0x34F0;
	[dreg:$0x1e] =	wrdreg s13  }
0x1e: {  	s10 =	sadd.s32 s19, s10;
	s18 =	sadd.s32 $0xAB10, s11;
	[dreg:$0xe] =	wrdreg s12  }
0x1f: {  	s19 =	simm.s32 $0x3CF0;
	s21 =	smax.u32 s5, $0x1;
	[smem:$0x7EF] =	sst s18  }
0x20: {  	s23 =	sadd.s32 $0xDBF0, s11;
	s26 =	sadd.s32 $0x10CD0, s11;
	[smem:$0x7F3] =	sst s21  }
0x21: {  	s3 =	sadd.s32 $0x12540, s11;
	s5 =	sadd.s32 $0x13DB0, s11;
	[smem:$0x7F5] =	sst s23  }
0x22: {  	s6 =	sadd.s32 $0x15620, s11;
	s14 =	simm.s32 $0x3AF0;
	[smem:$0x7F7] =	sst s26  }
0x23: {  	s15 =	simm.s32 $0x3B70;
	s12 =	smul.u32 $0x3100, s9;
	[smem:$0x7F8] =	sst s3  }
0x24: {  	s20 =	sadd.s32 $0xC380, s11;
	s0 =	sadd.s32 $0x3B4C00, s0;
	[smem:$0x7F9] =	sst s5  }
0x25: {  	s24 =	sadd.s32 $0xF460, s11;
	[smem:$0x7FA] =	sst s6;
	s7 =	sadd.s32 $0x16E90, s11  }
0x26: {  	s8 =	smul.u32 $0xC3800, s9;
	s23 =	simm.s32 $0x3;
	s5 =	simm.s32 $0x3770  }
0x27: {  	s3 =	simm.s32 $0x6;
	s6 =	simm.s32 $0x80;
	[smem:$0x7F0] =	sst s20  }
0x28: {  	s18 =	simm.s32 $0x3870;
	s13 =	simm.s32 $0x3A70;
	[smem:$0x7F2] =	sst s0  }
0x29: {  	s21 =	simm.s32 $0x3DF0;
	s11 =	simm.s32 $0x3070;
	[smem:$0x7F6] =	sst s24  }
.Ltmp0:
0x2a: {  	s9 =	simm.s32 $0x0;
	[smem:$0x7FB] =	sst s7;
	(pc) =	sbr.rel .LBB2_1-.Ltmp0, $4  }
0x2b: {  	s26 =	simm.s32 $0x2070;
	s24 =	simm.s32 $0x1870;
	[smem:$0x7FD] =	sst s9  }
0x2c: {  	s20 =	simm.s32 $0x3D70;
	[dreg:$0x1f] =	wrdreg s12;
	s22 =	sadd.s32 s12, s16  }
0x2d: {  	[smem:$0x7FC] =	sst s8;
	s8 =	simm.s32 $0x3970;
	s12 =	simm.s32 $0x39F0  }
0x2e: {  	s16 =	simm.s32 $0x3BF0;
	[smem:$0x7F4] =	sst s22;
	s22 =	simm.s32 $0x38F0  }
.LBB2_12:
0x2f: {  	s7 =	sld [smem:$0x7FD]  }
0x30: {  	s0 =	sld [smem:$0x7F3];
	_ =	sdelay $0x1  }
0x31: {  	s7 =	sadd.s32 $0x1, s7  }
0x32: {  	p0 =	sne.s32 s7, s0  }
.Ltmp1:
0x33: {  	_ = 	snop;
	(pc) =	sbr.rel @!p0 .LBB2_13-.Ltmp1, $2  }
0x34: {  	_ =	sdelay $0x2  }
0x35: {  	[smem:$0x7FD] =	sst s7  }
.LBB2_1:
0x36: {  	s0 =	rddreg [dreg:$0x14];
	s7 =	simm.s32 $0x5  }
0x37: {  	[tilespmem:s4], [sflag:$0x5] =	stream.linear.gather [hbm4b:s0+s4], $0x1870, $0x38;
	[tilespmem:$0x1C570] =	vst v63  }
0x38: {  	_ =	swait.ge [sflag:s7], $0x1870  }
0x39: {  	[sflag:s7] =	ssyncset.done $0x0  }
.Ltmp2:
0x3a: {  	s9 =	rddreg [dreg:$0x15];
	[sflag:s7] =	ssyncadd.s32 $0xFFFFE790;
	(pc) =	sbr.rel .LBB2_2-.Ltmp2, $4  }
0x3b: {  	[tilespmem:s24], [sflag:$0x5] =	stream.linear.gather [hbm4b:s9+s4], $0x800, $0x38;
	[tilespmem:$0x1C570] =	vst v63  }
0x3c: {  	_ =	swait.ge [sflag:s7], $0x800  }
0x3d: {  	[sflag:s7] =	ssyncset.done $0x0  }
0x3e: {  	s9 =	simm.s32 $0x0;
	[sflag:s7] =	ssyncadd.s32 $0xFFFFF800;
	s7 =	sld [smem:$0x7F4]  }
.LBB2_6:
0x3f: {  	[sflag:s31] =	ssyncadd.s32 $0xFFFFF800;
	s0 =	sadd.s32 s7, s0  }
0x40: {  	[tilespmem:s11], [sflag:$0x6] =	stream.linear.gather [hbm4b:s0+s4], $0x700, $0x38;
	[tilespmem:$0x1C570] =	vst v63  }
0x41: {  	_ =	swait.ge [sflag:s3], $0x700  }
0x42: {  	s9 =	rddreg [dreg:$0x4];
	[sflag:s3] =	ssyncset.done $0x0  }
0x43: {  	s0 =	sadd.s32 s7, s9;
	[sflag:s3] =	ssyncadd.s32 $0xFFFFF900  }
0x44: {  	[tilespmem:s5], [sflag:$0x6] =	stream.linear.gather [hbm4b:s0+s4], $0x700, $0x38;
	[tilespmem:$0x1C570] =	vst v63  }
0x45: {  	_ =	swait.ge [sflag:s3], $0x700  }
0x46: {  	[sflag:s3] =	ssyncset.done $0x0  }
0x47: {  	[sflag:s3] =	ssyncadd.s32 $0xFFFFF900  }
0x48: {  	[tilespmem:s26], [sflag:$0x1] =	stream.indirect.gather [hbm4b:s1+s6], $0x10, s11, s6, $0xb8;
	[tilespmem:$0x1C570] =	vst v63  }
0x49: {  	s9 =	rddreg [dreg:$0x6]  }
0x4a: {  	[tilespmem:s28], [sflag:$0x2] =	stream.indirect.gather [hbm4b:s1+s6], $0x10, s9, s6, $0xb8;
	[tilespmem:$0x1C570] =	vst v63  }
0x4b: {  	_ =	swait.ge [sflag:s29], $0x800  }
0x4c: {  	[sflag:s29] =	ssyncset.done $0x0  }
0x4d: {  	[sflag:s29] =	ssyncadd.s32 $0xFFFFF800  }
0x4e: {  	[spmem:s2] =	stream.indirect.scatter.add.f32 [tilespmem:s26], [sflag:$0x3], $0x10, s5, s6, $0xb8;
	[tilespmem:$0x1C570] =	vst v63  }
0x4f: {  	_ =	swait.ge [sflag:s23], $0x800  }
0x50: {  	[sflag:s23] =	ssyncset.done $0x0  }
0x51: {  	s7 =	rddreg [dreg:$0x7];
	[sflag:s23] =	ssyncadd.s32 $0xFFFFF800  }
0x52: {  	[tilespmem:s26], [sflag:$0x1] =	stream.indirect.gather [hbm4b:s1+s6], $0x10, s7, s6, $0xb8;
	[tilespmem:$0x1C570] =	vst v63  }
0x53: {  	_ =	swait.ge [sflag:s30], $0x800  }
0x54: {  	[sflag:s30] =	ssyncset.done $0x0  }
0x55: {  	[sflag:s30] =	ssyncadd.s32 $0xFFFFF800  }
0x56: {  	[spmem:s2] =	stream.indirect.scatter.add.f32 [tilespmem:s28], [sflag:$0x4], $0x10, s25, s6, $0xb8;
	[tilespmem:$0x1C570] =	vst v63  }
0x57: {  	_ =	swait.ge [sflag:s31], $0x800  }
0x58: {  	[sflag:s31] =	ssyncset.done $0x0  }
0x59: {  	s9 =	rddreg [dreg:$0x8];
	[sflag:s31] =	ssyncadd.s32 $0xFFFFF800  }
0x5a: {  	[tilespmem:s28], [sflag:$0x2] =	stream.indirect.gather [hbm4b:s1+s6], $0x10, s9, s6, $0xb8;
	[tilespmem:$0x1C570] =	vst v63  }
0x5b: {  	_ =	swait.ge [sflag:s29], $0x800  }
0x5c: {  	[sflag:s29] =	ssyncset.done $0x0  }
0x5d: {  	[sflag:s29] =	ssyncadd.s32 $0xFFFFF800  }
0x5e: {  	[spmem:s2] =	stream.indirect.scatter.add.f32 [tilespmem:s26], [sflag:$0x3], $0x10, s18, s6, $0xb8;
	[tilespmem:$0x1C570] =	vst v63  }
0x5f: {  	_ =	swait.ge [sflag:s23], $0x800  }
0x60: {  	[sflag:s23] =	ssyncset.done $0x0  }
0x61: {  	s25 =	rddreg [dreg:$0x9];
	[sflag:s23] =	ssyncadd.s32 $0xFFFFF800  }
0x62: {  	[tilespmem:s26], [sflag:$0x1] =	stream.indirect.gather [hbm4b:s1+s6], $0x10, s25, s6, $0xb8;
	[tilespmem:$0x1C570] =	vst v63  }
0x63: {  	_ =	swait.ge [sflag:s30], $0x800  }
0x64: {  	[sflag:s30] =	ssyncset.done $0x0  }
0x65: {  	[sflag:s30] =	ssyncadd.s32 $0xFFFFF800  }
0x66: {  	[spmem:s2] =	stream.indirect.scatter.add.f32 [tilespmem:s28], [sflag:$0x4], $0x10, s22, s6, $0xb8;
	[tilespmem:$0x1C570] =	vst v63  }
0x67: {  	_ =	swait.ge [sflag:s31], $0x800  }
0x68: {  	[sflag:s31] =	ssyncset.done $0x0  }
0x69: {  	s7 =	rddreg [dreg:$0xa];
	[sflag:s31] =	ssyncadd.s32 $0xFFFFF800  }
0x6a: {  	[tilespmem:s28], [sflag:$0x2] =	stream.indirect.gather [hbm4b:s1+s6], $0x10, s7, s6, $0xb8;
	[tilespmem:$0x1C570] =	vst v63  }
0x6b: {  	_ =	swait.ge [sflag:s29], $0x800  }
0x6c: {  	[sflag:s29] =	ssyncset.done $0x0  }
0x6d: {  	[sflag:s29] =	ssyncadd.s32 $0xFFFFF800  }
0x6e: {  	[spmem:s2] =	stream.indirect.scatter.add.f32 [tilespmem:s26], [sflag:$0x3], $0x10, s8, s6, $0xb8;
	[tilespmem:$0x1C570] =	vst v63  }
0x6f: {  	_ =	swait.ge [sflag:s23], $0x800  }
0x70: {  	[sflag:s23] =	ssyncset.done $0x0  }
0x71: {  	s9 =	rddreg [dreg:$0xb];
	[sflag:s23] =	ssyncadd.s32 $0xFFFFF800  }
0x72: {  	[tilespmem:s26], [sflag:$0x1] =	stream.indirect.gather [hbm4b:s1+s6], $0x10, s9, s6, $0xb8;
	[tilespmem:$0x1C570] =	vst v63  }
0x73: {  	_ =	swait.ge [sflag:s30], $0x800  }
0x74: {  	[sflag:s30] =	ssyncset.done $0x0  }
0x75: {  	[sflag:s30] =	ssyncadd.s32 $0xFFFFF800  }
0x76: {  	[spmem:s2] =	stream.indirect.scatter.add.f32 [tilespmem:s28], [sflag:$0x4], $0x10, s12, s6, $0xb8;
	[tilespmem:$0x1C570] =	vst v63  }
0x77: {  	_ =	swait.ge [sflag:s31], $0x800  }
0x78: {  	[sflag:s31] =	ssyncset.done $0x0  }
0x79: {  	s25 =	rddreg [dreg:$0xc];
	[sflag:s31] =	ssyncadd.s32 $0xFFFFF800  }
0x7a: {  	[tilespmem:s28], [sflag:$0x2] =	stream.indirect.gather [hbm4b:s1+s6], $0x10, s25, s6, $0xb8;
	[tilespmem:$0x1C570] =	vst v63  }
0x7b: {  	_ =	swait.ge [sflag:s29], $0x800  }
0x7c: {  	[sflag:s29] =	ssyncset.done $0x0  }
0x7d: {  	[sflag:s29] =	ssyncadd.s32 $0xFFFFF800  }
0x7e: {  	[spmem:s2] =	stream.indirect.scatter.add.f32 [tilespmem:s26], [sflag:$0x3], $0x10, s13, s6, $0xb8;
	[tilespmem:$0x1C570] =	vst v63  }
0x7f: {  	_ =	swait.ge [sflag:s23], $0x800  }
0x80: {  	[sflag:s23] =	ssyncset.done $0x0  }
0x81: {  	s7 =	rddreg [dreg:$0xd];
	[sflag:s23] =	ssyncadd.s32 $0xFFFFF800  }
0x82: {  	[tilespmem:s26], [sflag:$0x1] =	stream.indirect.gather [hbm4b:s1+s6], $0x10, s7, s6, $0xb8;
	[tilespmem:$0x1C570] =	vst v63  }
0x83: {  	_ =	swait.ge [sflag:s30], $0x800  }
0x84: {  	[sflag:s30] =	ssyncset.done $0x0  }
0x85: {  	[sflag:s30] =	ssyncadd.s32 $0xFFFFF800  }
0x86: {  	[spmem:s2] =	stream.indirect.scatter.add.f32 [tilespmem:s28], [sflag:$0x4], $0x10, s14, s6, $0xb8;
	[tilespmem:$0x1C570] =	vst v63  }
0x87: {  	_ =	swait.ge [sflag:s31], $0x800  }
0x88: {  	[sflag:s31] =	ssyncset.done $0x0  }
0x89: {  	s9 =	rddreg [dreg:$0xe];
	[sflag:s31] =	ssyncadd.s32 $0xFFFFF800  }
0x8a: {  	[tilespmem:s28], [sflag:$0x2] =	stream.indirect.gather [hbm4b:s1+s6], $0x10, s9, s6, $0xb8;
	[tilespmem:$0x1C570] =	vst v63  }
0x8b: {  	_ =	swait.ge [sflag:s29], $0x800  }
0x8c: {  	[sflag:s29] =	ssyncset.done $0x0  }
0x8d: {  	[sflag:s29] =	ssyncadd.s32 $0xFFFFF800  }
0x8e: {  	[spmem:s2] =	stream.indirect.scatter.add.f32 [tilespmem:s26], [sflag:$0x3], $0x10, s15, s6, $0xb8;
	[tilespmem:$0x1C570] =	vst v63  }
0x8f: {  	_ =	swait.ge [sflag:s23], $0x800  }
0x90: {  	[sflag:s23] =	ssyncset.done $0x0  }
0x91: {  	s25 =	rddreg [dreg:$0xf];
	[sflag:s23] =	ssyncadd.s32 $0xFFFFF800  }
0x92: {  	[tilespmem:s26], [sflag:$0x1] =	stream.indirect.gather [hbm4b:s1+s6], $0x10, s25, s6, $0xb8;
	[tilespmem:$0x1C570] =	vst v63  }
0x93: {  	_ =	swait.ge [sflag:s30], $0x800  }
0x94: {  	[sflag:s30] =	ssyncset.done $0x0  }
0x95: {  	[sflag:s30] =	ssyncadd.s32 $0xFFFFF800  }
0x96: {  	[spmem:s2] =	stream.indirect.scatter.add.f32 [tilespmem:s28], [sflag:$0x4], $0x10, s16, s6, $0xb8;
	[tilespmem:$0x1C570] =	vst v63  }
0x97: {  	_ =	swait.ge [sflag:s31], $0x800  }
0x98: {  	[sflag:s31] =	ssyncset.done $0x0  }
0x99: {  	s7 =	rddreg [dreg:$0x10];
	[sflag:s31] =	ssyncadd.s32 $0xFFFFF800  }
0x9a: {  	[tilespmem:s28], [sflag:$0x2] =	stream.indirect.gather [hbm4b:s1+s6], $0x10, s7, s6, $0xb8;
	[tilespmem:$0x1C570] =	vst v63  }
0x9b: {  	_ =	swait.ge [sflag:s29], $0x800  }
0x9c: {  	[sflag:s29] =	ssyncset.done $0x0  }
0x9d: {  	[sflag:s29] =	ssyncadd.s32 $0xFFFFF800  }
0x9e: {  	[spmem:s2] =	stream.indirect.scatter.add.f32 [tilespmem:s26], [sflag:$0x3], $0x10, s17, s6, $0xb8;
	[tilespmem:$0x1C570] =	vst v63  }
0x9f: {  	_ =	swait.ge [sflag:s23], $0x800  }
0xa0: {  	[sflag:s23] =	ssyncset.done $0x0  }
0xa1: {  	s9 =	rddreg [dreg:$0x11];
	[sflag:s23] =	ssyncadd.s32 $0xFFFFF800  }
0xa2: {  	[tilespmem:s26], [sflag:$0x1] =	stream.indirect.gather [hbm4b:s1+s6], $0x10, s9, s6, $0xb8;
	[tilespmem:$0x1C570] =	vst v63  }
0xa3: {  	_ =	swait.ge [sflag:s30], $0x800  }
0xa4: {  	[sflag:s30] =	ssyncset.done $0x0  }
0xa5: {  	[sflag:s30] =	ssyncadd.s32 $0xFFFFF800  }
0xa6: {  	[spmem:s2] =	stream.indirect.scatter.add.f32 [tilespmem:s28], [sflag:$0x4], $0x10, s19, s6, $0xb8;
	[tilespmem:$0x1C570] =	vst v63  }
0xa7: {  	_ =	swait.ge [sflag:s31], $0x800  }
0xa8: {  	[sflag:s31] =	ssyncset.done $0x0  }
0xa9: {  	s25 =	simm.s32 $0x36F0;
	[sflag:s31] =	ssyncadd.s32 $0xFFFFF800  }
0xaa: {  	[tilespmem:s28], [sflag:$0x2] =	stream.indirect.gather [hbm4b:s1+s6], $0x10, s25, s6, $0xb8;
	[tilespmem:$0x1C570] =	vst v63  }
0xab: {  	_ =	swait.ge [sflag:s29], $0x800  }
0xac: {  	[sflag:s29] =	ssyncset.done $0x0  }
0xad: {  	[sflag:s29] =	ssyncadd.s32 $0xFFFFF800  }
0xae: {  	[spmem:s2] =	stream.indirect.scatter.add.f32 [tilespmem:s26], [sflag:$0x3], $0x10, s20, s6, $0xb8;
	[tilespmem:$0x1C570] =	vst v63  }
0xaf: {  	_ =	swait.ge [sflag:s23], $0x800  }
0xb0: {  	[sflag:s23] =	ssyncset.done $0x0  }
0xb1: {  	[sflag:s23] =	ssyncadd.s32 $0xFFFFF800  }
0xb2: {  	_ =	swait.ge [sflag:s30], $0x800  }
0xb3: {  	[sflag:s30] =	ssyncset.done $0x0  }
0xb4: {  	[sflag:s30] =	ssyncadd.s32 $0xFFFFF800  }
0xb5: {  	[spmem:s2] =	stream.indirect.scatter.add.f32 [tilespmem:s28], [sflag:$0x4], $0x10, s21, s6, $0xb8;
	[tilespmem:$0x1C570] =	vst v63  }
0xb6: {  	s7 =	sld [smem:$0x7EC];
	_ =	swait.ge [sflag:s31], $0x800  }
0xb7: {  	s9 =	sld [smem:$0x7FC]  }
0xb8: {  	[sflag:s31] =	ssyncset.done $0x0;
	s25 =	sld [smem:$0x7EB]  }
0xb9: {  	s0 =	smul.u32 $0xC38000, s7;
	[sflag:s31] =	ssyncadd.s32 $0xFFFFF800  }
0xba: {  	[bflag:$0x0] =	sbarrier.arrive $0xFFFF  }
0xbb: {  	s0 =	sadd.s32 s9, s0;
	s7 =	sshll.u32 s25, $0x4;
	s9 =	stileid.u32  }
0xbc: {  	s25 =	rddreg [dreg:$0x18];
	s0 =	sor.u32 s7, s0;
	s7 =	sshll.u32 s9, $0x6  }
0xbd: {  	s9 =	rddreg [dreg:$0x17];
	s0 =	sshrl.u32 s0, $0x3;
	s7 =	sor.u32 $0x1C06, s7  }
0xbe: {  	s0 =	sadd.s32 s9, s0;
	s9 =	sshrl.u32 s25, $0x3;
	s25 =	simm.s32 $0x10  }
0xbf: {  	[hbm:s0@s25], [sflag:s7] =	dma.strided [spmem:s9@s30], $0x30E0, s29, $0x2   }
0xc0: {  	s0 =	simm.s32 $0x6;
	s25 =	rddreg [dreg:$0x16]  }
.LBB2_10:
0xc1: {  	_ =	swait.ge [sflag:s0], $0x30E0  }
0xc2: {  	[sflag:s0] =	ssyncset.done $0x0;
	s7 =	sld [smem:$0x7ED]  }
0xc3: {  	s9 =	sld [smem:$0x7EE];
	[sflag:s0] =	ssyncadd.s32 $0xFFFFCF20  }
.LBB2_11:
0xc4: {  	_ =	sdelay $0x1  }
0xc5: {  	s9 =	sadd.s32 $0x1, s9  }
0xc6: {  	p0 =	sne.s32 s9, $0x5  }
.Ltmp3:
0xc7: {  	_ = 	snop;
	(pc) =	sbr.rel @!p0 .LBB2_12-.Ltmp3, $2  }
0xc8: {  	_ =	sdelay $0x2  }
0xc9: {  	s7 =	sadd.s32 $0x62000, s7  }
.LBB2_2:
0xca: {  	s0 =	sshll.u32 s9, $0x1  }
0xcb: {  	s0 =	sor.u32 s25, s0  }
0xcc: {  	p0 =	sgt.u32 s0, $0x8  }
.Ltmp4:
0xcd: {  	_ = 	snop;
	(pc) =	sbr.rel @p0 .LBB2_11-.Ltmp4, $1  }
0xce: {  	_ =	sdelay $0x3  }
0xcf: {  	p0 =	seq.s32 s0, $0x8  }
.Ltmp5:
0xd0: {  	_ = 	snop;
	(pc) =	sbr.rel @!p0 .LBB2_4-.Ltmp5, $3  }
0xd1: {  	_ =	sdelay $0x1  }
0xd2: {  	[smem:$0x7ED] =	sst s7  }
0xd3: {  	[smem:$0x7EE] =	sst s9  }
0xd4: {  	s7 =	sld [smem:$0x7F1];
	_ =	sdelay $0x1  }
0xd5: {  	s0 =	simm.s32 $0x0;
	s25 =	rddreg [dreg:$0x19]  }
0xd6: {  	[spmem:s7] =	stream.linear.scatter [tilespmem:s0], [sflag:$0x3], $0x1870, $0x38;
	[tilespmem:$0x1C570] =	vst v63  }
0xd7: {  	s8 =	rddreg [dreg:$0x1a]  }
0xd8: {  	[spmem:s25] =	stream.linear.scatter [tilespmem:s0], [sflag:$0x3], $0x1870, $0x38;
	[tilespmem:$0x1C570] =	vst v63  }
0xd9: {  	s9 =	rddreg [dreg:$0x1b]  }
0xda: {  	[spmem:s8] =	stream.linear.scatter [tilespmem:s0], [sflag:$0x3], $0x1870, $0x38;
	[tilespmem:$0x1C570] =	vst v63  }
0xdb: {  	s11 =	rddreg [dreg:$0x1c]  }
0xdc: {  	[spmem:s9] =	stream.linear.scatter [tilespmem:s0], [sflag:$0x3], $0x1870, $0x38;
	[tilespmem:$0x1C570] =	vst v63  }
0xdd: {  	s12 =	rddreg [dreg:$0x1d]  }
0xde: {  	[spmem:s11] =	stream.linear.scatter [tilespmem:s0], [sflag:$0x3], $0x1870, $0x38;
	[tilespmem:$0x1C570] =	vst v63  }
0xdf: {  	s13 =	rddreg [dreg:$0x1e]  }
0xe0: {  	[spmem:s12] =	stream.linear.scatter [tilespmem:s0], [sflag:$0x3], $0x1870, $0x38;
	[tilespmem:$0x1C570] =	vst v63  }
0xe1: {  	s14 =	sld [smem:$0x7EF]  }
0xe2: {  	[spmem:s13] =	stream.linear.scatter [tilespmem:s0], [sflag:$0x3], $0x1870, $0x38;
	[tilespmem:$0x1C570] =	vst v63  }
0xe3: {  	s15 =	sld [smem:$0x7F0]  }
0xe4: {  	[spmem:s14] =	stream.linear.scatter [tilespmem:s0], [sflag:$0x3], $0x1870, $0x38;
	[tilespmem:$0x1C570] =	vst v63  }
0xe5: {  	s16 =	sld [smem:$0x7F5]  }
0xe6: {  	[spmem:s15] =	stream.linear.scatter [tilespmem:s0], [sflag:$0x3], $0x1870, $0x38;
	[tilespmem:$0x1C570] =	vst v63  }
0xe7: {  	s17 =	sld [smem:$0x7F6]  }
0xe8: {  	[spmem:s16] =	stream.linear.scatter [tilespmem:s0], [sflag:$0x3], $0x1870, $0x38;
	[tilespmem:$0x1C570] =	vst v63  }
0xe9: {  	s18 =	sld [smem:$0x7F7]  }
0xea: {  	[spmem:s17] =	stream.linear.scatter [tilespmem:s0], [sflag:$0x3], $0x1870, $0x38;
	[tilespmem:$0x1C570] =	vst v63  }
0xeb: {  	s19 =	sld [smem:$0x7F8]  }
0xec: {  	[spmem:s18] =	stream.linear.scatter [tilespmem:s0], [sflag:$0x3], $0x1870, $0x38;
	[tilespmem:$0x1C570] =	vst v63  }
0xed: {  	s20 =	sld [smem:$0x7F9]  }
0xee: {  	[spmem:s19] =	stream.linear.scatter [tilespmem:s0], [sflag:$0x3], $0x1870, $0x38;
	[tilespmem:$0x1C570] =	vst v63  }
0xef: {  	s21 =	sld [smem:$0x7FA]  }
0xf0: {  	[spmem:s20] =	stream.linear.scatter [tilespmem:s0], [sflag:$0x3], $0x1870, $0x38;
	[tilespmem:$0x1C570] =	vst v63  }
0xf1: {  	s22 =	sld [smem:$0x7FB]  }
0xf2: {  	[spmem:s21] =	stream.linear.scatter [tilespmem:s0], [sflag:$0x3], $0x1870, $0x38;
	[tilespmem:$0x1C570] =	vst v63  }
0xf3: {  	_ = 	snop  }
0xf4: {  	[spmem:s22] =	stream.linear.scatter [tilespmem:s0], [sflag:$0x3], $0x1870, $0x38;
	[tilespmem:$0x1C570] =	vst v63  }
0xf5: {  	_ =	swait.ge [sflag:s23], $0x1870  }
0xf6: {  	[sflag:s23] =	ssyncset.done $0x0  }
0xf7: {  	[sflag:s23] =	ssyncadd.s32 $0xFFFFE790  }
0xf8: {  	_ =	swait.ge [sflag:s23], $0x1870  }
0xf9: {  	[sflag:s23] =	ssyncset.done $0x0  }
0xfa: {  	[sflag:s23] =	ssyncadd.s32 $0xFFFFE790  }
0xfb: {  	_ =	swait.ge [sflag:s23], $0x1870  }
0xfc: {  	[sflag:s23] =	ssyncset.done $0x0  }
0xfd: {  	[sflag:s23] =	ssyncadd.s32 $0xFFFFE790  }
0xfe: {  	_ =	swait.ge [sflag:s23], $0x1870  }
0xff: {  	[sflag:s23] =	ssyncset.done $0x0  }
0x100: {  	[sflag:s23] =	ssyncadd.s32 $0xFFFFE790  }
0x101: {  	_ =	swait.ge [sflag:s23], $0x1870  }
0x102: {  	[sflag:s23] =	ssyncset.done $0x0  }
0x103: {  	[sflag:s23] =	ssyncadd.s32 $0xFFFFE790  }
0x104: {  	_ =	swait.ge [sflag:s23], $0x1870  }
0x105: {  	[sflag:s23] =	ssyncset.done $0x0  }
0x106: {  	[sflag:s23] =	ssyncadd.s32 $0xFFFFE790  }
0x107: {  	_ =	swait.ge [sflag:s23], $0x1870  }
0x108: {  	[sflag:s23] =	ssyncset.done $0x0  }
0x109: {  	[sflag:s23] =	ssyncadd.s32 $0xFFFFE790  }
0x10a: {  	_ =	swait.ge [sflag:s23], $0x1870  }
0x10b: {  	[sflag:s23] =	ssyncset.done $0x0  }
0x10c: {  	[sflag:s23] =	ssyncadd.s32 $0xFFFFE790  }
0x10d: {  	_ =	swait.ge [sflag:s23], $0x1870  }
0x10e: {  	[sflag:s23] =	ssyncset.done $0x0  }
0x10f: {  	[sflag:s23] =	ssyncadd.s32 $0xFFFFE790  }
0x110: {  	_ =	swait.ge [sflag:s23], $0x1870  }
0x111: {  	[sflag:s23] =	ssyncset.done $0x0  }
0x112: {  	[sflag:s23] =	ssyncadd.s32 $0xFFFFE790  }
0x113: {  	_ =	swait.ge [sflag:s23], $0x1870  }
0x114: {  	[sflag:s23] =	ssyncset.done $0x0  }
0x115: {  	[sflag:s23] =	ssyncadd.s32 $0xFFFFE790  }
0x116: {  	_ =	swait.ge [sflag:s23], $0x1870  }
0x117: {  	[sflag:s23] =	ssyncset.done $0x0  }
0x118: {  	[sflag:s23] =	ssyncadd.s32 $0xFFFFE790  }
0x119: {  	_ =	swait.ge [sflag:s23], $0x1870  }
0x11a: {  	[sflag:s23] =	ssyncset.done $0x0  }
0x11b: {  	[sflag:s23] =	ssyncadd.s32 $0xFFFFE790  }
0x11c: {  	_ =	swait.ge [sflag:s23], $0x1870  }
0x11d: {  	[sflag:s23] =	ssyncset.done $0x0  }
0x11e: {  	[sflag:s23] =	ssyncadd.s32 $0xFFFFE790  }
0x11f: {  	_ =	swait.ge [sflag:s23], $0x1870  }
0x120: {  	[sflag:s23] =	ssyncset.done $0x0  }
0x121: {  	[sflag:s23] =	ssyncadd.s32 $0xFFFFE790  }
0x122: {  	_ =	swait.ge [sflag:s23], $0x1870  }
0x123: {  	[sflag:s23] =	ssyncset.done $0x0  }
0x124: {  	[sflag:s23] =	ssyncadd.s32 $0xFFFFE790  }
0x125: {  	s25 =	sadd.s32 $0x0, s10;
	[bflag:$0x0] =	sbarrier.arrive $0xFFFF  }
0x126: {  	[tilespmem:s5], [sflag:$0x6] =	stream.linear.gather [hbm4b:s25+s4], $0x700, $0x38;
	[tilespmem:$0x1C570] =	vst v63  }
0x127: {  	_ =	swait.ge [sflag:s3], $0x700  }
0x128: {  	[sflag:s3] =	ssyncset.done $0x0  }
0x129: {  	[sflag:s3] =	ssyncadd.s32 $0xFFFFF900  }
0x12a: {  	[spmem:s2] =	stream.indirect.scatter.add.f32 [tilespmem:s24], [sflag:$0x3], $0x10, s5, s6, $0xb8;
	[tilespmem:$0x1C570] =	vst v63  }
0x12b: {  	s18 =	simm.s32 $0x37F0  }
0x12c: {  	[spmem:s2] =	stream.indirect.scatter.add.f32 [tilespmem:s24], [sflag:$0x3], $0x10, s18, s6, $0xb8;
	[tilespmem:$0x1C570] =	vst v63  }
0x12d: {  	s22 =	simm.s32 $0x3870  }
0x12e: {  	[spmem:s2] =	stream.indirect.scatter.add.f32 [tilespmem:s24], [sflag:$0x3], $0x10, s22, s6, $0xb8;
	[tilespmem:$0x1C570] =	vst v63  }
0x12f: {  	s8 =	simm.s32 $0x38F0  }
0x130: {  	[spmem:s2] =	stream.indirect.scatter.add.f32 [tilespmem:s24], [sflag:$0x3], $0x10, s8, s6, $0xb8;
	[tilespmem:$0x1C570] =	vst v63  }
0x131: {  	s12 =	simm.s32 $0x3970  }
0x132: {  	[spmem:s2] =	stream.indirect.scatter.add.f32 [tilespmem:s24], [sflag:$0x3], $0x10, s12, s6, $0xb8;
	[tilespmem:$0x1C570] =	vst v63  }
0x133: {  	s13 =	simm.s32 $0x39F0  }
0x134: {  	[spmem:s2] =	stream.indirect.scatter.add.f32 [tilespmem:s24], [sflag:$0x3], $0x10, s13, s6, $0xb8;
	[tilespmem:$0x1C570] =	vst v63  }
0x135: {  	s14 =	simm.s32 $0x3A70  }
0x136: {  	[spmem:s2] =	stream.indirect.scatter.add.f32 [tilespmem:s24], [sflag:$0x3], $0x10, s14, s6, $0xb8;
	[tilespmem:$0x1C570] =	vst v63  }
0x137: {  	s15 =	simm.s32 $0x3AF0  }
0x138: {  	[spmem:s2] =	stream.indirect.scatter.add.f32 [tilespmem:s24], [sflag:$0x3], $0x10, s15, s6, $0xb8;
	[tilespmem:$0x1C570] =	vst v63  }
0x139: {  	s16 =	simm.s32 $0x3B70  }
0x13a: {  	[spmem:s2] =	stream.indirect.scatter.add.f32 [tilespmem:s24], [sflag:$0x3], $0x10, s16, s6, $0xb8;
	[tilespmem:$0x1C570] =	vst v63  }
0x13b: {  	s17 =	simm.s32 $0x3BF0  }
0x13c: {  	[spmem:s2] =	stream.indirect.scatter.add.f32 [tilespmem:s24], [sflag:$0x3], $0x10, s17, s6, $0xb8;
	[tilespmem:$0x1C570] =	vst v63  }
0x13d: {  	s19 =	simm.s32 $0x3C70  }
0x13e: {  	[spmem:s2] =	stream.indirect.scatter.add.f32 [tilespmem:s24], [sflag:$0x3], $0x10, s19, s6, $0xb8;
	[tilespmem:$0x1C570] =	vst v63  }
0x13f: {  	s20 =	simm.s32 $0x3CF0  }
0x140: {  	[spmem:s2] =	stream.indirect.scatter.add.f32 [tilespmem:s24], [sflag:$0x3], $0x10, s20, s6, $0xb8;
	[tilespmem:$0x1C570] =	vst v63  }
0x141: {  	s21 =	simm.s32 $0x3D70  }
0x142: {  	[spmem:s2] =	stream.indirect.scatter.add.f32 [tilespmem:s24], [sflag:$0x3], $0x10, s21, s6, $0xb8;
	[tilespmem:$0x1C570] =	vst v63  }
0x143: {  	s11 =	simm.s32 $0x3DF0  }
0x144: {  	[spmem:s2] =	stream.indirect.scatter.add.f32 [tilespmem:s24], [sflag:$0x3], $0x10, s11, s6, $0xb8;
	[tilespmem:$0x1C570] =	vst v63  }
0x145: {  	_ =	swait.ge [sflag:s23], $0x800  }
0x146: {  	[sflag:s23] =	ssyncset.done $0x0  }
0x147: {  	[sflag:s23] =	ssyncadd.s32 $0xFFFFF800  }
0x148: {  	_ =	swait.ge [sflag:s23], $0x800  }
0x149: {  	[sflag:s23] =	ssyncset.done $0x0  }
0x14a: {  	[sflag:s23] =	ssyncadd.s32 $0xFFFFF800  }
0x14b: {  	_ =	swait.ge [sflag:s23], $0x800  }
0x14c: {  	[sflag:s23] =	ssyncset.done $0x0  }
0x14d: {  	[sflag:s23] =	ssyncadd.s32 $0xFFFFF800  }
0x14e: {  	_ =	swait.ge [sflag:s23], $0x800  }
0x14f: {  	[sflag:s23] =	ssyncset.done $0x0  }
0x150: {  	[sflag:s23] =	ssyncadd.s32 $0xFFFFF800  }
0x151: {  	_ =	swait.ge [sflag:s23], $0x800  }
0x152: {  	[sflag:s23] =	ssyncset.done $0x0  }
0x153: {  	[sflag:s23] =	ssyncadd.s32 $0xFFFFF800  }
0x154: {  	_ =	swait.ge [sflag:s23], $0x800  }
0x155: {  	[sflag:s23] =	ssyncset.done $0x0  }
0x156: {  	[sflag:s23] =	ssyncadd.s32 $0xFFFFF800  }
0x157: {  	_ =	swait.ge [sflag:s23], $0x800  }
0x158: {  	[sflag:s23] =	ssyncset.done $0x0  }
0x159: {  	[sflag:s23] =	ssyncadd.s32 $0xFFFFF800  }
0x15a: {  	_ =	swait.ge [sflag:s23], $0x800  }
0x15b: {  	[sflag:s23] =	ssyncset.done $0x0  }
0x15c: {  	[sflag:s23] =	ssyncadd.s32 $0xFFFFF800  }
0x15d: {  	_ =	swait.ge [sflag:s23], $0x800  }
0x15e: {  	[sflag:s23] =	ssyncset.done $0x0  }
0x15f: {  	[sflag:s23] =	ssyncadd.s32 $0xFFFFF800  }
0x160: {  	_ =	swait.ge [sflag:s23], $0x800  }
0x161: {  	[sflag:s23] =	ssyncset.done $0x0  }
0x162: {  	[sflag:s23] =	ssyncadd.s32 $0xFFFFF800  }
0x163: {  	_ =	swait.ge [sflag:s23], $0x800  }
0x164: {  	[sflag:s23] =	ssyncset.done $0x0  }
0x165: {  	[sflag:s23] =	ssyncadd.s32 $0xFFFFF800  }
0x166: {  	_ =	swait.ge [sflag:s23], $0x800  }
0x167: {  	[sflag:s23] =	ssyncset.done $0x0  }
0x168: {  	[sflag:s23] =	ssyncadd.s32 $0xFFFFF800  }
0x169: {  	_ =	swait.ge [sflag:s23], $0x800  }
0x16a: {  	[sflag:s23] =	ssyncset.done $0x0  }
0x16b: {  	[sflag:s23] =	ssyncadd.s32 $0xFFFFF800  }
0x16c: {  	_ =	swait.ge [sflag:s23], $0x800  }
0x16d: {  	s7 =	simm.s32 $0xE0;
	s0 =	simm.s32 $0x1C0;
	[sflag:s23] =	ssyncset.done $0x0  }
.LBB2_8:
0x16e: {  	s25 =	sadd.s32 s7, s10  }
0x16f: {  	[sflag:s23] =	ssyncadd.s32 $0xFFFFF800;
	s7 =	smov.u32 s0;
	s9 =	sadd.s32 $0xE0, s0  }
0x170: {  	[tilespmem:s5], [sflag:$0x6] =	stream.linear.gather [hbm4b:s25+s4], $0x700, $0x38;
	[tilespmem:$0x1C570] =	vst v63  }
0x171: {  	p0 =	sne.s32 s0, $0x540;
	_ =	swait.ge [sflag:s3], $0x700  }
0x172: {  	[sflag:s3] =	ssyncset.done $0x0  }
0x173: {  	[sflag:s3] =	ssyncadd.s32 $0xFFFFF900  }
0x174: {  	[spmem:s2] =	stream.indirect.scatter.add.f32 [tilespmem:s24], [sflag:$0x3], $0x10, s5, s6, $0xb8;
	[tilespmem:$0x1C570] =	vst v63  }
0x175: {  	_ = 	snop  }
0x176: {  	[spmem:s2] =	stream.indirect.scatter.add.f32 [tilespmem:s24], [sflag:$0x3], $0x10, s18, s6, $0xb8;
	[tilespmem:$0x1C570] =	vst v63  }
0x177: {  	_ = 	snop  }
0x178: {  	[spmem:s2] =	stream.indirect.scatter.add.f32 [tilespmem:s24], [sflag:$0x3], $0x10, s22, s6, $0xb8;
	[tilespmem:$0x1C570] =	vst v63  }
0x179: {  	_ = 	snop  }
0x17a: {  	[spmem:s2] =	stream.indirect.scatter.add.f32 [tilespmem:s24], [sflag:$0x3], $0x10, s8, s6, $0xb8;
	[tilespmem:$0x1C570] =	vst v63  }
0x17b: {  	_ = 	snop  }
0x17c: {  	[spmem:s2] =	stream.indirect.scatter.add.f32 [tilespmem:s24], [sflag:$0x3], $0x10, s12, s6, $0xb8;
	[tilespmem:$0x1C570] =	vst v63  }
0x17d: {  	_ = 	snop  }
0x17e: {  	[spmem:s2] =	stream.indirect.scatter.add.f32 [tilespmem:s24], [sflag:$0x3], $0x10, s13, s6, $0xb8;
	[tilespmem:$0x1C570] =	vst v63  }
0x17f: {  	_ = 	snop  }
0x180: {  	[spmem:s2] =	stream.indirect.scatter.add.f32 [tilespmem:s24], [sflag:$0x3], $0x10, s14, s6, $0xb8;
	[tilespmem:$0x1C570] =	vst v63  }
0x181: {  	_ = 	snop  }
0x182: {  	[spmem:s2] =	stream.indirect.scatter.add.f32 [tilespmem:s24], [sflag:$0x3], $0x10, s15, s6, $0xb8;
	[tilespmem:$0x1C570] =	vst v63  }
0x183: {  	_ = 	snop  }
0x184: {  	[spmem:s2] =	stream.indirect.scatter.add.f32 [tilespmem:s24], [sflag:$0x3], $0x10, s16, s6, $0xb8;
	[tilespmem:$0x1C570] =	vst v63  }
0x185: {  	_ = 	snop  }
0x186: {  	[spmem:s2] =	stream.indirect.scatter.add.f32 [tilespmem:s24], [sflag:$0x3], $0x10, s17, s6, $0xb8;
	[tilespmem:$0x1C570] =	vst v63  }
0x187: {  	_ = 	snop  }
0x188: {  	[spmem:s2] =	stream.indirect.scatter.add.f32 [tilespmem:s24], [sflag:$0x3], $0x10, s19, s6, $0xb8;
	[tilespmem:$0x1C570] =	vst v63  }
0x189: {  	_ = 	snop  }
0x18a: {  	[spmem:s2] =	stream.indirect.scatter.add.f32 [tilespmem:s24], [sflag:$0x3], $0x10, s20, s6, $0xb8;
	[tilespmem:$0x1C570] =	vst v63  }
0x18b: {  	_ = 	snop  }
0x18c: {  	[spmem:s2] =	stream.indirect.scatter.add.f32 [tilespmem:s24], [sflag:$0x3], $0x10, s21, s6, $0xb8;
	[tilespmem:$0x1C570] =	vst v63  }
0x18d: {  	_ = 	snop  }
0x18e: {  	[spmem:s2] =	stream.indirect.scatter.add.f32 [tilespmem:s24], [sflag:$0x3], $0x10, s11, s6, $0xb8;
	[tilespmem:$0x1C570] =	vst v63  }
0x18f: {  	_ =	swait.ge [sflag:s23], $0x800  }
0x190: {  	[sflag:s23] =	ssyncset.done $0x0  }
0x191: {  	[sflag:s23] =	ssyncadd.s32 $0xFFFFF800  }
0x192: {  	_ =	swait.ge [sflag:s23], $0x800  }
0x193: {  	[sflag:s23] =	ssyncset.done $0x0  }
0x194: {  	[sflag:s23] =	ssyncadd.s32 $0xFFFFF800  }
0x195: {  	_ =	swait.ge [sflag:s23], $0x800  }
0x196: {  	[sflag:s23] =	ssyncset.done $0x0  }
0x197: {  	[sflag:s23] =	ssyncadd.s32 $0xFFFFF800  }
0x198: {  	_ =	swait.ge [sflag:s23], $0x800  }
0x199: {  	[sflag:s23] =	ssyncset.done $0x0  }
0x19a: {  	[sflag:s23] =	ssyncadd.s32 $0xFFFFF800  }
0x19b: {  	_ =	swait.ge [sflag:s23], $0x800  }
0x19c: {  	[sflag:s23] =	ssyncset.done $0x0  }
0x19d: {  	[sflag:s23] =	ssyncadd.s32 $0xFFFFF800  }
0x19e: {  	_ =	swait.ge [sflag:s23], $0x800  }
0x19f: {  	[sflag:s23] =	ssyncset.done $0x0  }
0x1a0: {  	[sflag:s23] =	ssyncadd.s32 $0xFFFFF800  }
0x1a1: {  	_ =	swait.ge [sflag:s23], $0x800  }
0x1a2: {  	[sflag:s23] =	ssyncset.done $0x0  }
0x1a3: {  	[sflag:s23] =	ssyncadd.s32 $0xFFFFF800  }
0x1a4: {  	_ =	swait.ge [sflag:s23], $0x800  }
0x1a5: {  	[sflag:s23] =	ssyncset.done $0x0  }
0x1a6: {  	[sflag:s23] =	ssyncadd.s32 $0xFFFFF800  }
0x1a7: {  	_ =	swait.ge [sflag:s23], $0x800  }
0x1a8: {  	[sflag:s23] =	ssyncset.done $0x0  }
0x1a9: {  	[sflag:s23] =	ssyncadd.s32 $0xFFFFF800  }
0x1aa: {  	_ =	swait.ge [sflag:s23], $0x800  }
0x1ab: {  	[sflag:s23] =	ssyncset.done $0x0  }
0x1ac: {  	[sflag:s23] =	ssyncadd.s32 $0xFFFFF800  }
0x1ad: {  	_ =	swait.ge [sflag:s23], $0x800  }
0x1ae: {  	[sflag:s23] =	ssyncset.done $0x0  }
0x1af: {  	[sflag:s23] =	ssyncadd.s32 $0xFFFFF800  }
0x1b0: {  	_ =	swait.ge [sflag:s23], $0x800  }
0x1b1: {  	[sflag:s23] =	ssyncset.done $0x0  }
0x1b2: {  	[sflag:s23] =	ssyncadd.s32 $0xFFFFF800  }
.Ltmp6:
0x1b3: {  	_ =	swait.ge [sflag:s23], $0x800;
	(pc) =	sbr.rel @p0 .LBB2_8-.Ltmp6, $4  }
0x1b4: {  	[sflag:s23] =	ssyncset.done $0x0  }
0x1b5: {  	[sflag:s23] =	ssyncadd.s32 $0xFFFFF800  }
0x1b6: {  	_ =	swait.ge [sflag:s23], $0x800  }
0x1b7: {  	s0 =	smov.u32 s9;
	[sflag:s23] =	ssyncset.done $0x0  }
0x1b8: {  	s0 =	sadd.s32 s7, s10;
	[sflag:s23] =	ssyncadd.s32 $0xFFFFF800  }
0x1b9: {  	[tilespmem:s5], [sflag:$0x6] =	stream.linear.gather [hbm4b:s0+s4], $0x700, $0x38;
	[tilespmem:$0x1C570] =	vst v63  }
0x1ba: {  	_ =	swait.ge [sflag:s3], $0x700  }
0x1bb: {  	[sflag:s3] =	ssyncset.done $0x0  }
0x1bc: {  	[sflag:s3] =	ssyncadd.s32 $0xFFFFF900  }
0x1bd: {  	[spmem:s2] =	stream.indirect.scatter.add.f32 [tilespmem:s24], [sflag:$0x3], $0x10, s5, s6, $0xb8;
	[tilespmem:$0x1C570] =	vst v63  }
0x1be: {  	_ = 	snop  }
0x1bf: {  	[spmem:s2] =	stream.indirect.scatter.add.f32 [tilespmem:s24], [sflag:$0x3], $0x10, s18, s6, $0xb8;
	[tilespmem:$0x1C570] =	vst v63  }
0x1c0: {  	_ = 	snop  }
0x1c1: {  	[spmem:s2] =	stream.indirect.scatter.add.f32 [tilespmem:s24], [sflag:$0x3], $0x10, s22, s6, $0xb8;
	[tilespmem:$0x1C570] =	vst v63  }
0x1c2: {  	_ = 	snop  }
0x1c3: {  	[spmem:s2] =	stream.indirect.scatter.add.f32 [tilespmem:s24], [sflag:$0x3], $0x10, s8, s6, $0xb8;
	[tilespmem:$0x1C570] =	vst v63  }
0x1c4: {  	_ = 	snop  }
0x1c5: {  	[spmem:s2] =	stream.indirect.scatter.add.f32 [tilespmem:s24], [sflag:$0x3], $0x10, s12, s6, $0xb8;
	[tilespmem:$0x1C570] =	vst v63  }
0x1c6: {  	_ = 	snop  }
0x1c7: {  	[spmem:s2] =	stream.indirect.scatter.add.f32 [tilespmem:s24], [sflag:$0x3], $0x10, s13, s6, $0xb8;
	[tilespmem:$0x1C570] =	vst v63  }
0x1c8: {  	_ = 	snop  }
0x1c9: {  	[spmem:s2] =	stream.indirect.scatter.add.f32 [tilespmem:s24], [sflag:$0x3], $0x10, s14, s6, $0xb8;
	[tilespmem:$0x1C570] =	vst v63  }
0x1ca: {  	_ = 	snop  }
0x1cb: {  	[spmem:s2] =	stream.indirect.scatter.add.f32 [tilespmem:s24], [sflag:$0x3], $0x10, s15, s6, $0xb8;
	[tilespmem:$0x1C570] =	vst v63  }
0x1cc: {  	_ = 	snop  }
0x1cd: {  	[spmem:s2] =	stream.indirect.scatter.add.f32 [tilespmem:s24], [sflag:$0x3], $0x10, s16, s6, $0xb8;
	[tilespmem:$0x1C570] =	vst v63  }
0x1ce: {  	_ = 	snop  }
0x1cf: {  	[spmem:s2] =	stream.indirect.scatter.add.f32 [tilespmem:s24], [sflag:$0x3], $0x10, s17, s6, $0xb8;
	[tilespmem:$0x1C570] =	vst v63  }
0x1d0: {  	_ = 	snop  }
0x1d1: {  	[spmem:s2] =	stream.indirect.scatter.add.f32 [tilespmem:s24], [sflag:$0x3], $0x10, s19, s6, $0xb8;
	[tilespmem:$0x1C570] =	vst v63  }
0x1d2: {  	_ = 	snop  }
0x1d3: {  	[spmem:s2] =	stream.indirect.scatter.add.f32 [tilespmem:s24], [sflag:$0x3], $0x10, s20, s6, $0xb8;
	[tilespmem:$0x1C570] =	vst v63  }
0x1d4: {  	_ = 	snop  }
0x1d5: {  	[spmem:s2] =	stream.indirect.scatter.add.f32 [tilespmem:s24], [sflag:$0x3], $0x10, s21, s6, $0xb8;
	[tilespmem:$0x1C570] =	vst v63  }
0x1d6: {  	_ = 	snop  }
0x1d7: {  	[spmem:s2] =	stream.indirect.scatter.add.f32 [tilespmem:s24], [sflag:$0x3], $0x10, s11, s6, $0xb8;
	[tilespmem:$0x1C570] =	vst v63  }
0x1d8: {  	_ =	swait.ge [sflag:s23], $0x800  }
0x1d9: {  	[sflag:s23] =	ssyncset.done $0x0  }
0x1da: {  	[sflag:s23] =	ssyncadd.s32 $0xFFFFF800  }
0x1db: {  	_ =	swait.ge [sflag:s23], $0x800  }
0x1dc: {  	[sflag:s23] =	ssyncset.done $0x0  }
0x1dd: {  	[sflag:s23] =	ssyncadd.s32 $0xFFFFF800  }
0x1de: {  	_ =	swait.ge [sflag:s23], $0x800  }
0x1df: {  	[sflag:s23] =	ssyncset.done $0x0  }
0x1e0: {  	[sflag:s23] =	ssyncadd.s32 $0xFFFFF800  }
0x1e1: {  	_ =	swait.ge [sflag:s23], $0x800  }
0x1e2: {  	[sflag:s23] =	ssyncset.done $0x0  }
0x1e3: {  	[sflag:s23] =	ssyncadd.s32 $0xFFFFF800  }
0x1e4: {  	_ =	swait.ge [sflag:s23], $0x800  }
0x1e5: {  	[sflag:s23] =	ssyncset.done $0x0  }
0x1e6: {  	[sflag:s23] =	ssyncadd.s32 $0xFFFFF800  }
0x1e7: {  	_ =	swait.ge [sflag:s23], $0x800  }
0x1e8: {  	[sflag:s23] =	ssyncset.done $0x0  }
0x1e9: {  	[sflag:s23] =	ssyncadd.s32 $0xFFFFF800  }
0x1ea: {  	_ =	swait.ge [sflag:s23], $0x800  }
0x1eb: {  	[sflag:s23] =	ssyncset.done $0x0  }
0x1ec: {  	[sflag:s23] =	ssyncadd.s32 $0xFFFFF800  }
0x1ed: {  	_ =	swait.ge [sflag:s23], $0x800  }
0x1ee: {  	[sflag:s23] =	ssyncset.done $0x0  }
0x1ef: {  	[sflag:s23] =	ssyncadd.s32 $0xFFFFF800  }
0x1f0: {  	_ =	swait.ge [sflag:s23], $0x800  }
0x1f1: {  	[sflag:s23] =	ssyncset.done $0x0  }
0x1f2: {  	[sflag:s23] =	ssyncadd.s32 $0xFFFFF800  }
0x1f3: {  	_ =	swait.ge [sflag:s23], $0x800  }
0x1f4: {  	[sflag:s23] =	ssyncset.done $0x0  }
0x1f5: {  	[sflag:s23] =	ssyncadd.s32 $0xFFFFF800  }
0x1f6: {  	_ =	swait.ge [sflag:s23], $0x800  }
0x1f7: {  	[sflag:s23] =	ssyncset.done $0x0  }
0x1f8: {  	[sflag:s23] =	ssyncadd.s32 $0xFFFFF800  }
0x1f9: {  	_ =	swait.ge [sflag:s23], $0x800  }
0x1fa: {  	[sflag:s23] =	ssyncset.done $0x0  }
0x1fb: {  	[sflag:s23] =	ssyncadd.s32 $0xFFFFF800  }
0x1fc: {  	_ =	swait.ge [sflag:s23], $0x800  }
0x1fd: {  	[sflag:s23] =	ssyncset.done $0x0  }
0x1fe: {  	[sflag:s23] =	ssyncadd.s32 $0xFFFFF800  }
0x1ff: {  	s22 =	stileid.u32;
	_ =	swait.ge [sflag:s23], $0x800  }
0x200: {  	s18 =	simm.s32 $0x3870;
	s0 =	sshll.u32 s22, $0x6;
	[sflag:s23] =	ssyncset.done $0x0  }
0x201: {  	s22 =	simm.s32 $0x38F0;
	s0 =	sor.u32 $0x1C05, s0;
	[sflag:s23] =	ssyncadd.s32 $0xFFFFF800  }
0x202: {  	s8 =	simm.s32 $0x3970;
	s12 =	simm.s32 $0x39F0;
	[bflag:$0x0] =	sbarrier.arrive $0xFFFF  }
0x203: {  	s13 =	simm.s32 $0x3A70;
	s14 =	simm.s32 $0x3AF0;
	s25 =	sld [smem:$0x7F1]  }
.Ltmp7:
0x204: {  	s15 =	simm.s32 $0x3B70;
	s9 =	sld [smem:$0x7F2];
	(pc) =	sbr.rel .LBB2_10-.Ltmp7, $4  }
0x205: {  	s16 =	simm.s32 $0x3BF0;
	s17 =	simm.s32 $0x3C70;
	s19 =	simm.s32 $0x3CF0  }
0x206: {  	s20 =	simm.s32 $0x3D70;
	s21 =	simm.s32 $0x3DF0;
	s7 =	sshrl.u32 s25, $0x3  }
0x207: {  	[hbm:s9], [sflag:s0] =	dma.local [spmem:s7], $0x30E0  }
0x208: {  	s11 =	simm.s32 $0x3070;
	s0 =	simm.s32 $0x5;
	s25 =	rddreg [dreg:$0x16]  }
.LBB2_4:
0x209: {  	[smem:$0x7EB] =	sst s0  }
0x20a: {  	s0 =	simm.s32 $0x0;
	s7 =	rddreg [dreg:$0x18]  }
0x20b: {  	[spmem:s7] =	stream.linear.scatter [tilespmem:s0], [sflag:$0x3], $0x1870, $0x38;
	[tilespmem:$0x1C570] =	vst v63  }
0x20c: {  	s25 =	rddreg [dreg:$0x19]  }
0x20d: {  	[spmem:s25] =	stream.linear.scatter [tilespmem:s0], [sflag:$0x3], $0x1870, $0x38;
	[tilespmem:$0x1C570] =	vst v63  }
0x20e: {  	s25 =	rddreg [dreg:$0x1a]  }
0x20f: {  	[spmem:s25] =	stream.linear.scatter [tilespmem:s0], [sflag:$0x3], $0x1870, $0x38;
	[tilespmem:$0x1C570] =	vst v63  }
0x210: {  	s25 =	rddreg [dreg:$0x1b]  }
0x211: {  	[spmem:s25] =	stream.linear.scatter [tilespmem:s0], [sflag:$0x3], $0x1870, $0x38;
	[tilespmem:$0x1C570] =	vst v63  }
0x212: {  	s25 =	rddreg [dreg:$0x1c]  }
0x213: {  	[spmem:s25] =	stream.linear.scatter [tilespmem:s0], [sflag:$0x3], $0x1870, $0x38;
	[tilespmem:$0x1C570] =	vst v63  }
0x214: {  	s25 =	rddreg [dreg:$0x1d]  }
0x215: {  	[spmem:s25] =	stream.linear.scatter [tilespmem:s0], [sflag:$0x3], $0x1870, $0x38;
	[tilespmem:$0x1C570] =	vst v63  }
0x216: {  	s25 =	rddreg [dreg:$0x1e]  }
0x217: {  	[spmem:s25] =	stream.linear.scatter [tilespmem:s0], [sflag:$0x3], $0x1870, $0x38;
	[tilespmem:$0x1C570] =	vst v63  }
0x218: {  	s25 =	sld [smem:$0x7EF];
	_ =	sdelay $0x2  }
0x219: {  	[spmem:s25] =	stream.linear.scatter [tilespmem:s0], [sflag:$0x3], $0x1870, $0x38;
	[tilespmem:$0x1C570] =	vst v63  }
0x21a: {  	s25 =	sld [smem:$0x7F0];
	_ =	sdelay $0x2  }
0x21b: {  	[spmem:s25] =	stream.linear.scatter [tilespmem:s0], [sflag:$0x3], $0x1870, $0x38;
	[tilespmem:$0x1C570] =	vst v63  }
0x21c: {  	s25 =	sshrl.u32 s9, $0x2;
	s9 =	sld [smem:$0x7F5];
	_ =	sdelay $0x2  }
0x21d: {  	[spmem:s9] =	stream.linear.scatter [tilespmem:s0], [sflag:$0x3], $0x1870, $0x38;
	[tilespmem:$0x1C570] =	vst v63  }
0x21e: {  	s9 =	sld [smem:$0x7F6];
	_ =	sdelay $0x1  }
0x21f: {  	s7 =	smul.u32 $0x31000, s25;
	[smem:$0x7EC] =	sst s25  }
0x220: {  	[spmem:s9] =	stream.linear.scatter [tilespmem:s0], [sflag:$0x3], $0x1870, $0x38;
	[tilespmem:$0x1C570] =	vst v63  }
0x221: {  	s9 =	rddreg [dreg:$0x1f]  }
0x222: {  	s7 =	sadd.s32 s7, s9;
	s9 =	smul.u32 $0x188000, s25;
	s25 =	sld [smem:$0x7F7]  }
0x223: {  	_ =	sdelay $0x1  }
0x224: {  	[spmem:s25] =	stream.linear.scatter [tilespmem:s0], [sflag:$0x3], $0x1870, $0x38;
	[tilespmem:$0x1C570] =	vst v63  }
0x225: {  	s25 =	sld [smem:$0x7ED];
	_ =	sdelay $0x2  }
0x226: {  	s9 =	sadd.s32 s9, s25;
	s25 =	sld [smem:$0x7F8];
	_ =	sdelay $0x2  }
0x227: {  	[spmem:s25] =	stream.linear.scatter [tilespmem:s0], [sflag:$0x3], $0x1870, $0x38;
	[tilespmem:$0x1C570] =	vst v63  }
0x228: {  	s7 =	sshrl.u32 s7, $0x3;
	s25 =	rddreg [dreg:$0x13]  }
0x229: {  	s7 =	sadd.s32 s7, s25;
	s25 =	sld [smem:$0x7F9];
	_ =	sdelay $0x1  }
0x22a: {  	[dreg:$0x4] =	wrdreg s7  }
0x22b: {  	[spmem:s25] =	stream.linear.scatter [tilespmem:s0], [sflag:$0x3], $0x1870, $0x38;
	[tilespmem:$0x1C570] =	vst v63  }
0x22c: {  	s9 =	sshrl.u32 s9, $0x3;
	s25 =	rddreg [dreg:$0x12]  }
0x22d: {  	s7 =	sadd.s32 s9, s25;
	s25 =	sld [smem:$0x7FA];
	_ =	sdelay $0x1  }
0x22e: {  	s9 =	sld [smem:$0x7FB]  }
0x22f: {  	[spmem:s25] =	stream.linear.scatter [tilespmem:s0], [sflag:$0x3], $0x1870, $0x38;
	[tilespmem:$0x1C570] =	vst v63  }
0x230: {  	[dreg:$0x5] =	wrdreg s7  }
0x231: {  	[spmem:s9] =	stream.linear.scatter [tilespmem:s0], [sflag:$0x3], $0x1870, $0x38;
	[tilespmem:$0x1C570] =	vst v63  }
0x232: {  	_ =	swait.ge [sflag:s23], $0x1870  }
0x233: {  	[sflag:s23] =	ssyncset.done $0x0  }
0x234: {  	[sflag:s23] =	ssyncadd.s32 $0xFFFFE790  }
0x235: {  	_ =	swait.ge [sflag:s23], $0x1870  }
0x236: {  	[sflag:s23] =	ssyncset.done $0x0  }
0x237: {  	[sflag:s23] =	ssyncadd.s32 $0xFFFFE790  }
0x238: {  	_ =	swait.ge [sflag:s23], $0x1870  }
0x239: {  	[sflag:s23] =	ssyncset.done $0x0  }
0x23a: {  	[sflag:s23] =	ssyncadd.s32 $0xFFFFE790  }
0x23b: {  	_ =	swait.ge [sflag:s23], $0x1870  }
0x23c: {  	[sflag:s23] =	ssyncset.done $0x0  }
0x23d: {  	[sflag:s23] =	ssyncadd.s32 $0xFFFFE790  }
0x23e: {  	_ =	swait.ge [sflag:s23], $0x1870  }
0x23f: {  	[sflag:s23] =	ssyncset.done $0x0  }
0x240: {  	[sflag:s23] =	ssyncadd.s32 $0xFFFFE790  }
0x241: {  	_ =	swait.ge [sflag:s23], $0x1870  }
0x242: {  	[sflag:s23] =	ssyncset.done $0x0  }
0x243: {  	[sflag:s23] =	ssyncadd.s32 $0xFFFFE790  }
0x244: {  	_ =	swait.ge [sflag:s23], $0x1870  }
0x245: {  	[sflag:s23] =	ssyncset.done $0x0  }
0x246: {  	[sflag:s23] =	ssyncadd.s32 $0xFFFFE790  }
0x247: {  	_ =	swait.ge [sflag:s23], $0x1870  }
0x248: {  	[sflag:s23] =	ssyncset.done $0x0  }
0x249: {  	[sflag:s23] =	ssyncadd.s32 $0xFFFFE790  }
0x24a: {  	_ =	swait.ge [sflag:s23], $0x1870  }
0x24b: {  	[sflag:s23] =	ssyncset.done $0x0  }
0x24c: {  	[sflag:s23] =	ssyncadd.s32 $0xFFFFE790  }
0x24d: {  	_ =	swait.ge [sflag:s23], $0x1870  }
0x24e: {  	[sflag:s23] =	ssyncset.done $0x0  }
0x24f: {  	[sflag:s23] =	ssyncadd.s32 $0xFFFFE790  }
0x250: {  	_ =	swait.ge [sflag:s23], $0x1870  }
0x251: {  	[sflag:s23] =	ssyncset.done $0x0  }
0x252: {  	[sflag:s23] =	ssyncadd.s32 $0xFFFFE790  }
0x253: {  	_ =	swait.ge [sflag:s23], $0x1870  }
0x254: {  	[sflag:s23] =	ssyncset.done $0x0  }
0x255: {  	[sflag:s23] =	ssyncadd.s32 $0xFFFFE790  }
0x256: {  	_ =	swait.ge [sflag:s23], $0x1870  }
0x257: {  	[sflag:s23] =	ssyncset.done $0x0  }
0x258: {  	[sflag:s23] =	ssyncadd.s32 $0xFFFFE790  }
0x259: {  	_ =	swait.ge [sflag:s23], $0x1870  }
0x25a: {  	[sflag:s23] =	ssyncset.done $0x0  }
0x25b: {  	[sflag:s23] =	ssyncadd.s32 $0xFFFFE790  }
0x25c: {  	_ =	swait.ge [sflag:s23], $0x1870  }
0x25d: {  	[sflag:s23] =	ssyncset.done $0x0  }
0x25e: {  	[sflag:s23] =	ssyncadd.s32 $0xFFFFE790  }
0x25f: {  	_ =	swait.ge [sflag:s23], $0x1870  }
0x260: {  	[sflag:s23] =	ssyncset.done $0x0  }
0x261: {  	[sflag:s23] =	ssyncadd.s32 $0xFFFFE790  }
0x262: {  	[bflag:$0x0] =	sbarrier.arrive $0xFFFF  }
0x263: {  	s25 =	rddreg [dreg:$0x5]  }
0x264: {  	s0 =	sadd.s32 $0x0, s25  }
0x265: {  	[tilespmem:s11], [sflag:$0x6] =	stream.linear.gather [hbm4b:s0+s4], $0x700, $0x38;
	[tilespmem:$0x1C570] =	vst v63  }
0x266: {  	_ =	swait.ge [sflag:s3], $0x700  }
0x267: {  	s7 =	rddreg [dreg:$0x4];
	[sflag:s3] =	ssyncset.done $0x0  }
0x268: {  	[sflag:s3] =	ssyncadd.s32 $0xFFFFF900;
	s0 =	sadd.s32 $0x0, s7  }
0x269: {  	[tilespmem:s5], [sflag:$0x6] =	stream.linear.gather [hbm4b:s0+s4], $0x700, $0x38;
	[tilespmem:$0x1C570] =	vst v63  }
0x26a: {  	_ =	swait.ge [sflag:s3], $0x700  }
0x26b: {  	[sflag:s3] =	ssyncset.done $0x0  }
0x26c: {  	[sflag:s3] =	ssyncadd.s32 $0xFFFFF900  }
0x26d: {  	[tilespmem:s26], [sflag:$0x1] =	stream.indirect.gather [hbm4b:s1+s6], $0x10, s11, s6, $0xb8;
	[tilespmem:$0x1C570] =	vst v63  }
0x26e: {  	s9 =	rddreg [dreg:$0x6]  }
0x26f: {  	[tilespmem:s28], [sflag:$0x2] =	stream.indirect.gather [hbm4b:s1+s6], $0x10, s9, s6, $0xb8;
	[tilespmem:$0x1C570] =	vst v63  }
0x270: {  	_ =	swait.ge [sflag:s29], $0x800  }
0x271: {  	[sflag:s29] =	ssyncset.done $0x0  }
0x272: {  	[sflag:s29] =	ssyncadd.s32 $0xFFFFF800  }
0x273: {  	[spmem:s2] =	stream.indirect.scatter.add.f32 [tilespmem:s26], [sflag:$0x3], $0x10, s5, s6, $0xb8;
	[tilespmem:$0x1C570] =	vst v63  }
0x274: {  	_ =	swait.ge [sflag:s23], $0x800  }
0x275: {  	[sflag:s23] =	ssyncset.done $0x0  }
0x276: {  	s25 =	rddreg [dreg:$0x7];
	[sflag:s23] =	ssyncadd.s32 $0xFFFFF800  }
0x277: {  	[tilespmem:s26], [sflag:$0x1] =	stream.indirect.gather [hbm4b:s1+s6], $0x10, s25, s6, $0xb8;
	[tilespmem:$0x1C570] =	vst v63  }
0x278: {  	_ =	swait.ge [sflag:s30], $0x800  }
0x279: {  	[sflag:s30] =	ssyncset.done $0x0  }
0x27a: {  	s7 =	simm.s32 $0x37F0;
	[sflag:s30] =	ssyncadd.s32 $0xFFFFF800  }
0x27b: {  	[spmem:s2] =	stream.indirect.scatter.add.f32 [tilespmem:s28], [sflag:$0x4], $0x10, s7, s6, $0xb8;
	[tilespmem:$0x1C570] =	vst v63  }
0x27c: {  	_ =	swait.ge [sflag:s31], $0x800  }
0x27d: {  	[sflag:s31] =	ssyncset.done $0x0  }
0x27e: {  	s9 =	rddreg [dreg:$0x8];
	[sflag:s31] =	ssyncadd.s32 $0xFFFFF800  }
0x27f: {  	[tilespmem:s28], [sflag:$0x2] =	stream.indirect.gather [hbm4b:s1+s6], $0x10, s9, s6, $0xb8;
	[tilespmem:$0x1C570] =	vst v63  }
0x280: {  	_ =	swait.ge [sflag:s29], $0x800  }
0x281: {  	[sflag:s29] =	ssyncset.done $0x0  }
0x282: {  	[sflag:s29] =	ssyncadd.s32 $0xFFFFF800  }
0x283: {  	[spmem:s2] =	stream.indirect.scatter.add.f32 [tilespmem:s26], [sflag:$0x3], $0x10, s18, s6, $0xb8;
	[tilespmem:$0x1C570] =	vst v63  }
0x284: {  	_ =	swait.ge [sflag:s23], $0x800  }
0x285: {  	[sflag:s23] =	ssyncset.done $0x0  }
0x286: {  	s25 =	rddreg [dreg:$0x9];
	[sflag:s23] =	ssyncadd.s32 $0xFFFFF800  }
0x287: {  	[tilespmem:s26], [sflag:$0x1] =	stream.indirect.gather [hbm4b:s1+s6], $0x10, s25, s6, $0xb8;
	[tilespmem:$0x1C570] =	vst v63  }
0x288: {  	_ =	swait.ge [sflag:s30], $0x800  }
0x289: {  	[sflag:s30] =	ssyncset.done $0x0  }
0x28a: {  	[sflag:s30] =	ssyncadd.s32 $0xFFFFF800  }
0x28b: {  	[spmem:s2] =	stream.indirect.scatter.add.f32 [tilespmem:s28], [sflag:$0x4], $0x10, s22, s6, $0xb8;
	[tilespmem:$0x1C570] =	vst v63  }
0x28c: {  	_ =	swait.ge [sflag:s31], $0x800  }
0x28d: {  	[sflag:s31] =	ssyncset.done $0x0  }
0x28e: {  	s7 =	rddreg [dreg:$0xa];
	[sflag:s31] =	ssyncadd.s32 $0xFFFFF800  }
0x28f: {  	[tilespmem:s28], [sflag:$0x2] =	stream.indirect.gather [hbm4b:s1+s6], $0x10, s7, s6, $0xb8;
	[tilespmem:$0x1C570] =	vst v63  }
0x290: {  	_ =	swait.ge [sflag:s29], $0x800  }
0x291: {  	[sflag:s29] =	ssyncset.done $0x0  }
0x292: {  	[sflag:s29] =	ssyncadd.s32 $0xFFFFF800  }
0x293: {  	[spmem:s2] =	stream.indirect.scatter.add.f32 [tilespmem:s26], [sflag:$0x3], $0x10, s8, s6, $0xb8;
	[tilespmem:$0x1C570] =	vst v63  }
0x294: {  	_ =	swait.ge [sflag:s23], $0x800  }
0x295: {  	[sflag:s23] =	ssyncset.done $0x0  }
0x296: {  	s9 =	rddreg [dreg:$0xb];
	[sflag:s23] =	ssyncadd.s32 $0xFFFFF800  }
0x297: {  	[tilespmem:s26], [sflag:$0x1] =	stream.indirect.gather [hbm4b:s1+s6], $0x10, s9, s6, $0xb8;
	[tilespmem:$0x1C570] =	vst v63  }
0x298: {  	_ =	swait.ge [sflag:s30], $0x800  }
0x299: {  	[sflag:s30] =	ssyncset.done $0x0  }
0x29a: {  	[sflag:s30] =	ssyncadd.s32 $0xFFFFF800  }
0x29b: {  	[spmem:s2] =	stream.indirect.scatter.add.f32 [tilespmem:s28], [sflag:$0x4], $0x10, s12, s6, $0xb8;
	[tilespmem:$0x1C570] =	vst v63  }
0x29c: {  	_ =	swait.ge [sflag:s31], $0x800  }
0x29d: {  	[sflag:s31] =	ssyncset.done $0x0  }
0x29e: {  	s25 =	rddreg [dreg:$0xc];
	[sflag:s31] =	ssyncadd.s32 $0xFFFFF800  }
0x29f: {  	[tilespmem:s28], [sflag:$0x2] =	stream.indirect.gather [hbm4b:s1+s6], $0x10, s25, s6, $0xb8;
	[tilespmem:$0x1C570] =	vst v63  }
0x2a0: {  	_ =	swait.ge [sflag:s29], $0x800  }
0x2a1: {  	[sflag:s29] =	ssyncset.done $0x0  }
0x2a2: {  	[sflag:s29] =	ssyncadd.s32 $0xFFFFF800  }
0x2a3: {  	[spmem:s2] =	stream.indirect.scatter.add.f32 [tilespmem:s26], [sflag:$0x3], $0x10, s13, s6, $0xb8;
	[tilespmem:$0x1C570] =	vst v63  }
0x2a4: {  	_ =	swait.ge [sflag:s23], $0x800  }
0x2a5: {  	[sflag:s23] =	ssyncset.done $0x0  }
0x2a6: {  	s7 =	rddreg [dreg:$0xd];
	[sflag:s23] =	ssyncadd.s32 $0xFFFFF800  }
0x2a7: {  	[tilespmem:s26], [sflag:$0x1] =	stream.indirect.gather [hbm4b:s1+s6], $0x10, s7, s6, $0xb8;
	[tilespmem:$0x1C570] =	vst v63  }
0x2a8: {  	_ =	swait.ge [sflag:s30], $0x800  }
0x2a9: {  	[sflag:s30] =	ssyncset.done $0x0  }
0x2aa: {  	[sflag:s30] =	ssyncadd.s32 $0xFFFFF800  }
0x2ab: {  	[spmem:s2] =	stream.indirect.scatter.add.f32 [tilespmem:s28], [sflag:$0x4], $0x10, s14, s6, $0xb8;
	[tilespmem:$0x1C570] =	vst v63  }
0x2ac: {  	_ =	swait.ge [sflag:s31], $0x800  }
0x2ad: {  	[sflag:s31] =	ssyncset.done $0x0  }
0x2ae: {  	s9 =	rddreg [dreg:$0xe];
	[sflag:s31] =	ssyncadd.s32 $0xFFFFF800  }
0x2af: {  	[tilespmem:s28], [sflag:$0x2] =	stream.indirect.gather [hbm4b:s1+s6], $0x10, s9, s6, $0xb8;
	[tilespmem:$0x1C570] =	vst v63  }
0x2b0: {  	_ =	swait.ge [sflag:s29], $0x800  }
0x2b1: {  	[sflag:s29] =	ssyncset.done $0x0  }
0x2b2: {  	[sflag:s29] =	ssyncadd.s32 $0xFFFFF800  }
0x2b3: {  	[spmem:s2] =	stream.indirect.scatter.add.f32 [tilespmem:s26], [sflag:$0x3], $0x10, s15, s6, $0xb8;
	[tilespmem:$0x1C570] =	vst v63  }
0x2b4: {  	_ =	swait.ge [sflag:s23], $0x800  }
0x2b5: {  	[sflag:s23] =	ssyncset.done $0x0  }
0x2b6: {  	s25 =	rddreg [dreg:$0xf];
	[sflag:s23] =	ssyncadd.s32 $0xFFFFF800  }
0x2b7: {  	[tilespmem:s26], [sflag:$0x1] =	stream.indirect.gather [hbm4b:s1+s6], $0x10, s25, s6, $0xb8;
	[tilespmem:$0x1C570] =	vst v63  }
0x2b8: {  	_ =	swait.ge [sflag:s30], $0x800  }
0x2b9: {  	[sflag:s30] =	ssyncset.done $0x0  }
0x2ba: {  	[sflag:s30] =	ssyncadd.s32 $0xFFFFF800  }
0x2bb: {  	[spmem:s2] =	stream.indirect.scatter.add.f32 [tilespmem:s28], [sflag:$0x4], $0x10, s16, s6, $0xb8;
	[tilespmem:$0x1C570] =	vst v63  }
0x2bc: {  	_ =	swait.ge [sflag:s31], $0x800  }
0x2bd: {  	[sflag:s31] =	ssyncset.done $0x0  }
0x2be: {  	s7 =	rddreg [dreg:$0x10];
	[sflag:s31] =	ssyncadd.s32 $0xFFFFF800  }
0x2bf: {  	[tilespmem:s28], [sflag:$0x2] =	stream.indirect.gather [hbm4b:s1+s6], $0x10, s7, s6, $0xb8;
	[tilespmem:$0x1C570] =	vst v63  }
0x2c0: {  	_ =	swait.ge [sflag:s29], $0x800  }
0x2c1: {  	[sflag:s29] =	ssyncset.done $0x0  }
0x2c2: {  	[sflag:s29] =	ssyncadd.s32 $0xFFFFF800  }
0x2c3: {  	[spmem:s2] =	stream.indirect.scatter.add.f32 [tilespmem:s26], [sflag:$0x3], $0x10, s17, s6, $0xb8;
	[tilespmem:$0x1C570] =	vst v63  }
0x2c4: {  	_ =	swait.ge [sflag:s23], $0x800  }
0x2c5: {  	[sflag:s23] =	ssyncset.done $0x0  }
0x2c6: {  	s9 =	rddreg [dreg:$0x11];
	[sflag:s23] =	ssyncadd.s32 $0xFFFFF800  }
0x2c7: {  	[tilespmem:s26], [sflag:$0x1] =	stream.indirect.gather [hbm4b:s1+s6], $0x10, s9, s6, $0xb8;
	[tilespmem:$0x1C570] =	vst v63  }
0x2c8: {  	_ =	swait.ge [sflag:s30], $0x800  }
0x2c9: {  	[sflag:s30] =	ssyncset.done $0x0  }
0x2ca: {  	[sflag:s30] =	ssyncadd.s32 $0xFFFFF800  }
0x2cb: {  	[spmem:s2] =	stream.indirect.scatter.add.f32 [tilespmem:s28], [sflag:$0x4], $0x10, s19, s6, $0xb8;
	[tilespmem:$0x1C570] =	vst v63  }
0x2cc: {  	_ =	swait.ge [sflag:s31], $0x800  }
0x2cd: {  	[sflag:s31] =	ssyncset.done $0x0  }
0x2ce: {  	s25 =	simm.s32 $0x36F0;
	[sflag:s31] =	ssyncadd.s32 $0xFFFFF800  }
0x2cf: {  	[tilespmem:s28], [sflag:$0x2] =	stream.indirect.gather [hbm4b:s1+s6], $0x10, s25, s6, $0xb8;
	[tilespmem:$0x1C570] =	vst v63  }
0x2d0: {  	_ =	swait.ge [sflag:s29], $0x800  }
0x2d1: {  	[sflag:s29] =	ssyncset.done $0x0  }
0x2d2: {  	[sflag:s29] =	ssyncadd.s32 $0xFFFFF800  }
0x2d3: {  	[spmem:s2] =	stream.indirect.scatter.add.f32 [tilespmem:s26], [sflag:$0x3], $0x10, s20, s6, $0xb8;
	[tilespmem:$0x1C570] =	vst v63  }
0x2d4: {  	_ =	swait.ge [sflag:s23], $0x800  }
0x2d5: {  	[sflag:s23] =	ssyncset.done $0x0  }
0x2d6: {  	[sflag:s23] =	ssyncadd.s32 $0xFFFFF800  }
0x2d7: {  	_ =	swait.ge [sflag:s30], $0x800  }
0x2d8: {  	[sflag:s30] =	ssyncset.done $0x0  }
0x2d9: {  	[sflag:s30] =	ssyncadd.s32 $0xFFFFF800  }
0x2da: {  	[spmem:s2] =	stream.indirect.scatter.add.f32 [tilespmem:s28], [sflag:$0x4], $0x10, s21, s6, $0xb8;
	[tilespmem:$0x1C570] =	vst v63  }
0x2db: {  	s7 =	simm.s32 $0xE0;
	_ =	swait.ge [sflag:s31], $0x800  }
0x2dc: {  	s9 =	simm.s32 $0x1C0;
	s0 =	rddreg [dreg:$0x5];
	[sflag:s31] =	ssyncset.done $0x0  }
.LBB2_5:
0x2dd: {  	[sflag:s31] =	ssyncadd.s32 $0xFFFFF800;
	s0 =	sadd.s32 s7, s0  }
0x2de: {  	[tilespmem:s11], [sflag:$0x6] =	stream.linear.gather [hbm4b:s0+s4], $0x700, $0x38;
	[tilespmem:$0x1C570] =	vst v63  }
0x2df: {  	_ =	swait.ge [sflag:s3], $0x700  }
0x2e0: {  	s0 =	rddreg [dreg:$0x4];
	[sflag:s3] =	ssyncset.done $0x0  }
0x2e1: {  	[sflag:s3] =	ssyncadd.s32 $0xFFFFF900;
	s0 =	sadd.s32 s7, s0  }
0x2e2: {  	[tilespmem:s5], [sflag:$0x6] =	stream.linear.gather [hbm4b:s0+s4], $0x700, $0x38;
	[tilespmem:$0x1C570] =	vst v63  }
0x2e3: {  	_ =	swait.ge [sflag:s3], $0x700  }
0x2e4: {  	[sflag:s3] =	ssyncset.done $0x0  }
0x2e5: {  	[sflag:s3] =	ssyncadd.s32 $0xFFFFF900  }
0x2e6: {  	[tilespmem:s26], [sflag:$0x1] =	stream.indirect.gather [hbm4b:s1+s6], $0x10, s11, s6, $0xb8;
	[tilespmem:$0x1C570] =	vst v63  }
0x2e7: {  	s0 =	rddreg [dreg:$0x6]  }
0x2e8: {  	[tilespmem:s28], [sflag:$0x2] =	stream.indirect.gather [hbm4b:s1+s6], $0x10, s0, s6, $0xb8;
	[tilespmem:$0x1C570] =	vst v63  }
0x2e9: {  	_ =	swait.ge [sflag:s29], $0x800  }
0x2ea: {  	[sflag:s29] =	ssyncset.done $0x0  }
0x2eb: {  	[sflag:s29] =	ssyncadd.s32 $0xFFFFF800  }
0x2ec: {  	[spmem:s2] =	stream.indirect.scatter.add.f32 [tilespmem:s26], [sflag:$0x3], $0x10, s5, s6, $0xb8;
	[tilespmem:$0x1C570] =	vst v63  }
0x2ed: {  	_ =	swait.ge [sflag:s23], $0x800  }
0x2ee: {  	[sflag:s23] =	ssyncset.done $0x0  }
0x2ef: {  	s0 =	rddreg [dreg:$0x7];
	[sflag:s23] =	ssyncadd.s32 $0xFFFFF800  }
0x2f0: {  	[tilespmem:s26], [sflag:$0x1] =	stream.indirect.gather [hbm4b:s1+s6], $0x10, s0, s6, $0xb8;
	[tilespmem:$0x1C570] =	vst v63  }
0x2f1: {  	_ =	swait.ge [sflag:s30], $0x800  }
0x2f2: {  	s25 =	smov.u32 s9;
	[sflag:s30] =	ssyncset.done $0x0  }
0x2f3: {  	s7 =	smov.u32 s25;
	s25 =	simm.s32 $0x37F0;
	[sflag:s30] =	ssyncadd.s32 $0xFFFFF800  }
0x2f4: {  	[spmem:s2] =	stream.indirect.scatter.add.f32 [tilespmem:s28], [sflag:$0x4], $0x10, s25, s6, $0xb8;
	[tilespmem:$0x1C570] =	vst v63  }
0x2f5: {  	_ =	swait.ge [sflag:s31], $0x800  }
0x2f6: {  	[sflag:s31] =	ssyncset.done $0x0  }
0x2f7: {  	s0 =	rddreg [dreg:$0x8];
	[sflag:s31] =	ssyncadd.s32 $0xFFFFF800  }
0x2f8: {  	[tilespmem:s28], [sflag:$0x2] =	stream.indirect.gather [hbm4b:s1+s6], $0x10, s0, s6, $0xb8;
	[tilespmem:$0x1C570] =	vst v63  }
0x2f9: {  	_ =	swait.ge [sflag:s29], $0x800  }
0x2fa: {  	[sflag:s29] =	ssyncset.done $0x0  }
0x2fb: {  	[sflag:s29] =	ssyncadd.s32 $0xFFFFF800  }
0x2fc: {  	[spmem:s2] =	stream.indirect.scatter.add.f32 [tilespmem:s26], [sflag:$0x3], $0x10, s18, s6, $0xb8;
	[tilespmem:$0x1C570] =	vst v63  }
0x2fd: {  	_ =	swait.ge [sflag:s23], $0x800  }
0x2fe: {  	[sflag:s23] =	ssyncset.done $0x0  }
0x2ff: {  	s0 =	rddreg [dreg:$0x9];
	[sflag:s23] =	ssyncadd.s32 $0xFFFFF800  }
0x300: {  	[tilespmem:s26], [sflag:$0x1] =	stream.indirect.gather [hbm4b:s1+s6], $0x10, s0, s6, $0xb8;
	[tilespmem:$0x1C570] =	vst v63  }
0x301: {  	_ =	swait.ge [sflag:s30], $0x800  }
0x302: {  	[sflag:s30] =	ssyncset.done $0x0  }
0x303: {  	[sflag:s30] =	ssyncadd.s32 $0xFFFFF800  }
0x304: {  	[spmem:s2] =	stream.indirect.scatter.add.f32 [tilespmem:s28], [sflag:$0x4], $0x10, s22, s6, $0xb8;
	[tilespmem:$0x1C570] =	vst v63  }
0x305: {  	_ =	swait.ge [sflag:s31], $0x800  }
0x306: {  	[sflag:s31] =	ssyncset.done $0x0  }
0x307: {  	s0 =	rddreg [dreg:$0xa];
	[sflag:s31] =	ssyncadd.s32 $0xFFFFF800  }
0x308: {  	[tilespmem:s28], [sflag:$0x2] =	stream.indirect.gather [hbm4b:s1+s6], $0x10, s0, s6, $0xb8;
	[tilespmem:$0x1C570] =	vst v63  }
0x309: {  	_ =	swait.ge [sflag:s29], $0x800  }
0x30a: {  	[sflag:s29] =	ssyncset.done $0x0  }
0x30b: {  	[sflag:s29] =	ssyncadd.s32 $0xFFFFF800  }
0x30c: {  	[spmem:s2] =	stream.indirect.scatter.add.f32 [tilespmem:s26], [sflag:$0x3], $0x10, s8, s6, $0xb8;
	[tilespmem:$0x1C570] =	vst v63  }
0x30d: {  	_ =	swait.ge [sflag:s23], $0x800  }
0x30e: {  	[sflag:s23] =	ssyncset.done $0x0  }
0x30f: {  	s0 =	rddreg [dreg:$0xb];
	[sflag:s23] =	ssyncadd.s32 $0xFFFFF800  }
0x310: {  	[tilespmem:s26], [sflag:$0x1] =	stream.indirect.gather [hbm4b:s1+s6], $0x10, s0, s6, $0xb8;
	[tilespmem:$0x1C570] =	vst v63  }
0x311: {  	_ =	swait.ge [sflag:s30], $0x800  }
0x312: {  	[sflag:s30] =	ssyncset.done $0x0  }
0x313: {  	[sflag:s30] =	ssyncadd.s32 $0xFFFFF800  }
0x314: {  	[spmem:s2] =	stream.indirect.scatter.add.f32 [tilespmem:s28], [sflag:$0x4], $0x10, s12, s6, $0xb8;
	[tilespmem:$0x1C570] =	vst v63  }
0x315: {  	_ =	swait.ge [sflag:s31], $0x800  }
0x316: {  	[sflag:s31] =	ssyncset.done $0x0  }
0x317: {  	s0 =	rddreg [dreg:$0xc];
	[sflag:s31] =	ssyncadd.s32 $0xFFFFF800  }
0x318: {  	[tilespmem:s28], [sflag:$0x2] =	stream.indirect.gather [hbm4b:s1+s6], $0x10, s0, s6, $0xb8;
	[tilespmem:$0x1C570] =	vst v63  }
0x319: {  	_ =	swait.ge [sflag:s29], $0x800  }
0x31a: {  	[sflag:s29] =	ssyncset.done $0x0  }
0x31b: {  	[sflag:s29] =	ssyncadd.s32 $0xFFFFF800  }
0x31c: {  	[spmem:s2] =	stream.indirect.scatter.add.f32 [tilespmem:s26], [sflag:$0x3], $0x10, s13, s6, $0xb8;
	[tilespmem:$0x1C570] =	vst v63  }
0x31d: {  	_ =	swait.ge [sflag:s23], $0x800  }
0x31e: {  	[sflag:s23] =	ssyncset.done $0x0  }
0x31f: {  	s0 =	rddreg [dreg:$0xd];
	[sflag:s23] =	ssyncadd.s32 $0xFFFFF800  }
0x320: {  	[tilespmem:s26], [sflag:$0x1] =	stream.indirect.gather [hbm4b:s1+s6], $0x10, s0, s6, $0xb8;
	[tilespmem:$0x1C570] =	vst v63  }
0x321: {  	_ =	swait.ge [sflag:s30], $0x800  }
0x322: {  	[sflag:s30] =	ssyncset.done $0x0  }
0x323: {  	[sflag:s30] =	ssyncadd.s32 $0xFFFFF800  }
0x324: {  	[spmem:s2] =	stream.indirect.scatter.add.f32 [tilespmem:s28], [sflag:$0x4], $0x10, s14, s6, $0xb8;
	[tilespmem:$0x1C570] =	vst v63  }
0x325: {  	_ =	swait.ge [sflag:s31], $0x800  }
0x326: {  	[sflag:s31] =	ssyncset.done $0x0  }
0x327: {  	s0 =	rddreg [dreg:$0xe];
	[sflag:s31] =	ssyncadd.s32 $0xFFFFF800  }
0x328: {  	[tilespmem:s28], [sflag:$0x2] =	stream.indirect.gather [hbm4b:s1+s6], $0x10, s0, s6, $0xb8;
	[tilespmem:$0x1C570] =	vst v63  }
0x329: {  	_ =	swait.ge [sflag:s29], $0x800  }
0x32a: {  	[sflag:s29] =	ssyncset.done $0x0  }
0x32b: {  	[sflag:s29] =	ssyncadd.s32 $0xFFFFF800  }
0x32c: {  	[spmem:s2] =	stream.indirect.scatter.add.f32 [tilespmem:s26], [sflag:$0x3], $0x10, s15, s6, $0xb8;
	[tilespmem:$0x1C570] =	vst v63  }
0x32d: {  	_ =	swait.ge [sflag:s23], $0x800  }
0x32e: {  	[sflag:s23] =	ssyncset.done $0x0  }
0x32f: {  	s0 =	rddreg [dreg:$0xf];
	[sflag:s23] =	ssyncadd.s32 $0xFFFFF800  }
0x330: {  	[tilespmem:s26], [sflag:$0x1] =	stream.indirect.gather [hbm4b:s1+s6], $0x10, s0, s6, $0xb8;
	[tilespmem:$0x1C570] =	vst v63  }
0x331: {  	_ =	swait.ge [sflag:s30], $0x800  }
0x332: {  	[sflag:s30] =	ssyncset.done $0x0  }
0x333: {  	[sflag:s30] =	ssyncadd.s32 $0xFFFFF800  }
0x334: {  	[spmem:s2] =	stream.indirect.scatter.add.f32 [tilespmem:s28], [sflag:$0x4], $0x10, s16, s6, $0xb8;
	[tilespmem:$0x1C570] =	vst v63  }
0x335: {  	_ =	swait.ge [sflag:s31], $0x800  }
0x336: {  	[sflag:s31] =	ssyncset.done $0x0  }
0x337: {  	s0 =	rddreg [dreg:$0x10];
	[sflag:s31] =	ssyncadd.s32 $0xFFFFF800  }
0x338: {  	[tilespmem:s28], [sflag:$0x2] =	stream.indirect.gather [hbm4b:s1+s6], $0x10, s0, s6, $0xb8;
	[tilespmem:$0x1C570] =	vst v63  }
0x339: {  	_ =	swait.ge [sflag:s29], $0x800  }
0x33a: {  	[sflag:s29] =	ssyncset.done $0x0  }
0x33b: {  	[sflag:s29] =	ssyncadd.s32 $0xFFFFF800  }
0x33c: {  	[spmem:s2] =	stream.indirect.scatter.add.f32 [tilespmem:s26], [sflag:$0x3], $0x10, s17, s6, $0xb8;
	[tilespmem:$0x1C570] =	vst v63  }
0x33d: {  	_ =	swait.ge [sflag:s23], $0x800  }
0x33e: {  	[sflag:s23] =	ssyncset.done $0x0  }
0x33f: {  	s0 =	rddreg [dreg:$0x11];
	[sflag:s23] =	ssyncadd.s32 $0xFFFFF800  }
0x340: {  	[tilespmem:s26], [sflag:$0x1] =	stream.indirect.gather [hbm4b:s1+s6], $0x10, s0, s6, $0xb8;
	[tilespmem:$0x1C570] =	vst v63  }
0x341: {  	_ =	swait.ge [sflag:s30], $0x800  }
0x342: {  	[sflag:s30] =	ssyncset.done $0x0  }
0x343: {  	[sflag:s30] =	ssyncadd.s32 $0xFFFFF800  }
0x344: {  	[spmem:s2] =	stream.indirect.scatter.add.f32 [tilespmem:s28], [sflag:$0x4], $0x10, s19, s6, $0xb8;
	[tilespmem:$0x1C570] =	vst v63  }
0x345: {  	_ =	swait.ge [sflag:s31], $0x800  }
0x346: {  	[sflag:s31] =	ssyncset.done $0x0  }
0x347: {  	s0 =	simm.s32 $0x36F0;
	[sflag:s31] =	ssyncadd.s32 $0xFFFFF800  }
0x348: {  	[tilespmem:s28], [sflag:$0x2] =	stream.indirect.gather [hbm4b:s1+s6], $0x10, s0, s6, $0xb8;
	[tilespmem:$0x1C570] =	vst v63  }
0x349: {  	_ =	swait.ge [sflag:s29], $0x800  }
0x34a: {  	[sflag:s29] =	ssyncset.done $0x0  }
0x34b: {  	[sflag:s29] =	ssyncadd.s32 $0xFFFFF800  }
0x34c: {  	[spmem:s2] =	stream.indirect.scatter.add.f32 [tilespmem:s26], [sflag:$0x3], $0x10, s20, s6, $0xb8;
	[tilespmem:$0x1C570] =	vst v63  }
0x34d: {  	_ =	swait.ge [sflag:s23], $0x800  }
0x34e: {  	[sflag:s23] =	ssyncset.done $0x0  }
0x34f: {  	[sflag:s23] =	ssyncadd.s32 $0xFFFFF800  }
0x350: {  	p0 =	sne.s32 s9, $0x540;
	_ =	swait.ge [sflag:s30], $0x800  }
.Ltmp8:
0x351: {  	[sflag:s30] =	ssyncset.done $0x0;
	(pc) =	sbr.rel @p0 .LBB2_5-.Ltmp8, $4  }
0x352: {  	[sflag:s30] =	ssyncadd.s32 $0xFFFFF800  }
0x353: {  	[spmem:s2] =	stream.indirect.scatter.add.f32 [tilespmem:s28], [sflag:$0x4], $0x10, s21, s6, $0xb8;
	[tilespmem:$0x1C570] =	vst v63  }
0x354: {  	_ =	swait.ge [sflag:s31], $0x800  }
0x355: {  	s9 =	sadd.s32 $0xE0, s9;
	s0 =	rddreg [dreg:$0x5];
	[sflag:s31] =	ssyncset.done $0x0  }
.Ltmp9:
0x356: {  	_ = 	snop;
	(pc) =	sbr.rel .LBB2_6-.Ltmp9, $1  }
0x357: {  	_ =	sdelay $0x3  }
.LBB2_13:
0x358: {  	_ =	sfence.sel $0x180000  }
0x359: {  	[bflag:$0x0] =	sbarrier.arrive $0xFFFF  }
0x35a: {  	_ =	strace $0x9000004A  }
0x35b: {  	s0 =	stileid.u32;
	[bflag:$0x2] =	sbarrier.arrive $0xFFFF  }
0x35c: {  	p0 =	sne.s32 s0, $0x0;
	s0 =	rddreg [dreg:$0x3]  }
0x35d: {  	s0 =	sadd.s32 @!p0 $0x100000, s0  }
0x35e: {  	[sflag:s0] =	ssyncadd.tile.s32 @!p0 $0x1;
	_ =	shalt  }
.Lfunc_end2:
_tile_overlayer_lowered:
.L_overlay_start_2:
0x35f: {  	(tag) =	ssettag $0x2  }
0x360: {  	s0 =	rddreg [dreg:$0x0];
	s2 =	stileid.u32  }
0x361: {  	s1 =	rddreg [dreg:$0x1];
	p0 =	sne.s32 s2, $0x0  }
0x362: {  	s3 =	rddreg [dreg:$0x2];
	[bflag:$0x3] =	sbarrier.arrive $0xFFFF;
	s2 =	simm.s32 @!p0 $0x1C05  }
0x363: {  	[timem:s3], [sflag:s2] =	dma.local @!p0 [hbm:s0], s1  }
0x364: {  	s0 =	simm.s32 @!p0 $0x5  }
0x365: {  	_ =	swait.ge @!p0 [sflag:s0], s1  }
0x366: {  	s1 =	ssub.s32 @!p0 $0x0, s1;
	[sflag:s0] =	ssyncset.done @!p0 $0x0  }
0x367: {  	[sflag:s0] =	ssyncadd.s32 @!p0 s1  }
0x368: {  	[bflag:$0x3] =	sbarrier.arrive $0xFFFF  }
0x369: {  	_ =	shalt  }

</sc_bundles>
